<compile_context>
chip_gen: v7x
topology: tpu7x:2x2x1
jax: 0.10.2.dev20260603
libtpu: 0.0.44.dev20260713+nightly
codegen_flags: <defaults>
</compile_context>

<pallas_src>
import functools

import jax
import jax.numpy as jnp
from jax import lax
from jax.experimental import pallas as pl
from jax.experimental.pallas import tpu as pltpu
from jax.experimental.pallas import tpu_sc as plsc

D = 64
SCALE = 8.0
BT = 128
CHA = 160


@functools.cache
def _sc_info():
    info = plsc.get_sparse_core_info()
    return info.num_cores, info.num_subcores


@functools.cache
def _make_pair_table(V: int):
    NC, NS = _sc_info()
    NW = NC * NS
    n_full = V // 128
    tail = V - n_full * 128
    rounds = (n_full + NW - 1) // NW
    mesh = plsc.VectorSubcoreMesh(core_axis_name="c", subcore_axis_name="s")

    @functools.partial(
        pl.kernel,
        mesh=mesh,
        compiler_params=pltpu.CompilerParams(needs_layout_passes=False),
        out_type=jax.ShapeDtypeStruct((V // 2, 128), jnp.float32),
        scratch_types=[
            pltpu.VMEM((2, D, 128), jnp.float32),
            pltpu.VMEM((2, D, 2 * D), jnp.float32),
            pltpu.SemaphoreType.DMA,
            pltpu.SemaphoreType.DMA,
            pltpu.SemaphoreType.DMA,
            pltpu.SemaphoreType.DMA,
        ],
    )
    def pair_kernel(tabT_hbm, tail_hbm, pair_hbm, in_v, out_v, gi0, gi1, go0, go1):
        wid = lax.axis_index("s") * NC + lax.axis_index("c")
        gsem = (gi0, gi1)
        osem = (go0, go1)
        lane = jnp.arange(16, dtype=jnp.int32)

        def chunk_id(j):
            return wid + j * NW

        def in_start(j, buf):
            pltpu.async_copy(tabT_hbm.at[:, pl.ds(chunk_id(j) * 128, 128)],
                             in_v.at[buf], gsem[buf])

        def in_wait(j, buf):
            pltpu.make_async_copy(tabT_hbm.at[:, pl.ds(chunk_id(j) * 128, 128)],
                                  in_v.at[buf], gsem[buf]).wait()

        def out_start(j, buf):
            pltpu.async_copy(out_v.at[buf],
                             pair_hbm.at[pl.ds(chunk_id(j) * 64, 64), :],
                             osem[buf])

        def out_wait(j, buf):
            pltpu.make_async_copy(out_v.at[buf],
                                  pair_hbm.at[pl.ds(chunk_id(j) * 64, 64), :],
                                  osem[buf]).wait()

        def repack(buf, npg):
            colc = [[2 * lane + (32 * pg + h) for h in range(2)]
                    for pg in range(npg)]

            def t_body(t, carry):
                dpv = (t + lane) & 15
                rows = [16 * dg + dpv for dg in range(4)]
                vs = []
                for pg in range(npg):
                    for h in range(2):
                        for dg in range(4):
                            vs.append(plsc.load_gather(
                                in_v.at[buf], [rows[dg], colc[pg][h]]))
                k = 0
                for pg in range(npg):
                    for h in range(2):
                        for dg in range(4):
                            plsc.store_scatter(
                                out_v.at[buf],
                                [16 * pg + lane, 64 * h + 16 * dg + dpv],
                                vs[k] * SCALE)
                            k += 1
                return carry

            lax.fori_loop(0, 16, t_body, 0)

        def guarded(j, fn):
            @pl.when(chunk_id(j) < n_full)
            def _():
                fn()

        in_start(0, 0)

        def round_body(jj, carry):
            j0 = jj * 2
            guarded(j0 + 1, lambda: in_start(j0 + 1, 1))
            guarded(j0, lambda: in_wait(j0, 0))

            @pl.when(jj > 0)
            def _():
                guarded(j0 - 2, lambda: out_wait(j0 - 2, 0))

            guarded(j0, lambda: repack(0, 4))
            guarded(j0, lambda: out_start(j0, 0))
            guarded(j0 + 2, lambda: in_start(j0 + 2, 0))
            guarded(j0 + 1, lambda: in_wait(j0 + 1, 1))

            @pl.when(jj > 0)
            def _():
                guarded(j0 - 1, lambda: out_wait(j0 - 1, 1))

            guarded(j0 + 1, lambda: repack(1, 4))
            guarded(j0 + 1, lambda: out_start(j0 + 1, 1))
            return carry

        half_rounds = (rounds + 1) // 2
        lax.fori_loop(0, half_rounds, round_body, 0)
        guarded(2 * half_rounds - 2, lambda: out_wait(2 * half_rounds - 2, 0))
        guarded(2 * half_rounds - 1, lambda: out_wait(2 * half_rounds - 1, 1))

        if tail:
            @pl.when(wid == 0)
            def _():
                pltpu.sync_copy(tail_hbm, in_v.at[0, pl.ds(0, tail // 2), :])
                pltpu.sync_copy(in_v.at[0, pl.ds(0, tail // 2), :],
                                pair_hbm.at[pl.ds(n_full * 64, tail // 2), :])

    return pair_kernel


@functools.cache
def _make_sc_embed(N: int, B: int):
    NC, NS = _sc_info()
    NW = NC * NS
    assert B == BT * NW and N % 2 == 0
    mesh = plsc.VectorSubcoreMesh(core_axis_name="c", subcore_axis_name="s")

    @functools.partial(
        pl.kernel,
        mesh=mesh,
        compiler_params=pltpu.CompilerParams(needs_layout_passes=False),
        out_type=jax.ShapeDtypeStruct((N, D, B), jnp.float32),
        scratch_types=[
            pltpu.VMEM((N, BT), jnp.int32),
            pltpu.VMEM((N, BT), jnp.int32),
            pltpu.VMEM((2, BT, 128), jnp.float32),
            pltpu.VMEM((2, D, BT), jnp.float32),
            pltpu.SemaphoreType.DMA,
            pltpu.SemaphoreType.DMA,
            pltpu.SemaphoreType.DMA,
            pltpu.SemaphoreType.DMA,
        ],
    )
    def sc_embed(xT_hbm, tab2_hbm, out_hbm, idx_v, pair_v, rows_v, out_v,
                 g0, g1, o0, o1):
        wid = lax.axis_index("s") * NC + lax.axis_index("c")
        b0 = wid * BT

        pltpu.sync_copy(xT_hbm.at[:, pl.ds(b0, BT)], idx_v)

        def pair_body(n, carry):
            for g in range(BT // 16):
                sl = pl.ds(g * 16, 16)
                pair_v[n, sl] = lax.shift_right_logical(idx_v[n, sl], 1)
            return carry

        lax.fori_loop(0, N, pair_body, 0)

        row_ids = [jnp.arange(bg * 16, bg * 16 + 16, dtype=jnp.int32)
                   for bg in range(8)]
        gsem = (g0, g1)
        osem = (o0, o1)

        def gather_start(n, buf):
            pltpu.async_copy(tab2_hbm.at[pair_v.at[n]], rows_v.at[buf],
                             gsem[buf])

        def gather_wait(n, buf):
            pltpu.make_async_copy(tab2_hbm.at[pair_v.at[n]], rows_v.at[buf],
                                  gsem[buf]).wait()

        def out_start(n, buf):
            pltpu.async_copy(out_v.at[buf], out_hbm.at[n, :, pl.ds(b0, BT)],
                             osem[buf])

        def out_wait(n, buf):
            pltpu.make_async_copy(out_v.at[buf], out_hbm.at[n, :, pl.ds(b0, BT)],
                                  osem[buf]).wait()

        lane = jnp.arange(16, dtype=jnp.int32)

        def transpose_item(n, buf):
            cols0 = []
            for bg in range(8):
                xv = idx_v[n, pl.ds(bg * 16, 16)]
                cols0.append((xv & 1) << 6)

            def d_body(t, cols):
                dpv = (t + lane) & (D - 1)
                vs = [plsc.load_gather(rows_v.at[buf],
                                      [row_ids[bg], cols[bg] + dpv])
                      for bg in range(8)]
                for bg in range(8):
                    plsc.store_scatter(out_v.at[buf], [dpv, row_ids[bg]],
                                       vs[bg])
                return cols

            lax.fori_loop(0, D, d_body, tuple(cols0), unroll=2)

        gather_start(0, 0)

        def loop_body(kk, carry):
            n0 = kk * 2
            gather_start(n0 + 1, 1)
            gather_wait(n0, 0)

            @pl.when(kk > 0)
            def _():
                out_wait(n0 - 2, 0)

            transpose_item(n0, 0)
            out_start(n0, 0)

            @pl.when(kk < N // 2 - 1)
            def _():
                gather_start(n0 + 2, 0)

            gather_wait(n0 + 1, 1)

            @pl.when(kk > 0)
            def _():
                out_wait(n0 - 1, 1)

            transpose_item(n0 + 1, 1)
            out_start(n0 + 1, 1)
            return carry

        lax.fori_loop(0, N // 2, loop_body, 0)
        out_wait(N - 2, 0)
        out_wait(N - 1, 1)

    return sc_embed


def kernel(x, table):
    B_, N_ = x.shape
    V = table.shape[0]
    xT = x.astype(jnp.int32).T
    n_full = (V // 128) * 128
    tailP = table[n_full:].reshape((V - n_full) // 2, 128) * SCALE
    tab2 = _make_pair_table(V)(table.T, tailP)
    out_t = _make_sc_embed(N_, B_)(xT, tab2)
    return out_t.transpose(2, 0, 1)

# --- scband reference (transcript-rebuilt; emitter-appended) ---
"""Pipeline reference for scband-embedding-scaled-47201690583730 (READ-ONLY COPY).

The authoritative reference and input builder live on the scoring server;
editing this copy changes nothing except your own understanding.
"""

import jax, jax.numpy as jnp
import numpy as np

NB_TOKENS = 1000000
D_MODEL = 64
B = 4096
N = 200

def setup_inputs(seed: int = 0) -> dict:
    key = jax.random.key(seed)
    k_idx, k_tab = jax.random.split(key)
    x = jax.random.randint(k_idx, (B, N), 0, NB_TOKENS, dtype=jnp.int64) if jax.config.jax_enable_x64 else jax.random.randint(k_idx, (B, N), 0, NB_TOKENS, dtype=jnp.int32)
    # nn.Embedding default init: N(0, 1)
    table = jax.random.normal(k_tab, (NB_TOKENS, D_MODEL), dtype=jnp.float32)
    return {"x": x, "table": table}

def reference(x, table):
    # EmbeddingScaled.forward: emb(x) * sqrt(d_model)
    out = jnp.take(table, x, axis=0) * np.sqrt(D_MODEL)
    return out

if __name__ == "__main__":
    import jax
    _d = setup_inputs()
    print(jax.jit(kernel)(*tuple(_d.values())))

</pallas_src>

<mosaic_0001>
#map = affine_map<(d0, d1) -> (0, 0)>
module attributes {stable_mosaic.version = 14 : i64} {
  func.func @pair_kernel(%arg0: i32, %arg1: i32, %arg2: memref<64x1000000xf32, #tpu.memory_space<hbm>>, %arg3: memref<32x128xf32, #tpu.memory_space<hbm>>, %arg4: memref<500000x128xf32, #tpu.memory_space<hbm>>, %arg5: memref<2x64x128xf32, #tpu.memory_space<vmem>>, %arg6: memref<2x64x128xf32, #tpu.memory_space<vmem>>, %arg7: memref<!tpu.dma_semaphore, #tpu.memory_space<semaphore_mem>>, %arg8: memref<!tpu.dma_semaphore, #tpu.memory_space<semaphore_mem>>, %arg9: memref<!tpu.dma_semaphore, #tpu.memory_space<semaphore_mem>>, %arg10: memref<!tpu.dma_semaphore, #tpu.memory_space<semaphore_mem>>) attributes {dimension_semantics = [#tpu.dimension_semantics<core_parallel>, #tpu.dimension_semantics<subcore_parallel>], iteration_bounds = array<i64: 2, 16>, scalar_prefetch = 0 : i64, scratch_operands = 6 : i64, tpu.core_type = #tpu.core_type<sc_vector_subcore>, window_params = [{transform_indices = #map}, {transform_indices = #map}, {transform_indices = #map}]} {
    %mul3A = arith.constant 2 : i32
    %mul3A_0 = arith.muli %arg1, %mul3A : i32
    %add3A = arith.addi %mul3A_0, %arg0 : i32
    %iota3A = tpu.iota {dimensions = array<i32: 0>} : vector<16xi32>
    %add3A_1 = arith.constant 0 : i32
    %add3A_2 = arith.addi %add3A, %add3A_1 : i32
    %mul3A_3 = arith.constant 128 : i32
    %mul3A_4 = arith.muli %add3A_2, %mul3A_3 : i32
    %dma_start3A = arith.constant 0 : i32
    %dma_start3A_5 = arith.constant 0 : i32
    %dma_start3A_6 = arith.constant 0 : i32
    %dma_start3A_7 = tpu.memref_slice %arg5[%dma_start3A, %dma_start3A_5, %dma_start3A_6] : memref<2x64x128xf32, #tpu.memory_space<vmem>> -> memref<1x64x128xf32, #tpu.memory_space<vmem>>
    %dma_start3A_8 = tpu.memref_squeeze %dma_start3A_7 : memref<1x64x128xf32, #tpu.memory_space<vmem>> -> memref<64x128xf32, #tpu.memory_space<vmem>>
    %dma_start3A_9 = arith.constant 0 : i32
    %dma_start3A_10 = tpu.memref_slice %arg2[%dma_start3A_9, %mul3A_4] : memref<64x1000000xf32, #tpu.memory_space<hbm>> -> memref<64x128xf32, #tpu.memory_space<hbm>>
    %dma_start3A_11 = arith.constant 0 : i32
    %dma_start3A_12 = arith.constant 0 : i32
    %dma_start3A_13 = tpu.memref_slice %arg5[%dma_start3A, %dma_start3A_11, %dma_start3A_12] : memref<2x64x128xf32, #tpu.memory_space<vmem>> -> memref<1x64x128xf32, #tpu.memory_space<vmem>>
    %dma_start3A_14 = tpu.memref_squeeze %dma_start3A_13 : memref<1x64x128xf32, #tpu.memory_space<vmem>> -> memref<64x128xf32, #tpu.memory_space<vmem>>
    %dma_start3A_15 = arith.constant 0 : i32
    %dma_start3A_16 = tpu.memref_slice %arg2[%dma_start3A_15, %mul3A_4] : memref<64x1000000xf32, #tpu.memory_space<hbm>> -> memref<64x128xf32, #tpu.memory_space<hbm>>
    tpu.enqueue_dma source(%dma_start3A_16 : memref<64x128xf32, #tpu.memory_space<hbm>>) target(%dma_start3A_14 : memref<64x128xf32, #tpu.memory_space<vmem>>) target_semaphore(%arg7 : memref<!tpu.dma_semaphore, #tpu.memory_space<semaphore_mem>>)
    %scan3A = arith.constant 0 : i32
    %scan3A_17 = arith.constant 0 : i32
    %scan3A_18 = arith.constant 123 : i32
    %scan3A_19 = arith.addi %scan3A_17, %scan3A_18 : i32
    %scan3A_20 = arith.constant 1 : i32
    scf.for %scan3A_37 = %scan3A_17 to %scan3A_19 step %scan3A_20  : i32 {
      %mul3A_38 = arith.constant 2 : i32
      %mul3A_39 = arith.muli %scan3A_37, %mul3A_38 : i32
      %add3A_40 = arith.constant 1 : i32
      %add3A_41 = arith.addi %mul3A_39, %add3A_40 : i32
      %mul3A_42 = arith.constant 32 : i32
      %mul3A_43 = arith.muli %add3A_41, %mul3A_42 : i32
      %add3A_44 = arith.addi %add3A, %mul3A_43 : i32
      %lt3A_45 = arith.constant 7812 : i32
      %lt3A_46 = arith.cmpi slt, %add3A_44, %lt3A_45 : i32
      %convert_element_type3A_47 = arith.extui %lt3A_46 : i1 to i32
      %cond3A_48 = arith.constant 0 : i32
      %cond3A_49 = arith.cmpi ne, %convert_element_type3A_47, %cond3A_48 : i32
      scf.if %cond3A_49 {
        %add3A_123 = arith.constant 1 : i32
        %add3A_124 = arith.addi %mul3A_39, %add3A_123 : i32
        %mul3A_125 = arith.constant 32 : i32
        %mul3A_126 = arith.muli %add3A_124, %mul3A_125 : i32
        %add3A_127 = arith.addi %add3A, %mul3A_126 : i32
        %mul3A_128 = arith.constant 128 : i32
        %mul3A_129 = arith.muli %add3A_127, %mul3A_128 : i32
        %dma_start3A_130 = arith.constant 1 : i32
        %dma_start3A_131 = arith.constant 0 : i32
        %dma_start3A_132 = arith.constant 0 : i32
        %dma_start3A_133 = tpu.memref_slice %arg5[%dma_start3A_130, %dma_start3A_131, %dma_start3A_132] : memref<2x64x128xf32, #tpu.memory_space<vmem>> -> memref<1x64x128xf32, #tpu.memory_space<vmem>>
        %dma_start3A_134 = tpu.memref_squeeze %dma_start3A_133 : memref<1x64x128xf32, #tpu.memory_space<vmem>> -> memref<64x128xf32, #tpu.memory_space<vmem>>
        %dma_start3A_135 = arith.constant 0 : i32
        %dma_start3A_136 = tpu.memref_slice %arg2[%dma_start3A_135, %mul3A_129] : memref<64x1000000xf32, #tpu.memory_space<hbm>> -> memref<64x128xf32, #tpu.memory_space<hbm>>
        %dma_start3A_137 = arith.constant 0 : i32
        %dma_start3A_138 = arith.constant 0 : i32
        %dma_start3A_139 = tpu.memref_slice %arg5[%dma_start3A_130, %dma_start3A_137, %dma_start3A_138] : memref<2x64x128xf32, #tpu.memory_space<vmem>> -> memref<1x64x128xf32, #tpu.memory_space<vmem>>
        %dma_start3A_140 = tpu.memref_squeeze %dma_start3A_139 : memref<1x64x128xf32, #tpu.memory_space<vmem>> -> memref<64x128xf32, #tpu.memory_space<vmem>>
        %dma_start3A_141 = arith.constant 0 : i32
        %dma_start3A_142 = tpu.memref_slice %arg2[%dma_start3A_141, %mul3A_129] : memref<64x1000000xf32, #tpu.memory_space<hbm>> -> memref<64x128xf32, #tpu.memory_space<hbm>>
        tpu.enqueue_dma source(%dma_start3A_142 : memref<64x128xf32, #tpu.memory_space<hbm>>) target(%dma_start3A_140 : memref<64x128xf32, #tpu.memory_space<vmem>>) target_semaphore(%arg8 : memref<!tpu.dma_semaphore, #tpu.memory_space<semaphore_mem>>)
      } else {
      }
      %mul3A_50 = arith.constant 32 : i32
      %mul3A_51 = arith.muli %mul3A_39, %mul3A_50 : i32
      %add3A_52 = arith.addi %add3A, %mul3A_51 : i32
      %lt3A_53 = arith.constant 7812 : i32
      %lt3A_54 = arith.cmpi slt, %add3A_52, %lt3A_53 : i32
      %convert_element_type3A_55 = arith.extui %lt3A_54 : i1 to i32
      %cond3A_56 = arith.constant 0 : i32
      %cond3A_57 = arith.cmpi ne, %convert_element_type3A_55, %cond3A_56 : i32
      scf.if %cond3A_57 {
        %mul3A_123 = arith.constant 32 : i32
        %mul3A_124 = arith.muli %mul3A_39, %mul3A_123 : i32
        %add3A_125 = arith.addi %add3A, %mul3A_124 : i32
        %mul3A_126 = arith.constant 128 : i32
        %mul3A_127 = arith.muli %add3A_125, %mul3A_126 : i32
        %dma_wait3A = arith.constant 0 : i32
        %dma_wait3A_128 = arith.constant 0 : i32
        %dma_wait3A_129 = arith.constant 0 : i32
        %dma_wait3A_130 = tpu.memref_slice %arg5[%dma_wait3A, %dma_wait3A_128, %dma_wait3A_129] : memref<2x64x128xf32, #tpu.memory_space<vmem>> -> memref<1x64x128xf32, #tpu.memory_space<vmem>>
        %dma_wait3A_131 = tpu.memref_squeeze %dma_wait3A_130 : memref<1x64x128xf32, #tpu.memory_space<vmem>> -> memref<64x128xf32, #tpu.memory_space<vmem>>
        %dma_wait3A_132 = arith.constant 0 : i32
        %dma_wait3A_133 = tpu.memref_slice %arg2[%dma_wait3A_132, %mul3A_127] : memref<64x1000000xf32, #tpu.memory_space<hbm>> -> memref<64x128xf32, #tpu.memory_space<hbm>>
        %dma_wait3A_134 = arith.constant 0 : i32
        %dma_wait3A_135 = arith.constant 0 : i32
        %dma_wait3A_136 = tpu.memref_slice %arg5[%dma_wait3A, %dma_wait3A_134, %dma_wait3A_135] : memref<2x64x128xf32, #tpu.memory_space<vmem>> -> memref<1x64x128xf32, #tpu.memory_space<vmem>>
        %dma_wait3A_137 = tpu.memref_squeeze %dma_wait3A_136 : memref<1x64x128xf32, #tpu.memory_space<vmem>> -> memref<64x128xf32, #tpu.memory_space<vmem>>
        %dma_wait3A_138 = arith.constant 0 : i32
        %dma_wait3A_139 = tpu.memref_slice %arg2[%dma_wait3A_138, %mul3A_127] : memref<64x1000000xf32, #tpu.memory_space<hbm>> -> memref<64x128xf32, #tpu.memory_space<hbm>>
        tpu.wait_dma2 semaphore(%arg7 : memref<!tpu.dma_semaphore, #tpu.memory_space<semaphore_mem>>) src(%dma_wait3A_139 : memref<64x128xf32, #tpu.memory_space<hbm>>) dst(%dma_wait3A_137 : memref<64x128xf32, #tpu.memory_space<vmem>>)
      } else {
      }
      %gt3A = arith.constant 0 : i32
      %gt3A_58 = arith.cmpi sgt, %scan3A_37, %gt3A : i32
      %convert_element_type3A_59 = arith.extui %gt3A_58 : i1 to i32
      %cond3A_60 = arith.constant 0 : i32
      %cond3A_61 = arith.cmpi ne, %convert_element_type3A_59, %cond3A_60 : i32
      scf.if %cond3A_61 {
        %sub3A = arith.constant 2 : i32
        %sub3A_123 = arith.subi %mul3A_39, %sub3A : i32
        %mul3A_124 = arith.constant 32 : i32
        %mul3A_125 = arith.muli %sub3A_123, %mul3A_124 : i32
        %add3A_126 = arith.addi %add3A, %mul3A_125 : i32
        %lt3A_127 = arith.constant 7812 : i32
        %lt3A_128 = arith.cmpi slt, %add3A_126, %lt3A_127 : i32
        %convert_element_type3A_129 = arith.extui %lt3A_128 : i1 to i32
        %cond3A_130 = arith.constant 0 : i32
        %cond3A_131 = arith.cmpi ne, %convert_element_type3A_129, %cond3A_130 : i32
        scf.if %cond3A_131 {
          %sub3A_132 = arith.constant 2 : i32
          %sub3A_133 = arith.subi %mul3A_39, %sub3A_132 : i32
          %mul3A_134 = arith.constant 32 : i32
          %mul3A_135 = arith.muli %sub3A_133, %mul3A_134 : i32
          %add3A_136 = arith.addi %add3A, %mul3A_135 : i32
          %mul3A_137 = arith.constant 64 : i32
          %mul3A_138 = arith.muli %add3A_136, %mul3A_137 : i32
          %dma_wait3A = arith.constant 0 : i32
          %dma_wait3A_139 = arith.constant 0 : i32
          %dma_wait3A_140 = arith.constant 0 : i32
          %dma_wait3A_141 = tpu.memref_slice %arg6[%dma_wait3A, %dma_wait3A_139, %dma_wait3A_140] : memref<2x64x128xf32, #tpu.memory_space<vmem>> -> memref<1x64x128xf32, #tpu.memory_space<vmem>>
          %dma_wait3A_142 = tpu.memref_squeeze %dma_wait3A_141 : memref<1x64x128xf32, #tpu.memory_space<vmem>> -> memref<64x128xf32, #tpu.memory_space<vmem>>
          %dma_wait3A_143 = arith.constant 0 : i32
          %dma_wait3A_144 = tpu.memref_slice %arg4[%mul3A_138, %dma_wait3A_143] : memref<500000x128xf32, #tpu.memory_space<hbm>> -> memref<64x128xf32, #tpu.memory_space<hbm>>
          %dma_wait3A_145 = arith.constant 0 : i32
          %dma_wait3A_146 = tpu.memref_slice %arg4[%mul3A_138, %dma_wait3A_145] : memref<500000x128xf32, #tpu.memory_space<hbm>> -> memref<64x128xf32, #tpu.memory_space<hbm>>
          %dma_wait3A_147 = arith.constant 0 : i32
          %dma_wait3A_148 = arith.constant 0 : i32
          %dma_wait3A_149 = tpu.memref_slice %arg6[%dma_wait3A, %dma_wait3A_147, %dma_wait3A_148] : memref<2x64x128xf32, #tpu.memory_space<vmem>> -> memref<1x64x128xf32, #tpu.memory_space<vmem>>
          %dma_wait3A_150 = tpu.memref_squeeze %dma_wait3A_149 : memref<1x64x128xf32, #tpu.memory_space<vmem>> -> memref<64x128xf32, #tpu.memory_space<vmem>>
          tpu.wait_dma2 semaphore(%arg9 : memref<!tpu.dma_semaphore, #tpu.memory_space<semaphore_mem>>) src(%dma_wait3A_150 : memref<64x128xf32, #tpu.memory_space<vmem>>) dst(%dma_wait3A_146 : memref<64x128xf32, #tpu.memory_space<hbm>>)
        } else {
        }
      } else {
      }
      %mul3A_62 = arith.constant 32 : i32
      %mul3A_63 = arith.muli %mul3A_39, %mul3A_62 : i32
      %add3A_64 = arith.addi %add3A, %mul3A_63 : i32
      %lt3A_65 = arith.constant 7812 : i32
      %lt3A_66 = arith.cmpi slt, %add3A_64, %lt3A_65 : i32
      %convert_element_type3A_67 = arith.extui %lt3A_66 : i1 to i32
      %cond3A_68 = arith.constant 0 : i32
      %cond3A_69 = arith.cmpi ne, %convert_element_type3A_67, %cond3A_68 : i32
      scf.if %cond3A_69 {
        %mul3A_123 = arith.constant 2 : i32
        %mul3A_124 = vector.broadcast %mul3A_123 : i32 to vector<16xi32>
        %mul3A_125 = arith.muli %mul3A_124, %iota3A : vector<16xi32>
        %add3A_126 = arith.constant 0 : i32
        %add3A_127 = vector.broadcast %add3A_126 : i32 to vector<16xi32>
        %add3A_128 = arith.addi %mul3A_125, %add3A_127 : vector<16xi32>
        %mul3A_129 = arith.constant 2 : i32
        %mul3A_130 = vector.broadcast %mul3A_129 : i32 to vector<16xi32>
        %mul3A_131 = arith.muli %mul3A_130, %iota3A : vector<16xi32>
        %add3A_132 = arith.constant 1 : i32
        %add3A_133 = vector.broadcast %add3A_132 : i32 to vector<16xi32>
        %add3A_134 = arith.addi %mul3A_131, %add3A_133 : vector<16xi32>
        %mul3A_135 = arith.constant 2 : i32
        %mul3A_136 = vector.broadcast %mul3A_135 : i32 to vector<16xi32>
        %mul3A_137 = arith.muli %mul3A_136, %iota3A : vector<16xi32>
        %add3A_138 = arith.constant 32 : i32
        %add3A_139 = vector.broadcast %add3A_138 : i32 to vector<16xi32>
        %add3A_140 = arith.addi %mul3A_137, %add3A_139 : vector<16xi32>
        %mul3A_141 = arith.constant 2 : i32
        %mul3A_142 = vector.broadcast %mul3A_141 : i32 to vector<16xi32>
        %mul3A_143 = arith.muli %mul3A_142, %iota3A : vector<16xi32>
        %add3A_144 = arith.constant 33 : i32
        %add3A_145 = vector.broadcast %add3A_144 : i32 to vector<16xi32>
        %add3A_146 = arith.addi %mul3A_143, %add3A_145 : vector<16xi32>
        %mul3A_147 = arith.constant 2 : i32
        %mul3A_148 = vector.broadcast %mul3A_147 : i32 to vector<16xi32>
        %mul3A_149 = arith.muli %mul3A_148, %iota3A : vector<16xi32>
        %add3A_150 = arith.constant 64 : i32
        %add3A_151 = vector.broadcast %add3A_150 : i32 to vector<16xi32>
        %add3A_152 = arith.addi %mul3A_149, %add3A_151 : vector<16xi32>
        %mul3A_153 = arith.constant 2 : i32
        %mul3A_154 = vector.broadcast %mul3A_153 : i32 to vector<16xi32>
        %mul3A_155 = arith.muli %mul3A_154, %iota3A : vector<16xi32>
        %add3A_156 = arith.constant 65 : i32
        %add3A_157 = vector.broadcast %add3A_156 : i32 to vector<16xi32>
        %add3A_158 = arith.addi %mul3A_155, %add3A_157 : vector<16xi32>
        %mul3A_159 = arith.constant 2 : i32
        %mul3A_160 = vector.broadcast %mul3A_159 : i32 to vector<16xi32>
        %mul3A_161 = arith.muli %mul3A_160, %iota3A : vector<16xi32>
        %add3A_162 = arith.constant 96 : i32
        %add3A_163 = vector.broadcast %add3A_162 : i32 to vector<16xi32>
        %add3A_164 = arith.addi %mul3A_161, %add3A_163 : vector<16xi32>
        %mul3A_165 = arith.constant 2 : i32
        %mul3A_166 = vector.broadcast %mul3A_165 : i32 to vector<16xi32>
        %mul3A_167 = arith.muli %mul3A_166, %iota3A : vector<16xi32>
        %add3A_168 = arith.constant 97 : i32
        %add3A_169 = vector.broadcast %add3A_168 : i32 to vector<16xi32>
        %add3A_170 = arith.addi %mul3A_167, %add3A_169 : vector<16xi32>
        %scan3A_171 = arith.constant 0 : i32
        %scan3A_172 = arith.constant 0 : i32
        %scan3A_173 = arith.constant 16 : i32
        %scan3A_174 = arith.addi %scan3A_172, %scan3A_173 : i32
        %scan3A_175 = arith.constant 1 : i32
        scf.for %scan3A_177 = %scan3A_172 to %scan3A_174 step %scan3A_175  : i32 {
          %add3A_178 = vector.broadcast %scan3A_177 : i32 to vector<16xi32>
          %add3A_179 = arith.addi %add3A_178, %iota3A : vector<16xi32>
          %and3A = arith.constant 15 : i32
          %and3A_180 = vector.broadcast %and3A : i32 to vector<16xi32>
          %and3A_181 = arith.andi %add3A_179, %and3A_180 : vector<16xi32>
          %add3A_182 = arith.constant 0 : i32
          %add3A_183 = vector.broadcast %add3A_182 : i32 to vector<16xi32>
          %add3A_184 = arith.addi %add3A_183, %and3A_181 : vector<16xi32>
          %add3A_185 = arith.constant 16 : i32
          %add3A_186 = vector.broadcast %add3A_185 : i32 to vector<16xi32>
          %add3A_187 = arith.addi %add3A_186, %and3A_181 : vector<16xi32>
          %add3A_188 = arith.constant 32 : i32
          %add3A_189 = vector.broadcast %add3A_188 : i32 to vector<16xi32>
          %add3A_190 = arith.addi %add3A_189, %and3A_181 : vector<16xi32>
          %add3A_191 = arith.constant 48 : i32
          %add3A_192 = vector.broadcast %add3A_191 : i32 to vector<16xi32>
          %add3A_193 = arith.addi %add3A_192, %and3A_181 : vector<16xi32>
          %gather3A = arith.constant 0 : i32
          %gather3A_194 = arith.constant 0 : i32
          %gather3A_195 = arith.constant 0 : i32
          %gather3A_196 = tpu.memref_slice %arg5[%gather3A, %gather3A_194, %gather3A_195] : memref<2x64x128xf32, #tpu.memory_space<vmem>> -> memref<1x64x128xf32, #tpu.memory_space<vmem>>
          %gather3A_197 = tpu.memref_squeeze %gather3A_196 : memref<1x64x128xf32, #tpu.memory_space<vmem>> -> memref<64x128xf32, #tpu.memory_space<vmem>>
          %gather3A_198 = tpu.vector_load_idx %gather3A_197[%add3A_184, %add3A_128] : memref<64x128xf32, #tpu.memory_space<vmem>>[vector<16xi32>, vector<16xi32>], vector<16xf32>,
          %gather3A_199 = arith.constant 0 : i32
          %gather3A_200 = arith.constant 0 : i32
          %gather3A_201 = arith.constant 0 : i32
          %gather3A_202 = tpu.memref_slice %arg5[%gather3A_199, %gather3A_200, %gather3A_201] : memref<2x64x128xf32, #tpu.memory_space<vmem>> -> memref<1x64x128xf32, #tpu.memory_space<vmem>>
          %gather3A_203 = tpu.memref_squeeze %gather3A_202 : memref<1x64x128xf32, #tpu.memory_space<vmem>> -> memref<64x128xf32, #tpu.memory_space<vmem>>
          %gather3A_204 = tpu.vector_load_idx %gather3A_203[%add3A_187, %add3A_128] : memref<64x128xf32, #tpu.memory_space<vmem>>[vector<16xi32>, vector<16xi32>], vector<16xf32>,
          %gather3A_205 = arith.constant 0 : i32
          %gather3A_206 = arith.constant 0 : i32
          %gather3A_207 = arith.constant 0 : i32
          %gather3A_208 = tpu.memref_slice %arg5[%gather3A_205, %gather3A_206, %gather3A_207] : memref<2x64x128xf32, #tpu.memory_space<vmem>> -> memref<1x64x128xf32, #tpu.memory_space<vmem>>
          %gather3A_209 = tpu.memref_squeeze %gather3A_208 : memref<1x64x128xf32, #tpu.memory_space<vmem>> -> memref<64x128xf32, #tpu.memory_space<vmem>>
          %gather3A_210 = tpu.vector_load_idx %gather3A_209[%add3A_190, %add3A_128] : memref<64x128xf32, #tpu.memory_space<vmem>>[vector<16xi32>, vector<16xi32>], vector<16xf32>,
          %gather3A_211 = arith.constant 0 : i32
          %gather3A_212 = arith.constant 0 : i32
          %gather3A_213 = arith.constant 0 : i32
          %gather3A_214 = tpu.memref_slice %arg5[%gather3A_211, %gather3A_212, %gather3A_213] : memref<2x64x128xf32, #tpu.memory_space<vmem>> -> memref<1x64x128xf32, #tpu.memory_space<vmem>>
          %gather3A_215 = tpu.memref_squeeze %gather3A_214 : memref<1x64x128xf32, #tpu.memory_space<vmem>> -> memref<64x128xf32, #tpu.memory_space<vmem>>
          %gather3A_216 = tpu.vector_load_idx %gather3A_215[%add3A_193, %add3A_128] : memref<64x128xf32, #tpu.memory_space<vmem>>[vector<16xi32>, vector<16xi32>], vector<16xf32>,
          %gather3A_217 = arith.constant 0 : i32
          %gather3A_218 = arith.constant 0 : i32
          %gather3A_219 = arith.constant 0 : i32
          %gather3A_220 = tpu.memref_slice %arg5[%gather3A_217, %gather3A_218, %gather3A_219] : memref<2x64x128xf32, #tpu.memory_space<vmem>> -> memref<1x64x128xf32, #tpu.memory_space<vmem>>
          %gather3A_221 = tpu.memref_squeeze %gather3A_220 : memref<1x64x128xf32, #tpu.memory_space<vmem>> -> memref<64x128xf32, #tpu.memory_space<vmem>>
          %gather3A_222 = tpu.vector_load_idx %gather3A_221[%add3A_184, %add3A_134] : memref<64x128xf32, #tpu.memory_space<vmem>>[vector<16xi32>, vector<16xi32>], vector<16xf32>,
          %gather3A_223 = arith.constant 0 : i32
          %gather3A_224 = arith.constant 0 : i32
          %gather3A_225 = arith.constant 0 : i32
          %gather3A_226 = tpu.memref_slice %arg5[%gather3A_223, %gather3A_224, %gather3A_225] : memref<2x64x128xf32, #tpu.memory_space<vmem>> -> memref<1x64x128xf32, #tpu.memory_space<vmem>>
          %gather3A_227 = tpu.memref_squeeze %gather3A_226 : memref<1x64x128xf32, #tpu.memory_space<vmem>> -> memref<64x128xf32, #tpu.memory_space<vmem>>
          %gather3A_228 = tpu.vector_load_idx %gather3A_227[%add3A_187, %add3A_134] : memref<64x128xf32, #tpu.memory_space<vmem>>[vector<16xi32>, vector<16xi32>], vector<16xf32>,
          %gather3A_229 = arith.constant 0 : i32
          %gather3A_230 = arith.constant 0 : i32
          %gather3A_231 = arith.constant 0 : i32
          %gather3A_232 = tpu.memref_slice %arg5[%gather3A_229, %gather3A_230, %gather3A_231] : memref<2x64x128xf32, #tpu.memory_space<vmem>> -> memref<1x64x128xf32, #tpu.memory_space<vmem>>
          %gather3A_233 = tpu.memref_squeeze %gather3A_232 : memref<1x64x128xf32, #tpu.memory_space<vmem>> -> memref<64x128xf32, #tpu.memory_space<vmem>>
          %gather3A_234 = tpu.vector_load_idx %gather3A_233[%add3A_190, %add3A_134] : memref<64x128xf32, #tpu.memory_space<vmem>>[vector<16xi32>, vector<16xi32>], vector<16xf32>,
          %gather3A_235 = arith.constant 0 : i32
          %gather3A_236 = arith.constant 0 : i32
          %gather3A_237 = arith.constant 0 : i32
          %gather3A_238 = tpu.memref_slice %arg5[%gather3A_235, %gather3A_236, %gather3A_237] : memref<2x64x128xf32, #tpu.memory_space<vmem>> -> memref<1x64x128xf32, #tpu.memory_space<vmem>>
          %gather3A_239 = tpu.memref_squeeze %gather3A_238 : memref<1x64x128xf32, #tpu.memory_space<vmem>> -> memref<64x128xf32, #tpu.memory_space<vmem>>
          %gather3A_240 = tpu.vector_load_idx %gather3A_239[%add3A_193, %add3A_134] : memref<64x128xf32, #tpu.memory_space<vmem>>[vector<16xi32>, vector<16xi32>], vector<16xf32>,
          %gather3A_241 = arith.constant 0 : i32
          %gather3A_242 = arith.constant 0 : i32
          %gather3A_243 = arith.constant 0 : i32
          %gather3A_244 = tpu.memref_slice %arg5[%gather3A_241, %gather3A_242, %gather3A_243] : memref<2x64x128xf32, #tpu.memory_space<vmem>> -> memref<1x64x128xf32, #tpu.memory_space<vmem>>
          %gather3A_245 = tpu.memref_squeeze %gather3A_244 : memref<1x64x128xf32, #tpu.memory_space<vmem>> -> memref<64x128xf32, #tpu.memory_space<vmem>>
          %gather3A_246 = tpu.vector_load_idx %gather3A_245[%add3A_184, %add3A_140] : memref<64x128xf32, #tpu.memory_space<vmem>>[vector<16xi32>, vector<16xi32>], vector<16xf32>,
          %gather3A_247 = arith.constant 0 : i32
          %gather3A_248 = arith.constant 0 : i32
          %gather3A_249 = arith.constant 0 : i32
          %gather3A_250 = tpu.memref_slice %arg5[%gather3A_247, %gather3A_248, %gather3A_249] : memref<2x64x128xf32, #tpu.memory_space<vmem>> -> memref<1x64x128xf32, #tpu.memory_space<vmem>>
          %gather3A_251 = tpu.memref_squeeze %gather3A_250 : memref<1x64x128xf32, #tpu.memory_space<vmem>> -> memref<64x128xf32, #tpu.memory_space<vmem>>
          %gather3A_252 = tpu.vector_load_idx %gather3A_251[%add3A_187, %add3A_140] : memref<64x128xf32, #tpu.memory_space<vmem>>[vector<16xi32>, vector<16xi32>], vector<16xf32>,
          %gather3A_253 = arith.constant 0 : i32
          %gather3A_254 = arith.constant 0 : i32
          %gather3A_255 = arith.constant 0 : i32
          %gather3A_256 = tpu.memref_slice %arg5[%gather3A_253, %gather3A_254, %gather3A_255] : memref<2x64x128xf32, #tpu.memory_space<vmem>> -> memref<1x64x128xf32, #tpu.memory_space<vmem>>
          %gather3A_257 = tpu.memref_squeeze %gather3A_256 : memref<1x64x128xf32, #tpu.memory_space<vmem>> -> memref<64x128xf32, #tpu.memory_space<vmem>>
          %gather3A_258 = tpu.vector_load_idx %gather3A_257[%add3A_190, %add3A_140] : memref<64x128xf32, #tpu.memory_space<vmem>>[vector<16xi32>, vector<16xi32>], vector<16xf32>,
          %gather3A_259 = arith.constant 0 : i32
          %gather3A_260 = arith.constant 0 : i32
          %gather3A_261 = arith.constant 0 : i32
          %gather3A_262 = tpu.memref_slice %arg5[%gather3A_259, %gather3A_260, %gather3A_261] : memref<2x64x128xf32, #tpu.memory_space<vmem>> -> memref<1x64x128xf32, #tpu.memory_space<vmem>>
          %gather3A_263 = tpu.memref_squeeze %gather3A_262 : memref<1x64x128xf32, #tpu.memory_space<vmem>> -> memref<64x128xf32, #tpu.memory_space<vmem>>
          %gather3A_264 = tpu.vector_load_idx %gather3A_263[%add3A_193, %add3A_140] : memref<64x128xf32, #tpu.memory_space<vmem>>[vector<16xi32>, vector<16xi32>], vector<16xf32>,
          %gather3A_265 = arith.constant 0 : i32
          %gather3A_266 = arith.constant 0 : i32
          %gather3A_267 = arith.constant 0 : i32
          %gather3A_268 = tpu.memref_slice %arg5[%gather3A_265, %gather3A_266, %gather3A_267] : memref<2x64x128xf32, #tpu.memory_space<vmem>> -> memref<1x64x128xf32, #tpu.memory_space<vmem>>
          %gather3A_269 = tpu.memref_squeeze %gather3A_268 : memref<1x64x128xf32, #tpu.memory_space<vmem>> -> memref<64x128xf32, #tpu.memory_space<vmem>>
          %gather3A_270 = tpu.vector_load_idx %gather3A_269[%add3A_184, %add3A_146] : memref<64x128xf32, #tpu.memory_space<vmem>>[vector<16xi32>, vector<16xi32>], vector<16xf32>,
          %gather3A_271 = arith.constant 0 : i32
          %gather3A_272 = arith.constant 0 : i32
          %gather3A_273 = arith.constant 0 : i32
          %gather3A_274 = tpu.memref_slice %arg5[%gather3A_271, %gather3A_272, %gather3A_273] : memref<2x64x128xf32, #tpu.memory_space<vmem>> -> memref<1x64x128xf32, #tpu.memory_space<vmem>>
          %gather3A_275 = tpu.memref_squeeze %gather3A_274 : memref<1x64x128xf32, #tpu.memory_space<vmem>> -> memref<64x128xf32, #tpu.memory_space<vmem>>
          %gather3A_276 = tpu.vector_load_idx %gather3A_275[%add3A_187, %add3A_146] : memref<64x128xf32, #tpu.memory_space<vmem>>[vector<16xi32>, vector<16xi32>], vector<16xf32>,
          %gather3A_277 = arith.constant 0 : i32
          %gather3A_278 = arith.constant 0 : i32
          %gather3A_279 = arith.constant 0 : i32
          %gather3A_280 = tpu.memref_slice %arg5[%gather3A_277, %gather3A_278, %gather3A_279] : memref<2x64x128xf32, #tpu.memory_space<vmem>> -> memref<1x64x128xf32, #tpu.memory_space<vmem>>
          %gather3A_281 = tpu.memref_squeeze %gather3A_280 : memref<1x64x128xf32, #tpu.memory_space<vmem>> -> memref<64x128xf32, #tpu.memory_space<vmem>>
          %gather3A_282 = tpu.vector_load_idx %gather3A_281[%add3A_190, %add3A_146] : memref<64x128xf32, #tpu.memory_space<vmem>>[vector<16xi32>, vector<16xi32>], vector<16xf32>,
          %gather3A_283 = arith.constant 0 : i32
          %gather3A_284 = arith.constant 0 : i32
          %gather3A_285 = arith.constant 0 : i32
          %gather3A_286 = tpu.memref_slice %arg5[%gather3A_283, %gather3A_284, %gather3A_285] : memref<2x64x128xf32, #tpu.memory_space<vmem>> -> memref<1x64x128xf32, #tpu.memory_space<vmem>>
          %gather3A_287 = tpu.memref_squeeze %gather3A_286 : memref<1x64x128xf32, #tpu.memory_space<vmem>> -> memref<64x128xf32, #tpu.memory_space<vmem>>
          %gather3A_288 = tpu.vector_load_idx %gather3A_287[%add3A_193, %add3A_146] : memref<64x128xf32, #tpu.memory_space<vmem>>[vector<16xi32>, vector<16xi32>], vector<16xf32>,
          %gather3A_289 = arith.constant 0 : i32
          %gather3A_290 = arith.constant 0 : i32
          %gather3A_291 = arith.constant 0 : i32
          %gather3A_292 = tpu.memref_slice %arg5[%gather3A_289, %gather3A_290, %gather3A_291] : memref<2x64x128xf32, #tpu.memory_space<vmem>> -> memref<1x64x128xf32, #tpu.memory_space<vmem>>
          %gather3A_293 = tpu.memref_squeeze %gather3A_292 : memref<1x64x128xf32, #tpu.memory_space<vmem>> -> memref<64x128xf32, #tpu.memory_space<vmem>>
          %gather3A_294 = tpu.vector_load_idx %gather3A_293[%add3A_184, %add3A_152] : memref<64x128xf32, #tpu.memory_space<vmem>>[vector<16xi32>, vector<16xi32>], vector<16xf32>,
          %gather3A_295 = arith.constant 0 : i32
          %gather3A_296 = arith.constant 0 : i32
          %gather3A_297 = arith.constant 0 : i32
          %gather3A_298 = tpu.memref_slice %arg5[%gather3A_295, %gather3A_296, %gather3A_297] : memref<2x64x128xf32, #tpu.memory_space<vmem>> -> memref<1x64x128xf32, #tpu.memory_space<vmem>>
          %gather3A_299 = tpu.memref_squeeze %gather3A_298 : memref<1x64x128xf32, #tpu.memory_space<vmem>> -> memref<64x128xf32, #tpu.memory_space<vmem>>
          %gather3A_300 = tpu.vector_load_idx %gather3A_299[%add3A_187, %add3A_152] : memref<64x128xf32, #tpu.memory_space<vmem>>[vector<16xi32>, vector<16xi32>], vector<16xf32>,
          %gather3A_301 = arith.constant 0 : i32
          %gather3A_302 = arith.constant 0 : i32
          %gather3A_303 = arith.constant 0 : i32
          %gather3A_304 = tpu.memref_slice %arg5[%gather3A_301, %gather3A_302, %gather3A_303] : memref<2x64x128xf32, #tpu.memory_space<vmem>> -> memref<1x64x128xf32, #tpu.memory_space<vmem>>
          %gather3A_305 = tpu.memref_squeeze %gather3A_304 : memref<1x64x128xf32, #tpu.memory_space<vmem>> -> memref<64x128xf32, #tpu.memory_space<vmem>>
          %gather3A_306 = tpu.vector_load_idx %gather3A_305[%add3A_190, %add3A_152] : memref<64x128xf32, #tpu.memory_space<vmem>>[vector<16xi32>, vector<16xi32>], vector<16xf32>,
          %gather3A_307 = arith.constant 0 : i32
          %gather3A_308 = arith.constant 0 : i32
          %gather3A_309 = arith.constant 0 : i32
          %gather3A_310 = tpu.memref_slice %arg5[%gather3A_307, %gather3A_308, %gather3A_309] : memref<2x64x128xf32, #tpu.memory_space<vmem>> -> memref<1x64x128xf32, #tpu.memory_space<vmem>>
          %gather3A_311 = tpu.memref_squeeze %gather3A_310 : memref<1x64x128xf32, #tpu.memory_space<vmem>> -> memref<64x128xf32, #tpu.memory_space<vmem>>
          %gather3A_312 = tpu.vector_load_idx %gather3A_311[%add3A_193, %add3A_152] : memref<64x128xf32, #tpu.memory_space<vmem>>[vector<16xi32>, vector<16xi32>], vector<16xf32>,
          %gather3A_313 = arith.constant 0 : i32
          %gather3A_314 = arith.constant 0 : i32
          %gather3A_315 = arith.constant 0 : i32
          %gather3A_316 = tpu.memref_slice %arg5[%gather3A_313, %gather3A_314, %gather3A_315] : memref<2x64x128xf32, #tpu.memory_space<vmem>> -> memref<1x64x128xf32, #tpu.memory_space<vmem>>
          %gather3A_317 = tpu.memref_squeeze %gather3A_316 : memref<1x64x128xf32, #tpu.memory_space<vmem>> -> memref<64x128xf32, #tpu.memory_space<vmem>>
          %gather3A_318 = tpu.vector_load_idx %gather3A_317[%add3A_184, %add3A_158] : memref<64x128xf32, #tpu.memory_space<vmem>>[vector<16xi32>, vector<16xi32>], vector<16xf32>,
          %gather3A_319 = arith.constant 0 : i32
          %gather3A_320 = arith.constant 0 : i32
          %gather3A_321 = arith.constant 0 : i32
          %gather3A_322 = tpu.memref_slice %arg5[%gather3A_319, %gather3A_320, %gather3A_321] : memref<2x64x128xf32, #tpu.memory_space<vmem>> -> memref<1x64x128xf32, #tpu.memory_space<vmem>>
          %gather3A_323 = tpu.memref_squeeze %gather3A_322 : memref<1x64x128xf32, #tpu.memory_space<vmem>> -> memref<64x128xf32, #tpu.memory_space<vmem>>
          %gather3A_324 = tpu.vector_load_idx %gather3A_323[%add3A_187, %add3A_158] : memref<64x128xf32, #tpu.memory_space<vmem>>[vector<16xi32>, vector<16xi32>], vector<16xf32>,
          %gather3A_325 = arith.constant 0 : i32
          %gather3A_326 = arith.constant 0 : i32
          %gather3A_327 = arith.constant 0 : i32
          %gather3A_328 = tpu.memref_slice %arg5[%gather3A_325, %gather3A_326, %gather3A_327] : memref<2x64x128xf32, #tpu.memory_space<vmem>> -> memref<1x64x128xf32, #tpu.memory_space<vmem>>
          %gather3A_329 = tpu.memref_squeeze %gather3A_328 : memref<1x64x128xf32, #tpu.memory_space<vmem>> -> memref<64x128xf32, #tpu.memory_space<vmem>>
          %gather3A_330 = tpu.vector_load_idx %gather3A_329[%add3A_190, %add3A_158] : memref<64x128xf32, #tpu.memory_space<vmem>>[vector<16xi32>, vector<16xi32>], vector<16xf32>,
          %gather3A_331 = arith.constant 0 : i32
          %gather3A_332 = arith.constant 0 : i32
          %gather3A_333 = arith.constant 0 : i32
          %gather3A_334 = tpu.memref_slice %arg5[%gather3A_331, %gather3A_332, %gather3A_333] : memref<2x64x128xf32, #tpu.memory_space<vmem>> -> memref<1x64x128xf32, #tpu.memory_space<vmem>>
          %gather3A_335 = tpu.memref_squeeze %gather3A_334 : memref<1x64x128xf32, #tpu.memory_space<vmem>> -> memref<64x128xf32, #tpu.memory_space<vmem>>
          %gather3A_336 = tpu.vector_load_idx %gather3A_335[%add3A_193, %add3A_158] : memref<64x128xf32, #tpu.memory_space<vmem>>[vector<16xi32>, vector<16xi32>], vector<16xf32>,
          %gather3A_337 = arith.constant 0 : i32
          %gather3A_338 = arith.constant 0 : i32
          %gather3A_339 = arith.constant 0 : i32
          %gather3A_340 = tpu.memref_slice %arg5[%gather3A_337, %gather3A_338, %gather3A_339] : memref<2x64x128xf32, #tpu.memory_space<vmem>> -> memref<1x64x128xf32, #tpu.memory_space<vmem>>
          %gather3A_341 = tpu.memref_squeeze %gather3A_340 : memref<1x64x128xf32, #tpu.memory_space<vmem>> -> memref<64x128xf32, #tpu.memory_space<vmem>>
          %gather3A_342 = tpu.vector_load_idx %gather3A_341[%add3A_184, %add3A_164] : memref<64x128xf32, #tpu.memory_space<vmem>>[vector<16xi32>, vector<16xi32>], vector<16xf32>,
          %gather3A_343 = arith.constant 0 : i32
          %gather3A_344 = arith.constant 0 : i32
          %gather3A_345 = arith.constant 0 : i32
          %gather3A_346 = tpu.memref_slice %arg5[%gather3A_343, %gather3A_344, %gather3A_345] : memref<2x64x128xf32, #tpu.memory_space<vmem>> -> memref<1x64x128xf32, #tpu.memory_space<vmem>>
          %gather3A_347 = tpu.memref_squeeze %gather3A_346 : memref<1x64x128xf32, #tpu.memory_space<vmem>> -> memref<64x128xf32, #tpu.memory_space<vmem>>
          %gather3A_348 = tpu.vector_load_idx %gather3A_347[%add3A_187, %add3A_164] : memref<64x128xf32, #tpu.memory_space<vmem>>[vector<16xi32>, vector<16xi32>], vector<16xf32>,
          %gather3A_349 = arith.constant 0 : i32
          %gather3A_350 = arith.constant 0 : i32
          %gather3A_351 = arith.constant 0 : i32
          %gather3A_352 = tpu.memref_slice %arg5[%gather3A_349, %gather3A_350, %gather3A_351] : memref<2x64x128xf32, #tpu.memory_space<vmem>> -> memref<1x64x128xf32, #tpu.memory_space<vmem>>
          %gather3A_353 = tpu.memref_squeeze %gather3A_352 : memref<1x64x128xf32, #tpu.memory_space<vmem>> -> memref<64x128xf32, #tpu.memory_space<vmem>>
          %gather3A_354 = tpu.vector_load_idx %gather3A_353[%add3A_190, %add3A_164] : memref<64x128xf32, #tpu.memory_space<vmem>>[vector<16xi32>, vector<16xi32>], vector<16xf32>,
          %gather3A_355 = arith.constant 0 : i32
          %gather3A_356 = arith.constant 0 : i32
          %gather3A_357 = arith.constant 0 : i32
          %gather3A_358 = tpu.memref_slice %arg5[%gather3A_355, %gather3A_356, %gather3A_357] : memref<2x64x128xf32, #tpu.memory_space<vmem>> -> memref<1x64x128xf32, #tpu.memory_space<vmem>>
          %gather3A_359 = tpu.memref_squeeze %gather3A_358 : memref<1x64x128xf32, #tpu.memory_space<vmem>> -> memref<64x128xf32, #tpu.memory_space<vmem>>
          %gather3A_360 = tpu.vector_load_idx %gather3A_359[%add3A_193, %add3A_164] : memref<64x128xf32, #tpu.memory_space<vmem>>[vector<16xi32>, vector<16xi32>], vector<16xf32>,
          %gather3A_361 = arith.constant 0 : i32
          %gather3A_362 = arith.constant 0 : i32
          %gather3A_363 = arith.constant 0 : i32
          %gather3A_364 = tpu.memref_slice %arg5[%gather3A_361, %gather3A_362, %gather3A_363] : memref<2x64x128xf32, #tpu.memory_space<vmem>> -> memref<1x64x128xf32, #tpu.memory_space<vmem>>
          %gather3A_365 = tpu.memref_squeeze %gather3A_364 : memref<1x64x128xf32, #tpu.memory_space<vmem>> -> memref<64x128xf32, #tpu.memory_space<vmem>>
          %gather3A_366 = tpu.vector_load_idx %gather3A_365[%add3A_184, %add3A_170] : memref<64x128xf32, #tpu.memory_space<vmem>>[vector<16xi32>, vector<16xi32>], vector<16xf32>,
          %gather3A_367 = arith.constant 0 : i32
          %gather3A_368 = arith.constant 0 : i32
          %gather3A_369 = arith.constant 0 : i32
          %gather3A_370 = tpu.memref_slice %arg5[%gather3A_367, %gather3A_368, %gather3A_369] : memref<2x64x128xf32, #tpu.memory_space<vmem>> -> memref<1x64x128xf32, #tpu.memory_space<vmem>>
          %gather3A_371 = tpu.memref_squeeze %gather3A_370 : memref<1x64x128xf32, #tpu.memory_space<vmem>> -> memref<64x128xf32, #tpu.memory_space<vmem>>
          %gather3A_372 = tpu.vector_load_idx %gather3A_371[%add3A_187, %add3A_170] : memref<64x128xf32, #tpu.memory_space<vmem>>[vector<16xi32>, vector<16xi32>], vector<16xf32>,
          %gather3A_373 = arith.constant 0 : i32
          %gather3A_374 = arith.constant 0 : i32
          %gather3A_375 = arith.constant 0 : i32
          %gather3A_376 = tpu.memref_slice %arg5[%gather3A_373, %gather3A_374, %gather3A_375] : memref<2x64x128xf32, #tpu.memory_space<vmem>> -> memref<1x64x128xf32, #tpu.memory_space<vmem>>
          %gather3A_377 = tpu.memref_squeeze %gather3A_376 : memref<1x64x128xf32, #tpu.memory_space<vmem>> -> memref<64x128xf32, #tpu.memory_space<vmem>>
          %gather3A_378 = tpu.vector_load_idx %gather3A_377[%add3A_190, %add3A_170] : memref<64x128xf32, #tpu.memory_space<vmem>>[vector<16xi32>, vector<16xi32>], vector<16xf32>,
          %gather3A_379 = arith.constant 0 : i32
          %gather3A_380 = arith.constant 0 : i32
          %gather3A_381 = arith.constant 0 : i32
          %gather3A_382 = tpu.memref_slice %arg5[%gather3A_379, %gather3A_380, %gather3A_381] : memref<2x64x128xf32, #tpu.memory_space<vmem>> -> memref<1x64x128xf32, #tpu.memory_space<vmem>>
          %gather3A_383 = tpu.memref_squeeze %gather3A_382 : memref<1x64x128xf32, #tpu.memory_space<vmem>> -> memref<64x128xf32, #tpu.memory_space<vmem>>
          %gather3A_384 = tpu.vector_load_idx %gather3A_383[%add3A_193, %add3A_170] : memref<64x128xf32, #tpu.memory_space<vmem>>[vector<16xi32>, vector<16xi32>], vector<16xf32>,
          %add3A_385 = arith.constant 0 : i32
          %add3A_386 = vector.broadcast %add3A_385 : i32 to vector<16xi32>
          %add3A_387 = arith.addi %add3A_386, %iota3A : vector<16xi32>
          %add3A_388 = arith.constant 0 : i32
          %add3A_389 = vector.broadcast %add3A_388 : i32 to vector<16xi32>
          %add3A_390 = arith.addi %add3A_389, %and3A_181 : vector<16xi32>
          %mul3A_391 = arith.constant 8.000000e+00 : f32
          %mul3A_392 = vector.broadcast %mul3A_391 : f32 to vector<16xf32>
          %mul3A_393 = arith.mulf %gather3A_198, %mul3A_392 : vector<16xf32>
          %scatter3A = arith.constant 0 : i32
          %scatter3A_394 = arith.constant 0 : i32
          %scatter3A_395 = arith.constant 0 : i32
          %scatter3A_396 = tpu.memref_slice %arg6[%scatter3A, %scatter3A_394, %scatter3A_395] : memref<2x64x128xf32, #tpu.memory_space<vmem>> -> memref<1x64x128xf32, #tpu.memory_space<vmem>>
          %scatter3A_397 = tpu.memref_squeeze %scatter3A_396 : memref<1x64x128xf32, #tpu.memory_space<vmem>> -> memref<64x128xf32, #tpu.memory_space<vmem>>
          tpu.vector_store_idx %scatter3A_397[%add3A_387, %add3A_390], %mul3A_393 : memref<64x128xf32, #tpu.memory_space<vmem>>[vector<16xi32>, vector<16xi32>], vector<16xf32>,
          %add3A_398 = arith.constant 0 : i32
          %add3A_399 = vector.broadcast %add3A_398 : i32 to vector<16xi32>
          %add3A_400 = arith.addi %add3A_399, %iota3A : vector<16xi32>
          %add3A_401 = arith.constant 16 : i32
          %add3A_402 = vector.broadcast %add3A_401 : i32 to vector<16xi32>
          %add3A_403 = arith.addi %add3A_402, %and3A_181 : vector<16xi32>
          %mul3A_404 = arith.constant 8.000000e+00 : f32
          %mul3A_405 = vector.broadcast %mul3A_404 : f32 to vector<16xf32>
          %mul3A_406 = arith.mulf %gather3A_204, %mul3A_405 : vector<16xf32>
          %scatter3A_407 = arith.constant 0 : i32
          %scatter3A_408 = arith.constant 0 : i32
          %scatter3A_409 = arith.constant 0 : i32
          %scatter3A_410 = tpu.memref_slice %arg6[%scatter3A_407, %scatter3A_408, %scatter3A_409] : memref<2x64x128xf32, #tpu.memory_space<vmem>> -> memref<1x64x128xf32, #tpu.memory_space<vmem>>
          %scatter3A_411 = tpu.memref_squeeze %scatter3A_410 : memref<1x64x128xf32, #tpu.memory_space<vmem>> -> memref<64x128xf32, #tpu.memory_space<vmem>>
          tpu.vector_store_idx %scatter3A_411[%add3A_400, %add3A_403], %mul3A_406 : memref<64x128xf32, #tpu.memory_space<vmem>>[vector<16xi32>, vector<16xi32>], vector<16xf32>,
          %add3A_412 = arith.constant 0 : i32
          %add3A_413 = vector.broadcast %add3A_412 : i32 to vector<16xi32>
          %add3A_414 = arith.addi %add3A_413, %iota3A : vector<16xi32>
          %add3A_415 = arith.constant 32 : i32
          %add3A_416 = vector.broadcast %add3A_415 : i32 to vector<16xi32>
          %add3A_417 = arith.addi %add3A_416, %and3A_181 : vector<16xi32>
          %mul3A_418 = arith.constant 8.000000e+00 : f32
          %mul3A_419 = vector.broadcast %mul3A_418 : f32 to vector<16xf32>
          %mul3A_420 = arith.mulf %gather3A_210, %mul3A_419 : vector<16xf32>
          %scatter3A_421 = arith.constant 0 : i32
          %scatter3A_422 = arith.constant 0 : i32
          %scatter3A_423 = arith.constant 0 : i32
          %scatter3A_424 = tpu.memref_slice %arg6[%scatter3A_421, %scatter3A_422, %scatter3A_423] : memref<2x64x128xf32, #tpu.memory_space<vmem>> -> memref<1x64x128xf32, #tpu.memory_space<vmem>>
          %scatter3A_425 = tpu.memref_squeeze %scatter3A_424 : memref<1x64x128xf32, #tpu.memory_space<vmem>> -> memref<64x128xf32, #tpu.memory_space<vmem>>
          tpu.vector_store_idx %scatter3A_425[%add3A_414, %add3A_417], %mul3A_420 : memref<64x128xf32, #tpu.memory_space<vmem>>[vector<16xi32>, vector<16xi32>], vector<16xf32>,
          %add3A_426 = arith.constant 0 : i32
          %add3A_427 = vector.broadcast %add3A_426 : i32 to vector<16xi32>
          %add3A_428 = arith.addi %add3A_427, %iota3A : vector<16xi32>
          %add3A_429 = arith.constant 48 : i32
          %add3A_430 = vector.broadcast %add3A_429 : i32 to vector<16xi32>
          %add3A_431 = arith.addi %add3A_430, %and3A_181 : vector<16xi32>
          %mul3A_432 = arith.constant 8.000000e+00 : f32
          %mul3A_433 = vector.broadcast %mul3A_432 : f32 to vector<16xf32>
          %mul3A_434 = arith.mulf %gather3A_216, %mul3A_433 : vector<16xf32>
          %scatter3A_435 = arith.constant 0 : i32
          %scatter3A_436 = arith.constant 0 : i32
          %scatter3A_437 = arith.constant 0 : i32
          %scatter3A_438 = tpu.memref_slice %arg6[%scatter3A_435, %scatter3A_436, %scatter3A_437] : memref<2x64x128xf32, #tpu.memory_space<vmem>> -> memref<1x64x128xf32, #tpu.memory_space<vmem>>
          %scatter3A_439 = tpu.memref_squeeze %scatter3A_438 : memref<1x64x128xf32, #tpu.memory_space<vmem>> -> memref<64x128xf32, #tpu.memory_space<vmem>>
          tpu.vector_store_idx %scatter3A_439[%add3A_428, %add3A_431], %mul3A_434 : memref<64x128xf32, #tpu.memory_space<vmem>>[vector<16xi32>, vector<16xi32>], vector<16xf32>,
          %add3A_440 = arith.constant 0 : i32
          %add3A_441 = vector.broadcast %add3A_440 : i32 to vector<16xi32>
          %add3A_442 = arith.addi %add3A_441, %iota3A : vector<16xi32>
          %add3A_443 = arith.constant 64 : i32
          %add3A_444 = vector.broadcast %add3A_443 : i32 to vector<16xi32>
          %add3A_445 = arith.addi %add3A_444, %and3A_181 : vector<16xi32>
          %mul3A_446 = arith.constant 8.000000e+00 : f32
          %mul3A_447 = vector.broadcast %mul3A_446 : f32 to vector<16xf32>
          %mul3A_448 = arith.mulf %gather3A_222, %mul3A_447 : vector<16xf32>
          %scatter3A_449 = arith.constant 0 : i32
          %scatter3A_450 = arith.constant 0 : i32
          %scatter3A_451 = arith.constant 0 : i32
          %scatter3A_452 = tpu.memref_slice %arg6[%scatter3A_449, %scatter3A_450, %scatter3A_451] : memref<2x64x128xf32, #tpu.memory_space<vmem>> -> memref<1x64x128xf32, #tpu.memory_space<vmem>>
          %scatter3A_453 = tpu.memref_squeeze %scatter3A_452 : memref<1x64x128xf32, #tpu.memory_space<vmem>> -> memref<64x128xf32, #tpu.memory_space<vmem>>
          tpu.vector_store_idx %scatter3A_453[%add3A_442, %add3A_445], %mul3A_448 : memref<64x128xf32, #tpu.memory_space<vmem>>[vector<16xi32>, vector<16xi32>], vector<16xf32>,
          %add3A_454 = arith.constant 0 : i32
          %add3A_455 = vector.broadcast %add3A_454 : i32 to vector<16xi32>
          %add3A_456 = arith.addi %add3A_455, %iota3A : vector<16xi32>
          %add3A_457 = arith.constant 80 : i32
          %add3A_458 = vector.broadcast %add3A_457 : i32 to vector<16xi32>
          %add3A_459 = arith.addi %add3A_458, %and3A_181 : vector<16xi32>
          %mul3A_460 = arith.constant 8.000000e+00 : f32
          %mul3A_461 = vector.broadcast %mul3A_460 : f32 to vector<16xf32>
          %mul3A_462 = arith.mulf %gather3A_228, %mul3A_461 : vector<16xf32>
          %scatter3A_463 = arith.constant 0 : i32
          %scatter3A_464 = arith.constant 0 : i32
          %scatter3A_465 = arith.constant 0 : i32
          %scatter3A_466 = tpu.memref_slice %arg6[%scatter3A_463, %scatter3A_464, %scatter3A_465] : memref<2x64x128xf32, #tpu.memory_space<vmem>> -> memref<1x64x128xf32, #tpu.memory_space<vmem>>
          %scatter3A_467 = tpu.memref_squeeze %scatter3A_466 : memref<1x64x128xf32, #tpu.memory_space<vmem>> -> memref<64x128xf32, #tpu.memory_space<vmem>>
          tpu.vector_store_idx %scatter3A_467[%add3A_456, %add3A_459], %mul3A_462 : memref<64x128xf32, #tpu.memory_space<vmem>>[vector<16xi32>, vector<16xi32>], vector<16xf32>,
          %add3A_468 = arith.constant 0 : i32
          %add3A_469 = vector.broadcast %add3A_468 : i32 to vector<16xi32>
          %add3A_470 = arith.addi %add3A_469, %iota3A : vector<16xi32>
          %add3A_471 = arith.constant 96 : i32
          %add3A_472 = vector.broadcast %add3A_471 : i32 to vector<16xi32>
          %add3A_473 = arith.addi %add3A_472, %and3A_181 : vector<16xi32>
          %mul3A_474 = arith.constant 8.000000e+00 : f32
          %mul3A_475 = vector.broadcast %mul3A_474 : f32 to vector<16xf32>
          %mul3A_476 = arith.mulf %gather3A_234, %mul3A_475 : vector<16xf32>
          %scatter3A_477 = arith.constant 0 : i32
          %scatter3A_478 = arith.constant 0 : i32
          %scatter3A_479 = arith.constant 0 : i32
          %scatter3A_480 = tpu.memref_slice %arg6[%scatter3A_477, %scatter3A_478, %scatter3A_479] : memref<2x64x128xf32, #tpu.memory_space<vmem>> -> memref<1x64x128xf32, #tpu.memory_space<vmem>>
          %scatter3A_481 = tpu.memref_squeeze %scatter3A_480 : memref<1x64x128xf32, #tpu.memory_space<vmem>> -> memref<64x128xf32, #tpu.memory_space<vmem>>
          tpu.vector_store_idx %scatter3A_481[%add3A_470, %add3A_473], %mul3A_476 : memref<64x128xf32, #tpu.memory_space<vmem>>[vector<16xi32>, vector<16xi32>], vector<16xf32>,
          %add3A_482 = arith.constant 0 : i32
          %add3A_483 = vector.broadcast %add3A_482 : i32 to vector<16xi32>
          %add3A_484 = arith.addi %add3A_483, %iota3A : vector<16xi32>
          %add3A_485 = arith.constant 112 : i32
          %add3A_486 = vector.broadcast %add3A_485 : i32 to vector<16xi32>
          %add3A_487 = arith.addi %add3A_486, %and3A_181 : vector<16xi32>
          %mul3A_488 = arith.constant 8.000000e+00 : f32
          %mul3A_489 = vector.broadcast %mul3A_488 : f32 to vector<16xf32>
          %mul3A_490 = arith.mulf %gather3A_240, %mul3A_489 : vector<16xf32>
          %scatter3A_491 = arith.constant 0 : i32
          %scatter3A_492 = arith.constant 0 : i32
          %scatter3A_493 = arith.constant 0 : i32
          %scatter3A_494 = tpu.memref_slice %arg6[%scatter3A_491, %scatter3A_492, %scatter3A_493] : memref<2x64x128xf32, #tpu.memory_space<vmem>> -> memref<1x64x128xf32, #tpu.memory_space<vmem>>
          %scatter3A_495 = tpu.memref_squeeze %scatter3A_494 : memref<1x64x128xf32, #tpu.memory_space<vmem>> -> memref<64x128xf32, #tpu.memory_space<vmem>>
          tpu.vector_store_idx %scatter3A_495[%add3A_484, %add3A_487], %mul3A_490 : memref<64x128xf32, #tpu.memory_space<vmem>>[vector<16xi32>, vector<16xi32>], vector<16xf32>,
          %add3A_496 = arith.constant 16 : i32
          %add3A_497 = vector.broadcast %add3A_496 : i32 to vector<16xi32>
          %add3A_498 = arith.addi %add3A_497, %iota3A : vector<16xi32>
          %add3A_499 = arith.constant 0 : i32
          %add3A_500 = vector.broadcast %add3A_499 : i32 to vector<16xi32>
          %add3A_501 = arith.addi %add3A_500, %and3A_181 : vector<16xi32>
          %mul3A_502 = arith.constant 8.000000e+00 : f32
          %mul3A_503 = vector.broadcast %mul3A_502 : f32 to vector<16xf32>
          %mul3A_504 = arith.mulf %gather3A_246, %mul3A_503 : vector<16xf32>
          %scatter3A_505 = arith.constant 0 : i32
          %scatter3A_506 = arith.constant 0 : i32
          %scatter3A_507 = arith.constant 0 : i32
          %scatter3A_508 = tpu.memref_slice %arg6[%scatter3A_505, %scatter3A_506, %scatter3A_507] : memref<2x64x128xf32, #tpu.memory_space<vmem>> -> memref<1x64x128xf32, #tpu.memory_space<vmem>>
          %scatter3A_509 = tpu.memref_squeeze %scatter3A_508 : memref<1x64x128xf32, #tpu.memory_space<vmem>> -> memref<64x128xf32, #tpu.memory_space<vmem>>
          tpu.vector_store_idx %scatter3A_509[%add3A_498, %add3A_501], %mul3A_504 : memref<64x128xf32, #tpu.memory_space<vmem>>[vector<16xi32>, vector<16xi32>], vector<16xf32>,
          %add3A_510 = arith.constant 16 : i32
          %add3A_511 = vector.broadcast %add3A_510 : i32 to vector<16xi32>
          %add3A_512 = arith.addi %add3A_511, %iota3A : vector<16xi32>
          %add3A_513 = arith.constant 16 : i32
          %add3A_514 = vector.broadcast %add3A_513 : i32 to vector<16xi32>
          %add3A_515 = arith.addi %add3A_514, %and3A_181 : vector<16xi32>
          %mul3A_516 = arith.constant 8.000000e+00 : f32
          %mul3A_517 = vector.broadcast %mul3A_516 : f32 to vector<16xf32>
          %mul3A_518 = arith.mulf %gather3A_252, %mul3A_517 : vector<16xf32>
          %scatter3A_519 = arith.constant 0 : i32
          %scatter3A_520 = arith.constant 0 : i32
          %scatter3A_521 = arith.constant 0 : i32
          %scatter3A_522 = tpu.memref_slice %arg6[%scatter3A_519, %scatter3A_520, %scatter3A_521] : memref<2x64x128xf32, #tpu.memory_space<vmem>> -> memref<1x64x128xf32, #tpu.memory_space<vmem>>
          %scatter3A_523 = tpu.memref_squeeze %scatter3A_522 : memref<1x64x128xf32, #tpu.memory_space<vmem>> -> memref<64x128xf32, #tpu.memory_space<vmem>>
          tpu.vector_store_idx %scatter3A_523[%add3A_512, %add3A_515], %mul3A_518 : memref<64x128xf32, #tpu.memory_space<vmem>>[vector<16xi32>, vector<16xi32>], vector<16xf32>,
          %add3A_524 = arith.constant 16 : i32
          %add3A_525 = vector.broadcast %add3A_524 : i32 to vector<16xi32>
          %add3A_526 = arith.addi %add3A_525, %iota3A : vector<16xi32>
          %add3A_527 = arith.constant 32 : i32
          %add3A_528 = vector.broadcast %add3A_527 : i32 to vector<16xi32>
          %add3A_529 = arith.addi %add3A_528, %and3A_181 : vector<16xi32>
          %mul3A_530 = arith.constant 8.000000e+00 : f32
          %mul3A_531 = vector.broadcast %mul3A_530 : f32 to vector<16xf32>
          %mul3A_532 = arith.mulf %gather3A_258, %mul3A_531 : vector<16xf32>
          %scatter3A_533 = arith.constant 0 : i32
          %scatter3A_534 = arith.constant 0 : i32
          %scatter3A_535 = arith.constant 0 : i32
          %scatter3A_536 = tpu.memref_slice %arg6[%scatter3A_533, %scatter3A_534, %scatter3A_535] : memref<2x64x128xf32, #tpu.memory_space<vmem>> -> memref<1x64x128xf32, #tpu.memory_space<vmem>>
          %scatter3A_537 = tpu.memref_squeeze %scatter3A_536 : memref<1x64x128xf32, #tpu.memory_space<vmem>> -> memref<64x128xf32, #tpu.memory_space<vmem>>
          tpu.vector_store_idx %scatter3A_537[%add3A_526, %add3A_529], %mul3A_532 : memref<64x128xf32, #tpu.memory_space<vmem>>[vector<16xi32>, vector<16xi32>], vector<16xf32>,
          %add3A_538 = arith.constant 16 : i32
          %add3A_539 = vector.broadcast %add3A_538 : i32 to vector<16xi32>
          %add3A_540 = arith.addi %add3A_539, %iota3A : vector<16xi32>
          %add3A_541 = arith.constant 48 : i32
          %add3A_542 = vector.broadcast %add3A_541 : i32 to vector<16xi32>
          %add3A_543 = arith.addi %add3A_542, %and3A_181 : vector<16xi32>
          %mul3A_544 = arith.constant 8.000000e+00 : f32
          %mul3A_545 = vector.broadcast %mul3A_544 : f32 to vector<16xf32>
          %mul3A_546 = arith.mulf %gather3A_264, %mul3A_545 : vector<16xf32>
          %scatter3A_547 = arith.constant 0 : i32
          %scatter3A_548 = arith.constant 0 : i32
          %scatter3A_549 = arith.constant 0 : i32
          %scatter3A_550 = tpu.memref_slice %arg6[%scatter3A_547, %scatter3A_548, %scatter3A_549] : memref<2x64x128xf32, #tpu.memory_space<vmem>> -> memref<1x64x128xf32, #tpu.memory_space<vmem>>
          %scatter3A_551 = tpu.memref_squeeze %scatter3A_550 : memref<1x64x128xf32, #tpu.memory_space<vmem>> -> memref<64x128xf32, #tpu.memory_space<vmem>>
          tpu.vector_store_idx %scatter3A_551[%add3A_540, %add3A_543], %mul3A_546 : memref<64x128xf32, #tpu.memory_space<vmem>>[vector<16xi32>, vector<16xi32>], vector<16xf32>,
          %add3A_552 = arith.constant 16 : i32
          %add3A_553 = vector.broadcast %add3A_552 : i32 to vector<16xi32>
          %add3A_554 = arith.addi %add3A_553, %iota3A : vector<16xi32>
          %add3A_555 = arith.constant 64 : i32
          %add3A_556 = vector.broadcast %add3A_555 : i32 to vector<16xi32>
          %add3A_557 = arith.addi %add3A_556, %and3A_181 : vector<16xi32>
          %mul3A_558 = arith.constant 8.000000e+00 : f32
          %mul3A_559 = vector.broadcast %mul3A_558 : f32 to vector<16xf32>
          %mul3A_560 = arith.mulf %gather3A_270, %mul3A_559 : vector<16xf32>
          %scatter3A_561 = arith.constant 0 : i32
          %scatter3A_562 = arith.constant 0 : i32
          %scatter3A_563 = arith.constant 0 : i32
          %scatter3A_564 = tpu.memref_slice %arg6[%scatter3A_561, %scatter3A_562, %scatter3A_563] : memref<2x64x128xf32, #tpu.memory_space<vmem>> -> memref<1x64x128xf32, #tpu.memory_space<vmem>>
          %scatter3A_565 = tpu.memref_squeeze %scatter3A_564 : memref<1x64x128xf32, #tpu.memory_space<vmem>> -> memref<64x128xf32, #tpu.memory_space<vmem>>
          tpu.vector_store_idx %scatter3A_565[%add3A_554, %add3A_557], %mul3A_560 : memref<64x128xf32, #tpu.memory_space<vmem>>[vector<16xi32>, vector<16xi32>], vector<16xf32>,
          %add3A_566 = arith.constant 16 : i32
          %add3A_567 = vector.broadcast %add3A_566 : i32 to vector<16xi32>
          %add3A_568 = arith.addi %add3A_567, %iota3A : vector<16xi32>
          %add3A_569 = arith.constant 80 : i32
          %add3A_570 = vector.broadcast %add3A_569 : i32 to vector<16xi32>
          %add3A_571 = arith.addi %add3A_570, %and3A_181 : vector<16xi32>
          %mul3A_572 = arith.constant 8.000000e+00 : f32
          %mul3A_573 = vector.broadcast %mul3A_572 : f32 to vector<16xf32>
          %mul3A_574 = arith.mulf %gather3A_276, %mul3A_573 : vector<16xf32>
          %scatter3A_575 = arith.constant 0 : i32
          %scatter3A_576 = arith.constant 0 : i32
          %scatter3A_577 = arith.constant 0 : i32
          %scatter3A_578 = tpu.memref_slice %arg6[%scatter3A_575, %scatter3A_576, %scatter3A_577] : memref<2x64x128xf32, #tpu.memory_space<vmem>> -> memref<1x64x128xf32, #tpu.memory_space<vmem>>
          %scatter3A_579 = tpu.memref_squeeze %scatter3A_578 : memref<1x64x128xf32, #tpu.memory_space<vmem>> -> memref<64x128xf32, #tpu.memory_space<vmem>>
          tpu.vector_store_idx %scatter3A_579[%add3A_568, %add3A_571], %mul3A_574 : memref<64x128xf32, #tpu.memory_space<vmem>>[vector<16xi32>, vector<16xi32>], vector<16xf32>,
          %add3A_580 = arith.constant 16 : i32
          %add3A_581 = vector.broadcast %add3A_580 : i32 to vector<16xi32>
          %add3A_582 = arith.addi %add3A_581, %iota3A : vector<16xi32>
          %add3A_583 = arith.constant 96 : i32
          %add3A_584 = vector.broadcast %add3A_583 : i32 to vector<16xi32>
          %add3A_585 = arith.addi %add3A_584, %and3A_181 : vector<16xi32>
          %mul3A_586 = arith.constant 8.000000e+00 : f32
          %mul3A_587 = vector.broadcast %mul3A_586 : f32 to vector<16xf32>
          %mul3A_588 = arith.mulf %gather3A_282, %mul3A_587 : vector<16xf32>
          %scatter3A_589 = arith.constant 0 : i32
          %scatter3A_590 = arith.constant 0 : i32
          %scatter3A_591 = arith.constant 0 : i32
          %scatter3A_592 = tpu.memref_slice %arg6[%scatter3A_589, %scatter3A_590, %scatter3A_591] : memref<2x64x128xf32, #tpu.memory_space<vmem>> -> memref<1x64x128xf32, #tpu.memory_space<vmem>>
          %scatter3A_593 = tpu.memref_squeeze %scatter3A_592 : memref<1x64x128xf32, #tpu.memory_space<vmem>> -> memref<64x128xf32, #tpu.memory_space<vmem>>
          tpu.vector_store_idx %scatter3A_593[%add3A_582, %add3A_585], %mul3A_588 : memref<64x128xf32, #tpu.memory_space<vmem>>[vector<16xi32>, vector<16xi32>], vector<16xf32>,
          %add3A_594 = arith.constant 16 : i32
          %add3A_595 = vector.broadcast %add3A_594 : i32 to vector<16xi32>
          %add3A_596 = arith.addi %add3A_595, %iota3A : vector<16xi32>
          %add3A_597 = arith.constant 112 : i32
          %add3A_598 = vector.broadcast %add3A_597 : i32 to vector<16xi32>
          %add3A_599 = arith.addi %add3A_598, %and3A_181 : vector<16xi32>
          %mul3A_600 = arith.constant 8.000000e+00 : f32
          %mul3A_601 = vector.broadcast %mul3A_600 : f32 to vector<16xf32>
          %mul3A_602 = arith.mulf %gather3A_288, %mul3A_601 : vector<16xf32>
          %scatter3A_603 = arith.constant 0 : i32
          %scatter3A_604 = arith.constant 0 : i32
          %scatter3A_605 = arith.constant 0 : i32
          %scatter3A_606 = tpu.memref_slice %arg6[%scatter3A_603, %scatter3A_604, %scatter3A_605] : memref<2x64x128xf32, #tpu.memory_space<vmem>> -> memref<1x64x128xf32, #tpu.memory_space<vmem>>
          %scatter3A_607 = tpu.memref_squeeze %scatter3A_606 : memref<1x64x128xf32, #tpu.memory_space<vmem>> -> memref<64x128xf32, #tpu.memory_space<vmem>>
          tpu.vector_store_idx %scatter3A_607[%add3A_596, %add3A_599], %mul3A_602 : memref<64x128xf32, #tpu.memory_space<vmem>>[vector<16xi32>, vector<16xi32>], vector<16xf32>,
          %add3A_608 = arith.constant 32 : i32
          %add3A_609 = vector.broadcast %add3A_608 : i32 to vector<16xi32>
          %add3A_610 = arith.addi %add3A_609, %iota3A : vector<16xi32>
          %add3A_611 = arith.constant 0 : i32
          %add3A_612 = vector.broadcast %add3A_611 : i32 to vector<16xi32>
          %add3A_613 = arith.addi %add3A_612, %and3A_181 : vector<16xi32>
          %mul3A_614 = arith.constant 8.000000e+00 : f32
          %mul3A_615 = vector.broadcast %mul3A_614 : f32 to vector<16xf32>
          %mul3A_616 = arith.mulf %gather3A_294, %mul3A_615 : vector<16xf32>
          %scatter3A_617 = arith.constant 0 : i32
          %scatter3A_618 = arith.constant 0 : i32
          %scatter3A_619 = arith.constant 0 : i32
          %scatter3A_620 = tpu.memref_slice %arg6[%scatter3A_617, %scatter3A_618, %scatter3A_619] : memref<2x64x128xf32, #tpu.memory_space<vmem>> -> memref<1x64x128xf32, #tpu.memory_space<vmem>>
          %scatter3A_621 = tpu.memref_squeeze %scatter3A_620 : memref<1x64x128xf32, #tpu.memory_space<vmem>> -> memref<64x128xf32, #tpu.memory_space<vmem>>
          tpu.vector_store_idx %scatter3A_621[%add3A_610, %add3A_613], %mul3A_616 : memref<64x128xf32, #tpu.memory_space<vmem>>[vector<16xi32>, vector<16xi32>], vector<16xf32>,
          %add3A_622 = arith.constant 32 : i32
          %add3A_623 = vector.broadcast %add3A_622 : i32 to vector<16xi32>
          %add3A_624 = arith.addi %add3A_623, %iota3A : vector<16xi32>
          %add3A_625 = arith.constant 16 : i32
          %add3A_626 = vector.broadcast %add3A_625 : i32 to vector<16xi32>
          %add3A_627 = arith.addi %add3A_626, %and3A_181 : vector<16xi32>
          %mul3A_628 = arith.constant 8.000000e+00 : f32
          %mul3A_629 = vector.broadcast %mul3A_628 : f32 to vector<16xf32>
          %mul3A_630 = arith.mulf %gather3A_300, %mul3A_629 : vector<16xf32>
          %scatter3A_631 = arith.constant 0 : i32
          %scatter3A_632 = arith.constant 0 : i32
          %scatter3A_633 = arith.constant 0 : i32
          %scatter3A_634 = tpu.memref_slice %arg6[%scatter3A_631, %scatter3A_632, %scatter3A_633] : memref<2x64x128xf32, #tpu.memory_space<vmem>> -> memref<1x64x128xf32, #tpu.memory_space<vmem>>
          %scatter3A_635 = tpu.memref_squeeze %scatter3A_634 : memref<1x64x128xf32, #tpu.memory_space<vmem>> -> memref<64x128xf32, #tpu.memory_space<vmem>>
          tpu.vector_store_idx %scatter3A_635[%add3A_624, %add3A_627], %mul3A_630 : memref<64x128xf32, #tpu.memory_space<vmem>>[vector<16xi32>, vector<16xi32>], vector<16xf32>,
          %add3A_636 = arith.constant 32 : i32
          %add3A_637 = vector.broadcast %add3A_636 : i32 to vector<16xi32>
          %add3A_638 = arith.addi %add3A_637, %iota3A : vector<16xi32>
          %add3A_639 = arith.constant 32 : i32
          %add3A_640 = vector.broadcast %add3A_639 : i32 to vector<16xi32>
          %add3A_641 = arith.addi %add3A_640, %and3A_181 : vector<16xi32>
          %mul3A_642 = arith.constant 8.000000e+00 : f32
          %mul3A_643 = vector.broadcast %mul3A_642 : f32 to vector<16xf32>
          %mul3A_644 = arith.mulf %gather3A_306, %mul3A_643 : vector<16xf32>
          %scatter3A_645 = arith.constant 0 : i32
          %scatter3A_646 = arith.constant 0 : i32
          %scatter3A_647 = arith.constant 0 : i32
          %scatter3A_648 = tpu.memref_slice %arg6[%scatter3A_645, %scatter3A_646, %scatter3A_647] : memref<2x64x128xf32, #tpu.memory_space<vmem>> -> memref<1x64x128xf32, #tpu.memory_space<vmem>>
          %scatter3A_649 = tpu.memref_squeeze %scatter3A_648 : memref<1x64x128xf32, #tpu.memory_space<vmem>> -> memref<64x128xf32, #tpu.memory_space<vmem>>
          tpu.vector_store_idx %scatter3A_649[%add3A_638, %add3A_641], %mul3A_644 : memref<64x128xf32, #tpu.memory_space<vmem>>[vector<16xi32>, vector<16xi32>], vector<16xf32>,
          %add3A_650 = arith.constant 32 : i32
          %add3A_651 = vector.broadcast %add3A_650 : i32 to vector<16xi32>
          %add3A_652 = arith.addi %add3A_651, %iota3A : vector<16xi32>
          %add3A_653 = arith.constant 48 : i32
          %add3A_654 = vector.broadcast %add3A_653 : i32 to vector<16xi32>
          %add3A_655 = arith.addi %add3A_654, %and3A_181 : vector<16xi32>
          %mul3A_656 = arith.constant 8.000000e+00 : f32
          %mul3A_657 = vector.broadcast %mul3A_656 : f32 to vector<16xf32>
          %mul3A_658 = arith.mulf %gather3A_312, %mul3A_657 : vector<16xf32>
          %scatter3A_659 = arith.constant 0 : i32
          %scatter3A_660 = arith.constant 0 : i32
          %scatter3A_661 = arith.constant 0 : i32
          %scatter3A_662 = tpu.memref_slice %arg6[%scatter3A_659, %scatter3A_660, %scatter3A_661] : memref<2x64x128xf32, #tpu.memory_space<vmem>> -> memref<1x64x128xf32, #tpu.memory_space<vmem>>
          %scatter3A_663 = tpu.memref_squeeze %scatter3A_662 : memref<1x64x128xf32, #tpu.memory_space<vmem>> -> memref<64x128xf32, #tpu.memory_space<vmem>>
          tpu.vector_store_idx %scatter3A_663[%add3A_652, %add3A_655], %mul3A_658 : memref<64x128xf32, #tpu.memory_space<vmem>>[vector<16xi32>, vector<16xi32>], vector<16xf32>,
          %add3A_664 = arith.constant 32 : i32
          %add3A_665 = vector.broadcast %add3A_664 : i32 to vector<16xi32>
          %add3A_666 = arith.addi %add3A_665, %iota3A : vector<16xi32>
          %add3A_667 = arith.constant 64 : i32
          %add3A_668 = vector.broadcast %add3A_667 : i32 to vector<16xi32>
          %add3A_669 = arith.addi %add3A_668, %and3A_181 : vector<16xi32>
          %mul3A_670 = arith.constant 8.000000e+00 : f32
          %mul3A_671 = vector.broadcast %mul3A_670 : f32 to vector<16xf32>
          %mul3A_672 = arith.mulf %gather3A_318, %mul3A_671 : vector<16xf32>
          %scatter3A_673 = arith.constant 0 : i32
          %scatter3A_674 = arith.constant 0 : i32
          %scatter3A_675 = arith.constant 0 : i32
          %scatter3A_676 = tpu.memref_slice %arg6[%scatter3A_673, %scatter3A_674, %scatter3A_675] : memref<2x64x128xf32, #tpu.memory_space<vmem>> -> memref<1x64x128xf32, #tpu.memory_space<vmem>>
          %scatter3A_677 = tpu.memref_squeeze %scatter3A_676 : memref<1x64x128xf32, #tpu.memory_space<vmem>> -> memref<64x128xf32, #tpu.memory_space<vmem>>
          tpu.vector_store_idx %scatter3A_677[%add3A_666, %add3A_669], %mul3A_672 : memref<64x128xf32, #tpu.memory_space<vmem>>[vector<16xi32>, vector<16xi32>], vector<16xf32>,
          %add3A_678 = arith.constant 32 : i32
          %add3A_679 = vector.broadcast %add3A_678 : i32 to vector<16xi32>
          %add3A_680 = arith.addi %add3A_679, %iota3A : vector<16xi32>
          %add3A_681 = arith.constant 80 : i32
          %add3A_682 = vector.broadcast %add3A_681 : i32 to vector<16xi32>
          %add3A_683 = arith.addi %add3A_682, %and3A_181 : vector<16xi32>
          %mul3A_684 = arith.constant 8.000000e+00 : f32
          %mul3A_685 = vector.broadcast %mul3A_684 : f32 to vector<16xf32>
          %mul3A_686 = arith.mulf %gather3A_324, %mul3A_685 : vector<16xf32>
          %scatter3A_687 = arith.constant 0 : i32
          %scatter3A_688 = arith.constant 0 : i32
          %scatter3A_689 = arith.constant 0 : i32
          %scatter3A_690 = tpu.memref_slice %arg6[%scatter3A_687, %scatter3A_688, %scatter3A_689] : memref<2x64x128xf32, #tpu.memory_space<vmem>> -> memref<1x64x128xf32, #tpu.memory_space<vmem>>
          %scatter3A_691 = tpu.memref_squeeze %scatter3A_690 : memref<1x64x128xf32, #tpu.memory_space<vmem>> -> memref<64x128xf32, #tpu.memory_space<vmem>>
          tpu.vector_store_idx %scatter3A_691[%add3A_680, %add3A_683], %mul3A_686 : memref<64x128xf32, #tpu.memory_space<vmem>>[vector<16xi32>, vector<16xi32>], vector<16xf32>,
          %add3A_692 = arith.constant 32 : i32
          %add3A_693 = vector.broadcast %add3A_692 : i32 to vector<16xi32>
          %add3A_694 = arith.addi %add3A_693, %iota3A : vector<16xi32>
          %add3A_695 = arith.constant 96 : i32
          %add3A_696 = vector.broadcast %add3A_695 : i32 to vector<16xi32>
          %add3A_697 = arith.addi %add3A_696, %and3A_181 : vector<16xi32>
          %mul3A_698 = arith.constant 8.000000e+00 : f32
          %mul3A_699 = vector.broadcast %mul3A_698 : f32 to vector<16xf32>
          %mul3A_700 = arith.mulf %gather3A_330, %mul3A_699 : vector<16xf32>
          %scatter3A_701 = arith.constant 0 : i32
          %scatter3A_702 = arith.constant 0 : i32
          %scatter3A_703 = arith.constant 0 : i32
          %scatter3A_704 = tpu.memref_slice %arg6[%scatter3A_701, %scatter3A_702, %scatter3A_703] : memref<2x64x128xf32, #tpu.memory_space<vmem>> -> memref<1x64x128xf32, #tpu.memory_space<vmem>>
          %scatter3A_705 = tpu.memref_squeeze %scatter3A_704 : memref<1x64x128xf32, #tpu.memory_space<vmem>> -> memref<64x128xf32, #tpu.memory_space<vmem>>
          tpu.vector_store_idx %scatter3A_705[%add3A_694, %add3A_697], %mul3A_700 : memref<64x128xf32, #tpu.memory_space<vmem>>[vector<16xi32>, vector<16xi32>], vector<16xf32>,
          %add3A_706 = arith.constant 32 : i32
          %add3A_707 = vector.broadcast %add3A_706 : i32 to vector<16xi32>
          %add3A_708 = arith.addi %add3A_707, %iota3A : vector<16xi32>
          %add3A_709 = arith.constant 112 : i32
          %add3A_710 = vector.broadcast %add3A_709 : i32 to vector<16xi32>
          %add3A_711 = arith.addi %add3A_710, %and3A_181 : vector<16xi32>
          %mul3A_712 = arith.constant 8.000000e+00 : f32
          %mul3A_713 = vector.broadcast %mul3A_712 : f32 to vector<16xf32>
          %mul3A_714 = arith.mulf %gather3A_336, %mul3A_713 : vector<16xf32>
          %scatter3A_715 = arith.constant 0 : i32
          %scatter3A_716 = arith.constant 0 : i32
          %scatter3A_717 = arith.constant 0 : i32
          %scatter3A_718 = tpu.memref_slice %arg6[%scatter3A_715, %scatter3A_716, %scatter3A_717] : memref<2x64x128xf32, #tpu.memory_space<vmem>> -> memref<1x64x128xf32, #tpu.memory_space<vmem>>
          %scatter3A_719 = tpu.memref_squeeze %scatter3A_718 : memref<1x64x128xf32, #tpu.memory_space<vmem>> -> memref<64x128xf32, #tpu.memory_space<vmem>>
          tpu.vector_store_idx %scatter3A_719[%add3A_708, %add3A_711], %mul3A_714 : memref<64x128xf32, #tpu.memory_space<vmem>>[vector<16xi32>, vector<16xi32>], vector<16xf32>,
          %add3A_720 = arith.constant 48 : i32
          %add3A_721 = vector.broadcast %add3A_720 : i32 to vector<16xi32>
          %add3A_722 = arith.addi %add3A_721, %iota3A : vector<16xi32>
          %add3A_723 = arith.constant 0 : i32
          %add3A_724 = vector.broadcast %add3A_723 : i32 to vector<16xi32>
          %add3A_725 = arith.addi %add3A_724, %and3A_181 : vector<16xi32>
          %mul3A_726 = arith.constant 8.000000e+00 : f32
          %mul3A_727 = vector.broadcast %mul3A_726 : f32 to vector<16xf32>
          %mul3A_728 = arith.mulf %gather3A_342, %mul3A_727 : vector<16xf32>
          %scatter3A_729 = arith.constant 0 : i32
          %scatter3A_730 = arith.constant 0 : i32
          %scatter3A_731 = arith.constant 0 : i32
          %scatter3A_732 = tpu.memref_slice %arg6[%scatter3A_729, %scatter3A_730, %scatter3A_731] : memref<2x64x128xf32, #tpu.memory_space<vmem>> -> memref<1x64x128xf32, #tpu.memory_space<vmem>>
          %scatter3A_733 = tpu.memref_squeeze %scatter3A_732 : memref<1x64x128xf32, #tpu.memory_space<vmem>> -> memref<64x128xf32, #tpu.memory_space<vmem>>
          tpu.vector_store_idx %scatter3A_733[%add3A_722, %add3A_725], %mul3A_728 : memref<64x128xf32, #tpu.memory_space<vmem>>[vector<16xi32>, vector<16xi32>], vector<16xf32>,
          %add3A_734 = arith.constant 48 : i32
          %add3A_735 = vector.broadcast %add3A_734 : i32 to vector<16xi32>
          %add3A_736 = arith.addi %add3A_735, %iota3A : vector<16xi32>
          %add3A_737 = arith.constant 16 : i32
          %add3A_738 = vector.broadcast %add3A_737 : i32 to vector<16xi32>
          %add3A_739 = arith.addi %add3A_738, %and3A_181 : vector<16xi32>
          %mul3A_740 = arith.constant 8.000000e+00 : f32
          %mul3A_741 = vector.broadcast %mul3A_740 : f32 to vector<16xf32>
          %mul3A_742 = arith.mulf %gather3A_348, %mul3A_741 : vector<16xf32>
          %scatter3A_743 = arith.constant 0 : i32
          %scatter3A_744 = arith.constant 0 : i32
          %scatter3A_745 = arith.constant 0 : i32
          %scatter3A_746 = tpu.memref_slice %arg6[%scatter3A_743, %scatter3A_744, %scatter3A_745] : memref<2x64x128xf32, #tpu.memory_space<vmem>> -> memref<1x64x128xf32, #tpu.memory_space<vmem>>
          %scatter3A_747 = tpu.memref_squeeze %scatter3A_746 : memref<1x64x128xf32, #tpu.memory_space<vmem>> -> memref<64x128xf32, #tpu.memory_space<vmem>>
          tpu.vector_store_idx %scatter3A_747[%add3A_736, %add3A_739], %mul3A_742 : memref<64x128xf32, #tpu.memory_space<vmem>>[vector<16xi32>, vector<16xi32>], vector<16xf32>,
          %add3A_748 = arith.constant 48 : i32
          %add3A_749 = vector.broadcast %add3A_748 : i32 to vector<16xi32>
          %add3A_750 = arith.addi %add3A_749, %iota3A : vector<16xi32>
          %add3A_751 = arith.constant 32 : i32
          %add3A_752 = vector.broadcast %add3A_751 : i32 to vector<16xi32>
          %add3A_753 = arith.addi %add3A_752, %and3A_181 : vector<16xi32>
          %mul3A_754 = arith.constant 8.000000e+00 : f32
          %mul3A_755 = vector.broadcast %mul3A_754 : f32 to vector<16xf32>
          %mul3A_756 = arith.mulf %gather3A_354, %mul3A_755 : vector<16xf32>
          %scatter3A_757 = arith.constant 0 : i32
          %scatter3A_758 = arith.constant 0 : i32
          %scatter3A_759 = arith.constant 0 : i32
          %scatter3A_760 = tpu.memref_slice %arg6[%scatter3A_757, %scatter3A_758, %scatter3A_759] : memref<2x64x128xf32, #tpu.memory_space<vmem>> -> memref<1x64x128xf32, #tpu.memory_space<vmem>>
          %scatter3A_761 = tpu.memref_squeeze %scatter3A_760 : memref<1x64x128xf32, #tpu.memory_space<vmem>> -> memref<64x128xf32, #tpu.memory_space<vmem>>
          tpu.vector_store_idx %scatter3A_761[%add3A_750, %add3A_753], %mul3A_756 : memref<64x128xf32, #tpu.memory_space<vmem>>[vector<16xi32>, vector<16xi32>], vector<16xf32>,
          %add3A_762 = arith.constant 48 : i32
          %add3A_763 = vector.broadcast %add3A_762 : i32 to vector<16xi32>
          %add3A_764 = arith.addi %add3A_763, %iota3A : vector<16xi32>
          %add3A_765 = arith.constant 48 : i32
          %add3A_766 = vector.broadcast %add3A_765 : i32 to vector<16xi32>
          %add3A_767 = arith.addi %add3A_766, %and3A_181 : vector<16xi32>
          %mul3A_768 = arith.constant 8.000000e+00 : f32
          %mul3A_769 = vector.broadcast %mul3A_768 : f32 to vector<16xf32>
          %mul3A_770 = arith.mulf %gather3A_360, %mul3A_769 : vector<16xf32>
          %scatter3A_771 = arith.constant 0 : i32
          %scatter3A_772 = arith.constant 0 : i32
          %scatter3A_773 = arith.constant 0 : i32
          %scatter3A_774 = tpu.memref_slice %arg6[%scatter3A_771, %scatter3A_772, %scatter3A_773] : memref<2x64x128xf32, #tpu.memory_space<vmem>> -> memref<1x64x128xf32, #tpu.memory_space<vmem>>
          %scatter3A_775 = tpu.memref_squeeze %scatter3A_774 : memref<1x64x128xf32, #tpu.memory_space<vmem>> -> memref<64x128xf32, #tpu.memory_space<vmem>>
          tpu.vector_store_idx %scatter3A_775[%add3A_764, %add3A_767], %mul3A_770 : memref<64x128xf32, #tpu.memory_space<vmem>>[vector<16xi32>, vector<16xi32>], vector<16xf32>,
          %add3A_776 = arith.constant 48 : i32
          %add3A_777 = vector.broadcast %add3A_776 : i32 to vector<16xi32>
          %add3A_778 = arith.addi %add3A_777, %iota3A : vector<16xi32>
          %add3A_779 = arith.constant 64 : i32
          %add3A_780 = vector.broadcast %add3A_779 : i32 to vector<16xi32>
          %add3A_781 = arith.addi %add3A_780, %and3A_181 : vector<16xi32>
          %mul3A_782 = arith.constant 8.000000e+00 : f32
          %mul3A_783 = vector.broadcast %mul3A_782 : f32 to vector<16xf32>
          %mul3A_784 = arith.mulf %gather3A_366, %mul3A_783 : vector<16xf32>
          %scatter3A_785 = arith.constant 0 : i32
          %scatter3A_786 = arith.constant 0 : i32
          %scatter3A_787 = arith.constant 0 : i32
          %scatter3A_788 = tpu.memref_slice %arg6[%scatter3A_785, %scatter3A_786, %scatter3A_787] : memref<2x64x128xf32, #tpu.memory_space<vmem>> -> memref<1x64x128xf32, #tpu.memory_space<vmem>>
          %scatter3A_789 = tpu.memref_squeeze %scatter3A_788 : memref<1x64x128xf32, #tpu.memory_space<vmem>> -> memref<64x128xf32, #tpu.memory_space<vmem>>
          tpu.vector_store_idx %scatter3A_789[%add3A_778, %add3A_781], %mul3A_784 : memref<64x128xf32, #tpu.memory_space<vmem>>[vector<16xi32>, vector<16xi32>], vector<16xf32>,
          %add3A_790 = arith.constant 48 : i32
          %add3A_791 = vector.broadcast %add3A_790 : i32 to vector<16xi32>
          %add3A_792 = arith.addi %add3A_791, %iota3A : vector<16xi32>
          %add3A_793 = arith.constant 80 : i32
          %add3A_794 = vector.broadcast %add3A_793 : i32 to vector<16xi32>
          %add3A_795 = arith.addi %add3A_794, %and3A_181 : vector<16xi32>
          %mul3A_796 = arith.constant 8.000000e+00 : f32
          %mul3A_797 = vector.broadcast %mul3A_796 : f32 to vector<16xf32>
          %mul3A_798 = arith.mulf %gather3A_372, %mul3A_797 : vector<16xf32>
          %scatter3A_799 = arith.constant 0 : i32
          %scatter3A_800 = arith.constant 0 : i32
          %scatter3A_801 = arith.constant 0 : i32
          %scatter3A_802 = tpu.memref_slice %arg6[%scatter3A_799, %scatter3A_800, %scatter3A_801] : memref<2x64x128xf32, #tpu.memory_space<vmem>> -> memref<1x64x128xf32, #tpu.memory_space<vmem>>
          %scatter3A_803 = tpu.memref_squeeze %scatter3A_802 : memref<1x64x128xf32, #tpu.memory_space<vmem>> -> memref<64x128xf32, #tpu.memory_space<vmem>>
          tpu.vector_store_idx %scatter3A_803[%add3A_792, %add3A_795], %mul3A_798 : memref<64x128xf32, #tpu.memory_space<vmem>>[vector<16xi32>, vector<16xi32>], vector<16xf32>,
          %add3A_804 = arith.constant 48 : i32
          %add3A_805 = vector.broadcast %add3A_804 : i32 to vector<16xi32>
          %add3A_806 = arith.addi %add3A_805, %iota3A : vector<16xi32>
          %add3A_807 = arith.constant 96 : i32
          %add3A_808 = vector.broadcast %add3A_807 : i32 to vector<16xi32>
          %add3A_809 = arith.addi %add3A_808, %and3A_181 : vector<16xi32>
          %mul3A_810 = arith.constant 8.000000e+00 : f32
          %mul3A_811 = vector.broadcast %mul3A_810 : f32 to vector<16xf32>
          %mul3A_812 = arith.mulf %gather3A_378, %mul3A_811 : vector<16xf32>
          %scatter3A_813 = arith.constant 0 : i32
          %scatter3A_814 = arith.constant 0 : i32
          %scatter3A_815 = arith.constant 0 : i32
          %scatter3A_816 = tpu.memref_slice %arg6[%scatter3A_813, %scatter3A_814, %scatter3A_815] : memref<2x64x128xf32, #tpu.memory_space<vmem>> -> memref<1x64x128xf32, #tpu.memory_space<vmem>>
          %scatter3A_817 = tpu.memref_squeeze %scatter3A_816 : memref<1x64x128xf32, #tpu.memory_space<vmem>> -> memref<64x128xf32, #tpu.memory_space<vmem>>
          tpu.vector_store_idx %scatter3A_817[%add3A_806, %add3A_809], %mul3A_812 : memref<64x128xf32, #tpu.memory_space<vmem>>[vector<16xi32>, vector<16xi32>], vector<16xf32>,
          %add3A_818 = arith.constant 48 : i32
          %add3A_819 = vector.broadcast %add3A_818 : i32 to vector<16xi32>
          %add3A_820 = arith.addi %add3A_819, %iota3A : vector<16xi32>
          %add3A_821 = arith.constant 112 : i32
          %add3A_822 = vector.broadcast %add3A_821 : i32 to vector<16xi32>
          %add3A_823 = arith.addi %add3A_822, %and3A_181 : vector<16xi32>
          %mul3A_824 = arith.constant 8.000000e+00 : f32
          %mul3A_825 = vector.broadcast %mul3A_824 : f32 to vector<16xf32>
          %mul3A_826 = arith.mulf %gather3A_384, %mul3A_825 : vector<16xf32>
          %scatter3A_827 = arith.constant 0 : i32
          %scatter3A_828 = arith.constant 0 : i32
          %scatter3A_829 = arith.constant 0 : i32
          %scatter3A_830 = tpu.memref_slice %arg6[%scatter3A_827, %scatter3A_828, %scatter3A_829] : memref<2x64x128xf32, #tpu.memory_space<vmem>> -> memref<1x64x128xf32, #tpu.memory_space<vmem>>
          %scatter3A_831 = tpu.memref_squeeze %scatter3A_830 : memref<1x64x128xf32, #tpu.memory_space<vmem>> -> memref<64x128xf32, #tpu.memory_space<vmem>>
          tpu.vector_store_idx %scatter3A_831[%add3A_820, %add3A_823], %mul3A_826 : memref<64x128xf32, #tpu.memory_space<vmem>>[vector<16xi32>, vector<16xi32>], vector<16xf32>,
        }
        %scan3A_176 = arith.constant 16 : i32
      } else {
      }
      %mul3A_70 = arith.constant 32 : i32
      %mul3A_71 = arith.muli %mul3A_39, %mul3A_70 : i32
      %add3A_72 = arith.addi %add3A, %mul3A_71 : i32
      %lt3A_73 = arith.constant 7812 : i32
      %lt3A_74 = arith.cmpi slt, %add3A_72, %lt3A_73 : i32
      %convert_element_type3A_75 = arith.extui %lt3A_74 : i1 to i32
      %cond3A_76 = arith.constant 0 : i32
      %cond3A_77 = arith.cmpi ne, %convert_element_type3A_75, %cond3A_76 : i32
      scf.if %cond3A_77 {
        %mul3A_123 = arith.constant 32 : i32
        %mul3A_124 = arith.muli %mul3A_39, %mul3A_123 : i32
        %add3A_125 = arith.addi %add3A, %mul3A_124 : i32
        %mul3A_126 = arith.constant 64 : i32
        %mul3A_127 = arith.muli %add3A_125, %mul3A_126 : i32
        %dma_start3A_128 = arith.constant 0 : i32
        %dma_start3A_129 = arith.constant 0 : i32
        %dma_start3A_130 = arith.constant 0 : i32
        %dma_start3A_131 = tpu.memref_slice %arg6[%dma_start3A_128, %dma_start3A_129, %dma_start3A_130] : memref<2x64x128xf32, #tpu.memory_space<vmem>> -> memref<1x64x128xf32, #tpu.memory_space<vmem>>
        %dma_start3A_132 = tpu.memref_squeeze %dma_start3A_131 : memref<1x64x128xf32, #tpu.memory_space<vmem>> -> memref<64x128xf32, #tpu.memory_space<vmem>>
        %dma_start3A_133 = arith.constant 0 : i32
        %dma_start3A_134 = tpu.memref_slice %arg4[%mul3A_127, %dma_start3A_133] : memref<500000x128xf32, #tpu.memory_space<hbm>> -> memref<64x128xf32, #tpu.memory_space<hbm>>
        %dma_start3A_135 = arith.constant 0 : i32
        %dma_start3A_136 = tpu.memref_slice %arg4[%mul3A_127, %dma_start3A_135] : memref<500000x128xf32, #tpu.memory_space<hbm>> -> memref<64x128xf32, #tpu.memory_space<hbm>>
        %dma_start3A_137 = arith.constant 0 : i32
        %dma_start3A_138 = arith.constant 0 : i32
        %dma_start3A_139 = tpu.memref_slice %arg6[%dma_start3A_128, %dma_start3A_137, %dma_start3A_138] : memref<2x64x128xf32, #tpu.memory_space<vmem>> -> memref<1x64x128xf32, #tpu.memory_space<vmem>>
        %dma_start3A_140 = tpu.memref_squeeze %dma_start3A_139 : memref<1x64x128xf32, #tpu.memory_space<vmem>> -> memref<64x128xf32, #tpu.memory_space<vmem>>
        tpu.enqueue_dma source(%dma_start3A_140 : memref<64x128xf32, #tpu.memory_space<vmem>>) target(%dma_start3A_136 : memref<64x128xf32, #tpu.memory_space<hbm>>) target_semaphore(%arg9 : memref<!tpu.dma_semaphore, #tpu.memory_space<semaphore_mem>>)
      } else {
      }
      %add3A_78 = arith.constant 2 : i32
      %add3A_79 = arith.addi %mul3A_39, %add3A_78 : i32
      %mul3A_80 = arith.constant 32 : i32
      %mul3A_81 = arith.muli %add3A_79, %mul3A_80 : i32
      %add3A_82 = arith.addi %add3A, %mul3A_81 : i32
      %lt3A_83 = arith.constant 7812 : i32
      %lt3A_84 = arith.cmpi slt, %add3A_82, %lt3A_83 : i32
      %convert_element_type3A_85 = arith.extui %lt3A_84 : i1 to i32
      %cond3A_86 = arith.constant 0 : i32
      %cond3A_87 = arith.cmpi ne, %convert_element_type3A_85, %cond3A_86 : i32
      scf.if %cond3A_87 {
        %add3A_123 = arith.constant 2 : i32
        %add3A_124 = arith.addi %mul3A_39, %add3A_123 : i32
        %mul3A_125 = arith.constant 32 : i32
        %mul3A_126 = arith.muli %add3A_124, %mul3A_125 : i32
        %add3A_127 = arith.addi %add3A, %mul3A_126 : i32
        %mul3A_128 = arith.constant 128 : i32
        %mul3A_129 = arith.muli %add3A_127, %mul3A_128 : i32
        %dma_start3A_130 = arith.constant 0 : i32
        %dma_start3A_131 = arith.constant 0 : i32
        %dma_start3A_132 = arith.constant 0 : i32
        %dma_start3A_133 = tpu.memref_slice %arg5[%dma_start3A_130, %dma_start3A_131, %dma_start3A_132] : memref<2x64x128xf32, #tpu.memory_space<vmem>> -> memref<1x64x128xf32, #tpu.memory_space<vmem>>
        %dma_start3A_134 = tpu.memref_squeeze %dma_start3A_133 : memref<1x64x128xf32, #tpu.memory_space<vmem>> -> memref<64x128xf32, #tpu.memory_space<vmem>>
        %dma_start3A_135 = arith.constant 0 : i32
        %dma_start3A_136 = tpu.memref_slice %arg2[%dma_start3A_135, %mul3A_129] : memref<64x1000000xf32, #tpu.memory_space<hbm>> -> memref<64x128xf32, #tpu.memory_space<hbm>>
        %dma_start3A_137 = arith.constant 0 : i32
        %dma_start3A_138 = arith.constant 0 : i32
        %dma_start3A_139 = tpu.memref_slice %arg5[%dma_start3A_130, %dma_start3A_137, %dma_start3A_138] : memref<2x64x128xf32, #tpu.memory_space<vmem>> -> memref<1x64x128xf32, #tpu.memory_space<vmem>>
        %dma_start3A_140 = tpu.memref_squeeze %dma_start3A_139 : memref<1x64x128xf32, #tpu.memory_space<vmem>> -> memref<64x128xf32, #tpu.memory_space<vmem>>
        %dma_start3A_141 = arith.constant 0 : i32
        %dma_start3A_142 = tpu.memref_slice %arg2[%dma_start3A_141, %mul3A_129] : memref<64x1000000xf32, #tpu.memory_space<hbm>> -> memref<64x128xf32, #tpu.memory_space<hbm>>
        tpu.enqueue_dma source(%dma_start3A_142 : memref<64x128xf32, #tpu.memory_space<hbm>>) target(%dma_start3A_140 : memref<64x128xf32, #tpu.memory_space<vmem>>) target_semaphore(%arg7 : memref<!tpu.dma_semaphore, #tpu.memory_space<semaphore_mem>>)
      } else {
      }
      %add3A_88 = arith.constant 1 : i32
      %add3A_89 = arith.addi %mul3A_39, %add3A_88 : i32
      %mul3A_90 = arith.constant 32 : i32
      %mul3A_91 = arith.muli %add3A_89, %mul3A_90 : i32
      %add3A_92 = arith.addi %add3A, %mul3A_91 : i32
      %lt3A_93 = arith.constant 7812 : i32
      %lt3A_94 = arith.cmpi slt, %add3A_92, %lt3A_93 : i32
      %convert_element_type3A_95 = arith.extui %lt3A_94 : i1 to i32
      %cond3A_96 = arith.constant 0 : i32
      %cond3A_97 = arith.cmpi ne, %convert_element_type3A_95, %cond3A_96 : i32
      scf.if %cond3A_97 {
        %add3A_123 = arith.constant 1 : i32
        %add3A_124 = arith.addi %mul3A_39, %add3A_123 : i32
        %mul3A_125 = arith.constant 32 : i32
        %mul3A_126 = arith.muli %add3A_124, %mul3A_125 : i32
        %add3A_127 = arith.addi %add3A, %mul3A_126 : i32
        %mul3A_128 = arith.constant 128 : i32
        %mul3A_129 = arith.muli %add3A_127, %mul3A_128 : i32
        %dma_wait3A = arith.constant 1 : i32
        %dma_wait3A_130 = arith.constant 0 : i32
        %dma_wait3A_131 = arith.constant 0 : i32
        %dma_wait3A_132 = tpu.memref_slice %arg5[%dma_wait3A, %dma_wait3A_130, %dma_wait3A_131] : memref<2x64x128xf32, #tpu.memory_space<vmem>> -> memref<1x64x128xf32, #tpu.memory_space<vmem>>
        %dma_wait3A_133 = tpu.memref_squeeze %dma_wait3A_132 : memref<1x64x128xf32, #tpu.memory_space<vmem>> -> memref<64x128xf32, #tpu.memory_space<vmem>>
        %dma_wait3A_134 = arith.constant 0 : i32
        %dma_wait3A_135 = tpu.memref_slice %arg2[%dma_wait3A_134, %mul3A_129] : memref<64x1000000xf32, #tpu.memory_space<hbm>> -> memref<64x128xf32, #tpu.memory_space<hbm>>
        %dma_wait3A_136 = arith.constant 0 : i32
        %dma_wait3A_137 = arith.constant 0 : i32
        %dma_wait3A_138 = tpu.memref_slice %arg5[%dma_wait3A, %dma_wait3A_136, %dma_wait3A_137] : memref<2x64x128xf32, #tpu.memory_space<vmem>> -> memref<1x64x128xf32, #tpu.memory_space<vmem>>
        %dma_wait3A_139 = tpu.memref_squeeze %dma_wait3A_138 : memref<1x64x128xf32, #tpu.memory_space<vmem>> -> memref<64x128xf32, #tpu.memory_space<vmem>>
        %dma_wait3A_140 = arith.constant 0 : i32
        %dma_wait3A_141 = tpu.memref_slice %arg2[%dma_wait3A_140, %mul3A_129] : memref<64x1000000xf32, #tpu.memory_space<hbm>> -> memref<64x128xf32, #tpu.memory_space<hbm>>
        tpu.wait_dma2 semaphore(%arg8 : memref<!tpu.dma_semaphore, #tpu.memory_space<semaphore_mem>>) src(%dma_wait3A_141 : memref<64x128xf32, #tpu.memory_space<hbm>>) dst(%dma_wait3A_139 : memref<64x128xf32, #tpu.memory_space<vmem>>)
      } else {
      }
      %gt3A_98 = arith.constant 0 : i32
      %gt3A_99 = arith.cmpi sgt, %scan3A_37, %gt3A_98 : i32
      %convert_element_type3A_100 = arith.extui %gt3A_99 : i1 to i32
      %cond3A_101 = arith.constant 0 : i32
      %cond3A_102 = arith.cmpi ne, %convert_element_type3A_100, %cond3A_101 : i32
      scf.if %cond3A_102 {
        %sub3A = arith.constant 1 : i32
        %sub3A_123 = arith.subi %mul3A_39, %sub3A : i32
        %mul3A_124 = arith.constant 32 : i32
        %mul3A_125 = arith.muli %sub3A_123, %mul3A_124 : i32
        %add3A_126 = arith.addi %add3A, %mul3A_125 : i32
        %lt3A_127 = arith.constant 7812 : i32
        %lt3A_128 = arith.cmpi slt, %add3A_126, %lt3A_127 : i32
        %convert_element_type3A_129 = arith.extui %lt3A_128 : i1 to i32
        %cond3A_130 = arith.constant 0 : i32
        %cond3A_131 = arith.cmpi ne, %convert_element_type3A_129, %cond3A_130 : i32
        scf.if %cond3A_131 {
          %sub3A_132 = arith.constant 1 : i32
          %sub3A_133 = arith.subi %mul3A_39, %sub3A_132 : i32
          %mul3A_134 = arith.constant 32 : i32
          %mul3A_135 = arith.muli %sub3A_133, %mul3A_134 : i32
          %add3A_136 = arith.addi %add3A, %mul3A_135 : i32
          %mul3A_137 = arith.constant 64 : i32
          %mul3A_138 = arith.muli %add3A_136, %mul3A_137 : i32
          %dma_wait3A = arith.constant 1 : i32
          %dma_wait3A_139 = arith.constant 0 : i32
          %dma_wait3A_140 = arith.constant 0 : i32
          %dma_wait3A_141 = tpu.memref_slice %arg6[%dma_wait3A, %dma_wait3A_139, %dma_wait3A_140] : memref<2x64x128xf32, #tpu.memory_space<vmem>> -> memref<1x64x128xf32, #tpu.memory_space<vmem>>
          %dma_wait3A_142 = tpu.memref_squeeze %dma_wait3A_141 : memref<1x64x128xf32, #tpu.memory_space<vmem>> -> memref<64x128xf32, #tpu.memory_space<vmem>>
          %dma_wait3A_143 = arith.constant 0 : i32
          %dma_wait3A_144 = tpu.memref_slice %arg4[%mul3A_138, %dma_wait3A_143] : memref<500000x128xf32, #tpu.memory_space<hbm>> -> memref<64x128xf32, #tpu.memory_space<hbm>>
          %dma_wait3A_145 = arith.constant 0 : i32
          %dma_wait3A_146 = tpu.memref_slice %arg4[%mul3A_138, %dma_wait3A_145] : memref<500000x128xf32, #tpu.memory_space<hbm>> -> memref<64x128xf32, #tpu.memory_space<hbm>>
          %dma_wait3A_147 = arith.constant 0 : i32
          %dma_wait3A_148 = arith.constant 0 : i32
          %dma_wait3A_149 = tpu.memref_slice %arg6[%dma_wait3A, %dma_wait3A_147, %dma_wait3A_148] : memref<2x64x128xf32, #tpu.memory_space<vmem>> -> memref<1x64x128xf32, #tpu.memory_space<vmem>>
          %dma_wait3A_150 = tpu.memref_squeeze %dma_wait3A_149 : memref<1x64x128xf32, #tpu.memory_space<vmem>> -> memref<64x128xf32, #tpu.memory_space<vmem>>
          tpu.wait_dma2 semaphore(%arg10 : memref<!tpu.dma_semaphore, #tpu.memory_space<semaphore_mem>>) src(%dma_wait3A_150 : memref<64x128xf32, #tpu.memory_space<vmem>>) dst(%dma_wait3A_146 : memref<64x128xf32, #tpu.memory_space<hbm>>)
        } else {
        }
      } else {
      }
      %add3A_103 = arith.constant 1 : i32
      %add3A_104 = arith.addi %mul3A_39, %add3A_103 : i32
      %mul3A_105 = arith.constant 32 : i32
      %mul3A_106 = arith.muli %add3A_104, %mul3A_105 : i32
      %add3A_107 = arith.addi %add3A, %mul3A_106 : i32
      %lt3A_108 = arith.constant 7812 : i32
      %lt3A_109 = arith.cmpi slt, %add3A_107, %lt3A_108 : i32
      %convert_element_type3A_110 = arith.extui %lt3A_109 : i1 to i32
      %cond3A_111 = arith.constant 0 : i32
      %cond3A_112 = arith.cmpi ne, %convert_element_type3A_110, %cond3A_111 : i32
      scf.if %cond3A_112 {
        %mul3A_123 = arith.constant 2 : i32
        %mul3A_124 = vector.broadcast %mul3A_123 : i32 to vector<16xi32>
        %mul3A_125 = arith.muli %mul3A_124, %iota3A : vector<16xi32>
        %add3A_126 = arith.constant 0 : i32
        %add3A_127 = vector.broadcast %add3A_126 : i32 to vector<16xi32>
        %add3A_128 = arith.addi %mul3A_125, %add3A_127 : vector<16xi32>
        %mul3A_129 = arith.constant 2 : i32
        %mul3A_130 = vector.broadcast %mul3A_129 : i32 to vector<16xi32>
        %mul3A_131 = arith.muli %mul3A_130, %iota3A : vector<16xi32>
        %add3A_132 = arith.constant 1 : i32
        %add3A_133 = vector.broadcast %add3A_132 : i32 to vector<16xi32>
        %add3A_134 = arith.addi %mul3A_131, %add3A_133 : vector<16xi32>
        %mul3A_135 = arith.constant 2 : i32
        %mul3A_136 = vector.broadcast %mul3A_135 : i32 to vector<16xi32>
        %mul3A_137 = arith.muli %mul3A_136, %iota3A : vector<16xi32>
        %add3A_138 = arith.constant 32 : i32
        %add3A_139 = vector.broadcast %add3A_138 : i32 to vector<16xi32>
        %add3A_140 = arith.addi %mul3A_137, %add3A_139 : vector<16xi32>
        %mul3A_141 = arith.constant 2 : i32
        %mul3A_142 = vector.broadcast %mul3A_141 : i32 to vector<16xi32>
        %mul3A_143 = arith.muli %mul3A_142, %iota3A : vector<16xi32>
        %add3A_144 = arith.constant 33 : i32
        %add3A_145 = vector.broadcast %add3A_144 : i32 to vector<16xi32>
        %add3A_146 = arith.addi %mul3A_143, %add3A_145 : vector<16xi32>
        %mul3A_147 = arith.constant 2 : i32
        %mul3A_148 = vector.broadcast %mul3A_147 : i32 to vector<16xi32>
        %mul3A_149 = arith.muli %mul3A_148, %iota3A : vector<16xi32>
        %add3A_150 = arith.constant 64 : i32
        %add3A_151 = vector.broadcast %add3A_150 : i32 to vector<16xi32>
        %add3A_152 = arith.addi %mul3A_149, %add3A_151 : vector<16xi32>
        %mul3A_153 = arith.constant 2 : i32
        %mul3A_154 = vector.broadcast %mul3A_153 : i32 to vector<16xi32>
        %mul3A_155 = arith.muli %mul3A_154, %iota3A : vector<16xi32>
        %add3A_156 = arith.constant 65 : i32
        %add3A_157 = vector.broadcast %add3A_156 : i32 to vector<16xi32>
        %add3A_158 = arith.addi %mul3A_155, %add3A_157 : vector<16xi32>
        %mul3A_159 = arith.constant 2 : i32
        %mul3A_160 = vector.broadcast %mul3A_159 : i32 to vector<16xi32>
        %mul3A_161 = arith.muli %mul3A_160, %iota3A : vector<16xi32>
        %add3A_162 = arith.constant 96 : i32
        %add3A_163 = vector.broadcast %add3A_162 : i32 to vector<16xi32>
        %add3A_164 = arith.addi %mul3A_161, %add3A_163 : vector<16xi32>
        %mul3A_165 = arith.constant 2 : i32
        %mul3A_166 = vector.broadcast %mul3A_165 : i32 to vector<16xi32>
        %mul3A_167 = arith.muli %mul3A_166, %iota3A : vector<16xi32>
        %add3A_168 = arith.constant 97 : i32
        %add3A_169 = vector.broadcast %add3A_168 : i32 to vector<16xi32>
        %add3A_170 = arith.addi %mul3A_167, %add3A_169 : vector<16xi32>
        %scan3A_171 = arith.constant 0 : i32
        %scan3A_172 = arith.constant 0 : i32
        %scan3A_173 = arith.constant 16 : i32
        %scan3A_174 = arith.addi %scan3A_172, %scan3A_173 : i32
        %scan3A_175 = arith.constant 1 : i32
        scf.for %scan3A_177 = %scan3A_172 to %scan3A_174 step %scan3A_175  : i32 {
          %add3A_178 = vector.broadcast %scan3A_177 : i32 to vector<16xi32>
          %add3A_179 = arith.addi %add3A_178, %iota3A : vector<16xi32>
          %and3A = arith.constant 15 : i32
          %and3A_180 = vector.broadcast %and3A : i32 to vector<16xi32>
          %and3A_181 = arith.andi %add3A_179, %and3A_180 : vector<16xi32>
          %add3A_182 = arith.constant 0 : i32
          %add3A_183 = vector.broadcast %add3A_182 : i32 to vector<16xi32>
          %add3A_184 = arith.addi %add3A_183, %and3A_181 : vector<16xi32>
          %add3A_185 = arith.constant 16 : i32
          %add3A_186 = vector.broadcast %add3A_185 : i32 to vector<16xi32>
          %add3A_187 = arith.addi %add3A_186, %and3A_181 : vector<16xi32>
          %add3A_188 = arith.constant 32 : i32
          %add3A_189 = vector.broadcast %add3A_188 : i32 to vector<16xi32>
          %add3A_190 = arith.addi %add3A_189, %and3A_181 : vector<16xi32>
          %add3A_191 = arith.constant 48 : i32
          %add3A_192 = vector.broadcast %add3A_191 : i32 to vector<16xi32>
          %add3A_193 = arith.addi %add3A_192, %and3A_181 : vector<16xi32>
          %gather3A = arith.constant 1 : i32
          %gather3A_194 = arith.constant 0 : i32
          %gather3A_195 = arith.constant 0 : i32
          %gather3A_196 = tpu.memref_slice %arg5[%gather3A, %gather3A_194, %gather3A_195] : memref<2x64x128xf32, #tpu.memory_space<vmem>> -> memref<1x64x128xf32, #tpu.memory_space<vmem>>
          %gather3A_197 = tpu.memref_squeeze %gather3A_196 : memref<1x64x128xf32, #tpu.memory_space<vmem>> -> memref<64x128xf32, #tpu.memory_space<vmem>>
          %gather3A_198 = tpu.vector_load_idx %gather3A_197[%add3A_184, %add3A_128] : memref<64x128xf32, #tpu.memory_space<vmem>>[vector<16xi32>, vector<16xi32>], vector<16xf32>,
          %gather3A_199 = arith.constant 1 : i32
          %gather3A_200 = arith.constant 0 : i32
          %gather3A_201 = arith.constant 0 : i32
          %gather3A_202 = tpu.memref_slice %arg5[%gather3A_199, %gather3A_200, %gather3A_201] : memref<2x64x128xf32, #tpu.memory_space<vmem>> -> memref<1x64x128xf32, #tpu.memory_space<vmem>>
          %gather3A_203 = tpu.memref_squeeze %gather3A_202 : memref<1x64x128xf32, #tpu.memory_space<vmem>> -> memref<64x128xf32, #tpu.memory_space<vmem>>
          %gather3A_204 = tpu.vector_load_idx %gather3A_203[%add3A_187, %add3A_128] : memref<64x128xf32, #tpu.memory_space<vmem>>[vector<16xi32>, vector<16xi32>], vector<16xf32>,
          %gather3A_205 = arith.constant 1 : i32
          %gather3A_206 = arith.constant 0 : i32
          %gather3A_207 = arith.constant 0 : i32
          %gather3A_208 = tpu.memref_slice %arg5[%gather3A_205, %gather3A_206, %gather3A_207] : memref<2x64x128xf32, #tpu.memory_space<vmem>> -> memref<1x64x128xf32, #tpu.memory_space<vmem>>
          %gather3A_209 = tpu.memref_squeeze %gather3A_208 : memref<1x64x128xf32, #tpu.memory_space<vmem>> -> memref<64x128xf32, #tpu.memory_space<vmem>>
          %gather3A_210 = tpu.vector_load_idx %gather3A_209[%add3A_190, %add3A_128] : memref<64x128xf32, #tpu.memory_space<vmem>>[vector<16xi32>, vector<16xi32>], vector<16xf32>,
          %gather3A_211 = arith.constant 1 : i32
          %gather3A_212 = arith.constant 0 : i32
          %gather3A_213 = arith.constant 0 : i32
          %gather3A_214 = tpu.memref_slice %arg5[%gather3A_211, %gather3A_212, %gather3A_213] : memref<2x64x128xf32, #tpu.memory_space<vmem>> -> memref<1x64x128xf32, #tpu.memory_space<vmem>>
          %gather3A_215 = tpu.memref_squeeze %gather3A_214 : memref<1x64x128xf32, #tpu.memory_space<vmem>> -> memref<64x128xf32, #tpu.memory_space<vmem>>
          %gather3A_216 = tpu.vector_load_idx %gather3A_215[%add3A_193, %add3A_128] : memref<64x128xf32, #tpu.memory_space<vmem>>[vector<16xi32>, vector<16xi32>], vector<16xf32>,
          %gather3A_217 = arith.constant 1 : i32
          %gather3A_218 = arith.constant 0 : i32
          %gather3A_219 = arith.constant 0 : i32
          %gather3A_220 = tpu.memref_slice %arg5[%gather3A_217, %gather3A_218, %gather3A_219] : memref<2x64x128xf32, #tpu.memory_space<vmem>> -> memref<1x64x128xf32, #tpu.memory_space<vmem>>
          %gather3A_221 = tpu.memref_squeeze %gather3A_220 : memref<1x64x128xf32, #tpu.memory_space<vmem>> -> memref<64x128xf32, #tpu.memory_space<vmem>>
          %gather3A_222 = tpu.vector_load_idx %gather3A_221[%add3A_184, %add3A_134] : memref<64x128xf32, #tpu.memory_space<vmem>>[vector<16xi32>, vector<16xi32>], vector<16xf32>,
          %gather3A_223 = arith.constant 1 : i32
          %gather3A_224 = arith.constant 0 : i32
          %gather3A_225 = arith.constant 0 : i32
          %gather3A_226 = tpu.memref_slice %arg5[%gather3A_223, %gather3A_224, %gather3A_225] : memref<2x64x128xf32, #tpu.memory_space<vmem>> -> memref<1x64x128xf32, #tpu.memory_space<vmem>>
          %gather3A_227 = tpu.memref_squeeze %gather3A_226 : memref<1x64x128xf32, #tpu.memory_space<vmem>> -> memref<64x128xf32, #tpu.memory_space<vmem>>
          %gather3A_228 = tpu.vector_load_idx %gather3A_227[%add3A_187, %add3A_134] : memref<64x128xf32, #tpu.memory_space<vmem>>[vector<16xi32>, vector<16xi32>], vector<16xf32>,
          %gather3A_229 = arith.constant 1 : i32
          %gather3A_230 = arith.constant 0 : i32
          %gather3A_231 = arith.constant 0 : i32
          %gather3A_232 = tpu.memref_slice %arg5[%gather3A_229, %gather3A_230, %gather3A_231] : memref<2x64x128xf32, #tpu.memory_space<vmem>> -> memref<1x64x128xf32, #tpu.memory_space<vmem>>
          %gather3A_233 = tpu.memref_squeeze %gather3A_232 : memref<1x64x128xf32, #tpu.memory_space<vmem>> -> memref<64x128xf32, #tpu.memory_space<vmem>>
          %gather3A_234 = tpu.vector_load_idx %gather3A_233[%add3A_190, %add3A_134] : memref<64x128xf32, #tpu.memory_space<vmem>>[vector<16xi32>, vector<16xi32>], vector<16xf32>,
          %gather3A_235 = arith.constant 1 : i32
          %gather3A_236 = arith.constant 0 : i32
          %gather3A_237 = arith.constant 0 : i32
          %gather3A_238 = tpu.memref_slice %arg5[%gather3A_235, %gather3A_236, %gather3A_237] : memref<2x64x128xf32, #tpu.memory_space<vmem>> -> memref<1x64x128xf32, #tpu.memory_space<vmem>>
          %gather3A_239 = tpu.memref_squeeze %gather3A_238 : memref<1x64x128xf32, #tpu.memory_space<vmem>> -> memref<64x128xf32, #tpu.memory_space<vmem>>
          %gather3A_240 = tpu.vector_load_idx %gather3A_239[%add3A_193, %add3A_134] : memref<64x128xf32, #tpu.memory_space<vmem>>[vector<16xi32>, vector<16xi32>], vector<16xf32>,
          %gather3A_241 = arith.constant 1 : i32
          %gather3A_242 = arith.constant 0 : i32
          %gather3A_243 = arith.constant 0 : i32
          %gather3A_244 = tpu.memref_slice %arg5[%gather3A_241, %gather3A_242, %gather3A_243] : memref<2x64x128xf32, #tpu.memory_space<vmem>> -> memref<1x64x128xf32, #tpu.memory_space<vmem>>
          %gather3A_245 = tpu.memref_squeeze %gather3A_244 : memref<1x64x128xf32, #tpu.memory_space<vmem>> -> memref<64x128xf32, #tpu.memory_space<vmem>>
          %gather3A_246 = tpu.vector_load_idx %gather3A_245[%add3A_184, %add3A_140] : memref<64x128xf32, #tpu.memory_space<vmem>>[vector<16xi32>, vector<16xi32>], vector<16xf32>,
          %gather3A_247 = arith.constant 1 : i32
          %gather3A_248 = arith.constant 0 : i32
          %gather3A_249 = arith.constant 0 : i32
          %gather3A_250 = tpu.memref_slice %arg5[%gather3A_247, %gather3A_248, %gather3A_249] : memref<2x64x128xf32, #tpu.memory_space<vmem>> -> memref<1x64x128xf32, #tpu.memory_space<vmem>>
          %gather3A_251 = tpu.memref_squeeze %gather3A_250 : memref<1x64x128xf32, #tpu.memory_space<vmem>> -> memref<64x128xf32, #tpu.memory_space<vmem>>
          %gather3A_252 = tpu.vector_load_idx %gather3A_251[%add3A_187, %add3A_140] : memref<64x128xf32, #tpu.memory_space<vmem>>[vector<16xi32>, vector<16xi32>], vector<16xf32>,
          %gather3A_253 = arith.constant 1 : i32
          %gather3A_254 = arith.constant 0 : i32
          %gather3A_255 = arith.constant 0 : i32
          %gather3A_256 = tpu.memref_slice %arg5[%gather3A_253, %gather3A_254, %gather3A_255] : memref<2x64x128xf32, #tpu.memory_space<vmem>> -> memref<1x64x128xf32, #tpu.memory_space<vmem>>
          %gather3A_257 = tpu.memref_squeeze %gather3A_256 : memref<1x64x128xf32, #tpu.memory_space<vmem>> -> memref<64x128xf32, #tpu.memory_space<vmem>>
          %gather3A_258 = tpu.vector_load_idx %gather3A_257[%add3A_190, %add3A_140] : memref<64x128xf32, #tpu.memory_space<vmem>>[vector<16xi32>, vector<16xi32>], vector<16xf32>,
          %gather3A_259 = arith.constant 1 : i32
          %gather3A_260 = arith.constant 0 : i32
          %gather3A_261 = arith.constant 0 : i32
          %gather3A_262 = tpu.memref_slice %arg5[%gather3A_259, %gather3A_260, %gather3A_261] : memref<2x64x128xf32, #tpu.memory_space<vmem>> -> memref<1x64x128xf32, #tpu.memory_space<vmem>>
          %gather3A_263 = tpu.memref_squeeze %gather3A_262 : memref<1x64x128xf32, #tpu.memory_space<vmem>> -> memref<64x128xf32, #tpu.memory_space<vmem>>
          %gather3A_264 = tpu.vector_load_idx %gather3A_263[%add3A_193, %add3A_140] : memref<64x128xf32, #tpu.memory_space<vmem>>[vector<16xi32>, vector<16xi32>], vector<16xf32>,
          %gather3A_265 = arith.constant 1 : i32
          %gather3A_266 = arith.constant 0 : i32
          %gather3A_267 = arith.constant 0 : i32
          %gather3A_268 = tpu.memref_slice %arg5[%gather3A_265, %gather3A_266, %gather3A_267] : memref<2x64x128xf32, #tpu.memory_space<vmem>> -> memref<1x64x128xf32, #tpu.memory_space<vmem>>
          %gather3A_269 = tpu.memref_squeeze %gather3A_268 : memref<1x64x128xf32, #tpu.memory_space<vmem>> -> memref<64x128xf32, #tpu.memory_space<vmem>>
          %gather3A_270 = tpu.vector_load_idx %gather3A_269[%add3A_184, %add3A_146] : memref<64x128xf32, #tpu.memory_space<vmem>>[vector<16xi32>, vector<16xi32>], vector<16xf32>,
          %gather3A_271 = arith.constant 1 : i32
          %gather3A_272 = arith.constant 0 : i32
          %gather3A_273 = arith.constant 0 : i32
          %gather3A_274 = tpu.memref_slice %arg5[%gather3A_271, %gather3A_272, %gather3A_273] : memref<2x64x128xf32, #tpu.memory_space<vmem>> -> memref<1x64x128xf32, #tpu.memory_space<vmem>>
          %gather3A_275 = tpu.memref_squeeze %gather3A_274 : memref<1x64x128xf32, #tpu.memory_space<vmem>> -> memref<64x128xf32, #tpu.memory_space<vmem>>
          %gather3A_276 = tpu.vector_load_idx %gather3A_275[%add3A_187, %add3A_146] : memref<64x128xf32, #tpu.memory_space<vmem>>[vector<16xi32>, vector<16xi32>], vector<16xf32>,
          %gather3A_277 = arith.constant 1 : i32
          %gather3A_278 = arith.constant 0 : i32
          %gather3A_279 = arith.constant 0 : i32
          %gather3A_280 = tpu.memref_slice %arg5[%gather3A_277, %gather3A_278, %gather3A_279] : memref<2x64x128xf32, #tpu.memory_space<vmem>> -> memref<1x64x128xf32, #tpu.memory_space<vmem>>
          %gather3A_281 = tpu.memref_squeeze %gather3A_280 : memref<1x64x128xf32, #tpu.memory_space<vmem>> -> memref<64x128xf32, #tpu.memory_space<vmem>>
          %gather3A_282 = tpu.vector_load_idx %gather3A_281[%add3A_190, %add3A_146] : memref<64x128xf32, #tpu.memory_space<vmem>>[vector<16xi32>, vector<16xi32>], vector<16xf32>,
          %gather3A_283 = arith.constant 1 : i32
          %gather3A_284 = arith.constant 0 : i32
          %gather3A_285 = arith.constant 0 : i32
          %gather3A_286 = tpu.memref_slice %arg5[%gather3A_283, %gather3A_284, %gather3A_285] : memref<2x64x128xf32, #tpu.memory_space<vmem>> -> memref<1x64x128xf32, #tpu.memory_space<vmem>>
          %gather3A_287 = tpu.memref_squeeze %gather3A_286 : memref<1x64x128xf32, #tpu.memory_space<vmem>> -> memref<64x128xf32, #tpu.memory_space<vmem>>
          %gather3A_288 = tpu.vector_load_idx %gather3A_287[%add3A_193, %add3A_146] : memref<64x128xf32, #tpu.memory_space<vmem>>[vector<16xi32>, vector<16xi32>], vector<16xf32>,
          %gather3A_289 = arith.constant 1 : i32
          %gather3A_290 = arith.constant 0 : i32
          %gather3A_291 = arith.constant 0 : i32
          %gather3A_292 = tpu.memref_slice %arg5[%gather3A_289, %gather3A_290, %gather3A_291] : memref<2x64x128xf32, #tpu.memory_space<vmem>> -> memref<1x64x128xf32, #tpu.memory_space<vmem>>
          %gather3A_293 = tpu.memref_squeeze %gather3A_292 : memref<1x64x128xf32, #tpu.memory_space<vmem>> -> memref<64x128xf32, #tpu.memory_space<vmem>>
          %gather3A_294 = tpu.vector_load_idx %gather3A_293[%add3A_184, %add3A_152] : memref<64x128xf32, #tpu.memory_space<vmem>>[vector<16xi32>, vector<16xi32>], vector<16xf32>,
          %gather3A_295 = arith.constant 1 : i32
          %gather3A_296 = arith.constant 0 : i32
          %gather3A_297 = arith.constant 0 : i32
          %gather3A_298 = tpu.memref_slice %arg5[%gather3A_295, %gather3A_296, %gather3A_297] : memref<2x64x128xf32, #tpu.memory_space<vmem>> -> memref<1x64x128xf32, #tpu.memory_space<vmem>>
          %gather3A_299 = tpu.memref_squeeze %gather3A_298 : memref<1x64x128xf32, #tpu.memory_space<vmem>> -> memref<64x128xf32, #tpu.memory_space<vmem>>
          %gather3A_300 = tpu.vector_load_idx %gather3A_299[%add3A_187, %add3A_152] : memref<64x128xf32, #tpu.memory_space<vmem>>[vector<16xi32>, vector<16xi32>], vector<16xf32>,
          %gather3A_301 = arith.constant 1 : i32
          %gather3A_302 = arith.constant 0 : i32
          %gather3A_303 = arith.constant 0 : i32
          %gather3A_304 = tpu.memref_slice %arg5[%gather3A_301, %gather3A_302, %gather3A_303] : memref<2x64x128xf32, #tpu.memory_space<vmem>> -> memref<1x64x128xf32, #tpu.memory_space<vmem>>
          %gather3A_305 = tpu.memref_squeeze %gather3A_304 : memref<1x64x128xf32, #tpu.memory_space<vmem>> -> memref<64x128xf32, #tpu.memory_space<vmem>>
          %gather3A_306 = tpu.vector_load_idx %gather3A_305[%add3A_190, %add3A_152] : memref<64x128xf32, #tpu.memory_space<vmem>>[vector<16xi32>, vector<16xi32>], vector<16xf32>,
          %gather3A_307 = arith.constant 1 : i32
          %gather3A_308 = arith.constant 0 : i32
          %gather3A_309 = arith.constant 0 : i32
          %gather3A_310 = tpu.memref_slice %arg5[%gather3A_307, %gather3A_308, %gather3A_309] : memref<2x64x128xf32, #tpu.memory_space<vmem>> -> memref<1x64x128xf32, #tpu.memory_space<vmem>>
          %gather3A_311 = tpu.memref_squeeze %gather3A_310 : memref<1x64x128xf32, #tpu.memory_space<vmem>> -> memref<64x128xf32, #tpu.memory_space<vmem>>
          %gather3A_312 = tpu.vector_load_idx %gather3A_311[%add3A_193, %add3A_152] : memref<64x128xf32, #tpu.memory_space<vmem>>[vector<16xi32>, vector<16xi32>], vector<16xf32>,
          %gather3A_313 = arith.constant 1 : i32
          %gather3A_314 = arith.constant 0 : i32
          %gather3A_315 = arith.constant 0 : i32
          %gather3A_316 = tpu.memref_slice %arg5[%gather3A_313, %gather3A_314, %gather3A_315] : memref<2x64x128xf32, #tpu.memory_space<vmem>> -> memref<1x64x128xf32, #tpu.memory_space<vmem>>
          %gather3A_317 = tpu.memref_squeeze %gather3A_316 : memref<1x64x128xf32, #tpu.memory_space<vmem>> -> memref<64x128xf32, #tpu.memory_space<vmem>>
          %gather3A_318 = tpu.vector_load_idx %gather3A_317[%add3A_184, %add3A_158] : memref<64x128xf32, #tpu.memory_space<vmem>>[vector<16xi32>, vector<16xi32>], vector<16xf32>,
          %gather3A_319 = arith.constant 1 : i32
          %gather3A_320 = arith.constant 0 : i32
          %gather3A_321 = arith.constant 0 : i32
          %gather3A_322 = tpu.memref_slice %arg5[%gather3A_319, %gather3A_320, %gather3A_321] : memref<2x64x128xf32, #tpu.memory_space<vmem>> -> memref<1x64x128xf32, #tpu.memory_space<vmem>>
          %gather3A_323 = tpu.memref_squeeze %gather3A_322 : memref<1x64x128xf32, #tpu.memory_space<vmem>> -> memref<64x128xf32, #tpu.memory_space<vmem>>
          %gather3A_324 = tpu.vector_load_idx %gather3A_323[%add3A_187, %add3A_158] : memref<64x128xf32, #tpu.memory_space<vmem>>[vector<16xi32>, vector<16xi32>], vector<16xf32>,
          %gather3A_325 = arith.constant 1 : i32
          %gather3A_326 = arith.constant 0 : i32
          %gather3A_327 = arith.constant 0 : i32
          %gather3A_328 = tpu.memref_slice %arg5[%gather3A_325, %gather3A_326, %gather3A_327] : memref<2x64x128xf32, #tpu.memory_space<vmem>> -> memref<1x64x128xf32, #tpu.memory_space<vmem>>
          %gather3A_329 = tpu.memref_squeeze %gather3A_328 : memref<1x64x128xf32, #tpu.memory_space<vmem>> -> memref<64x128xf32, #tpu.memory_space<vmem>>
          %gather3A_330 = tpu.vector_load_idx %gather3A_329[%add3A_190, %add3A_158] : memref<64x128xf32, #tpu.memory_space<vmem>>[vector<16xi32>, vector<16xi32>], vector<16xf32>,
          %gather3A_331 = arith.constant 1 : i32
          %gather3A_332 = arith.constant 0 : i32
          %gather3A_333 = arith.constant 0 : i32
          %gather3A_334 = tpu.memref_slice %arg5[%gather3A_331, %gather3A_332, %gather3A_333] : memref<2x64x128xf32, #tpu.memory_space<vmem>> -> memref<1x64x128xf32, #tpu.memory_space<vmem>>
          %gather3A_335 = tpu.memref_squeeze %gather3A_334 : memref<1x64x128xf32, #tpu.memory_space<vmem>> -> memref<64x128xf32, #tpu.memory_space<vmem>>
          %gather3A_336 = tpu.vector_load_idx %gather3A_335[%add3A_193, %add3A_158] : memref<64x128xf32, #tpu.memory_space<vmem>>[vector<16xi32>, vector<16xi32>], vector<16xf32>,
          %gather3A_337 = arith.constant 1 : i32
          %gather3A_338 = arith.constant 0 : i32
          %gather3A_339 = arith.constant 0 : i32
          %gather3A_340 = tpu.memref_slice %arg5[%gather3A_337, %gather3A_338, %gather3A_339] : memref<2x64x128xf32, #tpu.memory_space<vmem>> -> memref<1x64x128xf32, #tpu.memory_space<vmem>>
          %gather3A_341 = tpu.memref_squeeze %gather3A_340 : memref<1x64x128xf32, #tpu.memory_space<vmem>> -> memref<64x128xf32, #tpu.memory_space<vmem>>
          %gather3A_342 = tpu.vector_load_idx %gather3A_341[%add3A_184, %add3A_164] : memref<64x128xf32, #tpu.memory_space<vmem>>[vector<16xi32>, vector<16xi32>], vector<16xf32>,
          %gather3A_343 = arith.constant 1 : i32
          %gather3A_344 = arith.constant 0 : i32
          %gather3A_345 = arith.constant 0 : i32
          %gather3A_346 = tpu.memref_slice %arg5[%gather3A_343, %gather3A_344, %gather3A_345] : memref<2x64x128xf32, #tpu.memory_space<vmem>> -> memref<1x64x128xf32, #tpu.memory_space<vmem>>
          %gather3A_347 = tpu.memref_squeeze %gather3A_346 : memref<1x64x128xf32, #tpu.memory_space<vmem>> -> memref<64x128xf32, #tpu.memory_space<vmem>>
          %gather3A_348 = tpu.vector_load_idx %gather3A_347[%add3A_187, %add3A_164] : memref<64x128xf32, #tpu.memory_space<vmem>>[vector<16xi32>, vector<16xi32>], vector<16xf32>,
          %gather3A_349 = arith.constant 1 : i32
          %gather3A_350 = arith.constant 0 : i32
          %gather3A_351 = arith.constant 0 : i32
          %gather3A_352 = tpu.memref_slice %arg5[%gather3A_349, %gather3A_350, %gather3A_351] : memref<2x64x128xf32, #tpu.memory_space<vmem>> -> memref<1x64x128xf32, #tpu.memory_space<vmem>>
          %gather3A_353 = tpu.memref_squeeze %gather3A_352 : memref<1x64x128xf32, #tpu.memory_space<vmem>> -> memref<64x128xf32, #tpu.memory_space<vmem>>
          %gather3A_354 = tpu.vector_load_idx %gather3A_353[%add3A_190, %add3A_164] : memref<64x128xf32, #tpu.memory_space<vmem>>[vector<16xi32>, vector<16xi32>], vector<16xf32>,
          %gather3A_355 = arith.constant 1 : i32
          %gather3A_356 = arith.constant 0 : i32
          %gather3A_357 = arith.constant 0 : i32
          %gather3A_358 = tpu.memref_slice %arg5[%gather3A_355, %gather3A_356, %gather3A_357] : memref<2x64x128xf32, #tpu.memory_space<vmem>> -> memref<1x64x128xf32, #tpu.memory_space<vmem>>
          %gather3A_359 = tpu.memref_squeeze %gather3A_358 : memref<1x64x128xf32, #tpu.memory_space<vmem>> -> memref<64x128xf32, #tpu.memory_space<vmem>>
          %gather3A_360 = tpu.vector_load_idx %gather3A_359[%add3A_193, %add3A_164] : memref<64x128xf32, #tpu.memory_space<vmem>>[vector<16xi32>, vector<16xi32>], vector<16xf32>,
          %gather3A_361 = arith.constant 1 : i32
          %gather3A_362 = arith.constant 0 : i32
          %gather3A_363 = arith.constant 0 : i32
          %gather3A_364 = tpu.memref_slice %arg5[%gather3A_361, %gather3A_362, %gather3A_363] : memref<2x64x128xf32, #tpu.memory_space<vmem>> -> memref<1x64x128xf32, #tpu.memory_space<vmem>>
          %gather3A_365 = tpu.memref_squeeze %gather3A_364 : memref<1x64x128xf32, #tpu.memory_space<vmem>> -> memref<64x128xf32, #tpu.memory_space<vmem>>
          %gather3A_366 = tpu.vector_load_idx %gather3A_365[%add3A_184, %add3A_170] : memref<64x128xf32, #tpu.memory_space<vmem>>[vector<16xi32>, vector<16xi32>], vector<16xf32>,
          %gather3A_367 = arith.constant 1 : i32
          %gather3A_368 = arith.constant 0 : i32
          %gather3A_369 = arith.constant 0 : i32
          %gather3A_370 = tpu.memref_slice %arg5[%gather3A_367, %gather3A_368, %gather3A_369] : memref<2x64x128xf32, #tpu.memory_space<vmem>> -> memref<1x64x128xf32, #tpu.memory_space<vmem>>
          %gather3A_371 = tpu.memref_squeeze %gather3A_370 : memref<1x64x128xf32, #tpu.memory_space<vmem>> -> memref<64x128xf32, #tpu.memory_space<vmem>>
          %gather3A_372 = tpu.vector_load_idx %gather3A_371[%add3A_187, %add3A_170] : memref<64x128xf32, #tpu.memory_space<vmem>>[vector<16xi32>, vector<16xi32>], vector<16xf32>,
          %gather3A_373 = arith.constant 1 : i32
          %gather3A_374 = arith.constant 0 : i32
          %gather3A_375 = arith.constant 0 : i32
          %gather3A_376 = tpu.memref_slice %arg5[%gather3A_373, %gather3A_374, %gather3A_375] : memref<2x64x128xf32, #tpu.memory_space<vmem>> -> memref<1x64x128xf32, #tpu.memory_space<vmem>>
          %gather3A_377 = tpu.memref_squeeze %gather3A_376 : memref<1x64x128xf32, #tpu.memory_space<vmem>> -> memref<64x128xf32, #tpu.memory_space<vmem>>
          %gather3A_378 = tpu.vector_load_idx %gather3A_377[%add3A_190, %add3A_170] : memref<64x128xf32, #tpu.memory_space<vmem>>[vector<16xi32>, vector<16xi32>], vector<16xf32>,
          %gather3A_379 = arith.constant 1 : i32
          %gather3A_380 = arith.constant 0 : i32
          %gather3A_381 = arith.constant 0 : i32
          %gather3A_382 = tpu.memref_slice %arg5[%gather3A_379, %gather3A_380, %gather3A_381] : memref<2x64x128xf32, #tpu.memory_space<vmem>> -> memref<1x64x128xf32, #tpu.memory_space<vmem>>
          %gather3A_383 = tpu.memref_squeeze %gather3A_382 : memref<1x64x128xf32, #tpu.memory_space<vmem>> -> memref<64x128xf32, #tpu.memory_space<vmem>>
          %gather3A_384 = tpu.vector_load_idx %gather3A_383[%add3A_193, %add3A_170] : memref<64x128xf32, #tpu.memory_space<vmem>>[vector<16xi32>, vector<16xi32>], vector<16xf32>,
          %add3A_385 = arith.constant 0 : i32
          %add3A_386 = vector.broadcast %add3A_385 : i32 to vector<16xi32>
          %add3A_387 = arith.addi %add3A_386, %iota3A : vector<16xi32>
          %add3A_388 = arith.constant 0 : i32
          %add3A_389 = vector.broadcast %add3A_388 : i32 to vector<16xi32>
          %add3A_390 = arith.addi %add3A_389, %and3A_181 : vector<16xi32>
          %mul3A_391 = arith.constant 8.000000e+00 : f32
          %mul3A_392 = vector.broadcast %mul3A_391 : f32 to vector<16xf32>
          %mul3A_393 = arith.mulf %gather3A_198, %mul3A_392 : vector<16xf32>
          %scatter3A = arith.constant 1 : i32
          %scatter3A_394 = arith.constant 0 : i32
          %scatter3A_395 = arith.constant 0 : i32
          %scatter3A_396 = tpu.memref_slice %arg6[%scatter3A, %scatter3A_394, %scatter3A_395] : memref<2x64x128xf32, #tpu.memory_space<vmem>> -> memref<1x64x128xf32, #tpu.memory_space<vmem>>
          %scatter3A_397 = tpu.memref_squeeze %scatter3A_396 : memref<1x64x128xf32, #tpu.memory_space<vmem>> -> memref<64x128xf32, #tpu.memory_space<vmem>>
          tpu.vector_store_idx %scatter3A_397[%add3A_387, %add3A_390], %mul3A_393 : memref<64x128xf32, #tpu.memory_space<vmem>>[vector<16xi32>, vector<16xi32>], vector<16xf32>,
          %add3A_398 = arith.constant 0 : i32
          %add3A_399 = vector.broadcast %add3A_398 : i32 to vector<16xi32>
          %add3A_400 = arith.addi %add3A_399, %iota3A : vector<16xi32>
          %add3A_401 = arith.constant 16 : i32
          %add3A_402 = vector.broadcast %add3A_401 : i32 to vector<16xi32>
          %add3A_403 = arith.addi %add3A_402, %and3A_181 : vector<16xi32>
          %mul3A_404 = arith.constant 8.000000e+00 : f32
          %mul3A_405 = vector.broadcast %mul3A_404 : f32 to vector<16xf32>
          %mul3A_406 = arith.mulf %gather3A_204, %mul3A_405 : vector<16xf32>
          %scatter3A_407 = arith.constant 1 : i32
          %scatter3A_408 = arith.constant 0 : i32
          %scatter3A_409 = arith.constant 0 : i32
          %scatter3A_410 = tpu.memref_slice %arg6[%scatter3A_407, %scatter3A_408, %scatter3A_409] : memref<2x64x128xf32, #tpu.memory_space<vmem>> -> memref<1x64x128xf32, #tpu.memory_space<vmem>>
          %scatter3A_411 = tpu.memref_squeeze %scatter3A_410 : memref<1x64x128xf32, #tpu.memory_space<vmem>> -> memref<64x128xf32, #tpu.memory_space<vmem>>
          tpu.vector_store_idx %scatter3A_411[%add3A_400, %add3A_403], %mul3A_406 : memref<64x128xf32, #tpu.memory_space<vmem>>[vector<16xi32>, vector<16xi32>], vector<16xf32>,
          %add3A_412 = arith.constant 0 : i32
          %add3A_413 = vector.broadcast %add3A_412 : i32 to vector<16xi32>
          %add3A_414 = arith.addi %add3A_413, %iota3A : vector<16xi32>
          %add3A_415 = arith.constant 32 : i32
          %add3A_416 = vector.broadcast %add3A_415 : i32 to vector<16xi32>
          %add3A_417 = arith.addi %add3A_416, %and3A_181 : vector<16xi32>
          %mul3A_418 = arith.constant 8.000000e+00 : f32
          %mul3A_419 = vector.broadcast %mul3A_418 : f32 to vector<16xf32>
          %mul3A_420 = arith.mulf %gather3A_210, %mul3A_419 : vector<16xf32>
          %scatter3A_421 = arith.constant 1 : i32
          %scatter3A_422 = arith.constant 0 : i32
          %scatter3A_423 = arith.constant 0 : i32
          %scatter3A_424 = tpu.memref_slice %arg6[%scatter3A_421, %scatter3A_422, %scatter3A_423] : memref<2x64x128xf32, #tpu.memory_space<vmem>> -> memref<1x64x128xf32, #tpu.memory_space<vmem>>
          %scatter3A_425 = tpu.memref_squeeze %scatter3A_424 : memref<1x64x128xf32, #tpu.memory_space<vmem>> -> memref<64x128xf32, #tpu.memory_space<vmem>>
          tpu.vector_store_idx %scatter3A_425[%add3A_414, %add3A_417], %mul3A_420 : memref<64x128xf32, #tpu.memory_space<vmem>>[vector<16xi32>, vector<16xi32>], vector<16xf32>,
          %add3A_426 = arith.constant 0 : i32
          %add3A_427 = vector.broadcast %add3A_426 : i32 to vector<16xi32>
          %add3A_428 = arith.addi %add3A_427, %iota3A : vector<16xi32>
          %add3A_429 = arith.constant 48 : i32
          %add3A_430 = vector.broadcast %add3A_429 : i32 to vector<16xi32>
          %add3A_431 = arith.addi %add3A_430, %and3A_181 : vector<16xi32>
          %mul3A_432 = arith.constant 8.000000e+00 : f32
          %mul3A_433 = vector.broadcast %mul3A_432 : f32 to vector<16xf32>
          %mul3A_434 = arith.mulf %gather3A_216, %mul3A_433 : vector<16xf32>
          %scatter3A_435 = arith.constant 1 : i32
          %scatter3A_436 = arith.constant 0 : i32
          %scatter3A_437 = arith.constant 0 : i32
          %scatter3A_438 = tpu.memref_slice %arg6[%scatter3A_435, %scatter3A_436, %scatter3A_437] : memref<2x64x128xf32, #tpu.memory_space<vmem>> -> memref<1x64x128xf32, #tpu.memory_space<vmem>>
          %scatter3A_439 = tpu.memref_squeeze %scatter3A_438 : memref<1x64x128xf32, #tpu.memory_space<vmem>> -> memref<64x128xf32, #tpu.memory_space<vmem>>
          tpu.vector_store_idx %scatter3A_439[%add3A_428, %add3A_431], %mul3A_434 : memref<64x128xf32, #tpu.memory_space<vmem>>[vector<16xi32>, vector<16xi32>], vector<16xf32>,
          %add3A_440 = arith.constant 0 : i32
          %add3A_441 = vector.broadcast %add3A_440 : i32 to vector<16xi32>
          %add3A_442 = arith.addi %add3A_441, %iota3A : vector<16xi32>
          %add3A_443 = arith.constant 64 : i32
          %add3A_444 = vector.broadcast %add3A_443 : i32 to vector<16xi32>
          %add3A_445 = arith.addi %add3A_444, %and3A_181 : vector<16xi32>
          %mul3A_446 = arith.constant 8.000000e+00 : f32
          %mul3A_447 = vector.broadcast %mul3A_446 : f32 to vector<16xf32>
          %mul3A_448 = arith.mulf %gather3A_222, %mul3A_447 : vector<16xf32>
          %scatter3A_449 = arith.constant 1 : i32
          %scatter3A_450 = arith.constant 0 : i32
          %scatter3A_451 = arith.constant 0 : i32
          %scatter3A_452 = tpu.memref_slice %arg6[%scatter3A_449, %scatter3A_450, %scatter3A_451] : memref<2x64x128xf32, #tpu.memory_space<vmem>> -> memref<1x64x128xf32, #tpu.memory_space<vmem>>
          %scatter3A_453 = tpu.memref_squeeze %scatter3A_452 : memref<1x64x128xf32, #tpu.memory_space<vmem>> -> memref<64x128xf32, #tpu.memory_space<vmem>>
          tpu.vector_store_idx %scatter3A_453[%add3A_442, %add3A_445], %mul3A_448 : memref<64x128xf32, #tpu.memory_space<vmem>>[vector<16xi32>, vector<16xi32>], vector<16xf32>,
          %add3A_454 = arith.constant 0 : i32
          %add3A_455 = vector.broadcast %add3A_454 : i32 to vector<16xi32>
          %add3A_456 = arith.addi %add3A_455, %iota3A : vector<16xi32>
          %add3A_457 = arith.constant 80 : i32
          %add3A_458 = vector.broadcast %add3A_457 : i32 to vector<16xi32>
          %add3A_459 = arith.addi %add3A_458, %and3A_181 : vector<16xi32>
          %mul3A_460 = arith.constant 8.000000e+00 : f32
          %mul3A_461 = vector.broadcast %mul3A_460 : f32 to vector<16xf32>
          %mul3A_462 = arith.mulf %gather3A_228, %mul3A_461 : vector<16xf32>
          %scatter3A_463 = arith.constant 1 : i32
          %scatter3A_464 = arith.constant 0 : i32
          %scatter3A_465 = arith.constant 0 : i32
          %scatter3A_466 = tpu.memref_slice %arg6[%scatter3A_463, %scatter3A_464, %scatter3A_465] : memref<2x64x128xf32, #tpu.memory_space<vmem>> -> memref<1x64x128xf32, #tpu.memory_space<vmem>>
          %scatter3A_467 = tpu.memref_squeeze %scatter3A_466 : memref<1x64x128xf32, #tpu.memory_space<vmem>> -> memref<64x128xf32, #tpu.memory_space<vmem>>
          tpu.vector_store_idx %scatter3A_467[%add3A_456, %add3A_459], %mul3A_462 : memref<64x128xf32, #tpu.memory_space<vmem>>[vector<16xi32>, vector<16xi32>], vector<16xf32>,
          %add3A_468 = arith.constant 0 : i32
          %add3A_469 = vector.broadcast %add3A_468 : i32 to vector<16xi32>
          %add3A_470 = arith.addi %add3A_469, %iota3A : vector<16xi32>
          %add3A_471 = arith.constant 96 : i32
          %add3A_472 = vector.broadcast %add3A_471 : i32 to vector<16xi32>
          %add3A_473 = arith.addi %add3A_472, %and3A_181 : vector<16xi32>
          %mul3A_474 = arith.constant 8.000000e+00 : f32
          %mul3A_475 = vector.broadcast %mul3A_474 : f32 to vector<16xf32>
          %mul3A_476 = arith.mulf %gather3A_234, %mul3A_475 : vector<16xf32>
          %scatter3A_477 = arith.constant 1 : i32
          %scatter3A_478 = arith.constant 0 : i32
          %scatter3A_479 = arith.constant 0 : i32
          %scatter3A_480 = tpu.memref_slice %arg6[%scatter3A_477, %scatter3A_478, %scatter3A_479] : memref<2x64x128xf32, #tpu.memory_space<vmem>> -> memref<1x64x128xf32, #tpu.memory_space<vmem>>
          %scatter3A_481 = tpu.memref_squeeze %scatter3A_480 : memref<1x64x128xf32, #tpu.memory_space<vmem>> -> memref<64x128xf32, #tpu.memory_space<vmem>>
          tpu.vector_store_idx %scatter3A_481[%add3A_470, %add3A_473], %mul3A_476 : memref<64x128xf32, #tpu.memory_space<vmem>>[vector<16xi32>, vector<16xi32>], vector<16xf32>,
          %add3A_482 = arith.constant 0 : i32
          %add3A_483 = vector.broadcast %add3A_482 : i32 to vector<16xi32>
          %add3A_484 = arith.addi %add3A_483, %iota3A : vector<16xi32>
          %add3A_485 = arith.constant 112 : i32
          %add3A_486 = vector.broadcast %add3A_485 : i32 to vector<16xi32>
          %add3A_487 = arith.addi %add3A_486, %and3A_181 : vector<16xi32>
          %mul3A_488 = arith.constant 8.000000e+00 : f32
          %mul3A_489 = vector.broadcast %mul3A_488 : f32 to vector<16xf32>
          %mul3A_490 = arith.mulf %gather3A_240, %mul3A_489 : vector<16xf32>
          %scatter3A_491 = arith.constant 1 : i32
          %scatter3A_492 = arith.constant 0 : i32
          %scatter3A_493 = arith.constant 0 : i32
          %scatter3A_494 = tpu.memref_slice %arg6[%scatter3A_491, %scatter3A_492, %scatter3A_493] : memref<2x64x128xf32, #tpu.memory_space<vmem>> -> memref<1x64x128xf32, #tpu.memory_space<vmem>>
          %scatter3A_495 = tpu.memref_squeeze %scatter3A_494 : memref<1x64x128xf32, #tpu.memory_space<vmem>> -> memref<64x128xf32, #tpu.memory_space<vmem>>
          tpu.vector_store_idx %scatter3A_495[%add3A_484, %add3A_487], %mul3A_490 : memref<64x128xf32, #tpu.memory_space<vmem>>[vector<16xi32>, vector<16xi32>], vector<16xf32>,
          %add3A_496 = arith.constant 16 : i32
          %add3A_497 = vector.broadcast %add3A_496 : i32 to vector<16xi32>
          %add3A_498 = arith.addi %add3A_497, %iota3A : vector<16xi32>
          %add3A_499 = arith.constant 0 : i32
          %add3A_500 = vector.broadcast %add3A_499 : i32 to vector<16xi32>
          %add3A_501 = arith.addi %add3A_500, %and3A_181 : vector<16xi32>
          %mul3A_502 = arith.constant 8.000000e+00 : f32
          %mul3A_503 = vector.broadcast %mul3A_502 : f32 to vector<16xf32>
          %mul3A_504 = arith.mulf %gather3A_246, %mul3A_503 : vector<16xf32>
          %scatter3A_505 = arith.constant 1 : i32
          %scatter3A_506 = arith.constant 0 : i32
          %scatter3A_507 = arith.constant 0 : i32
          %scatter3A_508 = tpu.memref_slice %arg6[%scatter3A_505, %scatter3A_506, %scatter3A_507] : memref<2x64x128xf32, #tpu.memory_space<vmem>> -> memref<1x64x128xf32, #tpu.memory_space<vmem>>
          %scatter3A_509 = tpu.memref_squeeze %scatter3A_508 : memref<1x64x128xf32, #tpu.memory_space<vmem>> -> memref<64x128xf32, #tpu.memory_space<vmem>>
          tpu.vector_store_idx %scatter3A_509[%add3A_498, %add3A_501], %mul3A_504 : memref<64x128xf32, #tpu.memory_space<vmem>>[vector<16xi32>, vector<16xi32>], vector<16xf32>,
          %add3A_510 = arith.constant 16 : i32
          %add3A_511 = vector.broadcast %add3A_510 : i32 to vector<16xi32>
          %add3A_512 = arith.addi %add3A_511, %iota3A : vector<16xi32>
          %add3A_513 = arith.constant 16 : i32
          %add3A_514 = vector.broadcast %add3A_513 : i32 to vector<16xi32>
          %add3A_515 = arith.addi %add3A_514, %and3A_181 : vector<16xi32>
          %mul3A_516 = arith.constant 8.000000e+00 : f32
          %mul3A_517 = vector.broadcast %mul3A_516 : f32 to vector<16xf32>
          %mul3A_518 = arith.mulf %gather3A_252, %mul3A_517 : vector<16xf32>
          %scatter3A_519 = arith.constant 1 : i32
          %scatter3A_520 = arith.constant 0 : i32
          %scatter3A_521 = arith.constant 0 : i32
          %scatter3A_522 = tpu.memref_slice %arg6[%scatter3A_519, %scatter3A_520, %scatter3A_521] : memref<2x64x128xf32, #tpu.memory_space<vmem>> -> memref<1x64x128xf32, #tpu.memory_space<vmem>>
          %scatter3A_523 = tpu.memref_squeeze %scatter3A_522 : memref<1x64x128xf32, #tpu.memory_space<vmem>> -> memref<64x128xf32, #tpu.memory_space<vmem>>
          tpu.vector_store_idx %scatter3A_523[%add3A_512, %add3A_515], %mul3A_518 : memref<64x128xf32, #tpu.memory_space<vmem>>[vector<16xi32>, vector<16xi32>], vector<16xf32>,
          %add3A_524 = arith.constant 16 : i32
          %add3A_525 = vector.broadcast %add3A_524 : i32 to vector<16xi32>
          %add3A_526 = arith.addi %add3A_525, %iota3A : vector<16xi32>
          %add3A_527 = arith.constant 32 : i32
          %add3A_528 = vector.broadcast %add3A_527 : i32 to vector<16xi32>
          %add3A_529 = arith.addi %add3A_528, %and3A_181 : vector<16xi32>
          %mul3A_530 = arith.constant 8.000000e+00 : f32
          %mul3A_531 = vector.broadcast %mul3A_530 : f32 to vector<16xf32>
          %mul3A_532 = arith.mulf %gather3A_258, %mul3A_531 : vector<16xf32>
          %scatter3A_533 = arith.constant 1 : i32
          %scatter3A_534 = arith.constant 0 : i32
          %scatter3A_535 = arith.constant 0 : i32
          %scatter3A_536 = tpu.memref_slice %arg6[%scatter3A_533, %scatter3A_534, %scatter3A_535] : memref<2x64x128xf32, #tpu.memory_space<vmem>> -> memref<1x64x128xf32, #tpu.memory_space<vmem>>
          %scatter3A_537 = tpu.memref_squeeze %scatter3A_536 : memref<1x64x128xf32, #tpu.memory_space<vmem>> -> memref<64x128xf32, #tpu.memory_space<vmem>>
          tpu.vector_store_idx %scatter3A_537[%add3A_526, %add3A_529], %mul3A_532 : memref<64x128xf32, #tpu.memory_space<vmem>>[vector<16xi32>, vector<16xi32>], vector<16xf32>,
          %add3A_538 = arith.constant 16 : i32
          %add3A_539 = vector.broadcast %add3A_538 : i32 to vector<16xi32>
          %add3A_540 = arith.addi %add3A_539, %iota3A : vector<16xi32>
          %add3A_541 = arith.constant 48 : i32
          %add3A_542 = vector.broadcast %add3A_541 : i32 to vector<16xi32>
          %add3A_543 = arith.addi %add3A_542, %and3A_181 : vector<16xi32>
          %mul3A_544 = arith.constant 8.000000e+00 : f32
          %mul3A_545 = vector.broadcast %mul3A_544 : f32 to vector<16xf32>
          %mul3A_546 = arith.mulf %gather3A_264, %mul3A_545 : vector<16xf32>
          %scatter3A_547 = arith.constant 1 : i32
          %scatter3A_548 = arith.constant 0 : i32
          %scatter3A_549 = arith.constant 0 : i32
          %scatter3A_550 = tpu.memref_slice %arg6[%scatter3A_547, %scatter3A_548, %scatter3A_549] : memref<2x64x128xf32, #tpu.memory_space<vmem>> -> memref<1x64x128xf32, #tpu.memory_space<vmem>>
          %scatter3A_551 = tpu.memref_squeeze %scatter3A_550 : memref<1x64x128xf32, #tpu.memory_space<vmem>> -> memref<64x128xf32, #tpu.memory_space<vmem>>
          tpu.vector_store_idx %scatter3A_551[%add3A_540, %add3A_543], %mul3A_546 : memref<64x128xf32, #tpu.memory_space<vmem>>[vector<16xi32>, vector<16xi32>], vector<16xf32>,
          %add3A_552 = arith.constant 16 : i32
          %add3A_553 = vector.broadcast %add3A_552 : i32 to vector<16xi32>
          %add3A_554 = arith.addi %add3A_553, %iota3A : vector<16xi32>
          %add3A_555 = arith.constant 64 : i32
          %add3A_556 = vector.broadcast %add3A_555 : i32 to vector<16xi32>
          %add3A_557 = arith.addi %add3A_556, %and3A_181 : vector<16xi32>
          %mul3A_558 = arith.constant 8.000000e+00 : f32
          %mul3A_559 = vector.broadcast %mul3A_558 : f32 to vector<16xf32>
          %mul3A_560 = arith.mulf %gather3A_270, %mul3A_559 : vector<16xf32>
          %scatter3A_561 = arith.constant 1 : i32
          %scatter3A_562 = arith.constant 0 : i32
          %scatter3A_563 = arith.constant 0 : i32
          %scatter3A_564 = tpu.memref_slice %arg6[%scatter3A_561, %scatter3A_562, %scatter3A_563] : memref<2x64x128xf32, #tpu.memory_space<vmem>> -> memref<1x64x128xf32, #tpu.memory_space<vmem>>
          %scatter3A_565 = tpu.memref_squeeze %scatter3A_564 : memref<1x64x128xf32, #tpu.memory_space<vmem>> -> memref<64x128xf32, #tpu.memory_space<vmem>>
          tpu.vector_store_idx %scatter3A_565[%add3A_554, %add3A_557], %mul3A_560 : memref<64x128xf32, #tpu.memory_space<vmem>>[vector<16xi32>, vector<16xi32>], vector<16xf32>,
          %add3A_566 = arith.constant 16 : i32
          %add3A_567 = vector.broadcast %add3A_566 : i32 to vector<16xi32>
          %add3A_568 = arith.addi %add3A_567, %iota3A : vector<16xi32>
          %add3A_569 = arith.constant 80 : i32
          %add3A_570 = vector.broadcast %add3A_569 : i32 to vector<16xi32>
          %add3A_571 = arith.addi %add3A_570, %and3A_181 : vector<16xi32>
          %mul3A_572 = arith.constant 8.000000e+00 : f32
          %mul3A_573 = vector.broadcast %mul3A_572 : f32 to vector<16xf32>
          %mul3A_574 = arith.mulf %gather3A_276, %mul3A_573 : vector<16xf32>
          %scatter3A_575 = arith.constant 1 : i32
          %scatter3A_576 = arith.constant 0 : i32
          %scatter3A_577 = arith.constant 0 : i32
          %scatter3A_578 = tpu.memref_slice %arg6[%scatter3A_575, %scatter3A_576, %scatter3A_577] : memref<2x64x128xf32, #tpu.memory_space<vmem>> -> memref<1x64x128xf32, #tpu.memory_space<vmem>>
          %scatter3A_579 = tpu.memref_squeeze %scatter3A_578 : memref<1x64x128xf32, #tpu.memory_space<vmem>> -> memref<64x128xf32, #tpu.memory_space<vmem>>
          tpu.vector_store_idx %scatter3A_579[%add3A_568, %add3A_571], %mul3A_574 : memref<64x128xf32, #tpu.memory_space<vmem>>[vector<16xi32>, vector<16xi32>], vector<16xf32>,
          %add3A_580 = arith.constant 16 : i32
          %add3A_581 = vector.broadcast %add3A_580 : i32 to vector<16xi32>
          %add3A_582 = arith.addi %add3A_581, %iota3A : vector<16xi32>
          %add3A_583 = arith.constant 96 : i32
          %add3A_584 = vector.broadcast %add3A_583 : i32 to vector<16xi32>
          %add3A_585 = arith.addi %add3A_584, %and3A_181 : vector<16xi32>
          %mul3A_586 = arith.constant 8.000000e+00 : f32
          %mul3A_587 = vector.broadcast %mul3A_586 : f32 to vector<16xf32>
          %mul3A_588 = arith.mulf %gather3A_282, %mul3A_587 : vector<16xf32>
          %scatter3A_589 = arith.constant 1 : i32
          %scatter3A_590 = arith.constant 0 : i32
          %scatter3A_591 = arith.constant 0 : i32
          %scatter3A_592 = tpu.memref_slice %arg6[%scatter3A_589, %scatter3A_590, %scatter3A_591] : memref<2x64x128xf32, #tpu.memory_space<vmem>> -> memref<1x64x128xf32, #tpu.memory_space<vmem>>
          %scatter3A_593 = tpu.memref_squeeze %scatter3A_592 : memref<1x64x128xf32, #tpu.memory_space<vmem>> -> memref<64x128xf32, #tpu.memory_space<vmem>>
          tpu.vector_store_idx %scatter3A_593[%add3A_582, %add3A_585], %mul3A_588 : memref<64x128xf32, #tpu.memory_space<vmem>>[vector<16xi32>, vector<16xi32>], vector<16xf32>,
          %add3A_594 = arith.constant 16 : i32
          %add3A_595 = vector.broadcast %add3A_594 : i32 to vector<16xi32>
          %add3A_596 = arith.addi %add3A_595, %iota3A : vector<16xi32>
          %add3A_597 = arith.constant 112 : i32
          %add3A_598 = vector.broadcast %add3A_597 : i32 to vector<16xi32>
          %add3A_599 = arith.addi %add3A_598, %and3A_181 : vector<16xi32>
          %mul3A_600 = arith.constant 8.000000e+00 : f32
          %mul3A_601 = vector.broadcast %mul3A_600 : f32 to vector<16xf32>
          %mul3A_602 = arith.mulf %gather3A_288, %mul3A_601 : vector<16xf32>
          %scatter3A_603 = arith.constant 1 : i32
          %scatter3A_604 = arith.constant 0 : i32
          %scatter3A_605 = arith.constant 0 : i32
          %scatter3A_606 = tpu.memref_slice %arg6[%scatter3A_603, %scatter3A_604, %scatter3A_605] : memref<2x64x128xf32, #tpu.memory_space<vmem>> -> memref<1x64x128xf32, #tpu.memory_space<vmem>>
          %scatter3A_607 = tpu.memref_squeeze %scatter3A_606 : memref<1x64x128xf32, #tpu.memory_space<vmem>> -> memref<64x128xf32, #tpu.memory_space<vmem>>
          tpu.vector_store_idx %scatter3A_607[%add3A_596, %add3A_599], %mul3A_602 : memref<64x128xf32, #tpu.memory_space<vmem>>[vector<16xi32>, vector<16xi32>], vector<16xf32>,
          %add3A_608 = arith.constant 32 : i32
          %add3A_609 = vector.broadcast %add3A_608 : i32 to vector<16xi32>
          %add3A_610 = arith.addi %add3A_609, %iota3A : vector<16xi32>
          %add3A_611 = arith.constant 0 : i32
          %add3A_612 = vector.broadcast %add3A_611 : i32 to vector<16xi32>
          %add3A_613 = arith.addi %add3A_612, %and3A_181 : vector<16xi32>
          %mul3A_614 = arith.constant 8.000000e+00 : f32
          %mul3A_615 = vector.broadcast %mul3A_614 : f32 to vector<16xf32>
          %mul3A_616 = arith.mulf %gather3A_294, %mul3A_615 : vector<16xf32>
          %scatter3A_617 = arith.constant 1 : i32
          %scatter3A_618 = arith.constant 0 : i32
          %scatter3A_619 = arith.constant 0 : i32
          %scatter3A_620 = tpu.memref_slice %arg6[%scatter3A_617, %scatter3A_618, %scatter3A_619] : memref<2x64x128xf32, #tpu.memory_space<vmem>> -> memref<1x64x128xf32, #tpu.memory_space<vmem>>
          %scatter3A_621 = tpu.memref_squeeze %scatter3A_620 : memref<1x64x128xf32, #tpu.memory_space<vmem>> -> memref<64x128xf32, #tpu.memory_space<vmem>>
          tpu.vector_store_idx %scatter3A_621[%add3A_610, %add3A_613], %mul3A_616 : memref<64x128xf32, #tpu.memory_space<vmem>>[vector<16xi32>, vector<16xi32>], vector<16xf32>,
          %add3A_622 = arith.constant 32 : i32
          %add3A_623 = vector.broadcast %add3A_622 : i32 to vector<16xi32>
          %add3A_624 = arith.addi %add3A_623, %iota3A : vector<16xi32>
          %add3A_625 = arith.constant 16 : i32
          %add3A_626 = vector.broadcast %add3A_625 : i32 to vector<16xi32>
          %add3A_627 = arith.addi %add3A_626, %and3A_181 : vector<16xi32>
          %mul3A_628 = arith.constant 8.000000e+00 : f32
          %mul3A_629 = vector.broadcast %mul3A_628 : f32 to vector<16xf32>
          %mul3A_630 = arith.mulf %gather3A_300, %mul3A_629 : vector<16xf32>
          %scatter3A_631 = arith.constant 1 : i32
          %scatter3A_632 = arith.constant 0 : i32
          %scatter3A_633 = arith.constant 0 : i32
          %scatter3A_634 = tpu.memref_slice %arg6[%scatter3A_631, %scatter3A_632, %scatter3A_633] : memref<2x64x128xf32, #tpu.memory_space<vmem>> -> memref<1x64x128xf32, #tpu.memory_space<vmem>>
          %scatter3A_635 = tpu.memref_squeeze %scatter3A_634 : memref<1x64x128xf32, #tpu.memory_space<vmem>> -> memref<64x128xf32, #tpu.memory_space<vmem>>
          tpu.vector_store_idx %scatter3A_635[%add3A_624, %add3A_627], %mul3A_630 : memref<64x128xf32, #tpu.memory_space<vmem>>[vector<16xi32>, vector<16xi32>], vector<16xf32>,
          %add3A_636 = arith.constant 32 : i32
          %add3A_637 = vector.broadcast %add3A_636 : i32 to vector<16xi32>
          %add3A_638 = arith.addi %add3A_637, %iota3A : vector<16xi32>
          %add3A_639 = arith.constant 32 : i32
          %add3A_640 = vector.broadcast %add3A_639 : i32 to vector<16xi32>
          %add3A_641 = arith.addi %add3A_640, %and3A_181 : vector<16xi32>
          %mul3A_642 = arith.constant 8.000000e+00 : f32
          %mul3A_643 = vector.broadcast %mul3A_642 : f32 to vector<16xf32>
          %mul3A_644 = arith.mulf %gather3A_306, %mul3A_643 : vector<16xf32>
          %scatter3A_645 = arith.constant 1 : i32
          %scatter3A_646 = arith.constant 0 : i32
          %scatter3A_647 = arith.constant 0 : i32
          %scatter3A_648 = tpu.memref_slice %arg6[%scatter3A_645, %scatter3A_646, %scatter3A_647] : memref<2x64x128xf32, #tpu.memory_space<vmem>> -> memref<1x64x128xf32, #tpu.memory_space<vmem>>
          %scatter3A_649 = tpu.memref_squeeze %scatter3A_648 : memref<1x64x128xf32, #tpu.memory_space<vmem>> -> memref<64x128xf32, #tpu.memory_space<vmem>>
          tpu.vector_store_idx %scatter3A_649[%add3A_638, %add3A_641], %mul3A_644 : memref<64x128xf32, #tpu.memory_space<vmem>>[vector<16xi32>, vector<16xi32>], vector<16xf32>,
          %add3A_650 = arith.constant 32 : i32
          %add3A_651 = vector.broadcast %add3A_650 : i32 to vector<16xi32>
          %add3A_652 = arith.addi %add3A_651, %iota3A : vector<16xi32>
          %add3A_653 = arith.constant 48 : i32
          %add3A_654 = vector.broadcast %add3A_653 : i32 to vector<16xi32>
          %add3A_655 = arith.addi %add3A_654, %and3A_181 : vector<16xi32>
          %mul3A_656 = arith.constant 8.000000e+00 : f32
          %mul3A_657 = vector.broadcast %mul3A_656 : f32 to vector<16xf32>
          %mul3A_658 = arith.mulf %gather3A_312, %mul3A_657 : vector<16xf32>
          %scatter3A_659 = arith.constant 1 : i32
          %scatter3A_660 = arith.constant 0 : i32
          %scatter3A_661 = arith.constant 0 : i32
          %scatter3A_662 = tpu.memref_slice %arg6[%scatter3A_659, %scatter3A_660, %scatter3A_661] : memref<2x64x128xf32, #tpu.memory_space<vmem>> -> memref<1x64x128xf32, #tpu.memory_space<vmem>>
          %scatter3A_663 = tpu.memref_squeeze %scatter3A_662 : memref<1x64x128xf32, #tpu.memory_space<vmem>> -> memref<64x128xf32, #tpu.memory_space<vmem>>
          tpu.vector_store_idx %scatter3A_663[%add3A_652, %add3A_655], %mul3A_658 : memref<64x128xf32, #tpu.memory_space<vmem>>[vector<16xi32>, vector<16xi32>], vector<16xf32>,
          %add3A_664 = arith.constant 32 : i32
          %add3A_665 = vector.broadcast %add3A_664 : i32 to vector<16xi32>
          %add3A_666 = arith.addi %add3A_665, %iota3A : vector<16xi32>
          %add3A_667 = arith.constant 64 : i32
          %add3A_668 = vector.broadcast %add3A_667 : i32 to vector<16xi32>
          %add3A_669 = arith.addi %add3A_668, %and3A_181 : vector<16xi32>
          %mul3A_670 = arith.constant 8.000000e+00 : f32
          %mul3A_671 = vector.broadcast %mul3A_670 : f32 to vector<16xf32>
          %mul3A_672 = arith.mulf %gather3A_318, %mul3A_671 : vector<16xf32>
          %scatter3A_673 = arith.constant 1 : i32
          %scatter3A_674 = arith.constant 0 : i32
          %scatter3A_675 = arith.constant 0 : i32
          %scatter3A_676 = tpu.memref_slice %arg6[%scatter3A_673, %scatter3A_674, %scatter3A_675] : memref<2x64x128xf32, #tpu.memory_space<vmem>> -> memref<1x64x128xf32, #tpu.memory_space<vmem>>
          %scatter3A_677 = tpu.memref_squeeze %scatter3A_676 : memref<1x64x128xf32, #tpu.memory_space<vmem>> -> memref<64x128xf32, #tpu.memory_space<vmem>>
          tpu.vector_store_idx %scatter3A_677[%add3A_666, %add3A_669], %mul3A_672 : memref<64x128xf32, #tpu.memory_space<vmem>>[vector<16xi32>, vector<16xi32>], vector<16xf32>,
          %add3A_678 = arith.constant 32 : i32
          %add3A_679 = vector.broadcast %add3A_678 : i32 to vector<16xi32>
          %add3A_680 = arith.addi %add3A_679, %iota3A : vector<16xi32>
          %add3A_681 = arith.constant 80 : i32
          %add3A_682 = vector.broadcast %add3A_681 : i32 to vector<16xi32>
          %add3A_683 = arith.addi %add3A_682, %and3A_181 : vector<16xi32>
          %mul3A_684 = arith.constant 8.000000e+00 : f32
          %mul3A_685 = vector.broadcast %mul3A_684 : f32 to vector<16xf32>
          %mul3A_686 = arith.mulf %gather3A_324, %mul3A_685 : vector<16xf32>
          %scatter3A_687 = arith.constant 1 : i32
          %scatter3A_688 = arith.constant 0 : i32
          %scatter3A_689 = arith.constant 0 : i32
          %scatter3A_690 = tpu.memref_slice %arg6[%scatter3A_687, %scatter3A_688, %scatter3A_689] : memref<2x64x128xf32, #tpu.memory_space<vmem>> -> memref<1x64x128xf32, #tpu.memory_space<vmem>>
          %scatter3A_691 = tpu.memref_squeeze %scatter3A_690 : memref<1x64x128xf32, #tpu.memory_space<vmem>> -> memref<64x128xf32, #tpu.memory_space<vmem>>
          tpu.vector_store_idx %scatter3A_691[%add3A_680, %add3A_683], %mul3A_686 : memref<64x128xf32, #tpu.memory_space<vmem>>[vector<16xi32>, vector<16xi32>], vector<16xf32>,
          %add3A_692 = arith.constant 32 : i32
          %add3A_693 = vector.broadcast %add3A_692 : i32 to vector<16xi32>
          %add3A_694 = arith.addi %add3A_693, %iota3A : vector<16xi32>
          %add3A_695 = arith.constant 96 : i32
          %add3A_696 = vector.broadcast %add3A_695 : i32 to vector<16xi32>
          %add3A_697 = arith.addi %add3A_696, %and3A_181 : vector<16xi32>
          %mul3A_698 = arith.constant 8.000000e+00 : f32
          %mul3A_699 = vector.broadcast %mul3A_698 : f32 to vector<16xf32>
          %mul3A_700 = arith.mulf %gather3A_330, %mul3A_699 : vector<16xf32>
          %scatter3A_701 = arith.constant 1 : i32
          %scatter3A_702 = arith.constant 0 : i32
          %scatter3A_703 = arith.constant 0 : i32
          %scatter3A_704 = tpu.memref_slice %arg6[%scatter3A_701, %scatter3A_702, %scatter3A_703] : memref<2x64x128xf32, #tpu.memory_space<vmem>> -> memref<1x64x128xf32, #tpu.memory_space<vmem>>
          %scatter3A_705 = tpu.memref_squeeze %scatter3A_704 : memref<1x64x128xf32, #tpu.memory_space<vmem>> -> memref<64x128xf32, #tpu.memory_space<vmem>>
          tpu.vector_store_idx %scatter3A_705[%add3A_694, %add3A_697], %mul3A_700 : memref<64x128xf32, #tpu.memory_space<vmem>>[vector<16xi32>, vector<16xi32>], vector<16xf32>,
          %add3A_706 = arith.constant 32 : i32
          %add3A_707 = vector.broadcast %add3A_706 : i32 to vector<16xi32>
          %add3A_708 = arith.addi %add3A_707, %iota3A : vector<16xi32>
          %add3A_709 = arith.constant 112 : i32
          %add3A_710 = vector.broadcast %add3A_709 : i32 to vector<16xi32>
          %add3A_711 = arith.addi %add3A_710, %and3A_181 : vector<16xi32>
          %mul3A_712 = arith.constant 8.000000e+00 : f32
          %mul3A_713 = vector.broadcast %mul3A_712 : f32 to vector<16xf32>
          %mul3A_714 = arith.mulf %gather3A_336, %mul3A_713 : vector<16xf32>
          %scatter3A_715 = arith.constant 1 : i32
          %scatter3A_716 = arith.constant 0 : i32
          %scatter3A_717 = arith.constant 0 : i32
          %scatter3A_718 = tpu.memref_slice %arg6[%scatter3A_715, %scatter3A_716, %scatter3A_717] : memref<2x64x128xf32, #tpu.memory_space<vmem>> -> memref<1x64x128xf32, #tpu.memory_space<vmem>>
          %scatter3A_719 = tpu.memref_squeeze %scatter3A_718 : memref<1x64x128xf32, #tpu.memory_space<vmem>> -> memref<64x128xf32, #tpu.memory_space<vmem>>
          tpu.vector_store_idx %scatter3A_719[%add3A_708, %add3A_711], %mul3A_714 : memref<64x128xf32, #tpu.memory_space<vmem>>[vector<16xi32>, vector<16xi32>], vector<16xf32>,
          %add3A_720 = arith.constant 48 : i32
          %add3A_721 = vector.broadcast %add3A_720 : i32 to vector<16xi32>
          %add3A_722 = arith.addi %add3A_721, %iota3A : vector<16xi32>
          %add3A_723 = arith.constant 0 : i32
          %add3A_724 = vector.broadcast %add3A_723 : i32 to vector<16xi32>
          %add3A_725 = arith.addi %add3A_724, %and3A_181 : vector<16xi32>
          %mul3A_726 = arith.constant 8.000000e+00 : f32
          %mul3A_727 = vector.broadcast %mul3A_726 : f32 to vector<16xf32>
          %mul3A_728 = arith.mulf %gather3A_342, %mul3A_727 : vector<16xf32>
          %scatter3A_729 = arith.constant 1 : i32
          %scatter3A_730 = arith.constant 0 : i32
          %scatter3A_731 = arith.constant 0 : i32
          %scatter3A_732 = tpu.memref_slice %arg6[%scatter3A_729, %scatter3A_730, %scatter3A_731] : memref<2x64x128xf32, #tpu.memory_space<vmem>> -> memref<1x64x128xf32, #tpu.memory_space<vmem>>
          %scatter3A_733 = tpu.memref_squeeze %scatter3A_732 : memref<1x64x128xf32, #tpu.memory_space<vmem>> -> memref<64x128xf32, #tpu.memory_space<vmem>>
          tpu.vector_store_idx %scatter3A_733[%add3A_722, %add3A_725], %mul3A_728 : memref<64x128xf32, #tpu.memory_space<vmem>>[vector<16xi32>, vector<16xi32>], vector<16xf32>,
          %add3A_734 = arith.constant 48 : i32
          %add3A_735 = vector.broadcast %add3A_734 : i32 to vector<16xi32>
          %add3A_736 = arith.addi %add3A_735, %iota3A : vector<16xi32>
          %add3A_737 = arith.constant 16 : i32
          %add3A_738 = vector.broadcast %add3A_737 : i32 to vector<16xi32>
          %add3A_739 = arith.addi %add3A_738, %and3A_181 : vector<16xi32>
          %mul3A_740 = arith.constant 8.000000e+00 : f32
          %mul3A_741 = vector.broadcast %mul3A_740 : f32 to vector<16xf32>
          %mul3A_742 = arith.mulf %gather3A_348, %mul3A_741 : vector<16xf32>
          %scatter3A_743 = arith.constant 1 : i32
          %scatter3A_744 = arith.constant 0 : i32
          %scatter3A_745 = arith.constant 0 : i32
          %scatter3A_746 = tpu.memref_slice %arg6[%scatter3A_743, %scatter3A_744, %scatter3A_745] : memref<2x64x128xf32, #tpu.memory_space<vmem>> -> memref<1x64x128xf32, #tpu.memory_space<vmem>>
          %scatter3A_747 = tpu.memref_squeeze %scatter3A_746 : memref<1x64x128xf32, #tpu.memory_space<vmem>> -> memref<64x128xf32, #tpu.memory_space<vmem>>
          tpu.vector_store_idx %scatter3A_747[%add3A_736, %add3A_739], %mul3A_742 : memref<64x128xf32, #tpu.memory_space<vmem>>[vector<16xi32>, vector<16xi32>], vector<16xf32>,
          %add3A_748 = arith.constant 48 : i32
          %add3A_749 = vector.broadcast %add3A_748 : i32 to vector<16xi32>
          %add3A_750 = arith.addi %add3A_749, %iota3A : vector<16xi32>
          %add3A_751 = arith.constant 32 : i32
          %add3A_752 = vector.broadcast %add3A_751 : i32 to vector<16xi32>
          %add3A_753 = arith.addi %add3A_752, %and3A_181 : vector<16xi32>
          %mul3A_754 = arith.constant 8.000000e+00 : f32
          %mul3A_755 = vector.broadcast %mul3A_754 : f32 to vector<16xf32>
          %mul3A_756 = arith.mulf %gather3A_354, %mul3A_755 : vector<16xf32>
          %scatter3A_757 = arith.constant 1 : i32
          %scatter3A_758 = arith.constant 0 : i32
          %scatter3A_759 = arith.constant 0 : i32
          %scatter3A_760 = tpu.memref_slice %arg6[%scatter3A_757, %scatter3A_758, %scatter3A_759] : memref<2x64x128xf32, #tpu.memory_space<vmem>> -> memref<1x64x128xf32, #tpu.memory_space<vmem>>
          %scatter3A_761 = tpu.memref_squeeze %scatter3A_760 : memref<1x64x128xf32, #tpu.memory_space<vmem>> -> memref<64x128xf32, #tpu.memory_space<vmem>>
          tpu.vector_store_idx %scatter3A_761[%add3A_750, %add3A_753], %mul3A_756 : memref<64x128xf32, #tpu.memory_space<vmem>>[vector<16xi32>, vector<16xi32>], vector<16xf32>,
          %add3A_762 = arith.constant 48 : i32
          %add3A_763 = vector.broadcast %add3A_762 : i32 to vector<16xi32>
          %add3A_764 = arith.addi %add3A_763, %iota3A : vector<16xi32>
          %add3A_765 = arith.constant 48 : i32
          %add3A_766 = vector.broadcast %add3A_765 : i32 to vector<16xi32>
          %add3A_767 = arith.addi %add3A_766, %and3A_181 : vector<16xi32>
          %mul3A_768 = arith.constant 8.000000e+00 : f32
          %mul3A_769 = vector.broadcast %mul3A_768 : f32 to vector<16xf32>
          %mul3A_770 = arith.mulf %gather3A_360, %mul3A_769 : vector<16xf32>
          %scatter3A_771 = arith.constant 1 : i32
          %scatter3A_772 = arith.constant 0 : i32
          %scatter3A_773 = arith.constant 0 : i32
          %scatter3A_774 = tpu.memref_slice %arg6[%scatter3A_771, %scatter3A_772, %scatter3A_773] : memref<2x64x128xf32, #tpu.memory_space<vmem>> -> memref<1x64x128xf32, #tpu.memory_space<vmem>>
          %scatter3A_775 = tpu.memref_squeeze %scatter3A_774 : memref<1x64x128xf32, #tpu.memory_space<vmem>> -> memref<64x128xf32, #tpu.memory_space<vmem>>
          tpu.vector_store_idx %scatter3A_775[%add3A_764, %add3A_767], %mul3A_770 : memref<64x128xf32, #tpu.memory_space<vmem>>[vector<16xi32>, vector<16xi32>], vector<16xf32>,
          %add3A_776 = arith.constant 48 : i32
          %add3A_777 = vector.broadcast %add3A_776 : i32 to vector<16xi32>
          %add3A_778 = arith.addi %add3A_777, %iota3A : vector<16xi32>
          %add3A_779 = arith.constant 64 : i32
          %add3A_780 = vector.broadcast %add3A_779 : i32 to vector<16xi32>
          %add3A_781 = arith.addi %add3A_780, %and3A_181 : vector<16xi32>
          %mul3A_782 = arith.constant 8.000000e+00 : f32
          %mul3A_783 = vector.broadcast %mul3A_782 : f32 to vector<16xf32>
          %mul3A_784 = arith.mulf %gather3A_366, %mul3A_783 : vector<16xf32>
          %scatter3A_785 = arith.constant 1 : i32
          %scatter3A_786 = arith.constant 0 : i32
          %scatter3A_787 = arith.constant 0 : i32
          %scatter3A_788 = tpu.memref_slice %arg6[%scatter3A_785, %scatter3A_786, %scatter3A_787] : memref<2x64x128xf32, #tpu.memory_space<vmem>> -> memref<1x64x128xf32, #tpu.memory_space<vmem>>
          %scatter3A_789 = tpu.memref_squeeze %scatter3A_788 : memref<1x64x128xf32, #tpu.memory_space<vmem>> -> memref<64x128xf32, #tpu.memory_space<vmem>>
          tpu.vector_store_idx %scatter3A_789[%add3A_778, %add3A_781], %mul3A_784 : memref<64x128xf32, #tpu.memory_space<vmem>>[vector<16xi32>, vector<16xi32>], vector<16xf32>,
          %add3A_790 = arith.constant 48 : i32
          %add3A_791 = vector.broadcast %add3A_790 : i32 to vector<16xi32>
          %add3A_792 = arith.addi %add3A_791, %iota3A : vector<16xi32>
          %add3A_793 = arith.constant 80 : i32
          %add3A_794 = vector.broadcast %add3A_793 : i32 to vector<16xi32>
          %add3A_795 = arith.addi %add3A_794, %and3A_181 : vector<16xi32>
          %mul3A_796 = arith.constant 8.000000e+00 : f32
          %mul3A_797 = vector.broadcast %mul3A_796 : f32 to vector<16xf32>
          %mul3A_798 = arith.mulf %gather3A_372, %mul3A_797 : vector<16xf32>
          %scatter3A_799 = arith.constant 1 : i32
          %scatter3A_800 = arith.constant 0 : i32
          %scatter3A_801 = arith.constant 0 : i32
          %scatter3A_802 = tpu.memref_slice %arg6[%scatter3A_799, %scatter3A_800, %scatter3A_801] : memref<2x64x128xf32, #tpu.memory_space<vmem>> -> memref<1x64x128xf32, #tpu.memory_space<vmem>>
          %scatter3A_803 = tpu.memref_squeeze %scatter3A_802 : memref<1x64x128xf32, #tpu.memory_space<vmem>> -> memref<64x128xf32, #tpu.memory_space<vmem>>
          tpu.vector_store_idx %scatter3A_803[%add3A_792, %add3A_795], %mul3A_798 : memref<64x128xf32, #tpu.memory_space<vmem>>[vector<16xi32>, vector<16xi32>], vector<16xf32>,
          %add3A_804 = arith.constant 48 : i32
          %add3A_805 = vector.broadcast %add3A_804 : i32 to vector<16xi32>
          %add3A_806 = arith.addi %add3A_805, %iota3A : vector<16xi32>
          %add3A_807 = arith.constant 96 : i32
          %add3A_808 = vector.broadcast %add3A_807 : i32 to vector<16xi32>
          %add3A_809 = arith.addi %add3A_808, %and3A_181 : vector<16xi32>
          %mul3A_810 = arith.constant 8.000000e+00 : f32
          %mul3A_811 = vector.broadcast %mul3A_810 : f32 to vector<16xf32>
          %mul3A_812 = arith.mulf %gather3A_378, %mul3A_811 : vector<16xf32>
          %scatter3A_813 = arith.constant 1 : i32
          %scatter3A_814 = arith.constant 0 : i32
          %scatter3A_815 = arith.constant 0 : i32
          %scatter3A_816 = tpu.memref_slice %arg6[%scatter3A_813, %scatter3A_814, %scatter3A_815] : memref<2x64x128xf32, #tpu.memory_space<vmem>> -> memref<1x64x128xf32, #tpu.memory_space<vmem>>
          %scatter3A_817 = tpu.memref_squeeze %scatter3A_816 : memref<1x64x128xf32, #tpu.memory_space<vmem>> -> memref<64x128xf32, #tpu.memory_space<vmem>>
          tpu.vector_store_idx %scatter3A_817[%add3A_806, %add3A_809], %mul3A_812 : memref<64x128xf32, #tpu.memory_space<vmem>>[vector<16xi32>, vector<16xi32>], vector<16xf32>,
          %add3A_818 = arith.constant 48 : i32
          %add3A_819 = vector.broadcast %add3A_818 : i32 to vector<16xi32>
          %add3A_820 = arith.addi %add3A_819, %iota3A : vector<16xi32>
          %add3A_821 = arith.constant 112 : i32
          %add3A_822 = vector.broadcast %add3A_821 : i32 to vector<16xi32>
          %add3A_823 = arith.addi %add3A_822, %and3A_181 : vector<16xi32>
          %mul3A_824 = arith.constant 8.000000e+00 : f32
          %mul3A_825 = vector.broadcast %mul3A_824 : f32 to vector<16xf32>
          %mul3A_826 = arith.mulf %gather3A_384, %mul3A_825 : vector<16xf32>
          %scatter3A_827 = arith.constant 1 : i32
          %scatter3A_828 = arith.constant 0 : i32
          %scatter3A_829 = arith.constant 0 : i32
          %scatter3A_830 = tpu.memref_slice %arg6[%scatter3A_827, %scatter3A_828, %scatter3A_829] : memref<2x64x128xf32, #tpu.memory_space<vmem>> -> memref<1x64x128xf32, #tpu.memory_space<vmem>>
          %scatter3A_831 = tpu.memref_squeeze %scatter3A_830 : memref<1x64x128xf32, #tpu.memory_space<vmem>> -> memref<64x128xf32, #tpu.memory_space<vmem>>
          tpu.vector_store_idx %scatter3A_831[%add3A_820, %add3A_823], %mul3A_826 : memref<64x128xf32, #tpu.memory_space<vmem>>[vector<16xi32>, vector<16xi32>], vector<16xf32>,
        }
        %scan3A_176 = arith.constant 16 : i32
      } else {
      }
      %add3A_113 = arith.constant 1 : i32
      %add3A_114 = arith.addi %mul3A_39, %add3A_113 : i32
      %mul3A_115 = arith.constant 32 : i32
      %mul3A_116 = arith.muli %add3A_114, %mul3A_115 : i32
      %add3A_117 = arith.addi %add3A, %mul3A_116 : i32
      %lt3A_118 = arith.constant 7812 : i32
      %lt3A_119 = arith.cmpi slt, %add3A_117, %lt3A_118 : i32
      %convert_element_type3A_120 = arith.extui %lt3A_119 : i1 to i32
      %cond3A_121 = arith.constant 0 : i32
      %cond3A_122 = arith.cmpi ne, %convert_element_type3A_120, %cond3A_121 : i32
      scf.if %cond3A_122 {
        %add3A_123 = arith.constant 1 : i32
        %add3A_124 = arith.addi %mul3A_39, %add3A_123 : i32
        %mul3A_125 = arith.constant 32 : i32
        %mul3A_126 = arith.muli %add3A_124, %mul3A_125 : i32
        %add3A_127 = arith.addi %add3A, %mul3A_126 : i32
        %mul3A_128 = arith.constant 64 : i32
        %mul3A_129 = arith.muli %add3A_127, %mul3A_128 : i32
        %dma_start3A_130 = arith.constant 1 : i32
        %dma_start3A_131 = arith.constant 0 : i32
        %dma_start3A_132 = arith.constant 0 : i32
        %dma_start3A_133 = tpu.memref_slice %arg6[%dma_start3A_130, %dma_start3A_131, %dma_start3A_132] : memref<2x64x128xf32, #tpu.memory_space<vmem>> -> memref<1x64x128xf32, #tpu.memory_space<vmem>>
        %dma_start3A_134 = tpu.memref_squeeze %dma_start3A_133 : memref<1x64x128xf32, #tpu.memory_space<vmem>> -> memref<64x128xf32, #tpu.memory_space<vmem>>
        %dma_start3A_135 = arith.constant 0 : i32
        %dma_start3A_136 = tpu.memref_slice %arg4[%mul3A_129, %dma_start3A_135] : memref<500000x128xf32, #tpu.memory_space<hbm>> -> memref<64x128xf32, #tpu.memory_space<hbm>>
        %dma_start3A_137 = arith.constant 0 : i32
        %dma_start3A_138 = tpu.memref_slice %arg4[%mul3A_129, %dma_start3A_137] : memref<500000x128xf32, #tpu.memory_space<hbm>> -> memref<64x128xf32, #tpu.memory_space<hbm>>
        %dma_start3A_139 = arith.constant 0 : i32
        %dma_start3A_140 = arith.constant 0 : i32
        %dma_start3A_141 = tpu.memref_slice %arg6[%dma_start3A_130, %dma_start3A_139, %dma_start3A_140] : memref<2x64x128xf32, #tpu.memory_space<vmem>> -> memref<1x64x128xf32, #tpu.memory_space<vmem>>
        %dma_start3A_142 = tpu.memref_squeeze %dma_start3A_141 : memref<1x64x128xf32, #tpu.memory_space<vmem>> -> memref<64x128xf32, #tpu.memory_space<vmem>>
        tpu.enqueue_dma source(%dma_start3A_142 : memref<64x128xf32, #tpu.memory_space<vmem>>) target(%dma_start3A_138 : memref<64x128xf32, #tpu.memory_space<hbm>>) target_semaphore(%arg10 : memref<!tpu.dma_semaphore, #tpu.memory_space<semaphore_mem>>)
      } else {
      }
    }
    %scan3A_21 = arith.constant 123 : i32
    %add3A_22 = arith.constant 7808 : i32
    %add3A_23 = arith.addi %add3A, %add3A_22 : i32
    %lt3A = arith.constant 7812 : i32
    %lt3A_24 = arith.cmpi slt, %add3A_23, %lt3A : i32
    %convert_element_type3A = arith.extui %lt3A_24 : i1 to i32
    %cond3A = arith.constant 0 : i32
    %cond3A_25 = arith.cmpi ne, %convert_element_type3A, %cond3A : i32
    scf.if %cond3A_25 {
      %add3A_37 = arith.constant 7808 : i32
      %add3A_38 = arith.addi %add3A, %add3A_37 : i32
      %mul3A_39 = arith.constant 64 : i32
      %mul3A_40 = arith.muli %add3A_38, %mul3A_39 : i32
      %dma_wait3A = arith.constant 0 : i32
      %dma_wait3A_41 = arith.constant 0 : i32
      %dma_wait3A_42 = arith.constant 0 : i32
      %dma_wait3A_43 = tpu.memref_slice %arg6[%dma_wait3A, %dma_wait3A_41, %dma_wait3A_42] : memref<2x64x128xf32, #tpu.memory_space<vmem>> -> memref<1x64x128xf32, #tpu.memory_space<vmem>>
      %dma_wait3A_44 = tpu.memref_squeeze %dma_wait3A_43 : memref<1x64x128xf32, #tpu.memory_space<vmem>> -> memref<64x128xf32, #tpu.memory_space<vmem>>
      %dma_wait3A_45 = arith.constant 0 : i32
      %dma_wait3A_46 = tpu.memref_slice %arg4[%mul3A_40, %dma_wait3A_45] : memref<500000x128xf32, #tpu.memory_space<hbm>> -> memref<64x128xf32, #tpu.memory_space<hbm>>
      %dma_wait3A_47 = arith.constant 0 : i32
      %dma_wait3A_48 = tpu.memref_slice %arg4[%mul3A_40, %dma_wait3A_47] : memref<500000x128xf32, #tpu.memory_space<hbm>> -> memref<64x128xf32, #tpu.memory_space<hbm>>
      %dma_wait3A_49 = arith.constant 0 : i32
      %dma_wait3A_50 = arith.constant 0 : i32
      %dma_wait3A_51 = tpu.memref_slice %arg6[%dma_wait3A, %dma_wait3A_49, %dma_wait3A_50] : memref<2x64x128xf32, #tpu.memory_space<vmem>> -> memref<1x64x128xf32, #tpu.memory_space<vmem>>
      %dma_wait3A_52 = tpu.memref_squeeze %dma_wait3A_51 : memref<1x64x128xf32, #tpu.memory_space<vmem>> -> memref<64x128xf32, #tpu.memory_space<vmem>>
      tpu.wait_dma2 semaphore(%arg9 : memref<!tpu.dma_semaphore, #tpu.memory_space<semaphore_mem>>) src(%dma_wait3A_52 : memref<64x128xf32, #tpu.memory_space<vmem>>) dst(%dma_wait3A_48 : memref<64x128xf32, #tpu.memory_space<hbm>>)
    } else {
    }
    %add3A_26 = arith.constant 7840 : i32
    %add3A_27 = arith.addi %add3A, %add3A_26 : i32
    %lt3A_28 = arith.constant 7812 : i32
    %lt3A_29 = arith.cmpi slt, %add3A_27, %lt3A_28 : i32
    %convert_element_type3A_30 = arith.extui %lt3A_29 : i1 to i32
    %cond3A_31 = arith.constant 0 : i32
    %cond3A_32 = arith.cmpi ne, %convert_element_type3A_30, %cond3A_31 : i32
    scf.if %cond3A_32 {
      %add3A_37 = arith.constant 7840 : i32
      %add3A_38 = arith.addi %add3A, %add3A_37 : i32
      %mul3A_39 = arith.constant 64 : i32
      %mul3A_40 = arith.muli %add3A_38, %mul3A_39 : i32
      %dma_wait3A = arith.constant 1 : i32
      %dma_wait3A_41 = arith.constant 0 : i32
      %dma_wait3A_42 = arith.constant 0 : i32
      %dma_wait3A_43 = tpu.memref_slice %arg6[%dma_wait3A, %dma_wait3A_41, %dma_wait3A_42] : memref<2x64x128xf32, #tpu.memory_space<vmem>> -> memref<1x64x128xf32, #tpu.memory_space<vmem>>
      %dma_wait3A_44 = tpu.memref_squeeze %dma_wait3A_43 : memref<1x64x128xf32, #tpu.memory_space<vmem>> -> memref<64x128xf32, #tpu.memory_space<vmem>>
      %dma_wait3A_45 = arith.constant 0 : i32
      %dma_wait3A_46 = tpu.memref_slice %arg4[%mul3A_40, %dma_wait3A_45] : memref<500000x128xf32, #tpu.memory_space<hbm>> -> memref<64x128xf32, #tpu.memory_space<hbm>>
      %dma_wait3A_47 = arith.constant 0 : i32
      %dma_wait3A_48 = tpu.memref_slice %arg4[%mul3A_40, %dma_wait3A_47] : memref<500000x128xf32, #tpu.memory_space<hbm>> -> memref<64x128xf32, #tpu.memory_space<hbm>>
      %dma_wait3A_49 = arith.constant 0 : i32
      %dma_wait3A_50 = arith.constant 0 : i32
      %dma_wait3A_51 = tpu.memref_slice %arg6[%dma_wait3A, %dma_wait3A_49, %dma_wait3A_50] : memref<2x64x128xf32, #tpu.memory_space<vmem>> -> memref<1x64x128xf32, #tpu.memory_space<vmem>>
      %dma_wait3A_52 = tpu.memref_squeeze %dma_wait3A_51 : memref<1x64x128xf32, #tpu.memory_space<vmem>> -> memref<64x128xf32, #tpu.memory_space<vmem>>
      tpu.wait_dma2 semaphore(%arg10 : memref<!tpu.dma_semaphore, #tpu.memory_space<semaphore_mem>>) src(%dma_wait3A_52 : memref<64x128xf32, #tpu.memory_space<vmem>>) dst(%dma_wait3A_48 : memref<64x128xf32, #tpu.memory_space<hbm>>)
    } else {
    }
    %eq3A = arith.constant 0 : i32
    %eq3A_33 = arith.cmpi eq, %add3A, %eq3A : i32
    %convert_element_type3A_34 = arith.extui %eq3A_33 : i1 to i32
    %cond3A_35 = arith.constant 0 : i32
    %cond3A_36 = arith.cmpi ne, %convert_element_type3A_34, %cond3A_35 : i32
    scf.if %cond3A_36 {
      %run_scoped3A = arith.constant 0 : i32
      "tpu.region"() ({
        %run_scoped3A_38 = tpu.sem_alloc : memref<!tpu.dma_semaphore, #tpu.memory_space<semaphore_mem>>
        %dma_start3A_39 = arith.constant 0 : i32
        %dma_start3A_40 = arith.constant 0 : i32
        %dma_start3A_41 = tpu.memref_slice %arg5[%run_scoped3A, %dma_start3A_39, %dma_start3A_40] : memref<2x64x128xf32, #tpu.memory_space<vmem>> -> memref<1x32x128xf32, #tpu.memory_space<vmem>>
        %dma_start3A_42 = tpu.memref_squeeze %dma_start3A_41 : memref<1x32x128xf32, #tpu.memory_space<vmem>> -> memref<32x128xf32, #tpu.memory_space<vmem>>
        %dma_start3A_43 = arith.constant 0 : i32
        %dma_start3A_44 = arith.constant 0 : i32
        %dma_start3A_45 = tpu.memref_slice %arg5[%run_scoped3A, %dma_start3A_43, %dma_start3A_44] : memref<2x64x128xf32, #tpu.memory_space<vmem>> -> memref<1x32x128xf32, #tpu.memory_space<vmem>>
        %dma_start3A_46 = tpu.memref_squeeze %dma_start3A_45 : memref<1x32x128xf32, #tpu.memory_space<vmem>> -> memref<32x128xf32, #tpu.memory_space<vmem>>
        tpu.enqueue_dma source(%arg3 : memref<32x128xf32, #tpu.memory_space<hbm>>) target(%dma_start3A_46 : memref<32x128xf32, #tpu.memory_space<vmem>>) target_semaphore(%run_scoped3A_38 : memref<!tpu.dma_semaphore, #tpu.memory_space<semaphore_mem>>)
        %dma_wait3A = arith.constant 0 : i32
        %dma_wait3A_47 = arith.constant 0 : i32
        %dma_wait3A_48 = tpu.memref_slice %arg5[%run_scoped3A, %dma_wait3A, %dma_wait3A_47] : memref<2x64x128xf32, #tpu.memory_space<vmem>> -> memref<1x32x128xf32, #tpu.memory_space<vmem>>
        %dma_wait3A_49 = tpu.memref_squeeze %dma_wait3A_48 : memref<1x32x128xf32, #tpu.memory_space<vmem>> -> memref<32x128xf32, #tpu.memory_space<vmem>>
        %dma_wait3A_50 = arith.constant 0 : i32
        %dma_wait3A_51 = arith.constant 0 : i32
        %dma_wait3A_52 = tpu.memref_slice %arg5[%run_scoped3A, %dma_wait3A_50, %dma_wait3A_51] : memref<2x64x128xf32, #tpu.memory_space<vmem>> -> memref<1x32x128xf32, #tpu.memory_space<vmem>>
        %dma_wait3A_53 = tpu.memref_squeeze %dma_wait3A_52 : memref<1x32x128xf32, #tpu.memory_space<vmem>> -> memref<32x128xf32, #tpu.memory_space<vmem>>
        tpu.wait_dma2 semaphore(%run_scoped3A_38 : memref<!tpu.dma_semaphore, #tpu.memory_space<semaphore_mem>>) src(%arg3 : memref<32x128xf32, #tpu.memory_space<hbm>>) dst(%dma_wait3A_53 : memref<32x128xf32, #tpu.memory_space<vmem>>)
        tpu.yield
      }) : () -> ()
      %run_scoped3A_37 = arith.constant 0 : i32
      "tpu.region"() ({
        %run_scoped3A_38 = tpu.sem_alloc : memref<!tpu.dma_semaphore, #tpu.memory_space<semaphore_mem>>
        %dma_start3A_39 = arith.constant 0 : i32
        %dma_start3A_40 = arith.constant 0 : i32
        %dma_start3A_41 = tpu.memref_slice %arg5[%run_scoped3A_37, %dma_start3A_39, %dma_start3A_40] : memref<2x64x128xf32, #tpu.memory_space<vmem>> -> memref<1x32x128xf32, #tpu.memory_space<vmem>>
        %dma_start3A_42 = tpu.memref_squeeze %dma_start3A_41 : memref<1x32x128xf32, #tpu.memory_space<vmem>> -> memref<32x128xf32, #tpu.memory_space<vmem>>
        %dma_start3A_43 = arith.constant 499968 : i32
        %dma_start3A_44 = arith.constant 0 : i32
        %dma_start3A_45 = tpu.memref_slice %arg4[%dma_start3A_43, %dma_start3A_44] : memref<500000x128xf32, #tpu.memory_space<hbm>> -> memref<32x128xf32, #tpu.memory_space<hbm>>
        %dma_start3A_46 = arith.constant 499968 : i32
        %dma_start3A_47 = arith.constant 0 : i32
        %dma_start3A_48 = tpu.memref_slice %arg4[%dma_start3A_46, %dma_start3A_47] : memref<500000x128xf32, #tpu.memory_space<hbm>> -> memref<32x128xf32, #tpu.memory_space<hbm>>
        %dma_start3A_49 = arith.constant 0 : i32
        %dma_start3A_50 = arith.constant 0 : i32
        %dma_start3A_51 = tpu.memref_slice %arg5[%run_scoped3A_37, %dma_start3A_49, %dma_start3A_50] : memref<2x64x128xf32, #tpu.memory_space<vmem>> -> memref<1x32x128xf32, #tpu.memory_space<vmem>>
        %dma_start3A_52 = tpu.memref_squeeze %dma_start3A_51 : memref<1x32x128xf32, #tpu.memory_space<vmem>> -> memref<32x128xf32, #tpu.memory_space<vmem>>
        tpu.enqueue_dma source(%dma_start3A_52 : memref<32x128xf32, #tpu.memory_space<vmem>>) target(%dma_start3A_48 : memref<32x128xf32, #tpu.memory_space<hbm>>) target_semaphore(%run_scoped3A_38 : memref<!tpu.dma_semaphore, #tpu.memory_space<semaphore_mem>>)
        %dma_wait3A = arith.constant 0 : i32
        %dma_wait3A_53 = arith.constant 0 : i32
        %dma_wait3A_54 = tpu.memref_slice %arg5[%run_scoped3A_37, %dma_wait3A, %dma_wait3A_53] : memref<2x64x128xf32, #tpu.memory_space<vmem>> -> memref<1x32x128xf32, #tpu.memory_space<vmem>>
        %dma_wait3A_55 = tpu.memref_squeeze %dma_wait3A_54 : memref<1x32x128xf32, #tpu.memory_space<vmem>> -> memref<32x128xf32, #tpu.memory_space<vmem>>
        %dma_wait3A_56 = arith.constant 499968 : i32
        %dma_wait3A_57 = arith.constant 0 : i32
        %dma_wait3A_58 = tpu.memref_slice %arg4[%dma_wait3A_56, %dma_wait3A_57] : memref<500000x128xf32, #tpu.memory_space<hbm>> -> memref<32x128xf32, #tpu.memory_space<hbm>>
        %dma_wait3A_59 = arith.constant 499968 : i32
        %dma_wait3A_60 = arith.constant 0 : i32
        %dma_wait3A_61 = tpu.memref_slice %arg4[%dma_wait3A_59, %dma_wait3A_60] : memref<500000x128xf32, #tpu.memory_space<hbm>> -> memref<32x128xf32, #tpu.memory_space<hbm>>
        %dma_wait3A_62 = arith.constant 0 : i32
        %dma_wait3A_63 = arith.constant 0 : i32
        %dma_wait3A_64 = tpu.memref_slice %arg5[%run_scoped3A_37, %dma_wait3A_62, %dma_wait3A_63] : memref<2x64x128xf32, #tpu.memory_space<vmem>> -> memref<1x32x128xf32, #tpu.memory_space<vmem>>
        %dma_wait3A_65 = tpu.memref_squeeze %dma_wait3A_64 : memref<1x32x128xf32, #tpu.memory_space<vmem>> -> memref<32x128xf32, #tpu.memory_space<vmem>>
        tpu.wait_dma2 semaphore(%run_scoped3A_38 : memref<!tpu.dma_semaphore, #tpu.memory_space<semaphore_mem>>) src(%dma_wait3A_65 : memref<32x128xf32, #tpu.memory_space<vmem>>) dst(%dma_wait3A_61 : memref<32x128xf32, #tpu.memory_space<hbm>>)
        tpu.yield
      }) : () -> ()
    } else {
    }
    return
  }
}

#map = affine_map<(d0, d1) -> (0, 0)>
#map1 = affine_map<(d0, d1) -> (0, 0, 0)>
module attributes {stable_mosaic.version = 14 : i64} {
  func.func @sc_embed(%arg0: i32, %arg1: i32, %arg2: memref<200x4096xi32, #tpu.memory_space<hbm>>, %arg3: memref<500000x128xf32, #tpu.memory_space<hbm>>, %arg4: memref<200x64x4096xf32, #tpu.memory_space<hbm>>, %arg5: memref<200x128xi32, #tpu.memory_space<vmem>>, %arg6: memref<200x128xi32, #tpu.memory_space<vmem>>, %arg7: memref<2x128x128xf32, #tpu.memory_space<vmem>>, %arg8: memref<2x64x128xf32, #tpu.memory_space<vmem>>, %arg9: memref<!tpu.dma_semaphore, #tpu.memory_space<semaphore_mem>>, %arg10: memref<!tpu.dma_semaphore, #tpu.memory_space<semaphore_mem>>, %arg11: memref<!tpu.dma_semaphore, #tpu.memory_space<semaphore_mem>>, %arg12: memref<!tpu.dma_semaphore, #tpu.memory_space<semaphore_mem>>) attributes {dimension_semantics = [#tpu.dimension_semantics<core_parallel>, #tpu.dimension_semantics<subcore_parallel>], iteration_bounds = array<i64: 2, 16>, scalar_prefetch = 0 : i64, scratch_operands = 8 : i64, tpu.core_type = #tpu.core_type<sc_vector_subcore>, window_params = [{transform_indices = #map}, {transform_indices = #map}, {transform_indices = #map1}]} {
    %mul3A = arith.constant 2 : i32
    %mul3A_0 = arith.muli %arg1, %mul3A : i32
    %add3A = arith.addi %mul3A_0, %arg0 : i32
    %mul3A_1 = arith.constant 128 : i32
    %mul3A_2 = arith.muli %add3A, %mul3A_1 : i32
    "tpu.region"() ({
      %run_scoped3A = tpu.sem_alloc : memref<!tpu.dma_semaphore, #tpu.memory_space<semaphore_mem>>
      %dma_start3A_85 = arith.constant 0 : i32
      %dma_start3A_86 = tpu.memref_slice %arg2[%dma_start3A_85, %mul3A_2] : memref<200x4096xi32, #tpu.memory_space<hbm>> -> memref<200x128xi32, #tpu.memory_space<hbm>>
      %dma_start3A_87 = arith.constant 0 : i32
      %dma_start3A_88 = tpu.memref_slice %arg2[%dma_start3A_87, %mul3A_2] : memref<200x4096xi32, #tpu.memory_space<hbm>> -> memref<200x128xi32, #tpu.memory_space<hbm>>
      tpu.enqueue_dma source(%dma_start3A_88 : memref<200x128xi32, #tpu.memory_space<hbm>>) target(%arg5 : memref<200x128xi32, #tpu.memory_space<vmem>>) target_semaphore(%run_scoped3A : memref<!tpu.dma_semaphore, #tpu.memory_space<semaphore_mem>>)
      %dma_wait3A_89 = arith.constant 0 : i32
      %dma_wait3A_90 = tpu.memref_slice %arg2[%dma_wait3A_89, %mul3A_2] : memref<200x4096xi32, #tpu.memory_space<hbm>> -> memref<200x128xi32, #tpu.memory_space<hbm>>
      %dma_wait3A_91 = arith.constant 0 : i32
      %dma_wait3A_92 = tpu.memref_slice %arg2[%dma_wait3A_91, %mul3A_2] : memref<200x4096xi32, #tpu.memory_space<hbm>> -> memref<200x128xi32, #tpu.memory_space<hbm>>
      tpu.wait_dma2 semaphore(%run_scoped3A : memref<!tpu.dma_semaphore, #tpu.memory_space<semaphore_mem>>) src(%dma_wait3A_92 : memref<200x128xi32, #tpu.memory_space<hbm>>) dst(%arg5 : memref<200x128xi32, #tpu.memory_space<vmem>>)
      tpu.yield
    }) : () -> ()
    %scan3A = arith.constant 0 : i32
    %scan3A_3 = arith.constant 0 : i32
    %scan3A_4 = arith.constant 200 : i32
    %scan3A_5 = arith.addi %scan3A_3, %scan3A_4 : i32
    %scan3A_6 = arith.constant 1 : i32
    scf.for %scan3A_85 = %scan3A_3 to %scan3A_5 step %scan3A_6  : i32 {
      %get3A = arith.index_cast %scan3A_85 : i32 to index
      %get3A_86 = arith.constant 0 : index
      %get3A_87 = tpu.vector_load %arg5[%get3A, %get3A_86] {strides = array<i32>} : memref<200x128xi32, #tpu.memory_space<vmem>>, vector<16xi32>,
      %shift_right_logical3A = arith.constant 1 : i32
      %shift_right_logical3A_88 = vector.broadcast %shift_right_logical3A : i32 to vector<16xi32>
      %shift_right_logical3A_89 = arith.shrui %get3A_87, %shift_right_logical3A_88 : vector<16xi32>
      %swap3A = arith.index_cast %scan3A_85 : i32 to index
      %swap3A_90 = arith.constant 0 : index
      %swap3A_91 = tpu.vector_load %arg6[%swap3A, %swap3A_90] {strides = array<i32>} : memref<200x128xi32, #tpu.memory_space<vmem>>, vector<16xi32>,
      tpu.vector_store %arg6[%swap3A, %swap3A_90], %shift_right_logical3A_89 {strides = array<i32>} : memref<200x128xi32, #tpu.memory_space<vmem>>, vector<16xi32>,
      %get3A_92 = arith.index_cast %scan3A_85 : i32 to index
      %get3A_93 = arith.constant 16 : index
      %get3A_94 = tpu.vector_load %arg5[%get3A_92, %get3A_93] {strides = array<i32>} : memref<200x128xi32, #tpu.memory_space<vmem>>, vector<16xi32>,
      %shift_right_logical3A_95 = arith.constant 1 : i32
      %shift_right_logical3A_96 = vector.broadcast %shift_right_logical3A_95 : i32 to vector<16xi32>
      %shift_right_logical3A_97 = arith.shrui %get3A_94, %shift_right_logical3A_96 : vector<16xi32>
      %swap3A_98 = arith.index_cast %scan3A_85 : i32 to index
      %swap3A_99 = arith.constant 16 : index
      %swap3A_100 = tpu.vector_load %arg6[%swap3A_98, %swap3A_99] {strides = array<i32>} : memref<200x128xi32, #tpu.memory_space<vmem>>, vector<16xi32>,
      tpu.vector_store %arg6[%swap3A_98, %swap3A_99], %shift_right_logical3A_97 {strides = array<i32>} : memref<200x128xi32, #tpu.memory_space<vmem>>, vector<16xi32>,
      %get3A_101 = arith.index_cast %scan3A_85 : i32 to index
      %get3A_102 = arith.constant 32 : index
      %get3A_103 = tpu.vector_load %arg5[%get3A_101, %get3A_102] {strides = array<i32>} : memref<200x128xi32, #tpu.memory_space<vmem>>, vector<16xi32>,
      %shift_right_logical3A_104 = arith.constant 1 : i32
      %shift_right_logical3A_105 = vector.broadcast %shift_right_logical3A_104 : i32 to vector<16xi32>
      %shift_right_logical3A_106 = arith.shrui %get3A_103, %shift_right_logical3A_105 : vector<16xi32>
      %swap3A_107 = arith.index_cast %scan3A_85 : i32 to index
      %swap3A_108 = arith.constant 32 : index
      %swap3A_109 = tpu.vector_load %arg6[%swap3A_107, %swap3A_108] {strides = array<i32>} : memref<200x128xi32, #tpu.memory_space<vmem>>, vector<16xi32>,
      tpu.vector_store %arg6[%swap3A_107, %swap3A_108], %shift_right_logical3A_106 {strides = array<i32>} : memref<200x128xi32, #tpu.memory_space<vmem>>, vector<16xi32>,
      %get3A_110 = arith.index_cast %scan3A_85 : i32 to index
      %get3A_111 = arith.constant 48 : index
      %get3A_112 = tpu.vector_load %arg5[%get3A_110, %get3A_111] {strides = array<i32>} : memref<200x128xi32, #tpu.memory_space<vmem>>, vector<16xi32>,
      %shift_right_logical3A_113 = arith.constant 1 : i32
      %shift_right_logical3A_114 = vector.broadcast %shift_right_logical3A_113 : i32 to vector<16xi32>
      %shift_right_logical3A_115 = arith.shrui %get3A_112, %shift_right_logical3A_114 : vector<16xi32>
      %swap3A_116 = arith.index_cast %scan3A_85 : i32 to index
      %swap3A_117 = arith.constant 48 : index
      %swap3A_118 = tpu.vector_load %arg6[%swap3A_116, %swap3A_117] {strides = array<i32>} : memref<200x128xi32, #tpu.memory_space<vmem>>, vector<16xi32>,
      tpu.vector_store %arg6[%swap3A_116, %swap3A_117], %shift_right_logical3A_115 {strides = array<i32>} : memref<200x128xi32, #tpu.memory_space<vmem>>, vector<16xi32>,
      %get3A_119 = arith.index_cast %scan3A_85 : i32 to index
      %get3A_120 = arith.constant 64 : index
      %get3A_121 = tpu.vector_load %arg5[%get3A_119, %get3A_120] {strides = array<i32>} : memref<200x128xi32, #tpu.memory_space<vmem>>, vector<16xi32>,
      %shift_right_logical3A_122 = arith.constant 1 : i32
      %shift_right_logical3A_123 = vector.broadcast %shift_right_logical3A_122 : i32 to vector<16xi32>
      %shift_right_logical3A_124 = arith.shrui %get3A_121, %shift_right_logical3A_123 : vector<16xi32>
      %swap3A_125 = arith.index_cast %scan3A_85 : i32 to index
      %swap3A_126 = arith.constant 64 : index
      %swap3A_127 = tpu.vector_load %arg6[%swap3A_125, %swap3A_126] {strides = array<i32>} : memref<200x128xi32, #tpu.memory_space<vmem>>, vector<16xi32>,
      tpu.vector_store %arg6[%swap3A_125, %swap3A_126], %shift_right_logical3A_124 {strides = array<i32>} : memref<200x128xi32, #tpu.memory_space<vmem>>, vector<16xi32>,
      %get3A_128 = arith.index_cast %scan3A_85 : i32 to index
      %get3A_129 = arith.constant 80 : index
      %get3A_130 = tpu.vector_load %arg5[%get3A_128, %get3A_129] {strides = array<i32>} : memref<200x128xi32, #tpu.memory_space<vmem>>, vector<16xi32>,
      %shift_right_logical3A_131 = arith.constant 1 : i32
      %shift_right_logical3A_132 = vector.broadcast %shift_right_logical3A_131 : i32 to vector<16xi32>
      %shift_right_logical3A_133 = arith.shrui %get3A_130, %shift_right_logical3A_132 : vector<16xi32>
      %swap3A_134 = arith.index_cast %scan3A_85 : i32 to index
      %swap3A_135 = arith.constant 80 : index
      %swap3A_136 = tpu.vector_load %arg6[%swap3A_134, %swap3A_135] {strides = array<i32>} : memref<200x128xi32, #tpu.memory_space<vmem>>, vector<16xi32>,
      tpu.vector_store %arg6[%swap3A_134, %swap3A_135], %shift_right_logical3A_133 {strides = array<i32>} : memref<200x128xi32, #tpu.memory_space<vmem>>, vector<16xi32>,
      %get3A_137 = arith.index_cast %scan3A_85 : i32 to index
      %get3A_138 = arith.constant 96 : index
      %get3A_139 = tpu.vector_load %arg5[%get3A_137, %get3A_138] {strides = array<i32>} : memref<200x128xi32, #tpu.memory_space<vmem>>, vector<16xi32>,
      %shift_right_logical3A_140 = arith.constant 1 : i32
      %shift_right_logical3A_141 = vector.broadcast %shift_right_logical3A_140 : i32 to vector<16xi32>
      %shift_right_logical3A_142 = arith.shrui %get3A_139, %shift_right_logical3A_141 : vector<16xi32>
      %swap3A_143 = arith.index_cast %scan3A_85 : i32 to index
      %swap3A_144 = arith.constant 96 : index
      %swap3A_145 = tpu.vector_load %arg6[%swap3A_143, %swap3A_144] {strides = array<i32>} : memref<200x128xi32, #tpu.memory_space<vmem>>, vector<16xi32>,
      tpu.vector_store %arg6[%swap3A_143, %swap3A_144], %shift_right_logical3A_142 {strides = array<i32>} : memref<200x128xi32, #tpu.memory_space<vmem>>, vector<16xi32>,
      %get3A_146 = arith.index_cast %scan3A_85 : i32 to index
      %get3A_147 = arith.constant 112 : index
      %get3A_148 = tpu.vector_load %arg5[%get3A_146, %get3A_147] {strides = array<i32>} : memref<200x128xi32, #tpu.memory_space<vmem>>, vector<16xi32>,
      %shift_right_logical3A_149 = arith.constant 1 : i32
      %shift_right_logical3A_150 = vector.broadcast %shift_right_logical3A_149 : i32 to vector<16xi32>
      %shift_right_logical3A_151 = arith.shrui %get3A_148, %shift_right_logical3A_150 : vector<16xi32>
      %swap3A_152 = arith.index_cast %scan3A_85 : i32 to index
      %swap3A_153 = arith.constant 112 : index
      %swap3A_154 = tpu.vector_load %arg6[%swap3A_152, %swap3A_153] {strides = array<i32>} : memref<200x128xi32, #tpu.memory_space<vmem>>, vector<16xi32>,
      tpu.vector_store %arg6[%swap3A_152, %swap3A_153], %shift_right_logical3A_151 {strides = array<i32>} : memref<200x128xi32, #tpu.memory_space<vmem>>, vector<16xi32>,
    }
    %scan3A_7 = arith.constant 200 : i32
    %iota3A = tpu.iota {dimensions = array<i32: 0>} : vector<16xi32>
    %iota3A_8 = tpu.iota {dimensions = array<i32: 0>} : vector<16xi32>
    %add3A_9 = arith.constant 16 : i32
    %add3A_10 = vector.broadcast %add3A_9 : i32 to vector<16xi32>
    %add3A_11 = arith.addi %add3A_10, %iota3A_8 : vector<16xi32>
    %iota3A_12 = tpu.iota {dimensions = array<i32: 0>} : vector<16xi32>
    %add3A_13 = arith.constant 32 : i32
    %add3A_14 = vector.broadcast %add3A_13 : i32 to vector<16xi32>
    %add3A_15 = arith.addi %add3A_14, %iota3A_12 : vector<16xi32>
    %iota3A_16 = tpu.iota {dimensions = array<i32: 0>} : vector<16xi32>
    %add3A_17 = arith.constant 48 : i32
    %add3A_18 = vector.broadcast %add3A_17 : i32 to vector<16xi32>
    %add3A_19 = arith.addi %add3A_18, %iota3A_16 : vector<16xi32>
    %iota3A_20 = tpu.iota {dimensions = array<i32: 0>} : vector<16xi32>
    %add3A_21 = arith.constant 64 : i32
    %add3A_22 = vector.broadcast %add3A_21 : i32 to vector<16xi32>
    %add3A_23 = arith.addi %add3A_22, %iota3A_20 : vector<16xi32>
    %iota3A_24 = tpu.iota {dimensions = array<i32: 0>} : vector<16xi32>
    %add3A_25 = arith.constant 80 : i32
    %add3A_26 = vector.broadcast %add3A_25 : i32 to vector<16xi32>
    %add3A_27 = arith.addi %add3A_26, %iota3A_24 : vector<16xi32>
    %iota3A_28 = tpu.iota {dimensions = array<i32: 0>} : vector<16xi32>
    %add3A_29 = arith.constant 96 : i32
    %add3A_30 = vector.broadcast %add3A_29 : i32 to vector<16xi32>
    %add3A_31 = arith.addi %add3A_30, %iota3A_28 : vector<16xi32>
    %iota3A_32 = tpu.iota {dimensions = array<i32: 0>} : vector<16xi32>
    %add3A_33 = arith.constant 112 : i32
    %add3A_34 = vector.broadcast %add3A_33 : i32 to vector<16xi32>
    %add3A_35 = arith.addi %add3A_34, %iota3A_32 : vector<16xi32>
    %iota3A_36 = tpu.iota {dimensions = array<i32: 0>} : vector<16xi32>
    %dma_start3A = arith.constant 0 : i32
    %dma_start3A_37 = arith.constant 0 : i32
    %dma_start3A_38 = arith.constant 0 : i32
    %dma_start3A_39 = arith.constant 0 : i32
    %dma_start3A_40 = tpu.memref_slice %arg7[%dma_start3A_37, %dma_start3A_38, %dma_start3A_39] : memref<2x128x128xf32, #tpu.memory_space<vmem>> -> memref<1x128x128xf32, #tpu.memory_space<vmem>>
    %dma_start3A_41 = tpu.memref_squeeze %dma_start3A_40 : memref<1x128x128xf32, #tpu.memory_space<vmem>> -> memref<128x128xf32, #tpu.memory_space<vmem>>
    %dma_start3A_42 = arith.constant 0 : i32
    %dma_start3A_43 = tpu.memref_slice %arg6[%dma_start3A, %dma_start3A_42] : memref<200x128xi32, #tpu.memory_space<vmem>> -> memref<1x128xi32, #tpu.memory_space<vmem>>
    %dma_start3A_44 = tpu.memref_squeeze %dma_start3A_43 : memref<1x128xi32, #tpu.memory_space<vmem>> -> memref<128xi32, #tpu.memory_space<vmem>>
    %dma_start3A_45 = arith.constant 0 : i32
    %dma_start3A_46 = arith.constant 0 : i32
    %dma_start3A_47 = tpu.memref_slice %arg3[%dma_start3A_45, %dma_start3A_46] : memref<500000x128xf32, #tpu.memory_space<hbm>> -> memref<500000x128xf32, #tpu.memory_space<hbm>>
    tpu.enqueue_indirect_dma source(%dma_start3A_47 : memref<500000x128xf32, #tpu.memory_space<hbm>>) target(%dma_start3A_41 : memref<128x128xf32, #tpu.memory_space<vmem>>) offsets(%dma_start3A_44 : memref<128xi32, #tpu.memory_space<vmem>>) semaphore(%arg9 : memref<!tpu.dma_semaphore, #tpu.memory_space<semaphore_mem>>)
    %scan3A_48 = arith.constant 0 : i32
    %scan3A_49 = arith.constant 0 : i32
    %scan3A_50 = arith.constant 100 : i32
    %scan3A_51 = arith.addi %scan3A_49, %scan3A_50 : i32
    %scan3A_52 = arith.constant 1 : i32
    scf.for %scan3A_85 = %scan3A_49 to %scan3A_51 step %scan3A_52  : i32 {
      %mul3A_86 = arith.constant 2 : i32
      %mul3A_87 = arith.muli %scan3A_85, %mul3A_86 : i32
      %add3A_88 = arith.constant 1 : i32
      %add3A_89 = arith.addi %mul3A_87, %add3A_88 : i32
      %dma_start3A_90 = arith.constant 1 : i32
      %dma_start3A_91 = arith.constant 0 : i32
      %dma_start3A_92 = arith.constant 0 : i32
      %dma_start3A_93 = tpu.memref_slice %arg7[%dma_start3A_90, %dma_start3A_91, %dma_start3A_92] : memref<2x128x128xf32, #tpu.memory_space<vmem>> -> memref<1x128x128xf32, #tpu.memory_space<vmem>>
      %dma_start3A_94 = tpu.memref_squeeze %dma_start3A_93 : memref<1x128x128xf32, #tpu.memory_space<vmem>> -> memref<128x128xf32, #tpu.memory_space<vmem>>
      %dma_start3A_95 = arith.constant 0 : i32
      %dma_start3A_96 = tpu.memref_slice %arg6[%add3A_89, %dma_start3A_95] : memref<200x128xi32, #tpu.memory_space<vmem>> -> memref<1x128xi32, #tpu.memory_space<vmem>>
      %dma_start3A_97 = tpu.memref_squeeze %dma_start3A_96 : memref<1x128xi32, #tpu.memory_space<vmem>> -> memref<128xi32, #tpu.memory_space<vmem>>
      %dma_start3A_98 = arith.constant 0 : i32
      %dma_start3A_99 = arith.constant 0 : i32
      %dma_start3A_100 = tpu.memref_slice %arg3[%dma_start3A_98, %dma_start3A_99] : memref<500000x128xf32, #tpu.memory_space<hbm>> -> memref<500000x128xf32, #tpu.memory_space<hbm>>
      tpu.enqueue_indirect_dma source(%dma_start3A_100 : memref<500000x128xf32, #tpu.memory_space<hbm>>) target(%dma_start3A_94 : memref<128x128xf32, #tpu.memory_space<vmem>>) offsets(%dma_start3A_97 : memref<128xi32, #tpu.memory_space<vmem>>) semaphore(%arg10 : memref<!tpu.dma_semaphore, #tpu.memory_space<semaphore_mem>>)
      %dma_wait3A_101 = arith.constant 0 : i32
      %dma_wait3A_102 = arith.constant 0 : i32
      %dma_wait3A_103 = arith.constant 0 : i32
      %dma_wait3A_104 = tpu.memref_slice %arg7[%dma_wait3A_101, %dma_wait3A_102, %dma_wait3A_103] : memref<2x128x128xf32, #tpu.memory_space<vmem>> -> memref<1x128x128xf32, #tpu.memory_space<vmem>>
      %dma_wait3A_105 = tpu.memref_squeeze %dma_wait3A_104 : memref<1x128x128xf32, #tpu.memory_space<vmem>> -> memref<128x128xf32, #tpu.memory_space<vmem>>
      %dma_wait3A_106 = arith.constant 0 : i32
      %dma_wait3A_107 = tpu.memref_slice %arg6[%mul3A_87, %dma_wait3A_106] : memref<200x128xi32, #tpu.memory_space<vmem>> -> memref<1x128xi32, #tpu.memory_space<vmem>>
      %dma_wait3A_108 = tpu.memref_squeeze %dma_wait3A_107 : memref<1x128xi32, #tpu.memory_space<vmem>> -> memref<128xi32, #tpu.memory_space<vmem>>
      %dma_wait3A_109 = arith.constant 0 : i32
      %dma_wait3A_110 = arith.constant 0 : i32
      %dma_wait3A_111 = tpu.memref_slice %arg3[%dma_wait3A_109, %dma_wait3A_110] : memref<500000x128xf32, #tpu.memory_space<hbm>> -> memref<500000x128xf32, #tpu.memory_space<hbm>>
      tpu.wait_indirect_dma semaphore(%arg9 : memref<!tpu.dma_semaphore, #tpu.memory_space<semaphore_mem>>) src(%dma_wait3A_111 : memref<500000x128xf32, #tpu.memory_space<hbm>>) dst(%dma_wait3A_105 : memref<128x128xf32, #tpu.memory_space<vmem>>)
      %gt3A = arith.constant 0 : i32
      %gt3A_112 = arith.cmpi sgt, %scan3A_85, %gt3A : i32
      %convert_element_type3A = arith.extui %gt3A_112 : i1 to i32
      %cond3A = arith.constant 0 : i32
      %cond3A_113 = arith.cmpi ne, %convert_element_type3A, %cond3A : i32
      scf.if %cond3A_113 {
        %sub3A = arith.constant 2 : i32
        %sub3A_321 = arith.subi %mul3A_87, %sub3A : i32
        %dma_wait3A_322 = arith.constant 0 : i32
        %dma_wait3A_323 = arith.constant 0 : i32
        %dma_wait3A_324 = arith.constant 0 : i32
        %dma_wait3A_325 = tpu.memref_slice %arg8[%dma_wait3A_322, %dma_wait3A_323, %dma_wait3A_324] : memref<2x64x128xf32, #tpu.memory_space<vmem>> -> memref<1x64x128xf32, #tpu.memory_space<vmem>>
        %dma_wait3A_326 = tpu.memref_squeeze %dma_wait3A_325 : memref<1x64x128xf32, #tpu.memory_space<vmem>> -> memref<64x128xf32, #tpu.memory_space<vmem>>
        %dma_wait3A_327 = arith.constant 0 : i32
        %dma_wait3A_328 = tpu.memref_slice %arg4[%sub3A_321, %dma_wait3A_327, %mul3A_2] : memref<200x64x4096xf32, #tpu.memory_space<hbm>> -> memref<1x64x128xf32, #tpu.memory_space<hbm>>
        %dma_wait3A_329 = tpu.memref_squeeze %dma_wait3A_328 : memref<1x64x128xf32, #tpu.memory_space<hbm>> -> memref<64x128xf32, #tpu.memory_space<hbm>>
        %dma_wait3A_330 = arith.constant 0 : i32
        %dma_wait3A_331 = tpu.memref_slice %arg4[%sub3A_321, %dma_wait3A_330, %mul3A_2] : memref<200x64x4096xf32, #tpu.memory_space<hbm>> -> memref<1x64x128xf32, #tpu.memory_space<hbm>>
        %dma_wait3A_332 = tpu.memref_squeeze %dma_wait3A_331 : memref<1x64x128xf32, #tpu.memory_space<hbm>> -> memref<64x128xf32, #tpu.memory_space<hbm>>
        %dma_wait3A_333 = arith.constant 0 : i32
        %dma_wait3A_334 = arith.constant 0 : i32
        %dma_wait3A_335 = tpu.memref_slice %arg8[%dma_wait3A_322, %dma_wait3A_333, %dma_wait3A_334] : memref<2x64x128xf32, #tpu.memory_space<vmem>> -> memref<1x64x128xf32, #tpu.memory_space<vmem>>
        %dma_wait3A_336 = tpu.memref_squeeze %dma_wait3A_335 : memref<1x64x128xf32, #tpu.memory_space<vmem>> -> memref<64x128xf32, #tpu.memory_space<vmem>>
        tpu.wait_dma2 semaphore(%arg11 : memref<!tpu.dma_semaphore, #tpu.memory_space<semaphore_mem>>) src(%dma_wait3A_336 : memref<64x128xf32, #tpu.memory_space<vmem>>) dst(%dma_wait3A_332 : memref<64x128xf32, #tpu.memory_space<hbm>>)
      } else {
      }
      %get3A = arith.index_cast %mul3A_87 : i32 to index
      %get3A_114 = arith.constant 0 : index
      %get3A_115 = tpu.vector_load %arg5[%get3A, %get3A_114] {strides = array<i32>} : memref<200x128xi32, #tpu.memory_space<vmem>>, vector<16xi32>,
      %and3A = arith.constant 1 : i32
      %and3A_116 = vector.broadcast %and3A : i32 to vector<16xi32>
      %and3A_117 = arith.andi %get3A_115, %and3A_116 : vector<16xi32>
      %shift_left3A = arith.constant 6 : i32
      %shift_left3A_118 = vector.broadcast %shift_left3A : i32 to vector<16xi32>
      %shift_left3A_119 = arith.shli %and3A_117, %shift_left3A_118 : vector<16xi32>
      %get3A_120 = arith.index_cast %mul3A_87 : i32 to index
      %get3A_121 = arith.constant 16 : index
      %get3A_122 = tpu.vector_load %arg5[%get3A_120, %get3A_121] {strides = array<i32>} : memref<200x128xi32, #tpu.memory_space<vmem>>, vector<16xi32>,
      %and3A_123 = arith.constant 1 : i32
      %and3A_124 = vector.broadcast %and3A_123 : i32 to vector<16xi32>
      %and3A_125 = arith.andi %get3A_122, %and3A_124 : vector<16xi32>
      %shift_left3A_126 = arith.constant 6 : i32
      %shift_left3A_127 = vector.broadcast %shift_left3A_126 : i32 to vector<16xi32>
      %shift_left3A_128 = arith.shli %and3A_125, %shift_left3A_127 : vector<16xi32>
      %get3A_129 = arith.index_cast %mul3A_87 : i32 to index
      %get3A_130 = arith.constant 32 : index
      %get3A_131 = tpu.vector_load %arg5[%get3A_129, %get3A_130] {strides = array<i32>} : memref<200x128xi32, #tpu.memory_space<vmem>>, vector<16xi32>,
      %and3A_132 = arith.constant 1 : i32
      %and3A_133 = vector.broadcast %and3A_132 : i32 to vector<16xi32>
      %and3A_134 = arith.andi %get3A_131, %and3A_133 : vector<16xi32>
      %shift_left3A_135 = arith.constant 6 : i32
      %shift_left3A_136 = vector.broadcast %shift_left3A_135 : i32 to vector<16xi32>
      %shift_left3A_137 = arith.shli %and3A_134, %shift_left3A_136 : vector<16xi32>
      %get3A_138 = arith.index_cast %mul3A_87 : i32 to index
      %get3A_139 = arith.constant 48 : index
      %get3A_140 = tpu.vector_load %arg5[%get3A_138, %get3A_139] {strides = array<i32>} : memref<200x128xi32, #tpu.memory_space<vmem>>, vector<16xi32>,
      %and3A_141 = arith.constant 1 : i32
      %and3A_142 = vector.broadcast %and3A_141 : i32 to vector<16xi32>
      %and3A_143 = arith.andi %get3A_140, %and3A_142 : vector<16xi32>
      %shift_left3A_144 = arith.constant 6 : i32
      %shift_left3A_145 = vector.broadcast %shift_left3A_144 : i32 to vector<16xi32>
      %shift_left3A_146 = arith.shli %and3A_143, %shift_left3A_145 : vector<16xi32>
      %get3A_147 = arith.index_cast %mul3A_87 : i32 to index
      %get3A_148 = arith.constant 64 : index
      %get3A_149 = tpu.vector_load %arg5[%get3A_147, %get3A_148] {strides = array<i32>} : memref<200x128xi32, #tpu.memory_space<vmem>>, vector<16xi32>,
      %and3A_150 = arith.constant 1 : i32
      %and3A_151 = vector.broadcast %and3A_150 : i32 to vector<16xi32>
      %and3A_152 = arith.andi %get3A_149, %and3A_151 : vector<16xi32>
      %shift_left3A_153 = arith.constant 6 : i32
      %shift_left3A_154 = vector.broadcast %shift_left3A_153 : i32 to vector<16xi32>
      %shift_left3A_155 = arith.shli %and3A_152, %shift_left3A_154 : vector<16xi32>
      %get3A_156 = arith.index_cast %mul3A_87 : i32 to index
      %get3A_157 = arith.constant 80 : index
      %get3A_158 = tpu.vector_load %arg5[%get3A_156, %get3A_157] {strides = array<i32>} : memref<200x128xi32, #tpu.memory_space<vmem>>, vector<16xi32>,
      %and3A_159 = arith.constant 1 : i32
      %and3A_160 = vector.broadcast %and3A_159 : i32 to vector<16xi32>
      %and3A_161 = arith.andi %get3A_158, %and3A_160 : vector<16xi32>
      %shift_left3A_162 = arith.constant 6 : i32
      %shift_left3A_163 = vector.broadcast %shift_left3A_162 : i32 to vector<16xi32>
      %shift_left3A_164 = arith.shli %and3A_161, %shift_left3A_163 : vector<16xi32>
      %get3A_165 = arith.index_cast %mul3A_87 : i32 to index
      %get3A_166 = arith.constant 96 : index
      %get3A_167 = tpu.vector_load %arg5[%get3A_165, %get3A_166] {strides = array<i32>} : memref<200x128xi32, #tpu.memory_space<vmem>>, vector<16xi32>,
      %and3A_168 = arith.constant 1 : i32
      %and3A_169 = vector.broadcast %and3A_168 : i32 to vector<16xi32>
      %and3A_170 = arith.andi %get3A_167, %and3A_169 : vector<16xi32>
      %shift_left3A_171 = arith.constant 6 : i32
      %shift_left3A_172 = vector.broadcast %shift_left3A_171 : i32 to vector<16xi32>
      %shift_left3A_173 = arith.shli %and3A_170, %shift_left3A_172 : vector<16xi32>
      %get3A_174 = arith.index_cast %mul3A_87 : i32 to index
      %get3A_175 = arith.constant 112 : index
      %get3A_176 = tpu.vector_load %arg5[%get3A_174, %get3A_175] {strides = array<i32>} : memref<200x128xi32, #tpu.memory_space<vmem>>, vector<16xi32>,
      %and3A_177 = arith.constant 1 : i32
      %and3A_178 = vector.broadcast %and3A_177 : i32 to vector<16xi32>
      %and3A_179 = arith.andi %get3A_176, %and3A_178 : vector<16xi32>
      %shift_left3A_180 = arith.constant 6 : i32
      %shift_left3A_181 = vector.broadcast %shift_left3A_180 : i32 to vector<16xi32>
      %shift_left3A_182 = arith.shli %and3A_179, %shift_left3A_181 : vector<16xi32>
      %scan3A_183 = arith.constant 0 : i32
      %scan3A_184 = arith.constant 64 : i32
      %scan3A_185 = arith.addi %scan3A_183, %scan3A_184 : i32
      %scan3A_186 = arith.constant 2 : i32
      scf.for %scan3A_321 = %scan3A_183 to %scan3A_185 step %scan3A_186  : i32 {
        %add3A_322 = vector.broadcast %scan3A_321 : i32 to vector<16xi32>
        %add3A_323 = arith.addi %add3A_322, %iota3A_36 : vector<16xi32>
        %and3A_324 = arith.constant 63 : i32
        %and3A_325 = vector.broadcast %and3A_324 : i32 to vector<16xi32>
        %and3A_326 = arith.andi %add3A_323, %and3A_325 : vector<16xi32>
        %add3A_327 = arith.addi %shift_left3A_119, %and3A_326 : vector<16xi32>
        %gather3A = arith.constant 0 : i32
        %gather3A_328 = arith.constant 0 : i32
        %gather3A_329 = arith.constant 0 : i32
        %gather3A_330 = tpu.memref_slice %arg7[%gather3A, %gather3A_328, %gather3A_329] : memref<2x128x128xf32, #tpu.memory_space<vmem>> -> memref<1x128x128xf32, #tpu.memory_space<vmem>>
        %gather3A_331 = tpu.memref_squeeze %gather3A_330 : memref<1x128x128xf32, #tpu.memory_space<vmem>> -> memref<128x128xf32, #tpu.memory_space<vmem>>
        %gather3A_332 = tpu.vector_load_idx %gather3A_331[%iota3A, %add3A_327] : memref<128x128xf32, #tpu.memory_space<vmem>>[vector<16xi32>, vector<16xi32>], vector<16xf32>,
        %add3A_333 = arith.addi %shift_left3A_128, %and3A_326 : vector<16xi32>
        %gather3A_334 = arith.constant 0 : i32
        %gather3A_335 = arith.constant 0 : i32
        %gather3A_336 = arith.constant 0 : i32
        %gather3A_337 = tpu.memref_slice %arg7[%gather3A_334, %gather3A_335, %gather3A_336] : memref<2x128x128xf32, #tpu.memory_space<vmem>> -> memref<1x128x128xf32, #tpu.memory_space<vmem>>
        %gather3A_338 = tpu.memref_squeeze %gather3A_337 : memref<1x128x128xf32, #tpu.memory_space<vmem>> -> memref<128x128xf32, #tpu.memory_space<vmem>>
        %gather3A_339 = tpu.vector_load_idx %gather3A_338[%add3A_11, %add3A_333] : memref<128x128xf32, #tpu.memory_space<vmem>>[vector<16xi32>, vector<16xi32>], vector<16xf32>,
        %add3A_340 = arith.addi %shift_left3A_137, %and3A_326 : vector<16xi32>
        %gather3A_341 = arith.constant 0 : i32
        %gather3A_342 = arith.constant 0 : i32
        %gather3A_343 = arith.constant 0 : i32
        %gather3A_344 = tpu.memref_slice %arg7[%gather3A_341, %gather3A_342, %gather3A_343] : memref<2x128x128xf32, #tpu.memory_space<vmem>> -> memref<1x128x128xf32, #tpu.memory_space<vmem>>
        %gather3A_345 = tpu.memref_squeeze %gather3A_344 : memref<1x128x128xf32, #tpu.memory_space<vmem>> -> memref<128x128xf32, #tpu.memory_space<vmem>>
        %gather3A_346 = tpu.vector_load_idx %gather3A_345[%add3A_15, %add3A_340] : memref<128x128xf32, #tpu.memory_space<vmem>>[vector<16xi32>, vector<16xi32>], vector<16xf32>,
        %add3A_347 = arith.addi %shift_left3A_146, %and3A_326 : vector<16xi32>
        %gather3A_348 = arith.constant 0 : i32
        %gather3A_349 = arith.constant 0 : i32
        %gather3A_350 = arith.constant 0 : i32
        %gather3A_351 = tpu.memref_slice %arg7[%gather3A_348, %gather3A_349, %gather3A_350] : memref<2x128x128xf32, #tpu.memory_space<vmem>> -> memref<1x128x128xf32, #tpu.memory_space<vmem>>
        %gather3A_352 = tpu.memref_squeeze %gather3A_351 : memref<1x128x128xf32, #tpu.memory_space<vmem>> -> memref<128x128xf32, #tpu.memory_space<vmem>>
        %gather3A_353 = tpu.vector_load_idx %gather3A_352[%add3A_19, %add3A_347] : memref<128x128xf32, #tpu.memory_space<vmem>>[vector<16xi32>, vector<16xi32>], vector<16xf32>,
        %add3A_354 = arith.addi %shift_left3A_155, %and3A_326 : vector<16xi32>
        %gather3A_355 = arith.constant 0 : i32
        %gather3A_356 = arith.constant 0 : i32
        %gather3A_357 = arith.constant 0 : i32
        %gather3A_358 = tpu.memref_slice %arg7[%gather3A_355, %gather3A_356, %gather3A_357] : memref<2x128x128xf32, #tpu.memory_space<vmem>> -> memref<1x128x128xf32, #tpu.memory_space<vmem>>
        %gather3A_359 = tpu.memref_squeeze %gather3A_358 : memref<1x128x128xf32, #tpu.memory_space<vmem>> -> memref<128x128xf32, #tpu.memory_space<vmem>>
        %gather3A_360 = tpu.vector_load_idx %gather3A_359[%add3A_23, %add3A_354] : memref<128x128xf32, #tpu.memory_space<vmem>>[vector<16xi32>, vector<16xi32>], vector<16xf32>,
        %add3A_361 = arith.addi %shift_left3A_164, %and3A_326 : vector<16xi32>
        %gather3A_362 = arith.constant 0 : i32
        %gather3A_363 = arith.constant 0 : i32
        %gather3A_364 = arith.constant 0 : i32
        %gather3A_365 = tpu.memref_slice %arg7[%gather3A_362, %gather3A_363, %gather3A_364] : memref<2x128x128xf32, #tpu.memory_space<vmem>> -> memref<1x128x128xf32, #tpu.memory_space<vmem>>
        %gather3A_366 = tpu.memref_squeeze %gather3A_365 : memref<1x128x128xf32, #tpu.memory_space<vmem>> -> memref<128x128xf32, #tpu.memory_space<vmem>>
        %gather3A_367 = tpu.vector_load_idx %gather3A_366[%add3A_27, %add3A_361] : memref<128x128xf32, #tpu.memory_space<vmem>>[vector<16xi32>, vector<16xi32>], vector<16xf32>,
        %add3A_368 = arith.addi %shift_left3A_173, %and3A_326 : vector<16xi32>
        %gather3A_369 = arith.constant 0 : i32
        %gather3A_370 = arith.constant 0 : i32
        %gather3A_371 = arith.constant 0 : i32
        %gather3A_372 = tpu.memref_slice %arg7[%gather3A_369, %gather3A_370, %gather3A_371] : memref<2x128x128xf32, #tpu.memory_space<vmem>> -> memref<1x128x128xf32, #tpu.memory_space<vmem>>
        %gather3A_373 = tpu.memref_squeeze %gather3A_372 : memref<1x128x128xf32, #tpu.memory_space<vmem>> -> memref<128x128xf32, #tpu.memory_space<vmem>>
        %gather3A_374 = tpu.vector_load_idx %gather3A_373[%add3A_31, %add3A_368] : memref<128x128xf32, #tpu.memory_space<vmem>>[vector<16xi32>, vector<16xi32>], vector<16xf32>,
        %add3A_375 = arith.addi %shift_left3A_182, %and3A_326 : vector<16xi32>
        %gather3A_376 = arith.constant 0 : i32
        %gather3A_377 = arith.constant 0 : i32
        %gather3A_378 = arith.constant 0 : i32
        %gather3A_379 = tpu.memref_slice %arg7[%gather3A_376, %gather3A_377, %gather3A_378] : memref<2x128x128xf32, #tpu.memory_space<vmem>> -> memref<1x128x128xf32, #tpu.memory_space<vmem>>
        %gather3A_380 = tpu.memref_squeeze %gather3A_379 : memref<1x128x128xf32, #tpu.memory_space<vmem>> -> memref<128x128xf32, #tpu.memory_space<vmem>>
        %gather3A_381 = tpu.vector_load_idx %gather3A_380[%add3A_35, %add3A_375] : memref<128x128xf32, #tpu.memory_space<vmem>>[vector<16xi32>, vector<16xi32>], vector<16xf32>,
        %scatter3A = arith.constant 0 : i32
        %scatter3A_382 = arith.constant 0 : i32
        %scatter3A_383 = arith.constant 0 : i32
        %scatter3A_384 = tpu.memref_slice %arg8[%scatter3A, %scatter3A_382, %scatter3A_383] : memref<2x64x128xf32, #tpu.memory_space<vmem>> -> memref<1x64x128xf32, #tpu.memory_space<vmem>>
        %scatter3A_385 = tpu.memref_squeeze %scatter3A_384 : memref<1x64x128xf32, #tpu.memory_space<vmem>> -> memref<64x128xf32, #tpu.memory_space<vmem>>
        tpu.vector_store_idx %scatter3A_385[%and3A_326, %iota3A], %gather3A_332 : memref<64x128xf32, #tpu.memory_space<vmem>>[vector<16xi32>, vector<16xi32>], vector<16xf32>,
        %scatter3A_386 = arith.constant 0 : i32
        %scatter3A_387 = arith.constant 0 : i32
        %scatter3A_388 = arith.constant 0 : i32
        %scatter3A_389 = tpu.memref_slice %arg8[%scatter3A_386, %scatter3A_387, %scatter3A_388] : memref<2x64x128xf32, #tpu.memory_space<vmem>> -> memref<1x64x128xf32, #tpu.memory_space<vmem>>
        %scatter3A_390 = tpu.memref_squeeze %scatter3A_389 : memref<1x64x128xf32, #tpu.memory_space<vmem>> -> memref<64x128xf32, #tpu.memory_space<vmem>>
        tpu.vector_store_idx %scatter3A_390[%and3A_326, %add3A_11], %gather3A_339 : memref<64x128xf32, #tpu.memory_space<vmem>>[vector<16xi32>, vector<16xi32>], vector<16xf32>,
        %scatter3A_391 = arith.constant 0 : i32
        %scatter3A_392 = arith.constant 0 : i32
        %scatter3A_393 = arith.constant 0 : i32
        %scatter3A_394 = tpu.memref_slice %arg8[%scatter3A_391, %scatter3A_392, %scatter3A_393] : memref<2x64x128xf32, #tpu.memory_space<vmem>> -> memref<1x64x128xf32, #tpu.memory_space<vmem>>
        %scatter3A_395 = tpu.memref_squeeze %scatter3A_394 : memref<1x64x128xf32, #tpu.memory_space<vmem>> -> memref<64x128xf32, #tpu.memory_space<vmem>>
        tpu.vector_store_idx %scatter3A_395[%and3A_326, %add3A_15], %gather3A_346 : memref<64x128xf32, #tpu.memory_space<vmem>>[vector<16xi32>, vector<16xi32>], vector<16xf32>,
        %scatter3A_396 = arith.constant 0 : i32
        %scatter3A_397 = arith.constant 0 : i32
        %scatter3A_398 = arith.constant 0 : i32
        %scatter3A_399 = tpu.memref_slice %arg8[%scatter3A_396, %scatter3A_397, %scatter3A_398] : memref<2x64x128xf32, #tpu.memory_space<vmem>> -> memref<1x64x128xf32, #tpu.memory_space<vmem>>
        %scatter3A_400 = tpu.memref_squeeze %scatter3A_399 : memref<1x64x128xf32, #tpu.memory_space<vmem>> -> memref<64x128xf32, #tpu.memory_space<vmem>>
        tpu.vector_store_idx %scatter3A_400[%and3A_326, %add3A_19], %gather3A_353 : memref<64x128xf32, #tpu.memory_space<vmem>>[vector<16xi32>, vector<16xi32>], vector<16xf32>,
        %scatter3A_401 = arith.constant 0 : i32
        %scatter3A_402 = arith.constant 0 : i32
        %scatter3A_403 = arith.constant 0 : i32
        %scatter3A_404 = tpu.memref_slice %arg8[%scatter3A_401, %scatter3A_402, %scatter3A_403] : memref<2x64x128xf32, #tpu.memory_space<vmem>> -> memref<1x64x128xf32, #tpu.memory_space<vmem>>
        %scatter3A_405 = tpu.memref_squeeze %scatter3A_404 : memref<1x64x128xf32, #tpu.memory_space<vmem>> -> memref<64x128xf32, #tpu.memory_space<vmem>>
        tpu.vector_store_idx %scatter3A_405[%and3A_326, %add3A_23], %gather3A_360 : memref<64x128xf32, #tpu.memory_space<vmem>>[vector<16xi32>, vector<16xi32>], vector<16xf32>,
        %scatter3A_406 = arith.constant 0 : i32
        %scatter3A_407 = arith.constant 0 : i32
        %scatter3A_408 = arith.constant 0 : i32
        %scatter3A_409 = tpu.memref_slice %arg8[%scatter3A_406, %scatter3A_407, %scatter3A_408] : memref<2x64x128xf32, #tpu.memory_space<vmem>> -> memref<1x64x128xf32, #tpu.memory_space<vmem>>
        %scatter3A_410 = tpu.memref_squeeze %scatter3A_409 : memref<1x64x128xf32, #tpu.memory_space<vmem>> -> memref<64x128xf32, #tpu.memory_space<vmem>>
        tpu.vector_store_idx %scatter3A_410[%and3A_326, %add3A_27], %gather3A_367 : memref<64x128xf32, #tpu.memory_space<vmem>>[vector<16xi32>, vector<16xi32>], vector<16xf32>,
        %scatter3A_411 = arith.constant 0 : i32
        %scatter3A_412 = arith.constant 0 : i32
        %scatter3A_413 = arith.constant 0 : i32
        %scatter3A_414 = tpu.memref_slice %arg8[%scatter3A_411, %scatter3A_412, %scatter3A_413] : memref<2x64x128xf32, #tpu.memory_space<vmem>> -> memref<1x64x128xf32, #tpu.memory_space<vmem>>
        %scatter3A_415 = tpu.memref_squeeze %scatter3A_414 : memref<1x64x128xf32, #tpu.memory_space<vmem>> -> memref<64x128xf32, #tpu.memory_space<vmem>>
        tpu.vector_store_idx %scatter3A_415[%and3A_326, %add3A_31], %gather3A_374 : memref<64x128xf32, #tpu.memory_space<vmem>>[vector<16xi32>, vector<16xi32>], vector<16xf32>,
        %scatter3A_416 = arith.constant 0 : i32
        %scatter3A_417 = arith.constant 0 : i32
        %scatter3A_418 = arith.constant 0 : i32
        %scatter3A_419 = tpu.memref_slice %arg8[%scatter3A_416, %scatter3A_417, %scatter3A_418] : memref<2x64x128xf32, #tpu.memory_space<vmem>> -> memref<1x64x128xf32, #tpu.memory_space<vmem>>
        %scatter3A_420 = tpu.memref_squeeze %scatter3A_419 : memref<1x64x128xf32, #tpu.memory_space<vmem>> -> memref<64x128xf32, #tpu.memory_space<vmem>>
        tpu.vector_store_idx %scatter3A_420[%and3A_326, %add3A_35], %gather3A_381 : memref<64x128xf32, #tpu.memory_space<vmem>>[vector<16xi32>, vector<16xi32>], vector<16xf32>,
        %scan3A_421 = arith.constant 1 : i32
        %scan3A_422 = arith.addi %scan3A_321, %scan3A_421 : i32
        %add3A_423 = vector.broadcast %scan3A_422 : i32 to vector<16xi32>
        %add3A_424 = arith.addi %add3A_423, %iota3A_36 : vector<16xi32>
        %and3A_425 = arith.constant 63 : i32
        %and3A_426 = vector.broadcast %and3A_425 : i32 to vector<16xi32>
        %and3A_427 = arith.andi %add3A_424, %and3A_426 : vector<16xi32>
        %add3A_428 = arith.addi %shift_left3A_119, %and3A_427 : vector<16xi32>
        %gather3A_429 = arith.constant 0 : i32
        %gather3A_430 = arith.constant 0 : i32
        %gather3A_431 = arith.constant 0 : i32
        %gather3A_432 = tpu.memref_slice %arg7[%gather3A_429, %gather3A_430, %gather3A_431] : memref<2x128x128xf32, #tpu.memory_space<vmem>> -> memref<1x128x128xf32, #tpu.memory_space<vmem>>
        %gather3A_433 = tpu.memref_squeeze %gather3A_432 : memref<1x128x128xf32, #tpu.memory_space<vmem>> -> memref<128x128xf32, #tpu.memory_space<vmem>>
        %gather3A_434 = tpu.vector_load_idx %gather3A_433[%iota3A, %add3A_428] : memref<128x128xf32, #tpu.memory_space<vmem>>[vector<16xi32>, vector<16xi32>], vector<16xf32>,
        %add3A_435 = arith.addi %shift_left3A_128, %and3A_427 : vector<16xi32>
        %gather3A_436 = arith.constant 0 : i32
        %gather3A_437 = arith.constant 0 : i32
        %gather3A_438 = arith.constant 0 : i32
        %gather3A_439 = tpu.memref_slice %arg7[%gather3A_436, %gather3A_437, %gather3A_438] : memref<2x128x128xf32, #tpu.memory_space<vmem>> -> memref<1x128x128xf32, #tpu.memory_space<vmem>>
        %gather3A_440 = tpu.memref_squeeze %gather3A_439 : memref<1x128x128xf32, #tpu.memory_space<vmem>> -> memref<128x128xf32, #tpu.memory_space<vmem>>
        %gather3A_441 = tpu.vector_load_idx %gather3A_440[%add3A_11, %add3A_435] : memref<128x128xf32, #tpu.memory_space<vmem>>[vector<16xi32>, vector<16xi32>], vector<16xf32>,
        %add3A_442 = arith.addi %shift_left3A_137, %and3A_427 : vector<16xi32>
        %gather3A_443 = arith.constant 0 : i32
        %gather3A_444 = arith.constant 0 : i32
        %gather3A_445 = arith.constant 0 : i32
        %gather3A_446 = tpu.memref_slice %arg7[%gather3A_443, %gather3A_444, %gather3A_445] : memref<2x128x128xf32, #tpu.memory_space<vmem>> -> memref<1x128x128xf32, #tpu.memory_space<vmem>>
        %gather3A_447 = tpu.memref_squeeze %gather3A_446 : memref<1x128x128xf32, #tpu.memory_space<vmem>> -> memref<128x128xf32, #tpu.memory_space<vmem>>
        %gather3A_448 = tpu.vector_load_idx %gather3A_447[%add3A_15, %add3A_442] : memref<128x128xf32, #tpu.memory_space<vmem>>[vector<16xi32>, vector<16xi32>], vector<16xf32>,
        %add3A_449 = arith.addi %shift_left3A_146, %and3A_427 : vector<16xi32>
        %gather3A_450 = arith.constant 0 : i32
        %gather3A_451 = arith.constant 0 : i32
        %gather3A_452 = arith.constant 0 : i32
        %gather3A_453 = tpu.memref_slice %arg7[%gather3A_450, %gather3A_451, %gather3A_452] : memref<2x128x128xf32, #tpu.memory_space<vmem>> -> memref<1x128x128xf32, #tpu.memory_space<vmem>>
        %gather3A_454 = tpu.memref_squeeze %gather3A_453 : memref<1x128x128xf32, #tpu.memory_space<vmem>> -> memref<128x128xf32, #tpu.memory_space<vmem>>
        %gather3A_455 = tpu.vector_load_idx %gather3A_454[%add3A_19, %add3A_449] : memref<128x128xf32, #tpu.memory_space<vmem>>[vector<16xi32>, vector<16xi32>], vector<16xf32>,
        %add3A_456 = arith.addi %shift_left3A_155, %and3A_427 : vector<16xi32>
        %gather3A_457 = arith.constant 0 : i32
        %gather3A_458 = arith.constant 0 : i32
        %gather3A_459 = arith.constant 0 : i32
        %gather3A_460 = tpu.memref_slice %arg7[%gather3A_457, %gather3A_458, %gather3A_459] : memref<2x128x128xf32, #tpu.memory_space<vmem>> -> memref<1x128x128xf32, #tpu.memory_space<vmem>>
        %gather3A_461 = tpu.memref_squeeze %gather3A_460 : memref<1x128x128xf32, #tpu.memory_space<vmem>> -> memref<128x128xf32, #tpu.memory_space<vmem>>
        %gather3A_462 = tpu.vector_load_idx %gather3A_461[%add3A_23, %add3A_456] : memref<128x128xf32, #tpu.memory_space<vmem>>[vector<16xi32>, vector<16xi32>], vector<16xf32>,
        %add3A_463 = arith.addi %shift_left3A_164, %and3A_427 : vector<16xi32>
        %gather3A_464 = arith.constant 0 : i32
        %gather3A_465 = arith.constant 0 : i32
        %gather3A_466 = arith.constant 0 : i32
        %gather3A_467 = tpu.memref_slice %arg7[%gather3A_464, %gather3A_465, %gather3A_466] : memref<2x128x128xf32, #tpu.memory_space<vmem>> -> memref<1x128x128xf32, #tpu.memory_space<vmem>>
        %gather3A_468 = tpu.memref_squeeze %gather3A_467 : memref<1x128x128xf32, #tpu.memory_space<vmem>> -> memref<128x128xf32, #tpu.memory_space<vmem>>
        %gather3A_469 = tpu.vector_load_idx %gather3A_468[%add3A_27, %add3A_463] : memref<128x128xf32, #tpu.memory_space<vmem>>[vector<16xi32>, vector<16xi32>], vector<16xf32>,
        %add3A_470 = arith.addi %shift_left3A_173, %and3A_427 : vector<16xi32>
        %gather3A_471 = arith.constant 0 : i32
        %gather3A_472 = arith.constant 0 : i32
        %gather3A_473 = arith.constant 0 : i32
        %gather3A_474 = tpu.memref_slice %arg7[%gather3A_471, %gather3A_472, %gather3A_473] : memref<2x128x128xf32, #tpu.memory_space<vmem>> -> memref<1x128x128xf32, #tpu.memory_space<vmem>>
        %gather3A_475 = tpu.memref_squeeze %gather3A_474 : memref<1x128x128xf32, #tpu.memory_space<vmem>> -> memref<128x128xf32, #tpu.memory_space<vmem>>
        %gather3A_476 = tpu.vector_load_idx %gather3A_475[%add3A_31, %add3A_470] : memref<128x128xf32, #tpu.memory_space<vmem>>[vector<16xi32>, vector<16xi32>], vector<16xf32>,
        %add3A_477 = arith.addi %shift_left3A_182, %and3A_427 : vector<16xi32>
        %gather3A_478 = arith.constant 0 : i32
        %gather3A_479 = arith.constant 0 : i32
        %gather3A_480 = arith.constant 0 : i32
        %gather3A_481 = tpu.memref_slice %arg7[%gather3A_478, %gather3A_479, %gather3A_480] : memref<2x128x128xf32, #tpu.memory_space<vmem>> -> memref<1x128x128xf32, #tpu.memory_space<vmem>>
        %gather3A_482 = tpu.memref_squeeze %gather3A_481 : memref<1x128x128xf32, #tpu.memory_space<vmem>> -> memref<128x128xf32, #tpu.memory_space<vmem>>
        %gather3A_483 = tpu.vector_load_idx %gather3A_482[%add3A_35, %add3A_477] : memref<128x128xf32, #tpu.memory_space<vmem>>[vector<16xi32>, vector<16xi32>], vector<16xf32>,
        %scatter3A_484 = arith.constant 0 : i32
        %scatter3A_485 = arith.constant 0 : i32
        %scatter3A_486 = arith.constant 0 : i32
        %scatter3A_487 = tpu.memref_slice %arg8[%scatter3A_484, %scatter3A_485, %scatter3A_486] : memref<2x64x128xf32, #tpu.memory_space<vmem>> -> memref<1x64x128xf32, #tpu.memory_space<vmem>>
        %scatter3A_488 = tpu.memref_squeeze %scatter3A_487 : memref<1x64x128xf32, #tpu.memory_space<vmem>> -> memref<64x128xf32, #tpu.memory_space<vmem>>
        tpu.vector_store_idx %scatter3A_488[%and3A_427, %iota3A], %gather3A_434 : memref<64x128xf32, #tpu.memory_space<vmem>>[vector<16xi32>, vector<16xi32>], vector<16xf32>,
        %scatter3A_489 = arith.constant 0 : i32
        %scatter3A_490 = arith.constant 0 : i32
        %scatter3A_491 = arith.constant 0 : i32
        %scatter3A_492 = tpu.memref_slice %arg8[%scatter3A_489, %scatter3A_490, %scatter3A_491] : memref<2x64x128xf32, #tpu.memory_space<vmem>> -> memref<1x64x128xf32, #tpu.memory_space<vmem>>
        %scatter3A_493 = tpu.memref_squeeze %scatter3A_492 : memref<1x64x128xf32, #tpu.memory_space<vmem>> -> memref<64x128xf32, #tpu.memory_space<vmem>>
        tpu.vector_store_idx %scatter3A_493[%and3A_427, %add3A_11], %gather3A_441 : memref<64x128xf32, #tpu.memory_space<vmem>>[vector<16xi32>, vector<16xi32>], vector<16xf32>,
        %scatter3A_494 = arith.constant 0 : i32
        %scatter3A_495 = arith.constant 0 : i32
        %scatter3A_496 = arith.constant 0 : i32
        %scatter3A_497 = tpu.memref_slice %arg8[%scatter3A_494, %scatter3A_495, %scatter3A_496] : memref<2x64x128xf32, #tpu.memory_space<vmem>> -> memref<1x64x128xf32, #tpu.memory_space<vmem>>
        %scatter3A_498 = tpu.memref_squeeze %scatter3A_497 : memref<1x64x128xf32, #tpu.memory_space<vmem>> -> memref<64x128xf32, #tpu.memory_space<vmem>>
        tpu.vector_store_idx %scatter3A_498[%and3A_427, %add3A_15], %gather3A_448 : memref<64x128xf32, #tpu.memory_space<vmem>>[vector<16xi32>, vector<16xi32>], vector<16xf32>,
        %scatter3A_499 = arith.constant 0 : i32
        %scatter3A_500 = arith.constant 0 : i32
        %scatter3A_501 = arith.constant 0 : i32
        %scatter3A_502 = tpu.memref_slice %arg8[%scatter3A_499, %scatter3A_500, %scatter3A_501] : memref<2x64x128xf32, #tpu.memory_space<vmem>> -> memref<1x64x128xf32, #tpu.memory_space<vmem>>
        %scatter3A_503 = tpu.memref_squeeze %scatter3A_502 : memref<1x64x128xf32, #tpu.memory_space<vmem>> -> memref<64x128xf32, #tpu.memory_space<vmem>>
        tpu.vector_store_idx %scatter3A_503[%and3A_427, %add3A_19], %gather3A_455 : memref<64x128xf32, #tpu.memory_space<vmem>>[vector<16xi32>, vector<16xi32>], vector<16xf32>,
        %scatter3A_504 = arith.constant 0 : i32
        %scatter3A_505 = arith.constant 0 : i32
        %scatter3A_506 = arith.constant 0 : i32
        %scatter3A_507 = tpu.memref_slice %arg8[%scatter3A_504, %scatter3A_505, %scatter3A_506] : memref<2x64x128xf32, #tpu.memory_space<vmem>> -> memref<1x64x128xf32, #tpu.memory_space<vmem>>
        %scatter3A_508 = tpu.memref_squeeze %scatter3A_507 : memref<1x64x128xf32, #tpu.memory_space<vmem>> -> memref<64x128xf32, #tpu.memory_space<vmem>>
        tpu.vector_store_idx %scatter3A_508[%and3A_427, %add3A_23], %gather3A_462 : memref<64x128xf32, #tpu.memory_space<vmem>>[vector<16xi32>, vector<16xi32>], vector<16xf32>,
        %scatter3A_509 = arith.constant 0 : i32
        %scatter3A_510 = arith.constant 0 : i32
        %scatter3A_511 = arith.constant 0 : i32
        %scatter3A_512 = tpu.memref_slice %arg8[%scatter3A_509, %scatter3A_510, %scatter3A_511] : memref<2x64x128xf32, #tpu.memory_space<vmem>> -> memref<1x64x128xf32, #tpu.memory_space<vmem>>
        %scatter3A_513 = tpu.memref_squeeze %scatter3A_512 : memref<1x64x128xf32, #tpu.memory_space<vmem>> -> memref<64x128xf32, #tpu.memory_space<vmem>>
        tpu.vector_store_idx %scatter3A_513[%and3A_427, %add3A_27], %gather3A_469 : memref<64x128xf32, #tpu.memory_space<vmem>>[vector<16xi32>, vector<16xi32>], vector<16xf32>,
        %scatter3A_514 = arith.constant 0 : i32
        %scatter3A_515 = arith.constant 0 : i32
        %scatter3A_516 = arith.constant 0 : i32
        %scatter3A_517 = tpu.memref_slice %arg8[%scatter3A_514, %scatter3A_515, %scatter3A_516] : memref<2x64x128xf32, #tpu.memory_space<vmem>> -> memref<1x64x128xf32, #tpu.memory_space<vmem>>
        %scatter3A_518 = tpu.memref_squeeze %scatter3A_517 : memref<1x64x128xf32, #tpu.memory_space<vmem>> -> memref<64x128xf32, #tpu.memory_space<vmem>>
        tpu.vector_store_idx %scatter3A_518[%and3A_427, %add3A_31], %gather3A_476 : memref<64x128xf32, #tpu.memory_space<vmem>>[vector<16xi32>, vector<16xi32>], vector<16xf32>,
        %scatter3A_519 = arith.constant 0 : i32
        %scatter3A_520 = arith.constant 0 : i32
        %scatter3A_521 = arith.constant 0 : i32
        %scatter3A_522 = tpu.memref_slice %arg8[%scatter3A_519, %scatter3A_520, %scatter3A_521] : memref<2x64x128xf32, #tpu.memory_space<vmem>> -> memref<1x64x128xf32, #tpu.memory_space<vmem>>
        %scatter3A_523 = tpu.memref_squeeze %scatter3A_522 : memref<1x64x128xf32, #tpu.memory_space<vmem>> -> memref<64x128xf32, #tpu.memory_space<vmem>>
        tpu.vector_store_idx %scatter3A_523[%and3A_427, %add3A_35], %gather3A_483 : memref<64x128xf32, #tpu.memory_space<vmem>>[vector<16xi32>, vector<16xi32>], vector<16xf32>,
      }
      %scan3A_187 = arith.constant 64 : i32
      %dma_start3A_188 = arith.constant 0 : i32
      %dma_start3A_189 = arith.constant 0 : i32
      %dma_start3A_190 = arith.constant 0 : i32
      %dma_start3A_191 = tpu.memref_slice %arg8[%dma_start3A_188, %dma_start3A_189, %dma_start3A_190] : memref<2x64x128xf32, #tpu.memory_space<vmem>> -> memref<1x64x128xf32, #tpu.memory_space<vmem>>
      %dma_start3A_192 = tpu.memref_squeeze %dma_start3A_191 : memref<1x64x128xf32, #tpu.memory_space<vmem>> -> memref<64x128xf32, #tpu.memory_space<vmem>>
      %dma_start3A_193 = arith.constant 0 : i32
      %dma_start3A_194 = tpu.memref_slice %arg4[%mul3A_87, %dma_start3A_193, %mul3A_2] : memref<200x64x4096xf32, #tpu.memory_space<hbm>> -> memref<1x64x128xf32, #tpu.memory_space<hbm>>
      %dma_start3A_195 = tpu.memref_squeeze %dma_start3A_194 : memref<1x64x128xf32, #tpu.memory_space<hbm>> -> memref<64x128xf32, #tpu.memory_space<hbm>>
      %dma_start3A_196 = arith.constant 0 : i32
      %dma_start3A_197 = tpu.memref_slice %arg4[%mul3A_87, %dma_start3A_196, %mul3A_2] : memref<200x64x4096xf32, #tpu.memory_space<hbm>> -> memref<1x64x128xf32, #tpu.memory_space<hbm>>
      %dma_start3A_198 = tpu.memref_squeeze %dma_start3A_197 : memref<1x64x128xf32, #tpu.memory_space<hbm>> -> memref<64x128xf32, #tpu.memory_space<hbm>>
      %dma_start3A_199 = arith.constant 0 : i32
      %dma_start3A_200 = arith.constant 0 : i32
      %dma_start3A_201 = tpu.memref_slice %arg8[%dma_start3A_188, %dma_start3A_199, %dma_start3A_200] : memref<2x64x128xf32, #tpu.memory_space<vmem>> -> memref<1x64x128xf32, #tpu.memory_space<vmem>>
      %dma_start3A_202 = tpu.memref_squeeze %dma_start3A_201 : memref<1x64x128xf32, #tpu.memory_space<vmem>> -> memref<64x128xf32, #tpu.memory_space<vmem>>
      tpu.enqueue_dma source(%dma_start3A_202 : memref<64x128xf32, #tpu.memory_space<vmem>>) target(%dma_start3A_198 : memref<64x128xf32, #tpu.memory_space<hbm>>) target_semaphore(%arg11 : memref<!tpu.dma_semaphore, #tpu.memory_space<semaphore_mem>>)
      %lt3A = arith.constant 99 : i32
      %lt3A_203 = arith.cmpi slt, %scan3A_85, %lt3A : i32
      %convert_element_type3A_204 = arith.extui %lt3A_203 : i1 to i32
      %cond3A_205 = arith.constant 0 : i32
      %cond3A_206 = arith.cmpi ne, %convert_element_type3A_204, %cond3A_205 : i32
      scf.if %cond3A_206 {
        %add3A_321 = arith.constant 2 : i32
        %add3A_322 = arith.addi %mul3A_87, %add3A_321 : i32
        %dma_start3A_323 = arith.constant 0 : i32
        %dma_start3A_324 = arith.constant 0 : i32
        %dma_start3A_325 = arith.constant 0 : i32
        %dma_start3A_326 = tpu.memref_slice %arg7[%dma_start3A_323, %dma_start3A_324, %dma_start3A_325] : memref<2x128x128xf32, #tpu.memory_space<vmem>> -> memref<1x128x128xf32, #tpu.memory_space<vmem>>
        %dma_start3A_327 = tpu.memref_squeeze %dma_start3A_326 : memref<1x128x128xf32, #tpu.memory_space<vmem>> -> memref<128x128xf32, #tpu.memory_space<vmem>>
        %dma_start3A_328 = arith.constant 0 : i32
        %dma_start3A_329 = tpu.memref_slice %arg6[%add3A_322, %dma_start3A_328] : memref<200x128xi32, #tpu.memory_space<vmem>> -> memref<1x128xi32, #tpu.memory_space<vmem>>
        %dma_start3A_330 = tpu.memref_squeeze %dma_start3A_329 : memref<1x128xi32, #tpu.memory_space<vmem>> -> memref<128xi32, #tpu.memory_space<vmem>>
        %dma_start3A_331 = arith.constant 0 : i32
        %dma_start3A_332 = arith.constant 0 : i32
        %dma_start3A_333 = tpu.memref_slice %arg3[%dma_start3A_331, %dma_start3A_332] : memref<500000x128xf32, #tpu.memory_space<hbm>> -> memref<500000x128xf32, #tpu.memory_space<hbm>>
        tpu.enqueue_indirect_dma source(%dma_start3A_333 : memref<500000x128xf32, #tpu.memory_space<hbm>>) target(%dma_start3A_327 : memref<128x128xf32, #tpu.memory_space<vmem>>) offsets(%dma_start3A_330 : memref<128xi32, #tpu.memory_space<vmem>>) semaphore(%arg9 : memref<!tpu.dma_semaphore, #tpu.memory_space<semaphore_mem>>)
      } else {
      }
      %add3A_207 = arith.constant 1 : i32
      %add3A_208 = arith.addi %mul3A_87, %add3A_207 : i32
      %dma_wait3A_209 = arith.constant 1 : i32
      %dma_wait3A_210 = arith.constant 0 : i32
      %dma_wait3A_211 = arith.constant 0 : i32
      %dma_wait3A_212 = tpu.memref_slice %arg7[%dma_wait3A_209, %dma_wait3A_210, %dma_wait3A_211] : memref<2x128x128xf32, #tpu.memory_space<vmem>> -> memref<1x128x128xf32, #tpu.memory_space<vmem>>
      %dma_wait3A_213 = tpu.memref_squeeze %dma_wait3A_212 : memref<1x128x128xf32, #tpu.memory_space<vmem>> -> memref<128x128xf32, #tpu.memory_space<vmem>>
      %dma_wait3A_214 = arith.constant 0 : i32
      %dma_wait3A_215 = tpu.memref_slice %arg6[%add3A_208, %dma_wait3A_214] : memref<200x128xi32, #tpu.memory_space<vmem>> -> memref<1x128xi32, #tpu.memory_space<vmem>>
      %dma_wait3A_216 = tpu.memref_squeeze %dma_wait3A_215 : memref<1x128xi32, #tpu.memory_space<vmem>> -> memref<128xi32, #tpu.memory_space<vmem>>
      %dma_wait3A_217 = arith.constant 0 : i32
      %dma_wait3A_218 = arith.constant 0 : i32
      %dma_wait3A_219 = tpu.memref_slice %arg3[%dma_wait3A_217, %dma_wait3A_218] : memref<500000x128xf32, #tpu.memory_space<hbm>> -> memref<500000x128xf32, #tpu.memory_space<hbm>>
      tpu.wait_indirect_dma semaphore(%arg10 : memref<!tpu.dma_semaphore, #tpu.memory_space<semaphore_mem>>) src(%dma_wait3A_219 : memref<500000x128xf32, #tpu.memory_space<hbm>>) dst(%dma_wait3A_213 : memref<128x128xf32, #tpu.memory_space<vmem>>)
      %gt3A_220 = arith.constant 0 : i32
      %gt3A_221 = arith.cmpi sgt, %scan3A_85, %gt3A_220 : i32
      %convert_element_type3A_222 = arith.extui %gt3A_221 : i1 to i32
      %cond3A_223 = arith.constant 0 : i32
      %cond3A_224 = arith.cmpi ne, %convert_element_type3A_222, %cond3A_223 : i32
      scf.if %cond3A_224 {
        %sub3A = arith.constant 1 : i32
        %sub3A_321 = arith.subi %mul3A_87, %sub3A : i32
        %dma_wait3A_322 = arith.constant 1 : i32
        %dma_wait3A_323 = arith.constant 0 : i32
        %dma_wait3A_324 = arith.constant 0 : i32
        %dma_wait3A_325 = tpu.memref_slice %arg8[%dma_wait3A_322, %dma_wait3A_323, %dma_wait3A_324] : memref<2x64x128xf32, #tpu.memory_space<vmem>> -> memref<1x64x128xf32, #tpu.memory_space<vmem>>
        %dma_wait3A_326 = tpu.memref_squeeze %dma_wait3A_325 : memref<1x64x128xf32, #tpu.memory_space<vmem>> -> memref<64x128xf32, #tpu.memory_space<vmem>>
        %dma_wait3A_327 = arith.constant 0 : i32
        %dma_wait3A_328 = tpu.memref_slice %arg4[%sub3A_321, %dma_wait3A_327, %mul3A_2] : memref<200x64x4096xf32, #tpu.memory_space<hbm>> -> memref<1x64x128xf32, #tpu.memory_space<hbm>>
        %dma_wait3A_329 = tpu.memref_squeeze %dma_wait3A_328 : memref<1x64x128xf32, #tpu.memory_space<hbm>> -> memref<64x128xf32, #tpu.memory_space<hbm>>
        %dma_wait3A_330 = arith.constant 0 : i32
        %dma_wait3A_331 = tpu.memref_slice %arg4[%sub3A_321, %dma_wait3A_330, %mul3A_2] : memref<200x64x4096xf32, #tpu.memory_space<hbm>> -> memref<1x64x128xf32, #tpu.memory_space<hbm>>
        %dma_wait3A_332 = tpu.memref_squeeze %dma_wait3A_331 : memref<1x64x128xf32, #tpu.memory_space<hbm>> -> memref<64x128xf32, #tpu.memory_space<hbm>>
        %dma_wait3A_333 = arith.constant 0 : i32
        %dma_wait3A_334 = arith.constant 0 : i32
        %dma_wait3A_335 = tpu.memref_slice %arg8[%dma_wait3A_322, %dma_wait3A_333, %dma_wait3A_334] : memref<2x64x128xf32, #tpu.memory_space<vmem>> -> memref<1x64x128xf32, #tpu.memory_space<vmem>>
        %dma_wait3A_336 = tpu.memref_squeeze %dma_wait3A_335 : memref<1x64x128xf32, #tpu.memory_space<vmem>> -> memref<64x128xf32, #tpu.memory_space<vmem>>
        tpu.wait_dma2 semaphore(%arg12 : memref<!tpu.dma_semaphore, #tpu.memory_space<semaphore_mem>>) src(%dma_wait3A_336 : memref<64x128xf32, #tpu.memory_space<vmem>>) dst(%dma_wait3A_332 : memref<64x128xf32, #tpu.memory_space<hbm>>)
      } else {
      }
      %add3A_225 = arith.constant 1 : i32
      %add3A_226 = arith.addi %mul3A_87, %add3A_225 : i32
      %get3A_227 = arith.index_cast %add3A_226 : i32 to index
      %get3A_228 = arith.constant 0 : index
      %get3A_229 = tpu.vector_load %arg5[%get3A_227, %get3A_228] {strides = array<i32>} : memref<200x128xi32, #tpu.memory_space<vmem>>, vector<16xi32>,
      %and3A_230 = arith.constant 1 : i32
      %and3A_231 = vector.broadcast %and3A_230 : i32 to vector<16xi32>
      %and3A_232 = arith.andi %get3A_229, %and3A_231 : vector<16xi32>
      %shift_left3A_233 = arith.constant 6 : i32
      %shift_left3A_234 = vector.broadcast %shift_left3A_233 : i32 to vector<16xi32>
      %shift_left3A_235 = arith.shli %and3A_232, %shift_left3A_234 : vector<16xi32>
      %get3A_236 = arith.index_cast %add3A_226 : i32 to index
      %get3A_237 = arith.constant 16 : index
      %get3A_238 = tpu.vector_load %arg5[%get3A_236, %get3A_237] {strides = array<i32>} : memref<200x128xi32, #tpu.memory_space<vmem>>, vector<16xi32>,
      %and3A_239 = arith.constant 1 : i32
      %and3A_240 = vector.broadcast %and3A_239 : i32 to vector<16xi32>
      %and3A_241 = arith.andi %get3A_238, %and3A_240 : vector<16xi32>
      %shift_left3A_242 = arith.constant 6 : i32
      %shift_left3A_243 = vector.broadcast %shift_left3A_242 : i32 to vector<16xi32>
      %shift_left3A_244 = arith.shli %and3A_241, %shift_left3A_243 : vector<16xi32>
      %get3A_245 = arith.index_cast %add3A_226 : i32 to index
      %get3A_246 = arith.constant 32 : index
      %get3A_247 = tpu.vector_load %arg5[%get3A_245, %get3A_246] {strides = array<i32>} : memref<200x128xi32, #tpu.memory_space<vmem>>, vector<16xi32>,
      %and3A_248 = arith.constant 1 : i32
      %and3A_249 = vector.broadcast %and3A_248 : i32 to vector<16xi32>
      %and3A_250 = arith.andi %get3A_247, %and3A_249 : vector<16xi32>
      %shift_left3A_251 = arith.constant 6 : i32
      %shift_left3A_252 = vector.broadcast %shift_left3A_251 : i32 to vector<16xi32>
      %shift_left3A_253 = arith.shli %and3A_250, %shift_left3A_252 : vector<16xi32>
      %get3A_254 = arith.index_cast %add3A_226 : i32 to index
      %get3A_255 = arith.constant 48 : index
      %get3A_256 = tpu.vector_load %arg5[%get3A_254, %get3A_255] {strides = array<i32>} : memref<200x128xi32, #tpu.memory_space<vmem>>, vector<16xi32>,
      %and3A_257 = arith.constant 1 : i32
      %and3A_258 = vector.broadcast %and3A_257 : i32 to vector<16xi32>
      %and3A_259 = arith.andi %get3A_256, %and3A_258 : vector<16xi32>
      %shift_left3A_260 = arith.constant 6 : i32
      %shift_left3A_261 = vector.broadcast %shift_left3A_260 : i32 to vector<16xi32>
      %shift_left3A_262 = arith.shli %and3A_259, %shift_left3A_261 : vector<16xi32>
      %get3A_263 = arith.index_cast %add3A_226 : i32 to index
      %get3A_264 = arith.constant 64 : index
      %get3A_265 = tpu.vector_load %arg5[%get3A_263, %get3A_264] {strides = array<i32>} : memref<200x128xi32, #tpu.memory_space<vmem>>, vector<16xi32>,
      %and3A_266 = arith.constant 1 : i32
      %and3A_267 = vector.broadcast %and3A_266 : i32 to vector<16xi32>
      %and3A_268 = arith.andi %get3A_265, %and3A_267 : vector<16xi32>
      %shift_left3A_269 = arith.constant 6 : i32
      %shift_left3A_270 = vector.broadcast %shift_left3A_269 : i32 to vector<16xi32>
      %shift_left3A_271 = arith.shli %and3A_268, %shift_left3A_270 : vector<16xi32>
      %get3A_272 = arith.index_cast %add3A_226 : i32 to index
      %get3A_273 = arith.constant 80 : index
      %get3A_274 = tpu.vector_load %arg5[%get3A_272, %get3A_273] {strides = array<i32>} : memref<200x128xi32, #tpu.memory_space<vmem>>, vector<16xi32>,
      %and3A_275 = arith.constant 1 : i32
      %and3A_276 = vector.broadcast %and3A_275 : i32 to vector<16xi32>
      %and3A_277 = arith.andi %get3A_274, %and3A_276 : vector<16xi32>
      %shift_left3A_278 = arith.constant 6 : i32
      %shift_left3A_279 = vector.broadcast %shift_left3A_278 : i32 to vector<16xi32>
      %shift_left3A_280 = arith.shli %and3A_277, %shift_left3A_279 : vector<16xi32>
      %get3A_281 = arith.index_cast %add3A_226 : i32 to index
      %get3A_282 = arith.constant 96 : index
      %get3A_283 = tpu.vector_load %arg5[%get3A_281, %get3A_282] {strides = array<i32>} : memref<200x128xi32, #tpu.memory_space<vmem>>, vector<16xi32>,
      %and3A_284 = arith.constant 1 : i32
      %and3A_285 = vector.broadcast %and3A_284 : i32 to vector<16xi32>
      %and3A_286 = arith.andi %get3A_283, %and3A_285 : vector<16xi32>
      %shift_left3A_287 = arith.constant 6 : i32
      %shift_left3A_288 = vector.broadcast %shift_left3A_287 : i32 to vector<16xi32>
      %shift_left3A_289 = arith.shli %and3A_286, %shift_left3A_288 : vector<16xi32>
      %get3A_290 = arith.index_cast %add3A_226 : i32 to index
      %get3A_291 = arith.constant 112 : index
      %get3A_292 = tpu.vector_load %arg5[%get3A_290, %get3A_291] {strides = array<i32>} : memref<200x128xi32, #tpu.memory_space<vmem>>, vector<16xi32>,
      %and3A_293 = arith.constant 1 : i32
      %and3A_294 = vector.broadcast %and3A_293 : i32 to vector<16xi32>
      %and3A_295 = arith.andi %get3A_292, %and3A_294 : vector<16xi32>
      %shift_left3A_296 = arith.constant 6 : i32
      %shift_left3A_297 = vector.broadcast %shift_left3A_296 : i32 to vector<16xi32>
      %shift_left3A_298 = arith.shli %and3A_295, %shift_left3A_297 : vector<16xi32>
      %scan3A_299 = arith.constant 0 : i32
      %scan3A_300 = arith.constant 64 : i32
      %scan3A_301 = arith.addi %scan3A_299, %scan3A_300 : i32
      %scan3A_302 = arith.constant 2 : i32
      scf.for %scan3A_321 = %scan3A_299 to %scan3A_301 step %scan3A_302  : i32 {
        %add3A_322 = vector.broadcast %scan3A_321 : i32 to vector<16xi32>
        %add3A_323 = arith.addi %add3A_322, %iota3A_36 : vector<16xi32>
        %and3A_324 = arith.constant 63 : i32
        %and3A_325 = vector.broadcast %and3A_324 : i32 to vector<16xi32>
        %and3A_326 = arith.andi %add3A_323, %and3A_325 : vector<16xi32>
        %add3A_327 = arith.addi %shift_left3A_235, %and3A_326 : vector<16xi32>
        %gather3A = arith.constant 1 : i32
        %gather3A_328 = arith.constant 0 : i32
        %gather3A_329 = arith.constant 0 : i32
        %gather3A_330 = tpu.memref_slice %arg7[%gather3A, %gather3A_328, %gather3A_329] : memref<2x128x128xf32, #tpu.memory_space<vmem>> -> memref<1x128x128xf32, #tpu.memory_space<vmem>>
        %gather3A_331 = tpu.memref_squeeze %gather3A_330 : memref<1x128x128xf32, #tpu.memory_space<vmem>> -> memref<128x128xf32, #tpu.memory_space<vmem>>
        %gather3A_332 = tpu.vector_load_idx %gather3A_331[%iota3A, %add3A_327] : memref<128x128xf32, #tpu.memory_space<vmem>>[vector<16xi32>, vector<16xi32>], vector<16xf32>,
        %add3A_333 = arith.addi %shift_left3A_244, %and3A_326 : vector<16xi32>
        %gather3A_334 = arith.constant 1 : i32
        %gather3A_335 = arith.constant 0 : i32
        %gather3A_336 = arith.constant 0 : i32
        %gather3A_337 = tpu.memref_slice %arg7[%gather3A_334, %gather3A_335, %gather3A_336] : memref<2x128x128xf32, #tpu.memory_space<vmem>> -> memref<1x128x128xf32, #tpu.memory_space<vmem>>
        %gather3A_338 = tpu.memref_squeeze %gather3A_337 : memref<1x128x128xf32, #tpu.memory_space<vmem>> -> memref<128x128xf32, #tpu.memory_space<vmem>>
        %gather3A_339 = tpu.vector_load_idx %gather3A_338[%add3A_11, %add3A_333] : memref<128x128xf32, #tpu.memory_space<vmem>>[vector<16xi32>, vector<16xi32>], vector<16xf32>,
        %add3A_340 = arith.addi %shift_left3A_253, %and3A_326 : vector<16xi32>
        %gather3A_341 = arith.constant 1 : i32
        %gather3A_342 = arith.constant 0 : i32
        %gather3A_343 = arith.constant 0 : i32
        %gather3A_344 = tpu.memref_slice %arg7[%gather3A_341, %gather3A_342, %gather3A_343] : memref<2x128x128xf32, #tpu.memory_space<vmem>> -> memref<1x128x128xf32, #tpu.memory_space<vmem>>
        %gather3A_345 = tpu.memref_squeeze %gather3A_344 : memref<1x128x128xf32, #tpu.memory_space<vmem>> -> memref<128x128xf32, #tpu.memory_space<vmem>>
        %gather3A_346 = tpu.vector_load_idx %gather3A_345[%add3A_15, %add3A_340] : memref<128x128xf32, #tpu.memory_space<vmem>>[vector<16xi32>, vector<16xi32>], vector<16xf32>,
        %add3A_347 = arith.addi %shift_left3A_262, %and3A_326 : vector<16xi32>
        %gather3A_348 = arith.constant 1 : i32
        %gather3A_349 = arith.constant 0 : i32
        %gather3A_350 = arith.constant 0 : i32
        %gather3A_351 = tpu.memref_slice %arg7[%gather3A_348, %gather3A_349, %gather3A_350] : memref<2x128x128xf32, #tpu.memory_space<vmem>> -> memref<1x128x128xf32, #tpu.memory_space<vmem>>
        %gather3A_352 = tpu.memref_squeeze %gather3A_351 : memref<1x128x128xf32, #tpu.memory_space<vmem>> -> memref<128x128xf32, #tpu.memory_space<vmem>>
        %gather3A_353 = tpu.vector_load_idx %gather3A_352[%add3A_19, %add3A_347] : memref<128x128xf32, #tpu.memory_space<vmem>>[vector<16xi32>, vector<16xi32>], vector<16xf32>,
        %add3A_354 = arith.addi %shift_left3A_271, %and3A_326 : vector<16xi32>
        %gather3A_355 = arith.constant 1 : i32
        %gather3A_356 = arith.constant 0 : i32
        %gather3A_357 = arith.constant 0 : i32
        %gather3A_358 = tpu.memref_slice %arg7[%gather3A_355, %gather3A_356, %gather3A_357] : memref<2x128x128xf32, #tpu.memory_space<vmem>> -> memref<1x128x128xf32, #tpu.memory_space<vmem>>
        %gather3A_359 = tpu.memref_squeeze %gather3A_358 : memref<1x128x128xf32, #tpu.memory_space<vmem>> -> memref<128x128xf32, #tpu.memory_space<vmem>>
        %gather3A_360 = tpu.vector_load_idx %gather3A_359[%add3A_23, %add3A_354] : memref<128x128xf32, #tpu.memory_space<vmem>>[vector<16xi32>, vector<16xi32>], vector<16xf32>,
        %add3A_361 = arith.addi %shift_left3A_280, %and3A_326 : vector<16xi32>
        %gather3A_362 = arith.constant 1 : i32
        %gather3A_363 = arith.constant 0 : i32
        %gather3A_364 = arith.constant 0 : i32
        %gather3A_365 = tpu.memref_slice %arg7[%gather3A_362, %gather3A_363, %gather3A_364] : memref<2x128x128xf32, #tpu.memory_space<vmem>> -> memref<1x128x128xf32, #tpu.memory_space<vmem>>
        %gather3A_366 = tpu.memref_squeeze %gather3A_365 : memref<1x128x128xf32, #tpu.memory_space<vmem>> -> memref<128x128xf32, #tpu.memory_space<vmem>>
        %gather3A_367 = tpu.vector_load_idx %gather3A_366[%add3A_27, %add3A_361] : memref<128x128xf32, #tpu.memory_space<vmem>>[vector<16xi32>, vector<16xi32>], vector<16xf32>,
        %add3A_368 = arith.addi %shift_left3A_289, %and3A_326 : vector<16xi32>
        %gather3A_369 = arith.constant 1 : i32
        %gather3A_370 = arith.constant 0 : i32
        %gather3A_371 = arith.constant 0 : i32
        %gather3A_372 = tpu.memref_slice %arg7[%gather3A_369, %gather3A_370, %gather3A_371] : memref<2x128x128xf32, #tpu.memory_space<vmem>> -> memref<1x128x128xf32, #tpu.memory_space<vmem>>
        %gather3A_373 = tpu.memref_squeeze %gather3A_372 : memref<1x128x128xf32, #tpu.memory_space<vmem>> -> memref<128x128xf32, #tpu.memory_space<vmem>>
        %gather3A_374 = tpu.vector_load_idx %gather3A_373[%add3A_31, %add3A_368] : memref<128x128xf32, #tpu.memory_space<vmem>>[vector<16xi32>, vector<16xi32>], vector<16xf32>,
        %add3A_375 = arith.addi %shift_left3A_298, %and3A_326 : vector<16xi32>
        %gather3A_376 = arith.constant 1 : i32
        %gather3A_377 = arith.constant 0 : i32
        %gather3A_378 = arith.constant 0 : i32
        %gather3A_379 = tpu.memref_slice %arg7[%gather3A_376, %gather3A_377, %gather3A_378] : memref<2x128x128xf32, #tpu.memory_space<vmem>> -> memref<1x128x128xf32, #tpu.memory_space<vmem>>
        %gather3A_380 = tpu.memref_squeeze %gather3A_379 : memref<1x128x128xf32, #tpu.memory_space<vmem>> -> memref<128x128xf32, #tpu.memory_space<vmem>>
        %gather3A_381 = tpu.vector_load_idx %gather3A_380[%add3A_35, %add3A_375] : memref<128x128xf32, #tpu.memory_space<vmem>>[vector<16xi32>, vector<16xi32>], vector<16xf32>,
        %scatter3A = arith.constant 1 : i32
        %scatter3A_382 = arith.constant 0 : i32
        %scatter3A_383 = arith.constant 0 : i32
        %scatter3A_384 = tpu.memref_slice %arg8[%scatter3A, %scatter3A_382, %scatter3A_383] : memref<2x64x128xf32, #tpu.memory_space<vmem>> -> memref<1x64x128xf32, #tpu.memory_space<vmem>>
        %scatter3A_385 = tpu.memref_squeeze %scatter3A_384 : memref<1x64x128xf32, #tpu.memory_space<vmem>> -> memref<64x128xf32, #tpu.memory_space<vmem>>
        tpu.vector_store_idx %scatter3A_385[%and3A_326, %iota3A], %gather3A_332 : memref<64x128xf32, #tpu.memory_space<vmem>>[vector<16xi32>, vector<16xi32>], vector<16xf32>,
        %scatter3A_386 = arith.constant 1 : i32
        %scatter3A_387 = arith.constant 0 : i32
        %scatter3A_388 = arith.constant 0 : i32
        %scatter3A_389 = tpu.memref_slice %arg8[%scatter3A_386, %scatter3A_387, %scatter3A_388] : memref<2x64x128xf32, #tpu.memory_space<vmem>> -> memref<1x64x128xf32, #tpu.memory_space<vmem>>
        %scatter3A_390 = tpu.memref_squeeze %scatter3A_389 : memref<1x64x128xf32, #tpu.memory_space<vmem>> -> memref<64x128xf32, #tpu.memory_space<vmem>>
        tpu.vector_store_idx %scatter3A_390[%and3A_326, %add3A_11], %gather3A_339 : memref<64x128xf32, #tpu.memory_space<vmem>>[vector<16xi32>, vector<16xi32>], vector<16xf32>,
        %scatter3A_391 = arith.constant 1 : i32
        %scatter3A_392 = arith.constant 0 : i32
        %scatter3A_393 = arith.constant 0 : i32
        %scatter3A_394 = tpu.memref_slice %arg8[%scatter3A_391, %scatter3A_392, %scatter3A_393] : memref<2x64x128xf32, #tpu.memory_space<vmem>> -> memref<1x64x128xf32, #tpu.memory_space<vmem>>
        %scatter3A_395 = tpu.memref_squeeze %scatter3A_394 : memref<1x64x128xf32, #tpu.memory_space<vmem>> -> memref<64x128xf32, #tpu.memory_space<vmem>>
        tpu.vector_store_idx %scatter3A_395[%and3A_326, %add3A_15], %gather3A_346 : memref<64x128xf32, #tpu.memory_space<vmem>>[vector<16xi32>, vector<16xi32>], vector<16xf32>,
        %scatter3A_396 = arith.constant 1 : i32
        %scatter3A_397 = arith.constant 0 : i32
        %scatter3A_398 = arith.constant 0 : i32
        %scatter3A_399 = tpu.memref_slice %arg8[%scatter3A_396, %scatter3A_397, %scatter3A_398] : memref<2x64x128xf32, #tpu.memory_space<vmem>> -> memref<1x64x128xf32, #tpu.memory_space<vmem>>
        %scatter3A_400 = tpu.memref_squeeze %scatter3A_399 : memref<1x64x128xf32, #tpu.memory_space<vmem>> -> memref<64x128xf32, #tpu.memory_space<vmem>>
        tpu.vector_store_idx %scatter3A_400[%and3A_326, %add3A_19], %gather3A_353 : memref<64x128xf32, #tpu.memory_space<vmem>>[vector<16xi32>, vector<16xi32>], vector<16xf32>,
        %scatter3A_401 = arith.constant 1 : i32
        %scatter3A_402 = arith.constant 0 : i32
        %scatter3A_403 = arith.constant 0 : i32
        %scatter3A_404 = tpu.memref_slice %arg8[%scatter3A_401, %scatter3A_402, %scatter3A_403] : memref<2x64x128xf32, #tpu.memory_space<vmem>> -> memref<1x64x128xf32, #tpu.memory_space<vmem>>
        %scatter3A_405 = tpu.memref_squeeze %scatter3A_404 : memref<1x64x128xf32, #tpu.memory_space<vmem>> -> memref<64x128xf32, #tpu.memory_space<vmem>>
        tpu.vector_store_idx %scatter3A_405[%and3A_326, %add3A_23], %gather3A_360 : memref<64x128xf32, #tpu.memory_space<vmem>>[vector<16xi32>, vector<16xi32>], vector<16xf32>,
        %scatter3A_406 = arith.constant 1 : i32
        %scatter3A_407 = arith.constant 0 : i32
        %scatter3A_408 = arith.constant 0 : i32
        %scatter3A_409 = tpu.memref_slice %arg8[%scatter3A_406, %scatter3A_407, %scatter3A_408] : memref<2x64x128xf32, #tpu.memory_space<vmem>> -> memref<1x64x128xf32, #tpu.memory_space<vmem>>
        %scatter3A_410 = tpu.memref_squeeze %scatter3A_409 : memref<1x64x128xf32, #tpu.memory_space<vmem>> -> memref<64x128xf32, #tpu.memory_space<vmem>>
        tpu.vector_store_idx %scatter3A_410[%and3A_326, %add3A_27], %gather3A_367 : memref<64x128xf32, #tpu.memory_space<vmem>>[vector<16xi32>, vector<16xi32>], vector<16xf32>,
        %scatter3A_411 = arith.constant 1 : i32
        %scatter3A_412 = arith.constant 0 : i32
        %scatter3A_413 = arith.constant 0 : i32
        %scatter3A_414 = tpu.memref_slice %arg8[%scatter3A_411, %scatter3A_412, %scatter3A_413] : memref<2x64x128xf32, #tpu.memory_space<vmem>> -> memref<1x64x128xf32, #tpu.memory_space<vmem>>
        %scatter3A_415 = tpu.memref_squeeze %scatter3A_414 : memref<1x64x128xf32, #tpu.memory_space<vmem>> -> memref<64x128xf32, #tpu.memory_space<vmem>>
        tpu.vector_store_idx %scatter3A_415[%and3A_326, %add3A_31], %gather3A_374 : memref<64x128xf32, #tpu.memory_space<vmem>>[vector<16xi32>, vector<16xi32>], vector<16xf32>,
        %scatter3A_416 = arith.constant 1 : i32
        %scatter3A_417 = arith.constant 0 : i32
        %scatter3A_418 = arith.constant 0 : i32
        %scatter3A_419 = tpu.memref_slice %arg8[%scatter3A_416, %scatter3A_417, %scatter3A_418] : memref<2x64x128xf32, #tpu.memory_space<vmem>> -> memref<1x64x128xf32, #tpu.memory_space<vmem>>
        %scatter3A_420 = tpu.memref_squeeze %scatter3A_419 : memref<1x64x128xf32, #tpu.memory_space<vmem>> -> memref<64x128xf32, #tpu.memory_space<vmem>>
        tpu.vector_store_idx %scatter3A_420[%and3A_326, %add3A_35], %gather3A_381 : memref<64x128xf32, #tpu.memory_space<vmem>>[vector<16xi32>, vector<16xi32>], vector<16xf32>,
        %scan3A_421 = arith.constant 1 : i32
        %scan3A_422 = arith.addi %scan3A_321, %scan3A_421 : i32
        %add3A_423 = vector.broadcast %scan3A_422 : i32 to vector<16xi32>
        %add3A_424 = arith.addi %add3A_423, %iota3A_36 : vector<16xi32>
        %and3A_425 = arith.constant 63 : i32
        %and3A_426 = vector.broadcast %and3A_425 : i32 to vector<16xi32>
        %and3A_427 = arith.andi %add3A_424, %and3A_426 : vector<16xi32>
        %add3A_428 = arith.addi %shift_left3A_235, %and3A_427 : vector<16xi32>
        %gather3A_429 = arith.constant 1 : i32
        %gather3A_430 = arith.constant 0 : i32
        %gather3A_431 = arith.constant 0 : i32
        %gather3A_432 = tpu.memref_slice %arg7[%gather3A_429, %gather3A_430, %gather3A_431] : memref<2x128x128xf32, #tpu.memory_space<vmem>> -> memref<1x128x128xf32, #tpu.memory_space<vmem>>
        %gather3A_433 = tpu.memref_squeeze %gather3A_432 : memref<1x128x128xf32, #tpu.memory_space<vmem>> -> memref<128x128xf32, #tpu.memory_space<vmem>>
        %gather3A_434 = tpu.vector_load_idx %gather3A_433[%iota3A, %add3A_428] : memref<128x128xf32, #tpu.memory_space<vmem>>[vector<16xi32>, vector<16xi32>], vector<16xf32>,
        %add3A_435 = arith.addi %shift_left3A_244, %and3A_427 : vector<16xi32>
        %gather3A_436 = arith.constant 1 : i32
        %gather3A_437 = arith.constant 0 : i32
        %gather3A_438 = arith.constant 0 : i32
        %gather3A_439 = tpu.memref_slice %arg7[%gather3A_436, %gather3A_437, %gather3A_438] : memref<2x128x128xf32, #tpu.memory_space<vmem>> -> memref<1x128x128xf32, #tpu.memory_space<vmem>>
        %gather3A_440 = tpu.memref_squeeze %gather3A_439 : memref<1x128x128xf32, #tpu.memory_space<vmem>> -> memref<128x128xf32, #tpu.memory_space<vmem>>
        %gather3A_441 = tpu.vector_load_idx %gather3A_440[%add3A_11, %add3A_435] : memref<128x128xf32, #tpu.memory_space<vmem>>[vector<16xi32>, vector<16xi32>], vector<16xf32>,
        %add3A_442 = arith.addi %shift_left3A_253, %and3A_427 : vector<16xi32>
        %gather3A_443 = arith.constant 1 : i32
        %gather3A_444 = arith.constant 0 : i32
        %gather3A_445 = arith.constant 0 : i32
        %gather3A_446 = tpu.memref_slice %arg7[%gather3A_443, %gather3A_444, %gather3A_445] : memref<2x128x128xf32, #tpu.memory_space<vmem>> -> memref<1x128x128xf32, #tpu.memory_space<vmem>>
        %gather3A_447 = tpu.memref_squeeze %gather3A_446 : memref<1x128x128xf32, #tpu.memory_space<vmem>> -> memref<128x128xf32, #tpu.memory_space<vmem>>
        %gather3A_448 = tpu.vector_load_idx %gather3A_447[%add3A_15, %add3A_442] : memref<128x128xf32, #tpu.memory_space<vmem>>[vector<16xi32>, vector<16xi32>], vector<16xf32>,
        %add3A_449 = arith.addi %shift_left3A_262, %and3A_427 : vector<16xi32>
        %gather3A_450 = arith.constant 1 : i32
        %gather3A_451 = arith.constant 0 : i32
        %gather3A_452 = arith.constant 0 : i32
        %gather3A_453 = tpu.memref_slice %arg7[%gather3A_450, %gather3A_451, %gather3A_452] : memref<2x128x128xf32, #tpu.memory_space<vmem>> -> memref<1x128x128xf32, #tpu.memory_space<vmem>>
        %gather3A_454 = tpu.memref_squeeze %gather3A_453 : memref<1x128x128xf32, #tpu.memory_space<vmem>> -> memref<128x128xf32, #tpu.memory_space<vmem>>
        %gather3A_455 = tpu.vector_load_idx %gather3A_454[%add3A_19, %add3A_449] : memref<128x128xf32, #tpu.memory_space<vmem>>[vector<16xi32>, vector<16xi32>], vector<16xf32>,
        %add3A_456 = arith.addi %shift_left3A_271, %and3A_427 : vector<16xi32>
        %gather3A_457 = arith.constant 1 : i32
        %gather3A_458 = arith.constant 0 : i32
        %gather3A_459 = arith.constant 0 : i32
        %gather3A_460 = tpu.memref_slice %arg7[%gather3A_457, %gather3A_458, %gather3A_459] : memref<2x128x128xf32, #tpu.memory_space<vmem>> -> memref<1x128x128xf32, #tpu.memory_space<vmem>>
        %gather3A_461 = tpu.memref_squeeze %gather3A_460 : memref<1x128x128xf32, #tpu.memory_space<vmem>> -> memref<128x128xf32, #tpu.memory_space<vmem>>
        %gather3A_462 = tpu.vector_load_idx %gather3A_461[%add3A_23, %add3A_456] : memref<128x128xf32, #tpu.memory_space<vmem>>[vector<16xi32>, vector<16xi32>], vector<16xf32>,
        %add3A_463 = arith.addi %shift_left3A_280, %and3A_427 : vector<16xi32>
        %gather3A_464 = arith.constant 1 : i32
        %gather3A_465 = arith.constant 0 : i32
        %gather3A_466 = arith.constant 0 : i32
        %gather3A_467 = tpu.memref_slice %arg7[%gather3A_464, %gather3A_465, %gather3A_466] : memref<2x128x128xf32, #tpu.memory_space<vmem>> -> memref<1x128x128xf32, #tpu.memory_space<vmem>>
        %gather3A_468 = tpu.memref_squeeze %gather3A_467 : memref<1x128x128xf32, #tpu.memory_space<vmem>> -> memref<128x128xf32, #tpu.memory_space<vmem>>
        %gather3A_469 = tpu.vector_load_idx %gather3A_468[%add3A_27, %add3A_463] : memref<128x128xf32, #tpu.memory_space<vmem>>[vector<16xi32>, vector<16xi32>], vector<16xf32>,
        %add3A_470 = arith.addi %shift_left3A_289, %and3A_427 : vector<16xi32>
        %gather3A_471 = arith.constant 1 : i32
        %gather3A_472 = arith.constant 0 : i32
        %gather3A_473 = arith.constant 0 : i32
        %gather3A_474 = tpu.memref_slice %arg7[%gather3A_471, %gather3A_472, %gather3A_473] : memref<2x128x128xf32, #tpu.memory_space<vmem>> -> memref<1x128x128xf32, #tpu.memory_space<vmem>>
        %gather3A_475 = tpu.memref_squeeze %gather3A_474 : memref<1x128x128xf32, #tpu.memory_space<vmem>> -> memref<128x128xf32, #tpu.memory_space<vmem>>
        %gather3A_476 = tpu.vector_load_idx %gather3A_475[%add3A_31, %add3A_470] : memref<128x128xf32, #tpu.memory_space<vmem>>[vector<16xi32>, vector<16xi32>], vector<16xf32>,
        %add3A_477 = arith.addi %shift_left3A_298, %and3A_427 : vector<16xi32>
        %gather3A_478 = arith.constant 1 : i32
        %gather3A_479 = arith.constant 0 : i32
        %gather3A_480 = arith.constant 0 : i32
        %gather3A_481 = tpu.memref_slice %arg7[%gather3A_478, %gather3A_479, %gather3A_480] : memref<2x128x128xf32, #tpu.memory_space<vmem>> -> memref<1x128x128xf32, #tpu.memory_space<vmem>>
        %gather3A_482 = tpu.memref_squeeze %gather3A_481 : memref<1x128x128xf32, #tpu.memory_space<vmem>> -> memref<128x128xf32, #tpu.memory_space<vmem>>
        %gather3A_483 = tpu.vector_load_idx %gather3A_482[%add3A_35, %add3A_477] : memref<128x128xf32, #tpu.memory_space<vmem>>[vector<16xi32>, vector<16xi32>], vector<16xf32>,
        %scatter3A_484 = arith.constant 1 : i32
        %scatter3A_485 = arith.constant 0 : i32
        %scatter3A_486 = arith.constant 0 : i32
        %scatter3A_487 = tpu.memref_slice %arg8[%scatter3A_484, %scatter3A_485, %scatter3A_486] : memref<2x64x128xf32, #tpu.memory_space<vmem>> -> memref<1x64x128xf32, #tpu.memory_space<vmem>>
        %scatter3A_488 = tpu.memref_squeeze %scatter3A_487 : memref<1x64x128xf32, #tpu.memory_space<vmem>> -> memref<64x128xf32, #tpu.memory_space<vmem>>
        tpu.vector_store_idx %scatter3A_488[%and3A_427, %iota3A], %gather3A_434 : memref<64x128xf32, #tpu.memory_space<vmem>>[vector<16xi32>, vector<16xi32>], vector<16xf32>,
        %scatter3A_489 = arith.constant 1 : i32
        %scatter3A_490 = arith.constant 0 : i32
        %scatter3A_491 = arith.constant 0 : i32
        %scatter3A_492 = tpu.memref_slice %arg8[%scatter3A_489, %scatter3A_490, %scatter3A_491] : memref<2x64x128xf32, #tpu.memory_space<vmem>> -> memref<1x64x128xf32, #tpu.memory_space<vmem>>
        %scatter3A_493 = tpu.memref_squeeze %scatter3A_492 : memref<1x64x128xf32, #tpu.memory_space<vmem>> -> memref<64x128xf32, #tpu.memory_space<vmem>>
        tpu.vector_store_idx %scatter3A_493[%and3A_427, %add3A_11], %gather3A_441 : memref<64x128xf32, #tpu.memory_space<vmem>>[vector<16xi32>, vector<16xi32>], vector<16xf32>,
        %scatter3A_494 = arith.constant 1 : i32
        %scatter3A_495 = arith.constant 0 : i32
        %scatter3A_496 = arith.constant 0 : i32
        %scatter3A_497 = tpu.memref_slice %arg8[%scatter3A_494, %scatter3A_495, %scatter3A_496] : memref<2x64x128xf32, #tpu.memory_space<vmem>> -> memref<1x64x128xf32, #tpu.memory_space<vmem>>
        %scatter3A_498 = tpu.memref_squeeze %scatter3A_497 : memref<1x64x128xf32, #tpu.memory_space<vmem>> -> memref<64x128xf32, #tpu.memory_space<vmem>>
        tpu.vector_store_idx %scatter3A_498[%and3A_427, %add3A_15], %gather3A_448 : memref<64x128xf32, #tpu.memory_space<vmem>>[vector<16xi32>, vector<16xi32>], vector<16xf32>,
        %scatter3A_499 = arith.constant 1 : i32
        %scatter3A_500 = arith.constant 0 : i32
        %scatter3A_501 = arith.constant 0 : i32
        %scatter3A_502 = tpu.memref_slice %arg8[%scatter3A_499, %scatter3A_500, %scatter3A_501] : memref<2x64x128xf32, #tpu.memory_space<vmem>> -> memref<1x64x128xf32, #tpu.memory_space<vmem>>
        %scatter3A_503 = tpu.memref_squeeze %scatter3A_502 : memref<1x64x128xf32, #tpu.memory_space<vmem>> -> memref<64x128xf32, #tpu.memory_space<vmem>>
        tpu.vector_store_idx %scatter3A_503[%and3A_427, %add3A_19], %gather3A_455 : memref<64x128xf32, #tpu.memory_space<vmem>>[vector<16xi32>, vector<16xi32>], vector<16xf32>,
        %scatter3A_504 = arith.constant 1 : i32
        %scatter3A_505 = arith.constant 0 : i32
        %scatter3A_506 = arith.constant 0 : i32
        %scatter3A_507 = tpu.memref_slice %arg8[%scatter3A_504, %scatter3A_505, %scatter3A_506] : memref<2x64x128xf32, #tpu.memory_space<vmem>> -> memref<1x64x128xf32, #tpu.memory_space<vmem>>
        %scatter3A_508 = tpu.memref_squeeze %scatter3A_507 : memref<1x64x128xf32, #tpu.memory_space<vmem>> -> memref<64x128xf32, #tpu.memory_space<vmem>>
        tpu.vector_store_idx %scatter3A_508[%and3A_427, %add3A_23], %gather3A_462 : memref<64x128xf32, #tpu.memory_space<vmem>>[vector<16xi32>, vector<16xi32>], vector<16xf32>,
        %scatter3A_509 = arith.constant 1 : i32
        %scatter3A_510 = arith.constant 0 : i32
        %scatter3A_511 = arith.constant 0 : i32
        %scatter3A_512 = tpu.memref_slice %arg8[%scatter3A_509, %scatter3A_510, %scatter3A_511] : memref<2x64x128xf32, #tpu.memory_space<vmem>> -> memref<1x64x128xf32, #tpu.memory_space<vmem>>
        %scatter3A_513 = tpu.memref_squeeze %scatter3A_512 : memref<1x64x128xf32, #tpu.memory_space<vmem>> -> memref<64x128xf32, #tpu.memory_space<vmem>>
        tpu.vector_store_idx %scatter3A_513[%and3A_427, %add3A_27], %gather3A_469 : memref<64x128xf32, #tpu.memory_space<vmem>>[vector<16xi32>, vector<16xi32>], vector<16xf32>,
        %scatter3A_514 = arith.constant 1 : i32
        %scatter3A_515 = arith.constant 0 : i32
        %scatter3A_516 = arith.constant 0 : i32
        %scatter3A_517 = tpu.memref_slice %arg8[%scatter3A_514, %scatter3A_515, %scatter3A_516] : memref<2x64x128xf32, #tpu.memory_space<vmem>> -> memref<1x64x128xf32, #tpu.memory_space<vmem>>
        %scatter3A_518 = tpu.memref_squeeze %scatter3A_517 : memref<1x64x128xf32, #tpu.memory_space<vmem>> -> memref<64x128xf32, #tpu.memory_space<vmem>>
        tpu.vector_store_idx %scatter3A_518[%and3A_427, %add3A_31], %gather3A_476 : memref<64x128xf32, #tpu.memory_space<vmem>>[vector<16xi32>, vector<16xi32>], vector<16xf32>,
        %scatter3A_519 = arith.constant 1 : i32
        %scatter3A_520 = arith.constant 0 : i32
        %scatter3A_521 = arith.constant 0 : i32
        %scatter3A_522 = tpu.memref_slice %arg8[%scatter3A_519, %scatter3A_520, %scatter3A_521] : memref<2x64x128xf32, #tpu.memory_space<vmem>> -> memref<1x64x128xf32, #tpu.memory_space<vmem>>
        %scatter3A_523 = tpu.memref_squeeze %scatter3A_522 : memref<1x64x128xf32, #tpu.memory_space<vmem>> -> memref<64x128xf32, #tpu.memory_space<vmem>>
        tpu.vector_store_idx %scatter3A_523[%and3A_427, %add3A_35], %gather3A_483 : memref<64x128xf32, #tpu.memory_space<vmem>>[vector<16xi32>, vector<16xi32>], vector<16xf32>,
      }
      %scan3A_303 = arith.constant 64 : i32
      %add3A_304 = arith.constant 1 : i32
      %add3A_305 = arith.addi %mul3A_87, %add3A_304 : i32
      %dma_start3A_306 = arith.constant 1 : i32
      %dma_start3A_307 = arith.constant 0 : i32
      %dma_start3A_308 = arith.constant 0 : i32
      %dma_start3A_309 = tpu.memref_slice %arg8[%dma_start3A_306, %dma_start3A_307, %dma_start3A_308] : memref<2x64x128xf32, #tpu.memory_space<vmem>> -> memref<1x64x128xf32, #tpu.memory_space<vmem>>
      %dma_start3A_310 = tpu.memref_squeeze %dma_start3A_309 : memref<1x64x128xf32, #tpu.memory_space<vmem>> -> memref<64x128xf32, #tpu.memory_space<vmem>>
      %dma_start3A_311 = arith.constant 0 : i32
      %dma_start3A_312 = tpu.memref_slice %arg4[%add3A_305, %dma_start3A_311, %mul3A_2] : memref<200x64x4096xf32, #tpu.memory_space<hbm>> -> memref<1x64x128xf32, #tpu.memory_space<hbm>>
      %dma_start3A_313 = tpu.memref_squeeze %dma_start3A_312 : memref<1x64x128xf32, #tpu.memory_space<hbm>> -> memref<64x128xf32, #tpu.memory_space<hbm>>
      %dma_start3A_314 = arith.constant 0 : i32
      %dma_start3A_315 = tpu.memref_slice %arg4[%add3A_305, %dma_start3A_314, %mul3A_2] : memref<200x64x4096xf32, #tpu.memory_space<hbm>> -> memref<1x64x128xf32, #tpu.memory_space<hbm>>
      %dma_start3A_316 = tpu.memref_squeeze %dma_start3A_315 : memref<1x64x128xf32, #tpu.memory_space<hbm>> -> memref<64x128xf32, #tpu.memory_space<hbm>>
      %dma_start3A_317 = arith.constant 0 : i32
      %dma_start3A_318 = arith.constant 0 : i32
      %dma_start3A_319 = tpu.memref_slice %arg8[%dma_start3A_306, %dma_start3A_317, %dma_start3A_318] : memref<2x64x128xf32, #tpu.memory_space<vmem>> -> memref<1x64x128xf32, #tpu.memory_space<vmem>>
      %dma_start3A_320 = tpu.memref_squeeze %dma_start3A_319 : memref<1x64x128xf32, #tpu.memory_space<vmem>> -> memref<64x128xf32, #tpu.memory_space<vmem>>
      tpu.enqueue_dma source(%dma_start3A_320 : memref<64x128xf32, #tpu.memory_space<vmem>>) target(%dma_start3A_316 : memref<64x128xf32, #tpu.memory_space<hbm>>) target_semaphore(%arg12 : memref<!tpu.dma_semaphore, #tpu.memory_space<semaphore_mem>>)
    }
    %scan3A_53 = arith.constant 100 : i32
    %dma_wait3A = arith.constant 0 : i32
    %dma_wait3A_54 = arith.constant 198 : i32
    %dma_wait3A_55 = arith.constant 0 : i32
    %dma_wait3A_56 = arith.constant 0 : i32
    %dma_wait3A_57 = tpu.memref_slice %arg8[%dma_wait3A, %dma_wait3A_55, %dma_wait3A_56] : memref<2x64x128xf32, #tpu.memory_space<vmem>> -> memref<1x64x128xf32, #tpu.memory_space<vmem>>
    %dma_wait3A_58 = tpu.memref_squeeze %dma_wait3A_57 : memref<1x64x128xf32, #tpu.memory_space<vmem>> -> memref<64x128xf32, #tpu.memory_space<vmem>>
    %dma_wait3A_59 = arith.constant 0 : i32
    %dma_wait3A_60 = tpu.memref_slice %arg4[%dma_wait3A_54, %dma_wait3A_59, %mul3A_2] : memref<200x64x4096xf32, #tpu.memory_space<hbm>> -> memref<1x64x128xf32, #tpu.memory_space<hbm>>
    %dma_wait3A_61 = tpu.memref_squeeze %dma_wait3A_60 : memref<1x64x128xf32, #tpu.memory_space<hbm>> -> memref<64x128xf32, #tpu.memory_space<hbm>>
    %dma_wait3A_62 = arith.constant 0 : i32
    %dma_wait3A_63 = tpu.memref_slice %arg4[%dma_wait3A_54, %dma_wait3A_62, %mul3A_2] : memref<200x64x4096xf32, #tpu.memory_space<hbm>> -> memref<1x64x128xf32, #tpu.memory_space<hbm>>
    %dma_wait3A_64 = tpu.memref_squeeze %dma_wait3A_63 : memref<1x64x128xf32, #tpu.memory_space<hbm>> -> memref<64x128xf32, #tpu.memory_space<hbm>>
    %dma_wait3A_65 = arith.constant 0 : i32
    %dma_wait3A_66 = arith.constant 0 : i32
    %dma_wait3A_67 = tpu.memref_slice %arg8[%dma_wait3A, %dma_wait3A_65, %dma_wait3A_66] : memref<2x64x128xf32, #tpu.memory_space<vmem>> -> memref<1x64x128xf32, #tpu.memory_space<vmem>>
    %dma_wait3A_68 = tpu.memref_squeeze %dma_wait3A_67 : memref<1x64x128xf32, #tpu.memory_space<vmem>> -> memref<64x128xf32, #tpu.memory_space<vmem>>
    tpu.wait_dma2 semaphore(%arg11 : memref<!tpu.dma_semaphore, #tpu.memory_space<semaphore_mem>>) src(%dma_wait3A_68 : memref<64x128xf32, #tpu.memory_space<vmem>>) dst(%dma_wait3A_64 : memref<64x128xf32, #tpu.memory_space<hbm>>)
    %dma_wait3A_69 = arith.constant 1 : i32
    %dma_wait3A_70 = arith.constant 199 : i32
    %dma_wait3A_71 = arith.constant 0 : i32
    %dma_wait3A_72 = arith.constant 0 : i32
    %dma_wait3A_73 = tpu.memref_slice %arg8[%dma_wait3A_69, %dma_wait3A_71, %dma_wait3A_72] : memref<2x64x128xf32, #tpu.memory_space<vmem>> -> memref<1x64x128xf32, #tpu.memory_space<vmem>>
    %dma_wait3A_74 = tpu.memref_squeeze %dma_wait3A_73 : memref<1x64x128xf32, #tpu.memory_space<vmem>> -> memref<64x128xf32, #tpu.memory_space<vmem>>
    %dma_wait3A_75 = arith.constant 0 : i32
    %dma_wait3A_76 = tpu.memref_slice %arg4[%dma_wait3A_70, %dma_wait3A_75, %mul3A_2] : memref<200x64x4096xf32, #tpu.memory_space<hbm>> -> memref<1x64x128xf32, #tpu.memory_space<hbm>>
    %dma_wait3A_77 = tpu.memref_squeeze %dma_wait3A_76 : memref<1x64x128xf32, #tpu.memory_space<hbm>> -> memref<64x128xf32, #tpu.memory_space<hbm>>
    %dma_wait3A_78 = arith.constant 0 : i32
    %dma_wait3A_79 = tpu.memref_slice %arg4[%dma_wait3A_70, %dma_wait3A_78, %mul3A_2] : memref<200x64x4096xf32, #tpu.memory_space<hbm>> -> memref<1x64x128xf32, #tpu.memory_space<hbm>>
    %dma_wait3A_80 = tpu.memref_squeeze %dma_wait3A_79 : memref<1x64x128xf32, #tpu.memory_space<hbm>> -> memref<64x128xf32, #tpu.memory_space<hbm>>
    %dma_wait3A_81 = arith.constant 0 : i32
    %dma_wait3A_82 = arith.constant 0 : i32
    %dma_wait3A_83 = tpu.memref_slice %arg8[%dma_wait3A_69, %dma_wait3A_81, %dma_wait3A_82] : memref<2x64x128xf32, #tpu.memory_space<vmem>> -> memref<1x64x128xf32, #tpu.memory_space<vmem>>
    %dma_wait3A_84 = tpu.memref_squeeze %dma_wait3A_83 : memref<1x64x128xf32, #tpu.memory_space<vmem>> -> memref<64x128xf32, #tpu.memory_space<vmem>>
    tpu.wait_dma2 semaphore(%arg12 : memref<!tpu.dma_semaphore, #tpu.memory_space<semaphore_mem>>) src(%dma_wait3A_84 : memref<64x128xf32, #tpu.memory_space<vmem>>) dst(%dma_wait3A_80 : memref<64x128xf32, #tpu.memory_space<hbm>>)
    return
  }
}

</mosaic_0001>

<sc_bundles>
// kernel: kernel.4.cloned.1.call-start
scs
__scs_entry_jumppad:
0x0: {  	(pc) =	sbr.rel $0x88, $3  }
0x1: {  	(tag) =	ssettag $0x0;
	lr =	simm.s32 $0x1  }
0x2: {  	[smem:$0x3F9F] =	sst lr;
	_ =	strace $0xD0000000  }
0x3: {  	_ = 	snop  }
0x4: {  	_ = 	snop  }
0x5: {  	_ = 	snop  }
0x6: {  	_ = 	snop  }
0x7: {  	_ = 	snop  }
__scs_overlays_trampoline_lowered:
0x8: {  	[smem:$0x3FAE] =	sst s0  }
0x9: {  	[smem:$0x3FAF] =	sst s1  }
0xa: {  	[smem:$0x3FB0] =	sst s2  }
0xb: {  	[smem:$0x3FB1] =	sst s3  }
0xc: {  	[smem:$0x3FB2] =	sst s4  }
0xd: {  	[smem:$0x3FB3] =	sst s5  }
0xe: {  	[smem:$0x3FB4] =	sst s6  }
0xf: {  	[smem:$0x3FB5] =	sst s7  }
0x10: {  	[smem:$0x3FB6] =	sst s8  }
0x11: {  	[smem:$0x3FB7] =	sst s9;
	s0 =	simm.s32 @!p0 $0x0  }
0x12: {  	s1 =	sld [smem:$0x3F9D];
	s0 =	simm.s32 @p0 $0x1  }
0x13: {  	[smem:$0x3FB8] =	sst s0;
	s0 =	simm.s32 @!p1 $0x0  }
0x14: {  	s2 =	sld [smem:$0x3F9C];
	s0 =	simm.s32 @p1 $0x1  }
0x15: {  	[smem:$0x3FB9] =	sst s0;
	s0 =	simm.s32 @!p2 $0x0  }
0x16: {  	s3 =	sld [smem:$0x3FDB];
	s0 =	simm.s32 @p2 $0x1  }
0x17: {  	s4 =	simm.s32 $0x1BF5;
	[smem:$0x3FBB] =	sst s0  }
0x18: {  	s0 =	sld [smem:$0x3F9E];
	_ =	swait.ge [sflag:s4], $0x0  }
0x19: {  	s7 =	sld [smem:$0x3F9F]  }
0x1a: {  	s8 =	sadd.s32 $0xFFFFE003, lr  }
0x1b: {  	s9 =	sadd.s32 $0xFFFFFEF7, lr;
	s5 =	simm.s32 $0xFFFFFFFF;
	p2 =	slt.u32 s8, $0xFFFFF086  }
0x1c: {  	p1 =	slt.u32 s9, $0xF7A;
	s5 =	simm.s32 @!p2 $0x0  }
0x1d: {  	s5 =	simm.s32 @p1 $0x1;
	p0 =	seq.s32 s7, s2  }
0x1e: {  	s7 =	smul.u32 @!p0 $0xF7A, s2;
	p2 =	seq.s32 @!p0 s5, $0x0  }
0x1f: {  	s9 =	smul.u32 $0xF7A, s1;
	s8 =	simm.s32 @!p0 $0x1BF5;
	p2 =	por !p2, p0  }
0x20: {  	[sflag:s8] =	ssyncset.s32 @!p0 $0xFFFFF086;
	s6 =	sadd.s32 @!p0 s3, s7;
	s7 =	simm.s32 @!p0 $0x108  }
0x21: {  	s3 =	sadd.s32 s3, s9;
	s6 =	sadd.s32 @!p0 $0x88, s6;
	s7 =	simm.s32 @p2 $0x1082  }
0x22: {  	[simem:s7], [sflag:s8] =	dma.local @!p0 [hbm:s6], $0xF7A  }
0x23: {  	s9 =	sor.u32 $0xD0000000, s2;
	s6 =	simm.s32 $0x108;
	_ =	swait.ge @!p0 [sflag:s8], $0x0  }
0x24: {  	s3 =	sadd.s32 $0x88, s3;
	s6 =	simm.s32 @!p1 $0x1082;
	[sflag:s4] =	ssyncset.s32 $0xFFFFF086  }
0x25: {  	[simem:s6], [sflag:s4] =	dma.local [hbm:s3], $0xF7A  }
0x26: {  	[smem:$0x3F9F] =	sst s1;
	(tag) =	ssettag s2;
	_ =	strace s9  }
0x27: {  	s1 =	sld [smem:$0x3FAF]  }
0x28: {  	s2 =	sld [smem:$0x3FB0]  }
0x29: {  	s4 =	sld [smem:$0x3FB2]  }
0x2a: {  	p0 =	seq.s32 s5, $0x0;
	s5 =	sld [smem:$0x3FB3]  }
0x2b: {  	s6 =	sld [smem:$0x3FB4]  }
0x2c: {  	s7 =	sld [smem:$0x3FB5]  }
0x2d: {  	s3 =	simm.s32 $0x108;
	s8 =	sld [smem:$0x3FB6]  }
0x2e: {  	s3 =	simm.s32 @!p0 $0x1082;
	s9 =	sld [smem:$0x3FB7]  }
0x2f: {  	lr =	sadd.s32 s0, s3;
	s0 =	sld [smem:$0x3FAE]  }
0x30: {  	s3 =	sld [smem:$0x3FB1]  }
0x31: {  	[smem:$0x3FBA] =	sst s10  }
0x32: {  	s10 =	sld [smem:$0x3FB8];
	_ =	sdelay $0x3  }
0x33: {  	p0 =	seq.s32 s10, $0x1;
	s10 =	sld [smem:$0x3FBA];
	_ =	sdelay $0x3  }
0x34: {  	[smem:$0x3FBA] =	sst s10  }
0x35: {  	s10 =	sld [smem:$0x3FB9];
	_ =	sdelay $0x3  }
0x36: {  	p1 =	seq.s32 s10, $0x1;
	s10 =	sld [smem:$0x3FBA];
	_ =	sdelay $0x3  }
0x37: {  	[smem:$0x3FBA] =	sst s10  }
0x38: {  	s10 =	sld [smem:$0x3FBB]  }
0x39: {  	_ = 	snop;
	(pc) =	sbr.ind lr, $3  }
0x3a: {  	_ = 	snop  }
0x3b: {  	_ = 	snop  }
0x3c: {  	p2 =	seq.s32 s10, $0x1;
	s10 =	sld [smem:$0x3FBA]  }
0x3d: {  	_ =	shalt  }
0x3e: {  	_ =	shalt  }
0x3f: {  	_ =	shalt  }
0x40: {  	_ =	shalt  }
0x41: {  	_ =	shalt  }
0x42: {  	_ =	shalt  }
0x43: {  	_ =	shalt  }
0x44: {  	_ =	shalt  }
0x45: {  	_ =	shalt  }
0x46: {  	_ =	shalt  }
0x47: {  	_ =	shalt  }
0x48: {  	_ =	shalt  }
0x49: {  	_ =	shalt  }
0x4a: {  	_ =	shalt  }
0x4b: {  	_ =	shalt  }
0x4c: {  	_ =	shalt  }
0x4d: {  	_ =	shalt  }
0x4e: {  	_ =	shalt  }
0x4f: {  	_ =	shalt  }
0x50: {  	_ =	shalt  }
0x51: {  	_ =	shalt  }
0x52: {  	_ =	shalt  }
0x53: {  	_ =	shalt  }
0x54: {  	_ =	shalt  }
0x55: {  	_ =	shalt  }
0x56: {  	_ =	shalt  }
0x57: {  	_ =	shalt  }
0x58: {  	_ =	shalt  }
0x59: {  	_ =	shalt  }
0x5a: {  	_ =	shalt  }
0x5b: {  	_ =	shalt  }
0x5c: {  	_ =	shalt  }
0x5d: {  	_ =	shalt  }
0x5e: {  	_ =	shalt  }
0x5f: {  	_ =	shalt  }
0x60: {  	_ =	shalt  }
0x61: {  	_ =	shalt  }
0x62: {  	_ =	shalt  }
0x63: {  	_ =	shalt  }
0x64: {  	_ =	shalt  }
0x65: {  	_ =	shalt  }
0x66: {  	_ =	shalt  }
0x67: {  	_ =	shalt  }
0x68: {  	_ =	shalt  }
0x69: {  	_ =	shalt  }
0x6a: {  	_ =	shalt  }
0x6b: {  	_ =	shalt  }
0x6c: {  	_ =	shalt  }
0x6d: {  	_ =	shalt  }
0x6e: {  	_ =	shalt  }
0x6f: {  	_ =	shalt  }
0x70: {  	_ =	shalt  }
0x71: {  	_ =	shalt  }
0x72: {  	_ =	shalt  }
0x73: {  	_ =	shalt  }
0x74: {  	_ =	shalt  }
0x75: {  	_ =	shalt  }
0x76: {  	_ =	shalt  }
0x77: {  	_ =	shalt  }
0x78: {  	_ =	shalt  }
0x79: {  	_ =	shalt  }
0x7a: {  	_ =	shalt  }
0x7b: {  	_ =	shalt  }
0x7c: {  	_ =	shalt  }
0x7d: {  	_ =	shalt  }
0x7e: {  	_ =	shalt  }
0x7f: {  	_ =	shalt  }
0x80: {  	_ =	shalt  }
0x81: {  	_ =	shalt  }
0x82: {  	_ =	shalt  }
0x83: {  	_ =	shalt  }
0x84: {  	_ =	shalt  }
0x85: {  	_ =	shalt  }
0x86: {  	_ =	shalt  }
0x87: {  	_ =	shalt  }
.Lfunc_end0:
.L_simem_size_0:
called_computation_lowered:
.L_overlay_start_0:
0x88: {  	s2 =	sld [smem:$0x3FD9]  }
0x89: {  	s3 =	sld [smem:$0x3FFE];
	_ =	sdelay $0x1  }
0x8a: {  	s1 =	srdreg.scid  }
0x8b: {  	s0 =	sand.u32 $0x1, s1  }
0x8c: {  	s17 =	sshll.u32 s0, $0xA;
	s2 =	sadd.s32 s3, s2  }
0x8d: {  	s2 =	sadd.s32 s2, s17  }
0x8e: {  	[smem:$0x3FC6] =	sst s2  }
0x8f: {  	_ = 	snop  }
0x90: {  	s2 =	sld [smem:$0x3FC8]  }
0x91: {  	s18 =	sld [smem:$0x3FD0];
	(tm) =	ssettm $0x1  }
0x92: {  	s4 =	sld [smem:$0x3FFB];
	_ =	sdelay $0x3  }
0x93: {  	_ =	strace s4  }
0x94: {  	s4 =	sld [smem:$0x3FFC];
	_ =	sdelay $0x3  }
0x95: {  	_ =	strace s4  }
0x96: {  	s4 =	sld [smem:$0x3FFD];
	_ =	sdelay $0x3  }
0x97: {  	_ =	strace s4  }
0x98: {  	_ =	strace $0x8FFFFFFF  }
0x99: {  	s19 =	sld [smem:$0x3FDB];
	_ =	sdelay $0x1  }
0x9a: {  	s5 =	simm.s32 $_scs_section_size  }
0x9b: {  	s6 =	simm.s32 $_size__tile_overlayer_lowered;
	s7 =	simm.s32 $_tile_overlayer_lowered  }
0x9c: {  	s22 =	simm.s32 $0x1BFF;
	s21 =	sshll.u32 s7, $0x1;
	s4 =	sadd.s32 s5, s19  }
0x9d: {  	s8 =	simm.s32 $0x0;
	s20 =	sshll.u32 s6, $0x1;
	s6 =	sadd.s32 s21, s4  }
0x9e: {  	[timem:s8], [sflag:s22] =	dma.local [hbm:s6], s20  }
0x9f: {  	_ =	swait.ge [sflag:s22], s20  }
0xa0: {  	s5 =	ssub.s32 $0x0, s20;
	[sflag:s22] =	ssyncset.done $0x0  }
0xa1: {  	[sflag:s22] =	ssyncadd.s32 s5;
	_ =	sdelay $0x1  }
0xa2: {  	s23 =	simm.s32 $0x1B8B  }
0xa3: {  	_ =	swait.ge [sflag:s23], $0x1  }
0xa4: {  	[sflag:s23] =	ssyncset.done $0x0  }
0xa5: {  	s25 =	simm.s32 $0x1B8E;
	s24 =	sld [smem:$0x3FFE];
	[sflag:s23] =	ssyncadd.s32 $0xFFFFFFFF  }
0xa6: {  	s26 =	simm.s32 $execute0_lowered;
	[smem:$0x3FD2] =	sst s25  }
0xa7: {  	s6 =	sshll.u32 s26, $0x1;
	_ =	strace $0x80000046;
	[dreg:$0x1] =	wrdreg $0xFFFFFFFF  }
0xa8: {  	s28 =	simm.s32 $_size_execute0_lowered;
	s4 =	sadd.s32 s4, s6;
	[dreg:$0x0] =	wrdreg $0x0  }
0xa9: {  	s6 =	sshll.u32 s28, $0x1;
	[dreg:$0x2] =	wrdreg s4  }
0xaa: {  	[dreg:$0x3] =	wrdreg s6  }
0xab: {  	[dreg:$0x4] =	wrdreg $0xC0  }
0xac: {  	_ =	task [dreg:s8], $0x5FFFF  }
0xad: {  	[dreg:$0x1] =	wrdreg $0xFFFFFFFF  }
0xae: {  	[dreg:$0x0] =	wrdreg $0x60  }
0xaf: {  	[dreg:$0x2] =	wrdreg s2  }
0xb0: {  	[dreg:$0x3] =	wrdreg s18  }
0xb1: {  	[dreg:$0x4] =	wrdreg s24  }
0xb2: {  	[dreg:$0x5] =	wrdreg $0x9  }
0xb3: {  	_ =	task.clear_ibuf [dreg:s8], $0x6FFFF;
	_ =	strace $0x90000046  }
0xb4: {  	s29 =	simm.s32 $0x9;
	_ =	strace $0x80000048  }
0xb5: {  	_ =	swait.ge [sflag:s29], $0x1  }
0xb6: {  	[sflag:s29] =	ssyncadd.s32 $0xFFFFFFFF  }
0xb7: {  	_ =	strace $0x90000048  }
0xb8: {  	_ =	sfence  }
0xb9: {  	s30 =	sld [smem:$0x0];
	_ =	sdelay $0x2  }
0xba: {  	s31 =	sshll.u32 s1, $0xD;
	s1 =	sshrl.u32 s1, $0x2  }
0xbb: {  	s3 =	sand.u32 $0x4000, s31;
	s1 =	sadd.s32 s1, s30  }
0xbc: {  	s0 =	sor.u32 s3, s0;
	s1 =	sshll.u32 s1, $0x11  }
0xbd: {  	s0 =	sor.u32 s1, s0  }
0xbe: {  	s0 =	sadd.s32 $0x8F2B, s0  }
0xbf: {  	[sflag:s0] =	ssyncadd.remote.s32 $0x1  }
0xc0: {  	_ =	sfence.sel $0xFFFF  }
0xc1: {  	[dreg:$0x0] =	wrdreg $0xFFFFFFFF;
	(pc) =	sbr.abs _section_cstart, $3  }
0xc2: {  	[dreg:$0x1] =	wrdreg $0xFFFFFFFF  }
0xc3: {  	_ =	task.clear_ibuf [dreg:s8], $0x2FFFF;
	_ =	strace $0x9FFFFFFF  }
0xc4: {  	(tm) =	ssettm $0x7FFFFFFF  }
0xc5: {  	_ =	shalt  }
tec
execute0_lowered:
.L_overlay_start_1:
0x0: {  	(tag) =	ssettag $0x1  }
0x1: {  	v44 =	vlaneseq.u32  }
0x2: {  	v45 =	vmul.u32 $0x2, v44  }
0x3: {  	v48 =	vmul.u32 $0x80, v44  }
0x4: {  	v0 =	vor.u32 $0x1, v45  }
0x5: {  	v6 =	vor.u32 $0x810, v48;
	[tilespmem:$0x1FCF0] =	vst v0  }
0x6: {  	v0 =	vor.u32 $0x860, v45;
	[tilespmem:$0x1FD30] =	vst v6  }
0x7: {  	s0 =	rddreg [dreg:$0x0];
	v6 =	vor.u32 $0x820, v48;
	[tilespmem:$0x1FD00] =	vst v0  }
0x8: {  	s1 =	rddreg [dreg:$0x1];
	v0 =	vor.u32 $0x1060, v45;
	[tilespmem:$0x1FD40] =	vst v6  }
0x9: {  	s9 =	rddreg [dreg:$0x2];
	s4 =	simm.s32 $0x0;
	[tilespmem:$0x1FD10] =	vst v0;
	v0 =	vor.u32 $0x1860, v45  }
0xa: {  	[smem:$0x7FF] =	sst s4;
	[tilespmem:$0x1FD20] =	vst v0  }
0xb: {  	s2 =	rddreg [dreg:$0x3];
	v46 =	vor.u32 $0x800, v45;
	_ =	strace $0x80000047;
	[tilespmem:$0x1FD50] =	vst v45  }
0xc: {  	v41 =	vor.u32 $0x1000, v45;
	[tilespmem:$0x1FD60] =	vst v46  }
0xd: {  	v42 =	vor.u32 $0x801, v45;
	[tilespmem:$0x1FD70] =	vst v41  }
0xe: {  	v43 =	vor.u32 $0x20, v45;
	[tilespmem:$0x1FD80] =	vst v42  }
0xf: {  	v38 =	vor.u32 $0x10, v48;
	[tilespmem:$0x1FD90] =	vst v43  }
0x10: {  	v6 =	vor.u32 $0x1850, v48;
	[tilespmem:$0x1FDA0] =	vst v38  }
0x11: {  	v37 =	vor.u32 $0x1860, v48;
	[tilespmem:$0x1FDB0] =	vst v6  }
0x12: {  	v2 =	vor.u32 $0x61, v45;
	[tilespmem:$0x1FDC0] =	vst v37  }
0x13: {  	v3 =	vor.u32 $0x1041, v45;
	[tilespmem:$0x1FDD0] =	vst v2  }
0x14: {  	v4 =	vor.u32 $0x1841, v45;
	[tilespmem:$0x1FDE0] =	vst v3  }
0x15: {  	v10 =	vor.u32 $0x1861, v45;
	[tilespmem:$0x1FDF0] =	vst v4  }
0x16: {  	v15 =	vor.u32 $0x1810, v48;
	[tilespmem:$0x1FE00] =	vst v10  }
0x17: {  	v11 =	vor.u32 $0x1840, v45;
	[tilespmem:$0x1FE10] =	vst v15  }
0x18: {  	v14 =	vor.u32 $0x1061, v45;
	[tilespmem:$0x1FE20] =	vst v11  }
0x19: {  	v7 =	vor.u32 $0x1820, v45;
	[tilespmem:$0x1FE30] =	vst v14  }
0x1a: {  	v12 =	vor.u32 $0x1801, v45;
	[tilespmem:$0x1FE40] =	vst v7  }
0x1b: {  	v13 =	vor.u32 $0x840, v45;
	[tilespmem:$0x1FE50] =	vst v12  }
0x1c: {  	v21 =	vor.u32 $0x40, v45;
	[tilespmem:$0x1FE60] =	vst v13  }
0x1d: {  	v19 =	vor.u32 $0x1040, v45;
	[tilespmem:$0x1FE70] =	vst v21  }
0x1e: {  	v32 =	vor.u32 $0x820, v45;
	[tilespmem:$0x1FE80] =	vst v19  }
0x1f: {  	v25 =	vor.u32 $0x1020, v45;
	[tilespmem:$0x1FE90] =	vst v32  }
0x20: {  	v39 =	vor.u32 $0x1840, v48;
	[tilespmem:$0x1FEA0] =	vst v25  }
0x21: {  	v35 =	vor.u32 $0x1830, v48;
	[tilespmem:$0x1FEB0] =	vst v39  }
0x22: {  	v26 =	vor.u32 $0x1021, v45;
	[tilespmem:$0x1FEC0] =	vst v35  }
0x23: {  	v23 =	vor.u32 $0x1001, v45;
	[tilespmem:$0x1FED0] =	vst v26  }
0x24: {  	v24 =	vor.u32 $0x841, v45;
	[tilespmem:$0x1FEE0] =	vst v23  }
0x25: {  	v20 =	vor.u32 $0x21, v45;
	[tilespmem:$0x1FEF0] =	vst v24  }
0x26: {  	v33 =	vor.u32 $0x821, v45;
	[tilespmem:$0x1FF00] =	vst v20  }
0x27: {  	v56 =	vor.u32 $0x1820, v48;
	[tilespmem:$0x1FF10] =	vst v33  }
0x28: {  	v50 =	vor.u32 $0x1821, v45;
	[tilespmem:$0x1FF20] =	vst v56  }
0x29: {  	v29 =	vor.u32 $0x1800, v45;
	[tilespmem:$0x1FF30] =	vst v50  }
0x2a: {  	v49 =	vor.u32 $0x60, v45;
	[tilespmem:$0x1FF40] =	vst v29  }
0x2b: {  	v17 =	vor.u32 $0x1060, v48;
	[tilespmem:$0x1FF50] =	vst v49  }
0x2c: {  	v18 =	vor.u32 $0x1020, v48;
	[tilespmem:$0x1FF60] =	vst v17  }
0x2d: {  	v53 =	vor.u32 $0x1800, v48;
	[tilespmem:$0x1FF70] =	vst v18  }
0x2e: {  	s5 =	srdreg.scid;
	s3 =	stileid.u32;
	v5 =	vor.u32 $0x50, v48;
	[tilespmem:$0x1FF80] =	vst v53  }
0x2f: {  	s11 =	simm.s32 $0x400;
	s12 =	simm.s32 $0x7A1400;
	s13 =	simm.s32 $0x4000;
	v60 =	vor.u32 $0x861, v45;
	[tilespmem:$0x1FF90] =	vst v5  }
0x30: {  	s14 =	simm.s32 $0x2000;
	s15 =	simm.s32 $0x6000;
	s16 =	simm.s32 $0x0;
	v9 =	vor.u32 $0x41, v45;
	v30 =	vor.u32 $0x20, v48;
	v34 =	vor.u32 $0x1040, v48;
	[tilespmem:$0x1FFA0] =	vst v60  }
.Ltmp0:
0x31: {  	s5 =	sand.u32 $0x1, s5;
	s6 =	sshll.u32 s3, $0x1;
	v1 =	vor.u32 $0x40, v48;
	v59 =	vor.u32 $0x60, v48;
	v62 =	vor.u32 $0x70, v48;
	[tilespmem:$0x1FFB0] =	vst v34;
	(pc) =	sbr.rel .LBB2_1-.Ltmp0, $4  }
0x32: {  	s7 =	ssub.s32 $0x2, s5;
	s5 =	sor.u32 s5, s6;
	s6 =	sadd.s32 $0x800, s9;
	v22 =	vor.u32 $0x800, v48;
	v52 =	vor.u32 $0x830, v48;
	v31 =	vor.u32 $0x1000, v48;
	[tilespmem:$0x1FFC0] =	vst v1  }
0x33: {  	p0 =	sgt.u32 s3, $0x1;
	s9 =	sadd.s32 $0x7A1800, s9;
	v57 =	vor.u32 $0x840, v48;
	s8 =	sshrl.u32 s7, $0x1;
	v27 =	vor.u32 $0x850, v48;
	v0 =	vor.u32 $0x30, v48;
	[tilespmem:$0x1FFD0] =	vst v31  }
0x34: {  	v61 =	vor.u32 $0x860, v48;
	v63 =	vor.u32 $0x870, v48;
	s31 =	sshll.u32 s5, $0x7;
	v51 =	vor.u32 $0x1010, v48;
	p1 =	sne.s32 s5, $0x0;
	s10 =	ssub.s32 s7, s8;
	[tilespmem:$0x1FFE0] =	vst v0  }
0x35: {  	v55 =	vor.u32 $0x1030, v48;
	v54 =	vor.u32 $0x1050, v48;
	v47 =	vor.u32 $0x1070, v48;
	s7 =	sadd.s32 s0, s31;
	s8 =	sor.u32 $0x40, s5;
	s10 =	smax.u32 s10, $0x1;
	[tilespmem:$0x1FFF0] =	vst v9  }
.LBB2_11:
0x36: {  	s17 =	simm.s32 @!p0 $0x3  }
0x37: {  	_ =	swait.ge @!p0 [sflag:s17], $0x2000  }
0x38: {  	[sflag:s17] =	ssyncset.done @!p0 $0x0  }
0x39: {  	s18 =	simm.s32 @!p1 $0x5;
	[sflag:s17] =	ssyncadd.s32 @!p0 $0xFFFFE000;
	s17 =	simm.s32 @!p1 $0x0  }
0x3a: {  	[tilespmem:s17], [sflag:$0x5] =	stream.linear.gather @!p1 [hbm4b:s1+s17], $0x1000, $0x38;
	[tilespmem:$0x8000] =	vst v63  }
0x3b: {  	s16 =	sadd.s32 $0x1, s16;
	_ =	swait.ge @!p1 [sflag:s18], $0x1000  }
0x3c: {  	p2 =	sne.s32 s16, s10;
	[sflag:s18] =	ssyncset.done @!p1 $0x0  }
.Ltmp1:
0x3d: {  	[sflag:s18] =	ssyncadd.s32 @!p1 $0xFFFFF000;
	(pc) =	sbr.rel @!p2 .LBB2_12-.Ltmp1, $4  }
0x3e: {  	[hbm4b:s9+s17] =	stream.linear.scatter @!p1 [tilespmem:s17], [sflag:$0x5], $0x1000, $0x38;
	[tilespmem:$0x8000] =	vst v63  }
0x3f: {  	_ =	swait.ge @!p1 [sflag:s18], $0x1000  }
0x40: {  	[sflag:s18] =	ssyncset.done @!p1 $0x0  }
0x41: {  	[sflag:s18] =	ssyncadd.s32 @!p1 $0xFFFFF000  }
.LBB2_1:
.Ltmp2:
0x42: {  	(pc) =	sbr.rel .LBB2_2-.Ltmp2, $3  }
0x43: {  	_ =	sdelay $0x1  }
0x44: {  	[tilespmem:s4], [sflag:$0x1] =	stream.strided.gather [hbm4b:s7+s11], $0x2000, s12, s11, $0x38;
	[tilespmem:$0x8000] =	vst v63  }
0x45: {  	s17 =	simm.s32 $0x0  }
.LBB2_10:
0x46: {  	s17 =	sadd.s32 $0x1, s17  }
0x47: {  	p2 =	sne.s32 s17, $0x7B  }
.Ltmp3:
0x48: {  	_ = 	snop;
	(pc) =	sbr.rel @!p2 .LBB2_11-.Ltmp3, $1  }
0x49: {  	_ =	sdelay $0x3  }
.LBB2_2:
0x4a: {  	s19 =	sshll.u32 s17, $0x6  }
0x4b: {  	s21 =	sor.u32 s19, s5  }
0x4c: {  	s18 =	sor.u32 $0x20, s21  }
0x4d: {  	p2 =	sgt.u32 s18, $0x1E83  }
0x4e: {  	p4 =	sgt.u32 s21, $0x1E83;
	s20 =	sshll.u32 @!p2 s18, $0x7;
	s22 =	simm.s32 @!p2 $0x400  }
0x4f: {  	s23 =	simm.s32 @!p2 $0x7A1400;
	s24 =	simm.s32 @!p2 $0x2000;
	s20 =	sadd.s32 @!p2 s0, s20  }
0x50: {  	[tilespmem:s24], [sflag:$0x2] =	stream.strided.gather @!p2 [hbm4b:s20+s22], $0x2000, s23, s22, $0x38;
	[tilespmem:$0x8000] =	vst v63  }
0x51: {  	s20 =	simm.s32 @!p4 $0x1  }
0x52: {  	_ =	swait.ge @!p4 [sflag:s20], $0x2000  }
.Ltmp4:
0x53: {  	p3 =	seq.s32 s17, $0x0;
	[sflag:s20] =	ssyncset.done @!p4 $0x0;
	(pc) =	sbr.rel @p4 .LBB2_6-.Ltmp4, $4  }
0x54: {  	[sflag:s20] =	ssyncadd.s32 @!p4 $0xFFFFE000;
	s20 =	simm.s32 @!p3 $0x3  }
0x55: {  	_ =	swait.ge @!p3 [sflag:s20], $0x2000  }
0x56: {  	[sflag:s20] =	ssyncset.done @!p3 $0x0  }
0x57: {  	[sflag:s20] =	ssyncadd.s32 @!p3 $0xFFFFE000;
	s20 =	simm.s32 $0x0  }
0x58: {  	v0 =	vadd.s32 s20, v44  }
0x59: {  	v1 =	vand.u32 $0xF, v0  }
0x5a: {  	v5 =	vshll.u32 v1, $0x7  }
0x5b: {  	v2 =	vor.u32 v2, v5  }
0x5c: {  	v3 =	vor.u32 v3, v5  }
0x5d: {  	v4 =	vor.u32 v4, v5  }
0x5e: {  	v53 =	vmov v57;
	v57 =	vld [tilespmem:$0x1FD30];
	v6 =	vor.u32 v42, v5  }
0x5f: {  	v39 =	vld [tilespmem:$0x1FD10];
	v8 =	vor.u32 v12, v5  }
0x60: {  	v37 =	vmov v9;
	v9 =	vor.u32 v7, v5;
	v2 =	vld.idx.msk [tilespmem:v2+s4+$0x0], $0xffff  }
0x61: {  	v10 =	vor.u32 v10, v5;
	v7 =	vld.idx.msk [tilespmem:v3+s4+$0x0], $0xffff  }
0x62: {  	v12 =	vor.u32 v11, v5;
	v11 =	vld.idx.msk [tilespmem:v4+s4+$0x0], $0xffff  }
0x63: {  	v18 =	vor.u32 v25, v5;
	v15 =	vld.idx.msk [tilespmem:v6+s4+$0x0], $0xffff  }
0x64: {  	v4 =	vor.u32 v14, v5;
	v14 =	vld.idx.msk [tilespmem:v8+s4+$0x0], $0xffff  }
0x65: {  	v6 =	vor.u32 v43, v5;
	v9 =	vld.idx.msk [tilespmem:v9+s4+$0x0], $0xffff  }
0x66: {  	v8 =	vor.u32 v13, v5;
	v3 =	vld.idx.msk [tilespmem:v10+s4+$0x0], $0xffff  }
0x67: {  	v10 =	vor.u32 v19, v5;
	v17 =	vld.idx.msk [tilespmem:v12+s4+$0x0], $0xffff  }
0x68: {  	v13 =	vor.u32 v21, v5;
	v21 =	vor.u32 v20, v5;
	v20 =	vld.idx.msk [tilespmem:v18+s4+$0x0], $0xffff  }
0x69: {  	v12 =	vor.u32 v32, v5;
	v4 =	vld.idx.msk [tilespmem:v4+s4+$0x0], $0xffff  }
0x6a: {  	v16 =	vld.idx.msk [tilespmem:v6+s4+$0x0], $0xffff;
	v6 =	vor.u32 v23, v5  }
0x6b: {  	v8 =	vld.idx.msk [tilespmem:v8+s4+$0x0], $0xffff  }
0x6c: {  	v28 =	vld.idx.msk [tilespmem:v10+s4+$0x0], $0xffff;
	v10 =	vor.u32 v41, v5  }
0x6d: {  	v35 =	vld.idx.msk [tilespmem:v13+s4+$0x0], $0xffff  }
0x6e: {  	v19 =	vor.u32 v26, v5;
	v12 =	vld.idx.msk [tilespmem:v12+s4+$0x0], $0xffff  }
0x6f: {  	v40 =	vmov v47;
	v47 =	vmov v31;
	v31 =	vld.idx.msk [tilespmem:v6+s4+$0x0], $0xffff  }
0x70: {  	v18 =	vor.u32 v33, v5;
	v6 =	vld [tilespmem:$0x1FCF0]  }
0x71: {  	v58 =	vmov v27;
	v25 =	vor.u32 v50, v5;
	v27 =	vld.idx.msk [tilespmem:v10+s4+$0x0], $0xffff  }
0x72: {  	v10 =	vld [tilespmem:$0x1FD00]  }
0x73: {  	v23 =	vor.u32 v24, v5;
	v24 =	vor.u32 v29, v5;
	v13 =	vld.idx.msk [tilespmem:v19+s4+$0x0], $0xffff  }
0x74: {  	v19 =	vld.idx.msk [tilespmem:v21+s4+$0x0], $0xffff;
	v29 =	vor.u32 v45, v5  }
0x75: {  	v21 =	vld.idx.msk [tilespmem:v18+s4+$0x0], $0xffff  }
0x76: {  	v18 =	vld.idx.msk [tilespmem:v25+s4+$0x0], $0xffff  }
0x77: {  	v26 =	vor.u32 v6, v5;
	v32 =	vor.u32 v10, v5;
	v10 =	vld [tilespmem:$0x1FD20]  }
0x78: {  	v56 =	vmov v34;
	v42 =	vmov v22;
	v22 =	vor.u32 v46, v5;
	v34 =	vld.idx.msk [tilespmem:v24+s4+$0x0], $0xffff  }
0x79: {  	v29 =	vld.idx.msk [tilespmem:v29+s4+$0x0], $0xffff  }
0x7a: {  	v36 =	vmov v55;
	v55 =	vmov v52;
	v25 =	vor.u32 v39, v5;
	v6 =	vld.idx.msk [tilespmem:v23+s4+$0x0], $0xffff  }
0x7b: {  	v52 =	vmovc v54;
	v54 =	vmovc v51;
	v24 =	vor.u32 v49, v5;
	v8 =	vmul.f32 $8.000000000e+00, v8;
	v23 =	vor.u32 v60, v5;
	v60 =	vld [tilespmem:$0x1FD40]  }
0x7c: {  	v51 =	vmovc v62;
	v49 =	vmovc v36;
	v31 =	vmul.f32 $8.000000000e+00, v31;
	v33 =	vor.u32 v10, v5;
	v10 =	vmul.f32 $8.000000000e+00, v35;
	v36 =	vld.idx.msk [tilespmem:v26+s4+$0x0], $0xffff  }
0x7d: {  	s22 =	simm.s32 $0x1;
	v50 =	vmovc v40;
	v62 =	vmovc v42;
	v35 =	vor.u32 v37, v5;
	v26 =	vmul.f32 $8.000000000e+00, v12;
	v12 =	vmul.f32 $8.000000000e+00, v28;
	v28 =	vld.idx.msk [tilespmem:v22+s4+$0x0], $0xffff  }
.LBB2_4:
0x7e: {  	v41 =	vmul.f32 $8.000000000e+00, v27;
	v27 =	vld [tilespmem:$0x1FFE0];
	_ =	sdelay $0x4  }
0x7f: {  	v42 =	vor.u32 v27, v0;
	v27 =	vld.idx.msk [tilespmem:v23+s4+$0x0], $0xffff  }
0x80: {  	v23 =	vmul.f32 $8.000000000e+00, v28;
	v28 =	vld [tilespmem:$0x1FFC0]  }
0x81: {  	v22 =	vld.idx.msk [tilespmem:v33+s4+$0x0], $0xffff;
	v33 =	vor.u32 v48, v1  }
0x82: {  	v37 =	vor.u32 v38, v0  }
0x83: {  	v25 =	vld.idx.msk [tilespmem:v25+s4+$0x0], $0xffff;
	v39 =	vor.u32 v30, v1  }
0x84: {  	v32 =	vld.idx.msk [tilespmem:v32+s4+$0x0], $0xffff;
	v29 =	vmul.f32 $8.000000000e+00, v29  }
0x85: {  	v24 =	vld.idx.msk [tilespmem:v24+s4+$0x0], $0xffff;
	v28 =	vor.u32 v28, v1  }
0x86: {  	v35 =	vld.idx.msk [tilespmem:v35+s4+$0x0], $0xffff;
	[tilespmem:v33+s13+$0x0] =	vst.idx.msk $0xffff, v29  }
0x87: {  	[tilespmem:v37+s13+$0x0] =	vst.idx.msk $0xffff, v23;
	v23 =	vmul.f32 $8.000000000e+00, v34  }
0x88: {  	v43 =	vmul.f32 $8.000000000e+00, v7;
	v7 =	vld [tilespmem:$0x1FF90];
	v29 =	vmul.f32 $8.000000000e+00, v36;
	[tilespmem:v39+s13+$0x0] =	vst.idx.msk $0xffff, v41  }
0x89: {  	v41 =	vld [tilespmem:$0x1FEB0];
	[tilespmem:v42+s13+$0x0] =	vst.idx.msk $0xffff, v23  }
0x8a: {  	[tilespmem:v28+s13+$0x0] =	vst.idx.msk $0xffff, v29;
	v29 =	vld [tilespmem:$0x1FEC0];
	_ =	sdelay $0x3  }
0x8b: {  	v33 =	vor.u32 v7, v0  }
0x8c: {  	v34 =	vor.u32 v59, v1;
	v37 =	vor.u32 v41, v1;
	v41 =	vor.u32 v29, v0;
	v29 =	vld [tilespmem:$0x1FF20]  }
0x8d: {  	v36 =	vor.u32 v51, v0  }
0x8e: {  	v15 =	vmul.f32 $8.000000000e+00, v15;
	v23 =	vor.u32 v62, v1  }
0x8f: {  	v28 =	vor.u32 v57, v0  }
0x90: {  	v14 =	vmul.f32 $8.000000000e+00, v14;
	[tilespmem:v33+s13+$0x0] =	vst.idx.msk $0xffff, v15;
	v15 =	vor.u32 v60, v1  }
0x91: {  	v16 =	vmul.f32 $8.000000000e+00, v16;
	[tilespmem:v34+s13+$0x0] =	vst.idx.msk $0xffff, v31;
	v42 =	vor.u32 v29, v1;
	v29 =	vor.u32 v55, v0  }
0x92: {  	v31 =	vld [tilespmem:$0x1FE10];
	[tilespmem:v36+s13+$0x0] =	vst.idx.msk $0xffff, v14;
	v14 =	vor.u32 v53, v1  }
0x93: {  	v20 =	vmul.f32 $8.000000000e+00, v20;
	[tilespmem:v23+s13+$0x0] =	vst.idx.msk $0xffff, v16;
	v16 =	vmul.f32 $8.000000000e+00, v19;
	v19 =	vor.u32 v58, v0  }
0x94: {  	v9 =	vmul.f32 $8.000000000e+00, v9;
	[tilespmem:v28+s13+$0x0] =	vst.idx.msk $0xffff, v26;
	v26 =	vor.u32 v61, v1  }
0x95: {  	v40 =	vmul.f32 $8.000000000e+00, v11;
	v11 =	vld [tilespmem:$0x1FDC0];
	[tilespmem:v15+s13+$0x0] =	vst.idx.msk $0xffff, v20;
	v15 =	vor.u32 v63, v0  }
0x96: {  	v21 =	vmul.f32 $8.000000000e+00, v21;
	v28 =	vld [tilespmem:$0x1FF60];
	[tilespmem:v29+s13+$0x0] =	vst.idx.msk $0xffff, v9;
	v9 =	vmul.f32 $8.000000000e+00, v18;
	v18 =	vor.u32 v47, v1  }
0x97: {  	v13 =	vmul.f32 $8.000000000e+00, v13;
	v34 =	vor.u32 v31, v0;
	v31 =	vld [tilespmem:$0x1FF80];
	[tilespmem:v14+s13+$0x0] =	vst.idx.msk $0xffff, v16;
	v14 =	vor.u32 v54, v0  }
0x98: {  	[tilespmem:v19+s13+$0x0] =	vst.idx.msk $0xffff, v21;
	v19 =	vld [tilespmem:$0x1FF70]  }
0x99: {  	[tilespmem:v26+s13+$0x0] =	vst.idx.msk $0xffff, v13  }
0x9a: {  	[tilespmem:v15+s13+$0x0] =	vst.idx.msk $0xffff, v9  }
0x9b: {  	[tilespmem:v18+s13+$0x0] =	vst.idx.msk $0xffff, v10  }
0x9c: {  	v11 =	vor.u32 v11, v1;
	v33 =	vor.u32 v28, v1;
	[tilespmem:v14+s13+$0x0] =	vst.idx.msk $0xffff, v8;
	v14 =	vld [tilespmem:$0x1FF00]  }
0x9d: {  	s23 =	smov.u32 s22;
	v36 =	vor.u32 v31, v1;
	v16 =	vor.u32 v56, v1;
	v19 =	vor.u32 v19, v1;
	v1 =	vld [tilespmem:$0x1FF40]  }
0x9e: {  	v39 =	vmul.f32 $8.000000000e+00, v32;
	v32 =	vadd.s32 s23, v44  }
0x9f: {  	v44 =	vand.u32 $0xF, v32;
	v9 =	vld [tilespmem:$0x1FEE0]  }
0xa0: {  	v31 =	vshll.u32 v44, $0x7;
	v15 =	vld [tilespmem:$0x1FEA0]  }
0xa1: {  	v26 =	vor.u32 v14, v31;
	v14 =	vld [tilespmem:$0x1FF10]  }
0xa2: {  	v29 =	vor.u32 v45, v31;
	v45 =	vor.u32 v1, v31;
	v1 =	vld [tilespmem:$0x1FCF0]  }
0xa3: {  	v7 =	vld [tilespmem:$0x1FDB0];
	v21 =	vor.u32 v49, v0  }
0xa4: {  	v38 =	vmul.f32 $8.000000000e+00, v17;
	v10 =	vld [tilespmem:$0x1FE90]  }
0xa5: {  	v20 =	vor.u32 v52, v0;
	v28 =	vor.u32 v46, v31;
	v13 =	vor.u32 v9, v31;
	v9 =	vld [tilespmem:$0x1FE50]  }
0xa6: {  	v8 =	vmul.f32 $8.000000000e+00, v35;
	v18 =	vor.u32 v15, v31;
	v15 =	vmul.f32 $8.000000000e+00, v25;
	v25 =	vld [tilespmem:$0x1FE40]  }
0xa7: {  	[tilespmem:v19+s13+$0x0] =	vst.idx.msk $0xffff, v12;
	v46 =	vor.u32 v1, v31;
	v1 =	vmov v44;
	v44 =	vor.u32 v14, v31;
	v14 =	vld [tilespmem:$0x1FE70]  }
0xa8: {  	v12 =	vld [tilespmem:$0x1FF30];
	[tilespmem:v21+s13+$0x0] =	vst.idx.msk $0xffff, v38  }
0xa9: {  	v6 =	vmul.f32 $8.000000000e+00, v6;
	v23 =	vor.u32 v50, v0;
	[tilespmem:v16+s13+$0x0] =	vst.idx.msk $0xffff, v8;
	v8 =	vld [tilespmem:$0x1FEF0]  }
0xaa: {  	v16 =	vld [tilespmem:$0x1FFA0]  }
0xab: {  	[tilespmem:v20+s13+$0x0] =	vst.idx.msk $0xffff, v6;
	v20 =	vld [tilespmem:$0x1FED0]  }
0xac: {  	v19 =	vor.u32 v14, v31;
	v14 =	vld [tilespmem:$0x1FE80]  }
0xad: {  	v6 =	vmul.f32 $8.000000000e+00, v24;
	[tilespmem:v33+s13+$0x0] =	vst.idx.msk $0xffff, v43;
	v43 =	vld [tilespmem:$0x1FD90]  }
0xae: {  	[tilespmem:v23+s13+$0x0] =	vst.idx.msk $0xffff, v40;
	v40 =	vld [tilespmem:$0x1FE00]  }
0xaf: {  	v7 =	vor.u32 v7, v0;
	[tilespmem:v36+s13+$0x0] =	vst.idx.msk $0xffff, v6;
	v38 =	vor.u32 v8, v31;
	v8 =	vld [tilespmem:$0x1FDE0]  }
0xb0: {  	v5 =	vor.u32 $0x1870, v48;
	v6 =	vmul.f32 $8.000000000e+00, v22;
	v23 =	vor.u32 v16, v31;
	v16 =	vld [tilespmem:$0x1FE30];
	[tilespmem:v34+s13+$0x0] =	vst.idx.msk $0xffff, v39  }
0xb1: {  	v2 =	vmul.f32 $8.000000000e+00, v2;
	v17 =	vor.u32 v5, v0;
	[tilespmem:v42+s13+$0x0] =	vst.idx.msk $0xffff, v15;
	v21 =	vor.u32 v14, v31;
	v14 =	vld [tilespmem:$0x1FE20]  }
0xb2: {  	v22 =	vor.u32 v20, v31;
	v20 =	vld [tilespmem:$0x1FE60];
	[tilespmem:v41+s13+$0x0] =	vst.idx.msk $0xffff, v6;
	v6 =	vmul.f32 $8.000000000e+00, v27  }
0xb3: {  	v42 =	vld [tilespmem:$0x1FD80];
	[tilespmem:v37+s13+$0x0] =	vst.idx.msk $0xffff, v2;
	v2 =	vmul.f32 $8.000000000e+00, v4  }
0xb4: {  	v3 =	vmul.f32 $8.000000000e+00, v3;
	v41 =	vld [tilespmem:$0x1FD70];
	[tilespmem:v7+s13+$0x0] =	vst.idx.msk $0xffff, v6  }
0xb5: {  	v4 =	vld [tilespmem:$0x1FDF0];
	[tilespmem:v11+s13+$0x0] =	vst.idx.msk $0xffff, v2  }
0xb6: {  	[tilespmem:v17+s13+$0x0] =	vst.idx.msk $0xffff, v3;
	v35 =	vor.u32 v14, v31;
	v14 =	vld [tilespmem:$0x1FF50]  }
0xb7: {  	v34 =	vor.u32 v40, v31;
	v37 =	vld.idx.msk [tilespmem:v13+s4+$0x0], $0xffff  }
0xb8: {  	v13 =	vld.idx.msk [tilespmem:v22+s4+$0x0], $0xffff  }
0xb9: {  	v29 =	vld.idx.msk [tilespmem:v29+s4+$0x0], $0xffff  }
0xba: {  	v8 =	vor.u32 v8, v31;
	v28 =	vld.idx.msk [tilespmem:v28+s4+$0x0], $0xffff  }
0xbb: {  	v24 =	vor.u32 v14, v31;
	v14 =	vld [tilespmem:$0x1FD00]  }
0xbc: {  	v3 =	vld.idx.msk [tilespmem:v34+s4+$0x0], $0xffff  }
0xbd: {  	v15 =	vor.u32 v42, v31;
	v34 =	vld.idx.msk [tilespmem:v45+s4+$0x0], $0xffff  }
0xbe: {  	v27 =	vor.u32 v41, v31;
	v45 =	vld [tilespmem:$0x1FD50]  }
0xbf: {  	v4 =	vor.u32 v4, v31;
	v7 =	vld.idx.msk [tilespmem:v8+s4+$0x0], $0xffff  }
0xc0: {  	v0 =	vmov v32;
	v32 =	vor.u32 v14, v31;
	v14 =	vld [tilespmem:$0x1FD20]  }
0xc1: {  	v16 =	vor.u32 v16, v31;
	v8 =	vld [tilespmem:$0x1FFF0]  }
0xc2: {  	v6 =	vor.u32 v43, v31;
	v15 =	vld.idx.msk [tilespmem:v15+s4+$0x0], $0xffff  }
0xc3: {  	v20 =	vor.u32 v20, v31;
	v27 =	vld.idx.msk [tilespmem:v27+s4+$0x0], $0xffff  }
0xc4: {  	v11 =	vld.idx.msk [tilespmem:v4+s4+$0x0], $0xffff  }
0xc5: {  	v33 =	vor.u32 v14, v31;
	v14 =	vld [tilespmem:$0x1FDD0]  }
0xc6: {  	v12 =	vor.u32 v12, v31;
	v4 =	vld.idx.msk [tilespmem:v16+s4+$0x0], $0xffff  }
0xc7: {  	v16 =	vld.idx.msk [tilespmem:v6+s4+$0x0], $0xffff  }
0xc8: {  	v6 =	vld.idx.msk [tilespmem:v20+s4+$0x0], $0xffff  }
0xc9: {  	v36 =	vld.idx.msk [tilespmem:v21+s4+$0x0], $0xffff  }
0xca: {  	v20 =	vld.idx.msk [tilespmem:v18+s4+$0x0], $0xffff;
	v14 =	vor.u32 v14, v31  }
0xcb: {  	v9 =	vor.u32 v9, v31;
	v18 =	vld.idx.msk [tilespmem:v12+s4+$0x0], $0xffff  }
0xcc: {  	v25 =	vor.u32 v25, v31;
	v12 =	vld [tilespmem:$0x1FD10]  }
0xcd: {  	v10 =	vor.u32 v10, v31;
	v17 =	vld.idx.msk [tilespmem:v35+s4+$0x0], $0xffff  }
0xce: {  	v35 =	vor.u32 v8, v31;
	v8 =	vld.idx.msk [tilespmem:v19+s4+$0x0], $0xffff  }
0xcf: {  	v2 =	vld.idx.msk [tilespmem:v14+s4+$0x0], $0xffff  }
0xd0: {  	v14 =	vld.idx.msk [tilespmem:v9+s4+$0x0], $0xffff  }
0xd1: {  	v9 =	vld.idx.msk [tilespmem:v25+s4+$0x0], $0xffff  }
0xd2: {  	v25 =	vld.idx.msk [tilespmem:v10+s4+$0x0], $0xffff  }
0xd3: {  	p4 =	sne.s32 s22, $0xF;
	v21 =	vld.idx.msk [tilespmem:v44+s4+$0x0], $0xffff  }
.Ltmp5:
0xd4: {  	v19 =	vld.idx.msk [tilespmem:v26+s4+$0x0], $0xffff;
	(pc) =	sbr.rel @p4 .LBB2_4-.Ltmp5, $4  }
0xd5: {  	v10 =	vmul.f32 $8.000000000e+00, v8;
	v8 =	vmul.f32 $8.000000000e+00, v6;
	v6 =	vld.idx.msk [tilespmem:v38+s4+$0x0], $0xffff  }
0xd6: {  	v38 =	vld [tilespmem:$0x1FDA0]  }
0xd7: {  	v26 =	vmul.f32 $8.000000000e+00, v25;
	v25 =	vor.u32 v12, v31;
	v12 =	vmul.f32 $8.000000000e+00, v36;
	v36 =	vld.idx.msk [tilespmem:v46+s4+$0x0], $0xffff  }
0xd8: {  	s22 =	sadd.s32 $0x1, s22;
	v44 =	vlaneseq.u32;
	v31 =	vmul.f32 $8.000000000e+00, v37;
	v46 =	vld [tilespmem:$0x1FD60]  }
0xd9: {  	_ =	sdelay $0x3  }
0xda: {  	v22 =	vld.idx.msk [tilespmem:v33+s4+$0x0], $0xffff;
	_ =	sdelay $0x4  }
0xdb: {  	[tilespmem:$0x1FCE0] =	vst v22;
	v22 =	vld [tilespmem:$0x1FFE0];
	_ =	sdelay $0x4  }
0xdc: {  	v39 =	vor.u32 v22, v0;
	v22 =	vld [tilespmem:$0x1FFC0];
	_ =	sdelay $0x4  }
0xdd: {  	v33 =	vor.u32 v48, v1;
	v40 =	vor.u32 v22, v1;
	v22 =	vld [tilespmem:$0x1FF90]  }
0xde: {  	v25 =	vld.idx.msk [tilespmem:v25+s4+$0x0], $0xffff;
	v37 =	vor.u32 v38, v0  }
0xdf: {  	v32 =	vld.idx.msk [tilespmem:v32+s4+$0x0], $0xffff;
	v38 =	vor.u32 v30, v1  }
0xe0: {  	v24 =	vld.idx.msk [tilespmem:v24+s4+$0x0], $0xffff;
	v29 =	vmul.f32 $8.000000000e+00, v29  }
0xe1: {  	v35 =	vld.idx.msk [tilespmem:v35+s4+$0x0], $0xffff;
	v28 =	vmul.f32 $8.000000000e+00, v28  }
0xe2: {  	v23 =	vld.idx.msk [tilespmem:v23+s4+$0x0], $0xffff;
	v27 =	vmul.f32 $8.000000000e+00, v27;
	[tilespmem:v33+s13+$0x0] =	vst.idx.msk $0xffff, v29;
	v29 =	vor.u32 v22, v0  }
0xe3: {  	v33 =	vor.u32 v59, v1;
	[tilespmem:v37+s13+$0x0] =	vst.idx.msk $0xffff, v28;
	v28 =	vmul.f32 $8.000000000e+00, v34  }
0xe4: {  	v37 =	vor.u32 v51, v0;
	[tilespmem:v38+s13+$0x0] =	vst.idx.msk $0xffff, v27;
	v27 =	vmul.f32 $8.000000000e+00, v36  }
0xe5: {  	v15 =	vmul.f32 $8.000000000e+00, v15;
	[tilespmem:v39+s13+$0x0] =	vst.idx.msk $0xffff, v28;
	v28 =	vor.u32 v62, v1  }
0xe6: {  	[tilespmem:v40+s13+$0x0] =	vst.idx.msk $0xffff, v27;
	v27 =	vor.u32 v57, v0  }
0xe7: {  	v14 =	vmul.f32 $8.000000000e+00, v14;
	[tilespmem:v29+s13+$0x0] =	vst.idx.msk $0xffff, v15;
	v15 =	vor.u32 v60, v1  }
0xe8: {  	v16 =	vmul.f32 $8.000000000e+00, v16;
	v29 =	vor.u32 v55, v0;
	[tilespmem:v33+s13+$0x0] =	vst.idx.msk $0xffff, v31  }
0xe9: {  	[tilespmem:v37+s13+$0x0] =	vst.idx.msk $0xffff, v14;
	v14 =	vor.u32 v53, v1  }
0xea: {  	[tilespmem:v28+s13+$0x0] =	vst.idx.msk $0xffff, v16;
	v16 =	vmul.f32 $8.000000000e+00, v20;
	v20 =	vor.u32 v58, v0  }
0xeb: {  	v9 =	vmul.f32 $8.000000000e+00, v9;
	[tilespmem:v27+s13+$0x0] =	vst.idx.msk $0xffff, v26  }
0xec: {  	[tilespmem:v15+s13+$0x0] =	vst.idx.msk $0xffff, v16;
	v15 =	vmul.f32 $8.000000000e+00, v19  }
0xed: {  	[tilespmem:v29+s13+$0x0] =	vst.idx.msk $0xffff, v9;
	v9 =	vmul.f32 $8.000000000e+00, v21  }
0xee: {  	[tilespmem:v14+s13+$0x0] =	vst.idx.msk $0xffff, v15  }
0xef: {  	[tilespmem:v20+s13+$0x0] =	vst.idx.msk $0xffff, v9;
	v9 =	vmul.f32 $8.000000000e+00, v18;
	v18 =	vld [tilespmem:$0x1FF70]  }
0xf0: {  	v26 =	vor.u32 v61, v1  }
0xf1: {  	v16 =	vor.u32 v63, v0  }
0xf2: {  	v38 =	vld [tilespmem:$0x1FDA0];
	v19 =	vor.u32 v47, v1  }
0xf3: {  	v13 =	vmul.f32 $8.000000000e+00, v13;
	v40 =	vld [tilespmem:$0x1FF80];
	v14 =	vor.u32 v54, v0  }
0xf4: {  	v22 =	vmov v62;
	v62 =	vld [tilespmem:$0x1FEB0];
	v15 =	vor.u32 v18, v1  }
0xf5: {  	v60 =	vld [tilespmem:$0x1FEC0];
	[tilespmem:v26+s13+$0x0] =	vst.idx.msk $0xffff, v13;
	v13 =	vor.u32 v49, v0  }
0xf6: {  	v33 =	vld [tilespmem:$0x1FDB0];
	[tilespmem:v16+s13+$0x0] =	vst.idx.msk $0xffff, v9;
	v9 =	vor.u32 v56, v1  }
0xf7: {  	v21 =	vld [tilespmem:$0x1FE70];
	[tilespmem:v19+s13+$0x0] =	vst.idx.msk $0xffff, v10  }
0xf8: {  	[tilespmem:v14+s13+$0x0] =	vst.idx.msk $0xffff, v8;
	v8 =	vmul.f32 $8.000000000e+00, v17;
	v17 =	vld [tilespmem:$0x1FF60]  }
0xf9: {  	v20 =	vld [tilespmem:$0x1FF00];
	[tilespmem:v15+s13+$0x0] =	vst.idx.msk $0xffff, v12;
	v15 =	vmul.f32 $8.000000000e+00, v35  }
0xfa: {  	v26 =	vld [tilespmem:$0x1FED0];
	[tilespmem:v13+s13+$0x0] =	vst.idx.msk $0xffff, v8  }
0xfb: {  	[tilespmem:v9+s13+$0x0] =	vst.idx.msk $0xffff, v15;
	v15 =	vld [tilespmem:$0x1FE10]  }
0xfc: {  	v34 =	vmov v56;
	v56 =	vld [tilespmem:$0x1FF20];
	v10 =	vor.u32 v52, v0  }
0xfd: {  	v19 =	vld [tilespmem:$0x1FE80];
	v14 =	vor.u32 v17, v1  }
0xfe: {  	v12 =	vor.u32 v50, v0;
	v35 =	vld [tilespmem:$0x1FDC0]  }
0xff: {  	v6 =	vmul.f32 $8.000000000e+00, v6;
	v8 =	vor.u32 v40, v1;
	v40 =	vld [tilespmem:$0x1FF30]  }
0x100: {  	v7 =	vmul.f32 $8.000000000e+00, v7;
	v13 =	vld [tilespmem:$0x1FE60];
	v9 =	vor.u32 v15, v0  }
0x101: {  	[tilespmem:v10+s13+$0x0] =	vst.idx.msk $0xffff, v6;
	v6 =	vmul.f32 $8.000000000e+00, v11;
	v11 =	vmul.f32 $8.000000000e+00, v24;
	v24 =	vld [tilespmem:$0x1FEF0]  }
0x102: {  	[tilespmem:v14+s13+$0x0] =	vst.idx.msk $0xffff, v7;
	v7 =	vor.u32 v60, v0;
	v60 =	vld [tilespmem:$0x1FFA0]  }
0x103: {  	v14 =	vld [tilespmem:$0x1FE30];
	[tilespmem:v12+s13+$0x0] =	vst.idx.msk $0xffff, v6;
	v12 =	vmul.f32 $8.000000000e+00, v32  }
0x104: {  	v32 =	vld [tilespmem:$0x1FE90];
	[tilespmem:v8+s13+$0x0] =	vst.idx.msk $0xffff, v11  }
0x105: {  	v10 =	vor.u32 v56, v1;
	[tilespmem:v9+s13+$0x0] =	vst.idx.msk $0xffff, v12;
	v9 =	vld [tilespmem:$0x1FCE0]  }
0x106: {  	v11 =	vmul.f32 $8.000000000e+00, v25;
	v25 =	vld [tilespmem:$0x1FEA0]  }
0x107: {  	v8 =	vor.u32 v33, v0;
	v33 =	vld [tilespmem:$0x1FF10]  }
0x108: {  	v0 =	vor.u32 v5, v0;
	v5 =	vmul.f32 $8.000000000e+00, v23;
	v23 =	vld [tilespmem:$0x1FEE0]  }
0x109: {  	v6 =	vor.u32 v62, v1;
	v12 =	vld [tilespmem:$0x1FE50]  }
0x10a: {  	[tilespmem:v10+s13+$0x0] =	vst.idx.msk $0xffff, v11;
	v11 =	vld [tilespmem:$0x1FE20];
	v9 =	vmul.f32 $8.000000000e+00, v9  }
0x10b: {  	v10 =	vld [tilespmem:$0x1FE00]  }
0x10c: {  	v2 =	vmul.f32 $8.000000000e+00, v2;
	v1 =	vor.u32 v35, v1;
	[tilespmem:v7+s13+$0x0] =	vst.idx.msk $0xffff, v9;
	v7 =	vld [tilespmem:$0x1FE40]  }
0x10d: {  	v9 =	vld [tilespmem:$0x1FFF0]  }
0x10e: {  	[tilespmem:v6+s13+$0x0] =	vst.idx.msk $0xffff, v2;
	v6 =	vld [tilespmem:$0x1FF50]  }
0x10f: {  	v2 =	vmul.f32 $8.000000000e+00, v4;
	[tilespmem:v8+s13+$0x0] =	vst.idx.msk $0xffff, v5;
	v8 =	vld [tilespmem:$0x1FF40]  }
0x110: {  	v31 =	vmov v47;
	v47 =	vmov v52;
	v4 =	vld [tilespmem:$0x1FDF0]  }
0x111: {  	v3 =	vmul.f32 $8.000000000e+00, v3;
	v29 =	vmov v51;
	[tilespmem:v1+s13+$0x0] =	vst.idx.msk $0xffff, v2;
	v2 =	vld [tilespmem:$0x1FDD0]  }
0x112: {  	s21 =	sshll.u32 s21, $0xA;
	v57 =	vmov v53;
	v1 =	vld [tilespmem:$0x1FFC0]  }
0x113: {  	s21 =	sadd.s32 s6, s21;
	v27 =	vmovc v58;
	v51 =	vmovc v54;
	v54 =	vmov v47;
	v47 =	vmov v50;
	v52 =	vmov v55;
	[tilespmem:v0+s13+$0x0] =	vst.idx.msk $0xffff, v3;
	v3 =	vld [tilespmem:$0x1FDE0]  }
0x114: {  	v55 =	vmovc v49;
	v62 =	vmovc v29;
	v50 =	vmov v40;
	v0 =	vld [tilespmem:$0x1FFE0];
	[hbm4b:s21+s4] =	stream.linear.scatter [tilespmem:s13], [sflag:$0x3], $0x2000, $0x38;
	v49 =	vmov v6;
	v29 =	vmov v8  }
.LBB2_6:
0x115: {  	s19 =	sadd.s32 s8, s19  }
0x116: {  	p4 =	sgt.u32 s19, $0x1E83  }
0x117: {  	s19 =	sshll.u32 @!p4 s19, $0x7;
	s21 =	simm.s32 @!p4 $0x400  }
0x118: {  	s22 =	simm.s32 @!p4 $0x7A1400;
	s23 =	simm.s32 @!p4 $0x0;
	s19 =	sadd.s32 @!p4 s0, s19  }
0x119: {  	[tilespmem:s23], [sflag:$0x1] =	stream.strided.gather @!p4 [hbm4b:s19+s21], $0x2000, s22, s21, $0x38;
	[tilespmem:$0x8000] =	vst v63  }
0x11a: {  	s19 =	simm.s32 @!p2 $0x2  }
0x11b: {  	_ =	swait.ge @!p2 [sflag:s19], $0x2000  }
.Ltmp6:
0x11c: {  	[sflag:s19] =	ssyncset.done @!p2 $0x0;
	(pc) =	sbr.rel @p2 .LBB2_10-.Ltmp6, $4  }
0x11d: {  	[sflag:s19] =	ssyncadd.s32 @!p2 $0xFFFFE000;
	s19 =	simm.s32 @!p3 $0x4  }
0x11e: {  	_ =	swait.ge @!p3 [sflag:s19], $0x2000  }
0x11f: {  	[sflag:s19] =	ssyncset.done @!p3 $0x0  }
0x120: {  	[sflag:s19] =	ssyncadd.s32 @!p3 $0xFFFFE000  }
0x121: {  	v36 =	vmov v54  }
0x122: {  	v54 =	vmovc v51;
	v51 =	vmovc v62;
	v62 =	vmov v59;
	v59 =	vmov v0;
	v0 =	vadd.s32 s20, v44  }
0x123: {  	v56 =	vmov v1;
	v1 =	vand.u32 $0xF, v0  }
0x124: {  	v5 =	vshll.u32 v1, $0x7  }
0x125: {  	v2 =	vor.u32 v2, v5  }
0x126: {  	v3 =	vor.u32 v3, v5  }
0x127: {  	v4 =	vor.u32 v4, v5  }
0x128: {  	v6 =	vor.u32 v42, v5  }
0x129: {  	v10 =	vor.u32 v10, v5  }
0x12a: {  	v8 =	vor.u32 v12, v5;
	v2 =	vld.idx.msk [tilespmem:v2+s14+$0x0], $0xffff  }
0x12b: {  	v42 =	vmov v9;
	v9 =	vor.u32 v7, v5;
	v7 =	vld.idx.msk [tilespmem:v3+s14+$0x0], $0xffff  }
0x12c: {  	v12 =	vor.u32 v11, v5;
	v11 =	vld.idx.msk [tilespmem:v4+s14+$0x0], $0xffff  }
0x12d: {  	v18 =	vor.u32 v25, v5;
	v15 =	vld.idx.msk [tilespmem:v6+s14+$0x0], $0xffff  }
0x12e: {  	v3 =	vld.idx.msk [tilespmem:v10+s14+$0x0], $0xffff;
	v10 =	vor.u32 v19, v5  }
0x12f: {  	v4 =	vor.u32 v14, v5;
	v14 =	vld.idx.msk [tilespmem:v8+s14+$0x0], $0xffff  }
0x130: {  	v6 =	vor.u32 v43, v5;
	v9 =	vld.idx.msk [tilespmem:v9+s14+$0x0], $0xffff  }
0x131: {  	v8 =	vor.u32 v13, v5;
	v17 =	vld.idx.msk [tilespmem:v12+s14+$0x0], $0xffff  }
0x132: {  	v13 =	vor.u32 v21, v5;
	v21 =	vor.u32 v20, v5;
	v20 =	vld.idx.msk [tilespmem:v18+s14+$0x0], $0xffff  }
0x133: {  	v28 =	vld.idx.msk [tilespmem:v10+s14+$0x0], $0xffff;
	v10 =	vor.u32 v41, v5  }
0x134: {  	v4 =	vld.idx.msk [tilespmem:v4+s14+$0x0], $0xffff  }
0x135: {  	v12 =	vor.u32 v32, v5;
	v16 =	vld.idx.msk [tilespmem:v6+s14+$0x0], $0xffff  }
0x136: {  	v19 =	vor.u32 v26, v5;
	v8 =	vld.idx.msk [tilespmem:v8+s14+$0x0], $0xffff  }
0x137: {  	v43 =	vmov v22;
	v6 =	vor.u32 v23, v5;
	v22 =	vld.idx.msk [tilespmem:v13+s14+$0x0], $0xffff  }
0x138: {  	v40 =	vmov v47;
	v47 =	vmov v27;
	v27 =	vld.idx.msk [tilespmem:v10+s14+$0x0], $0xffff  }
0x139: {  	v10 =	vld [tilespmem:$0x1FD00]  }
0x13a: {  	v12 =	vld.idx.msk [tilespmem:v12+s14+$0x0], $0xffff  }
0x13b: {  	v18 =	vor.u32 v33, v5;
	v13 =	vld.idx.msk [tilespmem:v19+s14+$0x0], $0xffff  }
0x13c: {  	v25 =	vor.u32 v50, v5;
	v31 =	vld.idx.msk [tilespmem:v6+s14+$0x0], $0xffff  }
0x13d: {  	v6 =	vld [tilespmem:$0x1FCF0]  }
0x13e: {  	v32 =	vor.u32 v10, v5;
	v10 =	vld [tilespmem:$0x1FD20]  }
0x13f: {  	v23 =	vor.u32 v24, v5;
	v24 =	vor.u32 v29, v5;
	v19 =	vld.idx.msk [tilespmem:v21+s14+$0x0], $0xffff  }
0x140: {  	v29 =	vor.u32 v45, v5;
	v21 =	vld.idx.msk [tilespmem:v18+s14+$0x0], $0xffff  }
0x141: {  	v18 =	vld.idx.msk [tilespmem:v25+s14+$0x0], $0xffff  }
0x142: {  	v41 =	vmov v55;
	v55 =	vmov v63;
	v63 =	vld [tilespmem:$0x1FD30]  }
0x143: {  	v26 =	vor.u32 v6, v5;
	v33 =	vor.u32 v10, v5;
	v10 =	vmul.f32 $8.000000000e+00, v22;
	v22 =	vld [tilespmem:$0x1FD10]  }
0x144: {  	v37 =	vor.u32 v46, v5;
	v34 =	vld.idx.msk [tilespmem:v24+s14+$0x0], $0xffff  }
0x145: {  	v29 =	vld.idx.msk [tilespmem:v29+s14+$0x0], $0xffff  }
0x146: {  	v6 =	vld.idx.msk [tilespmem:v23+s14+$0x0], $0xffff  }
0x147: {  	v58 =	vmovc v61;
	v61 =	vmov v52;
	v24 =	vor.u32 v49, v5;
	v23 =	vor.u32 v60, v5;
	v60 =	vld [tilespmem:$0x1FD40]  }
0x148: {  	v53 =	vmovc v40;
	v49 =	vmovc v36;
	v8 =	vmul.f32 $8.000000000e+00, v8;
	v31 =	vmul.f32 $8.000000000e+00, v31;
	v36 =	vld.idx.msk [tilespmem:v26+s14+$0x0], $0xffff;
	v25 =	vor.u32 v22, v5  }
0x149: {  	s19 =	simm.s32 $0x1;
	v35 =	vor.u32 v42, v5;
	v52 =	vmovc v43;
	v50 =	vmovc v41;
	v26 =	vmul.f32 $8.000000000e+00, v12;
	v12 =	vmul.f32 $8.000000000e+00, v28;
	v28 =	vld.idx.msk [tilespmem:v37+s14+$0x0], $0xffff  }
.LBB2_8:
0x14a: {  	_ =	sdelay $0x1  }
0x14b: {  	v22 =	vld.idx.msk [tilespmem:v33+s14+$0x0], $0xffff;
	v33 =	vor.u32 v48, v1  }
0x14c: {  	v25 =	vld.idx.msk [tilespmem:v25+s14+$0x0], $0xffff;
	v37 =	vor.u32 v38, v0  }
0x14d: {  	v32 =	vld.idx.msk [tilespmem:v32+s14+$0x0], $0xffff;
	v39 =	vor.u32 v30, v1  }
0x14e: {  	v24 =	vld.idx.msk [tilespmem:v24+s14+$0x0], $0xffff;
	v42 =	vor.u32 v59, v0;
	v29 =	vmul.f32 $8.000000000e+00, v29  }
0x14f: {  	v41 =	vmul.f32 $8.000000000e+00, v27;
	v27 =	vld.idx.msk [tilespmem:v23+s14+$0x0], $0xffff;
	v23 =	vmul.f32 $8.000000000e+00, v28;
	v28 =	vor.u32 v56, v1  }
0x150: {  	v35 =	vld.idx.msk [tilespmem:v35+s14+$0x0], $0xffff;
	[tilespmem:v33+s15+$0x0] =	vst.idx.msk $0xffff, v29  }
0x151: {  	[tilespmem:v37+s15+$0x0] =	vst.idx.msk $0xffff, v23;
	v23 =	vmul.f32 $8.000000000e+00, v34  }
0x152: {  	v43 =	vmul.f32 $8.000000000e+00, v7;
	v7 =	vld [tilespmem:$0x1FF90];
	v29 =	vmul.f32 $8.000000000e+00, v36;
	[tilespmem:v39+s15+$0x0] =	vst.idx.msk $0xffff, v41  }
0x153: {  	v41 =	vld [tilespmem:$0x1FEB0];
	[tilespmem:v42+s15+$0x0] =	vst.idx.msk $0xffff, v23  }
0x154: {  	[tilespmem:v28+s15+$0x0] =	vst.idx.msk $0xffff, v29;
	v29 =	vld [tilespmem:$0x1FEC0];
	_ =	sdelay $0x3  }
0x155: {  	v33 =	vor.u32 v7, v0  }
0x156: {  	v34 =	vor.u32 v62, v1;
	v37 =	vor.u32 v41, v1;
	v41 =	vor.u32 v29, v0;
	v29 =	vld [tilespmem:$0x1FF20]  }
0x157: {  	v36 =	vor.u32 v51, v0  }
0x158: {  	v15 =	vmul.f32 $8.000000000e+00, v15;
	v23 =	vor.u32 v52, v1  }
0x159: {  	v28 =	vor.u32 v63, v0  }
0x15a: {  	v14 =	vmul.f32 $8.000000000e+00, v14;
	[tilespmem:v33+s15+$0x0] =	vst.idx.msk $0xffff, v15;
	v15 =	vor.u32 v60, v1  }
0x15b: {  	v16 =	vmul.f32 $8.000000000e+00, v16;
	[tilespmem:v34+s15+$0x0] =	vst.idx.msk $0xffff, v31;
	v42 =	vor.u32 v29, v1;
	v29 =	vor.u32 v61, v0  }
0x15c: {  	[tilespmem:v36+s15+$0x0] =	vst.idx.msk $0xffff, v14  }
0x15d: {  	v20 =	vmul.f32 $8.000000000e+00, v20;
	[tilespmem:v23+s15+$0x0] =	vst.idx.msk $0xffff, v16  }
0x15e: {  	v9 =	vmul.f32 $8.000000000e+00, v9;
	v31 =	vld [tilespmem:$0x1FE10];
	[tilespmem:v28+s15+$0x0] =	vst.idx.msk $0xffff, v26  }
0x15f: {  	v14 =	vor.u32 v57, v1;
	[tilespmem:v15+s15+$0x0] =	vst.idx.msk $0xffff, v20  }
0x160: {  	v16 =	vmul.f32 $8.000000000e+00, v19;
	v19 =	vor.u32 v47, v0;
	[tilespmem:v29+s15+$0x0] =	vst.idx.msk $0xffff, v9;
	v9 =	vmul.f32 $8.000000000e+00, v18;
	v18 =	vld [tilespmem:$0x1FFD0]  }
0x161: {  	v40 =	vmul.f32 $8.000000000e+00, v11;
	v11 =	vld [tilespmem:$0x1FDC0]  }
0x162: {  	v28 =	vld [tilespmem:$0x1FF60]  }
0x163: {  	v21 =	vmul.f32 $8.000000000e+00, v21;
	v26 =	vor.u32 v58, v1;
	v34 =	vor.u32 v31, v0;
	v31 =	vld [tilespmem:$0x1FF80]  }
0x164: {  	v15 =	vor.u32 v55, v0;
	[tilespmem:v14+s15+$0x0] =	vst.idx.msk $0xffff, v16;
	v16 =	vld [tilespmem:$0x1FFB0]  }
0x165: {  	[tilespmem:v19+s15+$0x0] =	vst.idx.msk $0xffff, v21;
	v19 =	vld [tilespmem:$0x1FF70];
	v18 =	vor.u32 v18, v1  }
0x166: {  	v13 =	vmul.f32 $8.000000000e+00, v13;
	v14 =	vor.u32 v54, v0;
	_ =	sdelay $0x1  }
0x167: {  	v11 =	vor.u32 v11, v1;
	[tilespmem:v26+s15+$0x0] =	vst.idx.msk $0xffff, v13  }
0x168: {  	v33 =	vor.u32 v28, v1;
	v36 =	vor.u32 v31, v1;
	[tilespmem:v15+s15+$0x0] =	vst.idx.msk $0xffff, v9  }
0x169: {  	v16 =	vor.u32 v16, v1;
	v19 =	vor.u32 v19, v1;
	v1 =	vld [tilespmem:$0x1FF40];
	[tilespmem:v18+s15+$0x0] =	vst.idx.msk $0xffff, v10  }
0x16a: {  	s20 =	smov.u32 s19;
	[tilespmem:v14+s15+$0x0] =	vst.idx.msk $0xffff, v8;
	v14 =	vld [tilespmem:$0x1FF00]  }
0x16b: {  	v39 =	vmul.f32 $8.000000000e+00, v32;
	v32 =	vadd.s32 s20, v44  }
0x16c: {  	v44 =	vand.u32 $0xF, v32;
	v9 =	vld [tilespmem:$0x1FEE0]  }
0x16d: {  	v31 =	vshll.u32 v44, $0x7;
	v15 =	vld [tilespmem:$0x1FEA0]  }
0x16e: {  	v29 =	vor.u32 v45, v31;
	v45 =	vor.u32 v1, v31;
	v1 =	vld [tilespmem:$0x1FCF0]  }
0x16f: {  	v26 =	vor.u32 v14, v31;
	v14 =	vld [tilespmem:$0x1FF10]  }
0x170: {  	v7 =	vld [tilespmem:$0x1FDB0];
	v21 =	vor.u32 v50, v0  }
0x171: {  	v13 =	vor.u32 v9, v31;
	v9 =	vld [tilespmem:$0x1FE50]  }
0x172: {  	v38 =	vmul.f32 $8.000000000e+00, v17;
	v20 =	vor.u32 v49, v0;
	v28 =	vor.u32 v46, v31;
	v10 =	vld [tilespmem:$0x1FE90]  }
0x173: {  	v18 =	vor.u32 v15, v31;
	v15 =	vmul.f32 $8.000000000e+00, v25;
	v25 =	vld [tilespmem:$0x1FE40];
	v8 =	vmul.f32 $8.000000000e+00, v35  }
0x174: {  	[tilespmem:v19+s15+$0x0] =	vst.idx.msk $0xffff, v12;
	v46 =	vor.u32 v1, v31;
	v1 =	vmov v44;
	v44 =	vor.u32 v14, v31;
	v14 =	vld [tilespmem:$0x1FE70]  }
0x175: {  	v12 =	vld [tilespmem:$0x1FF30];
	[tilespmem:v21+s15+$0x0] =	vst.idx.msk $0xffff, v38  }
0x176: {  	v6 =	vmul.f32 $8.000000000e+00, v6;
	v23 =	vor.u32 v53, v0;
	[tilespmem:v16+s15+$0x0] =	vst.idx.msk $0xffff, v8;
	v8 =	vld [tilespmem:$0x1FEF0]  }
0x177: {  	v16 =	vld [tilespmem:$0x1FFA0]  }
0x178: {  	[tilespmem:v20+s15+$0x0] =	vst.idx.msk $0xffff, v6;
	v20 =	vld [tilespmem:$0x1FED0]  }
0x179: {  	v19 =	vor.u32 v14, v31;
	v14 =	vld [tilespmem:$0x1FE80]  }
0x17a: {  	v6 =	vmul.f32 $8.000000000e+00, v24;
	[tilespmem:v33+s15+$0x0] =	vst.idx.msk $0xffff, v43;
	v43 =	vld [tilespmem:$0x1FD90]  }
0x17b: {  	[tilespmem:v23+s15+$0x0] =	vst.idx.msk $0xffff, v40;
	v40 =	vld [tilespmem:$0x1FE00]  }
0x17c: {  	v7 =	vor.u32 v7, v0;
	[tilespmem:v36+s15+$0x0] =	vst.idx.msk $0xffff, v6;
	v38 =	vor.u32 v8, v31;
	v8 =	vld [tilespmem:$0x1FDE0]  }
0x17d: {  	v5 =	vor.u32 $0x1870, v48;
	v6 =	vmul.f32 $8.000000000e+00, v22;
	v23 =	vor.u32 v16, v31;
	v16 =	vld [tilespmem:$0x1FE30];
	[tilespmem:v34+s15+$0x0] =	vst.idx.msk $0xffff, v39  }
0x17e: {  	v2 =	vmul.f32 $8.000000000e+00, v2;
	v17 =	vor.u32 v5, v0;
	[tilespmem:v42+s15+$0x0] =	vst.idx.msk $0xffff, v15;
	v21 =	vor.u32 v14, v31;
	v14 =	vld [tilespmem:$0x1FE20]  }
0x17f: {  	v22 =	vor.u32 v20, v31;
	v20 =	vld [tilespmem:$0x1FE60];
	[tilespmem:v41+s15+$0x0] =	vst.idx.msk $0xffff, v6;
	v6 =	vmul.f32 $8.000000000e+00, v27  }
0x180: {  	v42 =	vld [tilespmem:$0x1FD80];
	[tilespmem:v37+s15+$0x0] =	vst.idx.msk $0xffff, v2;
	v2 =	vmul.f32 $8.000000000e+00, v4  }
0x181: {  	v3 =	vmul.f32 $8.000000000e+00, v3;
	v41 =	vld [tilespmem:$0x1FD70];
	[tilespmem:v7+s15+$0x0] =	vst.idx.msk $0xffff, v6  }
0x182: {  	v4 =	vld [tilespmem:$0x1FDF0];
	[tilespmem:v11+s15+$0x0] =	vst.idx.msk $0xffff, v2  }
0x183: {  	[tilespmem:v17+s15+$0x0] =	vst.idx.msk $0xffff, v3;
	v35 =	vor.u32 v14, v31;
	v14 =	vld [tilespmem:$0x1FF50]  }
0x184: {  	v34 =	vor.u32 v40, v31;
	v37 =	vld.idx.msk [tilespmem:v13+s14+$0x0], $0xffff  }
0x185: {  	v13 =	vld.idx.msk [tilespmem:v22+s14+$0x0], $0xffff  }
0x186: {  	v29 =	vld.idx.msk [tilespmem:v29+s14+$0x0], $0xffff  }
0x187: {  	v8 =	vor.u32 v8, v31;
	v28 =	vld.idx.msk [tilespmem:v28+s14+$0x0], $0xffff  }
0x188: {  	v24 =	vor.u32 v14, v31;
	v14 =	vld [tilespmem:$0x1FD00]  }
0x189: {  	v3 =	vld.idx.msk [tilespmem:v34+s14+$0x0], $0xffff  }
0x18a: {  	v15 =	vor.u32 v42, v31;
	v34 =	vld.idx.msk [tilespmem:v45+s14+$0x0], $0xffff  }
0x18b: {  	v27 =	vor.u32 v41, v31;
	v45 =	vld [tilespmem:$0x1FD50]  }
0x18c: {  	v4 =	vor.u32 v4, v31;
	v7 =	vld.idx.msk [tilespmem:v8+s14+$0x0], $0xffff  }
0x18d: {  	v0 =	vmov v32;
	v32 =	vor.u32 v14, v31;
	v14 =	vld [tilespmem:$0x1FD20]  }
0x18e: {  	v16 =	vor.u32 v16, v31;
	v8 =	vld [tilespmem:$0x1FFF0]  }
0x18f: {  	v6 =	vor.u32 v43, v31;
	v15 =	vld.idx.msk [tilespmem:v15+s14+$0x0], $0xffff  }
0x190: {  	v20 =	vor.u32 v20, v31;
	v27 =	vld.idx.msk [tilespmem:v27+s14+$0x0], $0xffff  }
0x191: {  	v11 =	vld.idx.msk [tilespmem:v4+s14+$0x0], $0xffff  }
0x192: {  	v12 =	vor.u32 v12, v31;
	v33 =	vor.u32 v14, v31;
	v14 =	vld [tilespmem:$0x1FDD0]  }
0x193: {  	v4 =	vld.idx.msk [tilespmem:v16+s14+$0x0], $0xffff  }
0x194: {  	v16 =	vld.idx.msk [tilespmem:v6+s14+$0x0], $0xffff  }
0x195: {  	v6 =	vld.idx.msk [tilespmem:v20+s14+$0x0], $0xffff  }
0x196: {  	v20 =	vld.idx.msk [tilespmem:v18+s14+$0x0], $0xffff  }
0x197: {  	v18 =	vld.idx.msk [tilespmem:v12+s14+$0x0], $0xffff;
	v14 =	vor.u32 v14, v31  }
0x198: {  	v9 =	vor.u32 v9, v31;
	v12 =	vld [tilespmem:$0x1FD10]  }
0x199: {  	v25 =	vor.u32 v25, v31;
	v36 =	vld.idx.msk [tilespmem:v21+s14+$0x0], $0xffff  }
0x19a: {  	v10 =	vor.u32 v10, v31;
	v17 =	vld.idx.msk [tilespmem:v35+s14+$0x0], $0xffff  }
0x19b: {  	v35 =	vor.u32 v8, v31;
	v8 =	vld.idx.msk [tilespmem:v19+s14+$0x0], $0xffff  }
0x19c: {  	v2 =	vld.idx.msk [tilespmem:v14+s14+$0x0], $0xffff  }
0x19d: {  	v14 =	vld.idx.msk [tilespmem:v9+s14+$0x0], $0xffff  }
0x19e: {  	v9 =	vld.idx.msk [tilespmem:v25+s14+$0x0], $0xffff  }
0x19f: {  	v25 =	vld.idx.msk [tilespmem:v10+s14+$0x0], $0xffff  }
0x1a0: {  	p2 =	sne.s32 s19, $0xF;
	v21 =	vld.idx.msk [tilespmem:v44+s14+$0x0], $0xffff  }
.Ltmp7:
0x1a1: {  	v19 =	vld.idx.msk [tilespmem:v26+s14+$0x0], $0xffff;
	(pc) =	sbr.rel @p2 .LBB2_8-.Ltmp7, $4  }
0x1a2: {  	v10 =	vmul.f32 $8.000000000e+00, v8;
	v8 =	vmul.f32 $8.000000000e+00, v6;
	v6 =	vld.idx.msk [tilespmem:v38+s14+$0x0], $0xffff  }
0x1a3: {  	v38 =	vld [tilespmem:$0x1FDA0]  }
0x1a4: {  	v26 =	vmul.f32 $8.000000000e+00, v25;
	v25 =	vor.u32 v12, v31;
	v12 =	vmul.f32 $8.000000000e+00, v36;
	v36 =	vld.idx.msk [tilespmem:v46+s14+$0x0], $0xffff  }
0x1a5: {  	s19 =	sadd.s32 $0x1, s19;
	v44 =	vlaneseq.u32;
	v31 =	vmul.f32 $8.000000000e+00, v37;
	v46 =	vld [tilespmem:$0x1FD60]  }
0x1a6: {  	_ =	sdelay $0x3  }
0x1a7: {  	v22 =	vld.idx.msk [tilespmem:v33+s14+$0x0], $0xffff  }
0x1a8: {  	v25 =	vld.idx.msk [tilespmem:v25+s14+$0x0], $0xffff;
	v33 =	vor.u32 v48, v1  }
0x1a9: {  	v32 =	vld.idx.msk [tilespmem:v32+s14+$0x0], $0xffff  }
0x1aa: {  	v24 =	vld.idx.msk [tilespmem:v24+s14+$0x0], $0xffff  }
0x1ab: {  	v35 =	vld.idx.msk [tilespmem:v35+s14+$0x0], $0xffff;
	v29 =	vmul.f32 $8.000000000e+00, v29  }
0x1ac: {  	v23 =	vld.idx.msk [tilespmem:v23+s14+$0x0], $0xffff  }
0x1ad: {  	[tilespmem:v33+s15+$0x0] =	vst.idx.msk $0xffff, v29;
	v33 =	vld [tilespmem:$0x1FF90]  }
0x1ae: {  	v37 =	vor.u32 v38, v0  }
0x1af: {  	v38 =	vor.u32 v30, v1  }
0x1b0: {  	v39 =	vor.u32 v59, v0  }
0x1b1: {  	v28 =	vmul.f32 $8.000000000e+00, v28;
	v40 =	vor.u32 v56, v1  }
0x1b2: {  	v27 =	vmul.f32 $8.000000000e+00, v27;
	v29 =	vor.u32 v33, v0  }
0x1b3: {  	[tilespmem:v37+s15+$0x0] =	vst.idx.msk $0xffff, v28;
	v28 =	vmul.f32 $8.000000000e+00, v34;
	v33 =	vor.u32 v62, v1  }
0x1b4: {  	v59 =	vmov v56;
	v56 =	vor.u32 v51, v0;
	[tilespmem:v38+s15+$0x0] =	vst.idx.msk $0xffff, v27;
	v27 =	vmul.f32 $8.000000000e+00, v36  }
0x1b5: {  	v15 =	vmul.f32 $8.000000000e+00, v15;
	[tilespmem:v39+s15+$0x0] =	vst.idx.msk $0xffff, v28;
	v28 =	vor.u32 v52, v1  }
0x1b6: {  	[tilespmem:v40+s15+$0x0] =	vst.idx.msk $0xffff, v27;
	v27 =	vor.u32 v63, v0  }
0x1b7: {  	v14 =	vmul.f32 $8.000000000e+00, v14;
	[tilespmem:v29+s15+$0x0] =	vst.idx.msk $0xffff, v15;
	v15 =	vor.u32 v60, v1  }
0x1b8: {  	v16 =	vmul.f32 $8.000000000e+00, v16;
	v29 =	vor.u32 v61, v0;
	[tilespmem:v33+s15+$0x0] =	vst.idx.msk $0xffff, v31  }
0x1b9: {  	[tilespmem:v56+s15+$0x0] =	vst.idx.msk $0xffff, v14;
	v14 =	vor.u32 v57, v1  }
0x1ba: {  	[tilespmem:v28+s15+$0x0] =	vst.idx.msk $0xffff, v16;
	v16 =	vmul.f32 $8.000000000e+00, v20;
	v20 =	vor.u32 v47, v0  }
0x1bb: {  	v9 =	vmul.f32 $8.000000000e+00, v9;
	[tilespmem:v27+s15+$0x0] =	vst.idx.msk $0xffff, v26  }
0x1bc: {  	[tilespmem:v15+s15+$0x0] =	vst.idx.msk $0xffff, v16;
	v15 =	vmul.f32 $8.000000000e+00, v19  }
0x1bd: {  	v31 =	vld [tilespmem:$0x1FFD0];
	[tilespmem:v29+s15+$0x0] =	vst.idx.msk $0xffff, v9;
	v9 =	vmul.f32 $8.000000000e+00, v21  }
0x1be: {  	[tilespmem:v14+s15+$0x0] =	vst.idx.msk $0xffff, v15  }
0x1bf: {  	[tilespmem:v20+s15+$0x0] =	vst.idx.msk $0xffff, v9;
	v9 =	vmul.f32 $8.000000000e+00, v18;
	v18 =	vld [tilespmem:$0x1FF70]  }
0x1c0: {  	v34 =	vld [tilespmem:$0x1FFB0];
	v26 =	vor.u32 v58, v1  }
0x1c1: {  	v38 =	vld [tilespmem:$0x1FDA0];
	v16 =	vor.u32 v55, v0  }
0x1c2: {  	v63 =	vld [tilespmem:$0x1FEB0];
	v19 =	vor.u32 v31, v1  }
0x1c3: {  	v13 =	vmul.f32 $8.000000000e+00, v13;
	v40 =	vld [tilespmem:$0x1FF50];
	v14 =	vor.u32 v54, v0  }
0x1c4: {  	v60 =	vld [tilespmem:$0x1FEC0];
	v15 =	vor.u32 v18, v1  }
0x1c5: {  	v33 =	vld [tilespmem:$0x1FDB0];
	[tilespmem:v26+s15+$0x0] =	vst.idx.msk $0xffff, v13;
	v13 =	vor.u32 v50, v0  }
0x1c6: {  	v28 =	vmov v58;
	v58 =	vld [tilespmem:$0x1FF20];
	[tilespmem:v16+s15+$0x0] =	vst.idx.msk $0xffff, v9;
	v9 =	vor.u32 v34, v1  }
0x1c7: {  	v29 =	vld [tilespmem:$0x1FF40];
	[tilespmem:v19+s15+$0x0] =	vst.idx.msk $0xffff, v10  }
0x1c8: {  	[tilespmem:v14+s15+$0x0] =	vst.idx.msk $0xffff, v8;
	v8 =	vmul.f32 $8.000000000e+00, v17;
	v17 =	vld [tilespmem:$0x1FF60]  }
0x1c9: {  	v20 =	vld [tilespmem:$0x1FF00];
	[tilespmem:v15+s15+$0x0] =	vst.idx.msk $0xffff, v12;
	v15 =	vmul.f32 $8.000000000e+00, v35  }
0x1ca: {  	v16 =	vld [tilespmem:$0x1FF80];
	[tilespmem:v13+s15+$0x0] =	vst.idx.msk $0xffff, v8  }
0x1cb: {  	[tilespmem:v9+s15+$0x0] =	vst.idx.msk $0xffff, v15;
	v15 =	vld [tilespmem:$0x1FE10]  }
0x1cc: {  	v26 =	vld [tilespmem:$0x1FED0];
	v10 =	vor.u32 v49, v0  }
0x1cd: {  	v21 =	vmov v50;
	v50 =	vld [tilespmem:$0x1FF30];
	v14 =	vor.u32 v17, v1  }
0x1ce: {  	v19 =	vld [tilespmem:$0x1FE80];
	v12 =	vor.u32 v53, v0  }
0x1cf: {  	v6 =	vmul.f32 $8.000000000e+00, v6;
	v35 =	vld [tilespmem:$0x1FDC0];
	v8 =	vor.u32 v16, v1  }
0x1d0: {  	v7 =	vmul.f32 $8.000000000e+00, v7;
	[tilespmem:$0x1FCD0] =	vst v22;
	v13 =	vld [tilespmem:$0x1FE60];
	v9 =	vor.u32 v15, v0  }
0x1d1: {  	[tilespmem:v10+s15+$0x0] =	vst.idx.msk $0xffff, v6;
	v6 =	vmul.f32 $8.000000000e+00, v11;
	v11 =	vmul.f32 $8.000000000e+00, v24;
	v24 =	vld [tilespmem:$0x1FEF0]  }
0x1d2: {  	[tilespmem:v14+s15+$0x0] =	vst.idx.msk $0xffff, v7;
	v7 =	vor.u32 v60, v0;
	v60 =	vld [tilespmem:$0x1FFA0]  }
0x1d3: {  	v14 =	vld [tilespmem:$0x1FE30];
	[tilespmem:v12+s15+$0x0] =	vst.idx.msk $0xffff, v6;
	v12 =	vmul.f32 $8.000000000e+00, v32  }
0x1d4: {  	v32 =	vld [tilespmem:$0x1FE90];
	[tilespmem:v8+s15+$0x0] =	vst.idx.msk $0xffff, v11  }
0x1d5: {  	v10 =	vor.u32 v58, v1;
	[tilespmem:v9+s15+$0x0] =	vst.idx.msk $0xffff, v12;
	v9 =	vld [tilespmem:$0x1FCD0]  }
0x1d6: {  	v11 =	vmul.f32 $8.000000000e+00, v25;
	v25 =	vld [tilespmem:$0x1FEA0]  }
0x1d7: {  	v8 =	vor.u32 v33, v0;
	v33 =	vld [tilespmem:$0x1FF10]  }
0x1d8: {  	v6 =	vor.u32 v63, v1;
	v0 =	vor.u32 v5, v0;
	v5 =	vmul.f32 $8.000000000e+00, v23;
	v23 =	vld [tilespmem:$0x1FEE0]  }
0x1d9: {  	v12 =	vld [tilespmem:$0x1FE50]  }
0x1da: {  	[tilespmem:v10+s15+$0x0] =	vst.idx.msk $0xffff, v11;
	v11 =	vld [tilespmem:$0x1FE20];
	v9 =	vmul.f32 $8.000000000e+00, v9  }
0x1db: {  	v2 =	vmul.f32 $8.000000000e+00, v2;
	v1 =	vor.u32 v35, v1;
	v10 =	vld [tilespmem:$0x1FE00]  }
0x1dc: {  	[tilespmem:v7+s15+$0x0] =	vst.idx.msk $0xffff, v9;
	v7 =	vld [tilespmem:$0x1FE40]  }
0x1dd: {  	[tilespmem:v6+s15+$0x0] =	vst.idx.msk $0xffff, v2;
	v6 =	vld [tilespmem:$0x1FE70]  }
.Ltmp8:
0x1de: {  	v9 =	vld [tilespmem:$0x1FFF0];
	v2 =	vmul.f32 $8.000000000e+00, v4;
	(pc) =	sbr.rel .LBB2_10-.Ltmp8, $4  }
0x1df: {  	v3 =	vmul.f32 $8.000000000e+00, v3;
	v4 =	vld [tilespmem:$0x1FDF0];
	[tilespmem:v8+s15+$0x0] =	vst.idx.msk $0xffff, v5  }
0x1e0: {  	s18 =	sshll.u32 s18, $0xA;
	v22 =	vmovc v52;
	v52 =	vmov v61;
	v27 =	vmov v47;
	v61 =	vmov v28;
	[tilespmem:v1+s15+$0x0] =	vst.idx.msk $0xffff, v2;
	v2 =	vld [tilespmem:$0x1FDD0]  }
0x1e1: {  	s18 =	sadd.s32 s6, s18;
	v47 =	vmovc v53;
	v63 =	vmovc v55;
	v55 =	vmov v21;
	v1 =	vmov v59;
	v59 =	vmov v62;
	[tilespmem:v0+s15+$0x0] =	vst.idx.msk $0xffff, v3;
	v3 =	vld [tilespmem:$0x1FDE0]  }
0x1e2: {  	v62 =	vmovc v51;
	v51 =	vmovc v54;
	v54 =	vmov v49;
	v49 =	vmov v40;
	v0 =	vld [tilespmem:$0x1FFE0];
	[hbm4b:s18+s4] =	stream.linear.scatter [tilespmem:s15], [sflag:$0x4], $0x2000, $0x38;
	v21 =	vmov v6  }
.LBB2_12:
0x1e3: {  	_ =	sfence.sel $0x180000  }
0x1e4: {  	[bflag:$0x0] =	sbarrier.arrive $0xFFFF  }
0x1e5: {  	p0 =	sne.s32 s3, $0x0;
	_ =	strace $0x90000047  }
0x1e6: {  	s0 =	sadd.s32 @!p0 $0x100000, s2;
	[bflag:$0x2] =	sbarrier.arrive $0xFFFF  }
0x1e7: {  	[sflag:s0] =	ssyncadd.tile.s32 @!p0 $0x1;
	_ =	shalt  }
.Lfunc_end2:
_tile_overlayer_lowered:
.L_overlay_start_2:
0x1e8: {  	(tag) =	ssettag $0x2  }
0x1e9: {  	s0 =	rddreg [dreg:$0x0];
	s2 =	stileid.u32  }
0x1ea: {  	s1 =	rddreg [dreg:$0x1];
	p0 =	sne.s32 s2, $0x0  }
0x1eb: {  	s3 =	rddreg [dreg:$0x2];
	[bflag:$0x3] =	sbarrier.arrive $0xFFFF;
	s2 =	simm.s32 @!p0 $0x1C05  }
0x1ec: {  	[timem:s3], [sflag:s2] =	dma.local @!p0 [hbm:s0], s1  }
0x1ed: {  	s0 =	simm.s32 @!p0 $0x5  }
0x1ee: {  	_ =	swait.ge @!p0 [sflag:s0], s1  }
0x1ef: {  	s1 =	ssub.s32 @!p0 $0x0, s1;
	[sflag:s0] =	ssyncset.done @!p0 $0x0  }
0x1f0: {  	[sflag:s0] =	ssyncadd.s32 @!p0 s1  }
0x1f1: {  	[bflag:$0x3] =	sbarrier.arrive $0xFFFF  }
0x1f2: {  	_ =	shalt  }

// kernel: kernel.7.cloned.1.call-start
scs
__scs_entry_jumppad:
0x0: {  	(pc) =	sbr.rel $0x88, $3  }
0x1: {  	(tag) =	ssettag $0x0;
	lr =	simm.s32 $0x1  }
0x2: {  	[smem:$0x3F9F] =	sst lr;
	_ =	strace $0xD0000000  }
0x3: {  	_ = 	snop  }
0x4: {  	_ = 	snop  }
0x5: {  	_ = 	snop  }
0x6: {  	_ = 	snop  }
0x7: {  	_ = 	snop  }
__scs_overlays_trampoline_lowered:
0x8: {  	[smem:$0x3FAE] =	sst s0  }
0x9: {  	[smem:$0x3FAF] =	sst s1  }
0xa: {  	[smem:$0x3FB0] =	sst s2  }
0xb: {  	[smem:$0x3FB1] =	sst s3  }
0xc: {  	[smem:$0x3FB2] =	sst s4  }
0xd: {  	[smem:$0x3FB3] =	sst s5  }
0xe: {  	[smem:$0x3FB4] =	sst s6  }
0xf: {  	[smem:$0x3FB5] =	sst s7  }
0x10: {  	[smem:$0x3FB6] =	sst s8  }
0x11: {  	[smem:$0x3FB7] =	sst s9;
	s0 =	simm.s32 @!p0 $0x0  }
0x12: {  	s1 =	sld [smem:$0x3F9D];
	s0 =	simm.s32 @p0 $0x1  }
0x13: {  	[smem:$0x3FB8] =	sst s0;
	s0 =	simm.s32 @!p1 $0x0  }
0x14: {  	s2 =	sld [smem:$0x3F9C];
	s0 =	simm.s32 @p1 $0x1  }
0x15: {  	[smem:$0x3FB9] =	sst s0;
	s0 =	simm.s32 @!p2 $0x0  }
0x16: {  	s3 =	sld [smem:$0x3FDB];
	s0 =	simm.s32 @p2 $0x1  }
0x17: {  	s4 =	simm.s32 $0x1BF5;
	[smem:$0x3FBB] =	sst s0  }
0x18: {  	s0 =	sld [smem:$0x3F9E];
	_ =	swait.ge [sflag:s4], $0x0  }
0x19: {  	s7 =	sld [smem:$0x3F9F]  }
0x1a: {  	s8 =	sadd.s32 $0xFFFFE003, lr  }
0x1b: {  	s9 =	sadd.s32 $0xFFFFFEF7, lr;
	s5 =	simm.s32 $0xFFFFFFFF;
	p2 =	slt.u32 s8, $0xFFFFF086  }
0x1c: {  	p1 =	slt.u32 s9, $0xF7A;
	s5 =	simm.s32 @!p2 $0x0  }
0x1d: {  	s5 =	simm.s32 @p1 $0x1;
	p0 =	seq.s32 s7, s2  }
0x1e: {  	s7 =	smul.u32 @!p0 $0xF7A, s2;
	p2 =	seq.s32 @!p0 s5, $0x0  }
0x1f: {  	s9 =	smul.u32 $0xF7A, s1;
	s8 =	simm.s32 @!p0 $0x1BF5;
	p2 =	por !p2, p0  }
0x20: {  	[sflag:s8] =	ssyncset.s32 @!p0 $0xFFFFF086;
	s6 =	sadd.s32 @!p0 s3, s7;
	s7 =	simm.s32 @!p0 $0x108  }
0x21: {  	s3 =	sadd.s32 s3, s9;
	s6 =	sadd.s32 @!p0 $0x88, s6;
	s7 =	simm.s32 @p2 $0x1082  }
0x22: {  	[simem:s7], [sflag:s8] =	dma.local @!p0 [hbm:s6], $0xF7A  }
0x23: {  	s9 =	sor.u32 $0xD0000000, s2;
	s6 =	simm.s32 $0x108;
	_ =	swait.ge @!p0 [sflag:s8], $0x0  }
0x24: {  	s3 =	sadd.s32 $0x88, s3;
	s6 =	simm.s32 @!p1 $0x1082;
	[sflag:s4] =	ssyncset.s32 $0xFFFFF086  }
0x25: {  	[simem:s6], [sflag:s4] =	dma.local [hbm:s3], $0xF7A  }
0x26: {  	[smem:$0x3F9F] =	sst s1;
	(tag) =	ssettag s2;
	_ =	strace s9  }
0x27: {  	s1 =	sld [smem:$0x3FAF]  }
0x28: {  	s2 =	sld [smem:$0x3FB0]  }
0x29: {  	s4 =	sld [smem:$0x3FB2]  }
0x2a: {  	p0 =	seq.s32 s5, $0x0;
	s5 =	sld [smem:$0x3FB3]  }
0x2b: {  	s6 =	sld [smem:$0x3FB4]  }
0x2c: {  	s7 =	sld [smem:$0x3FB5]  }
0x2d: {  	s3 =	simm.s32 $0x108;
	s8 =	sld [smem:$0x3FB6]  }
0x2e: {  	s3 =	simm.s32 @!p0 $0x1082;
	s9 =	sld [smem:$0x3FB7]  }
0x2f: {  	lr =	sadd.s32 s0, s3;
	s0 =	sld [smem:$0x3FAE]  }
0x30: {  	s3 =	sld [smem:$0x3FB1]  }
0x31: {  	[smem:$0x3FBA] =	sst s10  }
0x32: {  	s10 =	sld [smem:$0x3FB8];
	_ =	sdelay $0x3  }
0x33: {  	p0 =	seq.s32 s10, $0x1;
	s10 =	sld [smem:$0x3FBA];
	_ =	sdelay $0x3  }
0x34: {  	[smem:$0x3FBA] =	sst s10  }
0x35: {  	s10 =	sld [smem:$0x3FB9];
	_ =	sdelay $0x3  }
0x36: {  	p1 =	seq.s32 s10, $0x1;
	s10 =	sld [smem:$0x3FBA];
	_ =	sdelay $0x3  }
0x37: {  	[smem:$0x3FBA] =	sst s10  }
0x38: {  	s10 =	sld [smem:$0x3FBB]  }
0x39: {  	_ = 	snop;
	(pc) =	sbr.ind lr, $3  }
0x3a: {  	_ = 	snop  }
0x3b: {  	_ = 	snop  }
0x3c: {  	p2 =	seq.s32 s10, $0x1;
	s10 =	sld [smem:$0x3FBA]  }
0x3d: {  	_ =	shalt  }
0x3e: {  	_ =	shalt  }
0x3f: {  	_ =	shalt  }
0x40: {  	_ =	shalt  }
0x41: {  	_ =	shalt  }
0x42: {  	_ =	shalt  }
0x43: {  	_ =	shalt  }
0x44: {  	_ =	shalt  }
0x45: {  	_ =	shalt  }
0x46: {  	_ =	shalt  }
0x47: {  	_ =	shalt  }
0x48: {  	_ =	shalt  }
0x49: {  	_ =	shalt  }
0x4a: {  	_ =	shalt  }
0x4b: {  	_ =	shalt  }
0x4c: {  	_ =	shalt  }
0x4d: {  	_ =	shalt  }
0x4e: {  	_ =	shalt  }
0x4f: {  	_ =	shalt  }
0x50: {  	_ =	shalt  }
0x51: {  	_ =	shalt  }
0x52: {  	_ =	shalt  }
0x53: {  	_ =	shalt  }
0x54: {  	_ =	shalt  }
0x55: {  	_ =	shalt  }
0x56: {  	_ =	shalt  }
0x57: {  	_ =	shalt  }
0x58: {  	_ =	shalt  }
0x59: {  	_ =	shalt  }
0x5a: {  	_ =	shalt  }
0x5b: {  	_ =	shalt  }
0x5c: {  	_ =	shalt  }
0x5d: {  	_ =	shalt  }
0x5e: {  	_ =	shalt  }
0x5f: {  	_ =	shalt  }
0x60: {  	_ =	shalt  }
0x61: {  	_ =	shalt  }
0x62: {  	_ =	shalt  }
0x63: {  	_ =	shalt  }
0x64: {  	_ =	shalt  }
0x65: {  	_ =	shalt  }
0x66: {  	_ =	shalt  }
0x67: {  	_ =	shalt  }
0x68: {  	_ =	shalt  }
0x69: {  	_ =	shalt  }
0x6a: {  	_ =	shalt  }
0x6b: {  	_ =	shalt  }
0x6c: {  	_ =	shalt  }
0x6d: {  	_ =	shalt  }
0x6e: {  	_ =	shalt  }
0x6f: {  	_ =	shalt  }
0x70: {  	_ =	shalt  }
0x71: {  	_ =	shalt  }
0x72: {  	_ =	shalt  }
0x73: {  	_ =	shalt  }
0x74: {  	_ =	shalt  }
0x75: {  	_ =	shalt  }
0x76: {  	_ =	shalt  }
0x77: {  	_ =	shalt  }
0x78: {  	_ =	shalt  }
0x79: {  	_ =	shalt  }
0x7a: {  	_ =	shalt  }
0x7b: {  	_ =	shalt  }
0x7c: {  	_ =	shalt  }
0x7d: {  	_ =	shalt  }
0x7e: {  	_ =	shalt  }
0x7f: {  	_ =	shalt  }
0x80: {  	_ =	shalt  }
0x81: {  	_ =	shalt  }
0x82: {  	_ =	shalt  }
0x83: {  	_ =	shalt  }
0x84: {  	_ =	shalt  }
0x85: {  	_ =	shalt  }
0x86: {  	_ =	shalt  }
0x87: {  	_ =	shalt  }
.Lfunc_end0:
.L_simem_size_0:
called_computation.1_lowered:
.L_overlay_start_0:
0x88: {  	s2 =	sld [smem:$0x3FD9]  }
0x89: {  	s3 =	sld [smem:$0x3FFE];
	_ =	sdelay $0x1  }
0x8a: {  	s1 =	srdreg.scid  }
0x8b: {  	s0 =	sand.u32 $0x1, s1  }
0x8c: {  	s17 =	sshll.u32 s0, $0xA;
	s2 =	sadd.s32 s3, s2  }
0x8d: {  	s2 =	sadd.s32 s2, s17  }
0x8e: {  	[smem:$0x3FC6] =	sst s2  }
0x8f: {  	_ = 	snop  }
0x90: {  	s2 =	sld [smem:$0x3FC9]  }
0x91: {  	s18 =	sld [smem:$0x3FD0];
	(tm) =	ssettm $0x1  }
0x92: {  	s4 =	sld [smem:$0x3FFB];
	_ =	sdelay $0x3  }
0x93: {  	_ =	strace s4  }
0x94: {  	s4 =	sld [smem:$0x3FFC];
	_ =	sdelay $0x3  }
0x95: {  	_ =	strace s4  }
0x96: {  	s4 =	sld [smem:$0x3FFD];
	_ =	sdelay $0x3  }
0x97: {  	_ =	strace s4  }
0x98: {  	_ =	strace $0x8FFFFFFF  }
0x99: {  	s19 =	sld [smem:$0x3FDB];
	_ =	sdelay $0x1  }
0x9a: {  	s5 =	simm.s32 $_scs_section_size  }
0x9b: {  	s6 =	simm.s32 $_size__tile_overlayer_lowered;
	s7 =	simm.s32 $_tile_overlayer_lowered  }
0x9c: {  	s22 =	simm.s32 $0x1BFF;
	s21 =	sshll.u32 s7, $0x1;
	s4 =	sadd.s32 s5, s19  }
0x9d: {  	s8 =	simm.s32 $0x0;
	s20 =	sshll.u32 s6, $0x1;
	s6 =	sadd.s32 s21, s4  }
0x9e: {  	[timem:s8], [sflag:s22] =	dma.local [hbm:s6], s20  }
0x9f: {  	_ =	swait.ge [sflag:s22], s20  }
0xa0: {  	s5 =	ssub.s32 $0x0, s20;
	[sflag:s22] =	ssyncset.done $0x0  }
0xa1: {  	[sflag:s22] =	ssyncadd.s32 s5;
	_ =	sdelay $0x1  }
0xa2: {  	s23 =	simm.s32 $0x1B8B  }
0xa3: {  	_ =	swait.ge [sflag:s23], $0x1  }
0xa4: {  	[sflag:s23] =	ssyncset.done $0x0  }
0xa5: {  	s25 =	simm.s32 $0x1B8E;
	s24 =	sld [smem:$0x3FFE];
	[sflag:s23] =	ssyncadd.s32 $0xFFFFFFFF  }
0xa6: {  	s26 =	simm.s32 $execute0_lowered;
	[smem:$0x3FD2] =	sst s25  }
0xa7: {  	s6 =	sshll.u32 s26, $0x1;
	_ =	strace $0x80000049;
	[dreg:$0x1] =	wrdreg $0xFFFFFFFF  }
0xa8: {  	s28 =	simm.s32 $_size_execute0_lowered;
	s4 =	sadd.s32 s4, s6;
	[dreg:$0x0] =	wrdreg $0x0  }
0xa9: {  	s6 =	sshll.u32 s28, $0x1;
	[dreg:$0x2] =	wrdreg s4  }
0xaa: {  	[dreg:$0x3] =	wrdreg s6  }
0xab: {  	[dreg:$0x4] =	wrdreg $0xC0  }
0xac: {  	_ =	task [dreg:s8], $0x5FFFF  }
0xad: {  	[dreg:$0x1] =	wrdreg $0xFFFFFFFF  }
0xae: {  	[dreg:$0x0] =	wrdreg $0x60  }
0xaf: {  	[dreg:$0x2] =	wrdreg s2  }
0xb0: {  	[dreg:$0x3] =	wrdreg s24  }
0xb1: {  	[dreg:$0x4] =	wrdreg s18  }
0xb2: {  	[dreg:$0x5] =	wrdreg $0x9  }
0xb3: {  	_ =	task.clear_ibuf [dreg:s8], $0x6FFFF;
	_ =	strace $0x90000049  }
0xb4: {  	s29 =	simm.s32 $0x9;
	_ =	strace $0x8000004B  }
0xb5: {  	_ =	swait.ge [sflag:s29], $0x1  }
0xb6: {  	[sflag:s29] =	ssyncadd.s32 $0xFFFFFFFF  }
0xb7: {  	_ =	strace $0x9000004B  }
0xb8: {  	_ =	sfence  }
0xb9: {  	s30 =	sld [smem:$0x0];
	_ =	sdelay $0x2  }
0xba: {  	s31 =	sshll.u32 s1, $0xD;
	s1 =	sshrl.u32 s1, $0x2  }
0xbb: {  	s3 =	sand.u32 $0x4000, s31;
	s1 =	sadd.s32 s1, s30  }
0xbc: {  	s0 =	sor.u32 s3, s0;
	s1 =	sshll.u32 s1, $0x11  }
0xbd: {  	s0 =	sor.u32 s1, s0  }
0xbe: {  	s0 =	sadd.s32 $0x8F2B, s0  }
0xbf: {  	[sflag:s0] =	ssyncadd.remote.s32 $0x1  }
0xc0: {  	_ =	sfence.sel $0xFFFF  }
0xc1: {  	[dreg:$0x0] =	wrdreg $0xFFFFFFFF;
	(pc) =	sbr.abs _section_cstart, $3  }
0xc2: {  	[dreg:$0x1] =	wrdreg $0xFFFFFFFF  }
0xc3: {  	_ =	task.clear_ibuf [dreg:s8], $0x2FFFF;
	_ =	strace $0x9FFFFFFF  }
0xc4: {  	(tm) =	ssettm $0x7FFFFFFF  }
0xc5: {  	_ =	shalt  }
tec
execute0_lowered:
.L_overlay_start_1:
0x0: {  	(tag) =	ssettag $0x1  }
0x1: {  	s6 =	rddreg [dreg:$0x0]  }
0x2: {  	s5 =	rddreg [dreg:$0x1]  }
0x3: {  	s2 =	rddreg [dreg:$0x2];
	s3 =	srdreg.scid  }
0x4: {  	s0 =	rddreg [dreg:$0x3];
	s1 =	stileid.u32;
	s10 =	simm.s32 $0x5  }
0x5: {  	s11 =	simm.s32 $0x80;
	s12 =	simm.s32 $0x6400;
	s13 =	simm.s32 $0xC800  }
0x6: {  	s14 =	simm.s32 $0x10800;
	s15 =	simm.s32 $0x1;
	s16 =	simm.s32 $0x14800  }
0x7: {  	s17 =	simm.s32 $0x2;
	s18 =	simm.s32 $0x4;
	s19 =	simm.s32 $0x16800  }
0x8: {  	v0 =	vlaneseq.u32;
	s20 =	simm.s32 $0x3;
	s21 =	simm.s32 $0x0;
	s4 =	sand.u32 $0x1, s3  }
0x9: {  	s3 =	simm.s32 $0x0;
	s7 =	sshll.u32 s1, $0xB;
	v1 =	vmul.u32 $0x80, v0;
	s5 =	sadd.s32 $0x800, s5;
	v9 =	vor.u32 $0x10, v0;
	v10 =	vor.u32 $0x20, v0  }
0xa: {  	v11 =	vor.u32 $0x30, v0;
	v12 =	vor.u32 $0x40, v0;
	v13 =	vor.u32 $0x50, v0;
	s8 =	sshll.u32 s4, $0xA;
	[smem:$0x7FF] =	sst s3;
	s9 =	ssub.s32 $0x2, s4  }
0xb: {  	v14 =	vor.u32 $0x60, v0;
	v15 =	vor.u32 $0x70, v0;
	s4 =	sor.u32 s8, s7;
	_ =	strace $0x8000004A;
	s31 =	sshrl.u32 s9, $0x1;
	v2 =	vor.u32 $0x800, v1  }
0xc: {  	v3 =	vor.u32 $0x1000, v1;
	v4 =	vor.u32 $0x1800, v1;
	v5 =	vor.u32 $0x2000, v1;
	s8 =	sshrl.u32 s4, $0x3;
	s7 =	ssub.s32 s9, s31;
	s9 =	simm.s32 $0x8000  }
0xd: {  	v6 =	vor.u32 $0x2800, v1;
	v7 =	vor.u32 $0x3000, v1;
	v8 =	vor.u32 $0x3800, v1;
	s6 =	sadd.s32 s6, s8;
	s7 =	smax.u32 s7, $0x1;
	s8 =	simm.s32 $0x400  }
.LBB2_1:
0xe: {  	[tilespmem:s3], [sflag:$0x5] =	stream.strided.gather [hbm4b:s6+s8], $0x6400, s9, s8, $0x38;
	[tilespmem:$0x18800] =	vst v63  }
0xf: {  	_ =	swait.ge [sflag:s10], $0x6400  }
0x10: {  	[sflag:s10] =	ssyncset.done $0x0  }
0x11: {  	s23 =	simm.s32 $0x0;
	[sflag:s10] =	ssyncadd.s32 $0xFFFF9C00  }
0x12: {  	v17 =	vld [tilespmem:s23+$0x70]  }
0x13: {  	v20 =	vld [tilespmem:s23+$0x0]  }
0x14: {  	v21 =	vld [tilespmem:s23+$0x10]  }
0x15: {  	v19 =	vld [tilespmem:s23+$0x20]  }
0x16: {  	v18 =	vld [tilespmem:s23+$0x30]  }
0x17: {  	v16 =	vld [tilespmem:s23+$0x40];
	v22 =	vshrl.u32 v17, $0x1  }
0x18: {  	v17 =	vld [tilespmem:s23+$0x50];
	v20 =	vshrl.u32 v20, $0x1;
	[tilespmem:s23+$0x6470] =	vst v22  }
0x19: {  	s22 =	simm.s32 $0x80;
	s24 =	simm.s32 $0x400;
	v21 =	vshrl.u32 v21, $0x1;
	[tilespmem:s23+$0x6400] =	vst v20;
	v20 =	vld [tilespmem:s23+$0x60]  }
.LBB2_2:
0x1a: {  	p0 =	sne.s32 s24, $0x18E00;
	v22 =	vld [tilespmem:s22+$0x70];
	[tilespmem:s23+$0x6410] =	vst v21;
	v19 =	vshrl.u32 v19, $0x1  }
0x1b: {  	v21 =	vld [tilespmem:s22+$0x0];
	[tilespmem:s23+$0x6420] =	vst v19;
	v18 =	vshrl.u32 v18, $0x1  }
0x1c: {  	v23 =	vld [tilespmem:s22+$0x10];
	[tilespmem:s23+$0x6430] =	vst v18;
	v16 =	vshrl.u32 v16, $0x1  }
.Ltmp0:
0x1d: {  	v19 =	vld [tilespmem:s22+$0x20];
	[tilespmem:s23+$0x6440] =	vst v16;
	v16 =	vshrl.u32 v17, $0x1;
	(pc) =	sbr.rel @p0 .LBB2_2-.Ltmp0, $4  }
0x1e: {  	v18 =	vld [tilespmem:s22+$0x30];
	[tilespmem:s23+$0x6450] =	vst v16;
	v17 =	vshrl.u32 v20, $0x1  }
0x1f: {  	v16 =	vld [tilespmem:s22+$0x40];
	v20 =	vshrl.u32 v22, $0x1;
	[tilespmem:s23+$0x6460] =	vst v17;
	s23 =	smov.u32 s22  }
0x20: {  	v21 =	vshrl.u32 v21, $0x1;
	v17 =	vld [tilespmem:s23+$0x50];
	[tilespmem:s23+$0x6470] =	vst v20  }
0x21: {  	s22 =	sshra.s32 s24, $0x2;
	s24 =	sadd.s32 $0x200, s24;
	[tilespmem:s23+$0x6400] =	vst v21;
	v21 =	vshrl.u32 v23, $0x1;
	v20 =	vld [tilespmem:s23+$0x60]  }
0x22: {  	v22 =	vld [tilespmem:s22+$0x70];
	[tilespmem:s23+$0x6410] =	vst v21;
	v19 =	vshrl.u32 v19, $0x1  }
0x23: {  	v21 =	vld [tilespmem:s22+$0x0];
	[tilespmem:s23+$0x6420] =	vst v19;
	v18 =	vshrl.u32 v18, $0x1  }
0x24: {  	v19 =	vld [tilespmem:s22+$0x10];
	[tilespmem:s23+$0x6430] =	vst v18;
	v16 =	vshrl.u32 v16, $0x1  }
0x25: {  	v18 =	vld [tilespmem:s22+$0x20];
	[tilespmem:s23+$0x6440] =	vst v16;
	v16 =	vshrl.u32 v17, $0x1  }
0x26: {  	v17 =	vld [tilespmem:s22+$0x30];
	[tilespmem:s23+$0x6450] =	vst v16;
	v16 =	vshrl.u32 v20, $0x1  }
0x27: {  	v61 =	vld [tilespmem:s22+$0x40];
	[tilespmem:s23+$0x6460] =	vst v16;
	v16 =	vshrl.u32 v22, $0x1  }
0x28: {  	v62 =	vld [tilespmem:s22+$0x50];
	v21 =	vshrl.u32 v21, $0x1;
	[tilespmem:s22+$0x6470] =	vst v16  }
0x29: {  	v63 =	vld [tilespmem:s22+$0x60];
	[tilespmem:s22+$0x6400] =	vst v21;
	v16 =	vshrl.u32 v19, $0x1  }
0x2a: {  	[tilespmem:s22+$0x6410] =	vst v16;
	v16 =	vshrl.u32 v18, $0x1  }
0x2b: {  	[tilespmem:s22+$0x6420] =	vst v16;
	v16 =	vshrl.u32 v17, $0x1  }
0x2c: {  	[tilespmem:s22+$0x6430] =	vst v16;
	v16 =	vshrl.u32 v61, $0x1  }
0x2d: {  	[tilespmem:s22+$0x6440] =	vst v16;
	v16 =	vshrl.u32 v62, $0x1  }
0x2e: {  	[tilespmem:s22+$0x6450] =	vst v16;
	v16 =	vshrl.u32 v63, $0x1  }
0x2f: {  	s23 =	simm.s32 $0x0;
	[tilespmem:s22+$0x6460] =	vst v16;
	s22 =	simm.s32 $0x0  }
0x30: {  	[tilespmem:s13], [sflag:$0x1] =	stream.indirect.gather [hbm4b:s5+s11], $0x80, s12, s11, $0xb8;
	[tilespmem:$0x18800] =	vst v63  }
.LBB2_4:
0x31: {  	s24 =	sshllo.u32 s23, $0x1  }
0x32: {  	s25 =	sshll.u32 s24, $0x7  }
0x33: {  	s26 =	sadd.s32 $0x6400, s25  }
0x34: {  	[tilespmem:s14], [sflag:$0x2] =	stream.indirect.gather [hbm4b:s5+s11], $0x80, s26, s11, $0xb8;
	[tilespmem:$0x18800] =	vst v63  }
0x35: {  	_ =	swait.ge [sflag:s15], $0x4000  }
0x36: {  	p0 =	seq.s32 s23, $0x0;
	[sflag:s15] =	ssyncset.done $0x0  }
0x37: {  	s26 =	simm.s32 @!p0 $0x3;
	[sflag:s15] =	ssyncadd.s32 $0xFFFFC000  }
0x38: {  	_ =	swait.ge @!p0 [sflag:s26], $0x2000  }
0x39: {  	s28 =	sshll.u32 s23, $0xA;
	[sflag:s26] =	ssyncset.done @!p0 $0x0  }
0x3a: {  	[sflag:s26] =	ssyncadd.s32 @!p0 $0xFFFFE000;
	s26 =	sshrl.u32 s28, $0x2  }
0x3b: {  	v16 =	vld [tilespmem:s26+$0x0]  }
0x3c: {  	v17 =	vld [tilespmem:s26+$0x10]  }
0x3d: {  	v18 =	vld [tilespmem:s26+$0x20]  }
0x3e: {  	v19 =	vld [tilespmem:s26+$0x30]  }
0x3f: {  	v20 =	vld [tilespmem:s26+$0x40];
	_ =	sdelay $0x1  }
0x40: {  	v21 =	vld [tilespmem:s26+$0x60];
	v16 =	vshll.u32 v16, $0x6  }
0x41: {  	v17 =	vshll.u32 v17, $0x6;
	v18 =	vshll.u32 v18, $0x6;
	v16 =	vand.u32 $0x40, v16  }
0x42: {  	v24 =	vld [tilespmem:s26+$0x70];
	v17 =	vand.u32 $0x40, v17;
	v22 =	vand.u32 $0x40, v18;
	v18 =	vshll.u32 v19, $0x6  }
0x43: {  	v19 =	vld [tilespmem:s26+$0x50];
	v23 =	vand.u32 $0x40, v18;
	v18 =	vshll.u32 v20, $0x6;
	v20 =	vadd.s32 s22, v0  }
0x44: {  	v25 =	vand.u32 $0x40, v18;
	v18 =	vor.u32 v2, v17;
	v26 =	vand.u32 $0x3F, v20  }
0x45: {  	v20 =	vshll.u32 v21, $0x6;
	v17 =	vor.u32 v3, v22;
	v27 =	vor.u32 v26, v18  }
0x46: {  	v21 =	vand.u32 $0x40, v20;
	v20 =	vor.u32 v1, v16;
	v28 =	vor.u32 v26, v17  }
0x47: {  	v16 =	vor.u32 v7, v21;
	v30 =	vor.u32 v26, v20;
	v21 =	vshll.u32 v24, $0x6  }
0x48: {  	v29 =	vshll.u32 v19, $0x6;
	v19 =	vor.u32 v5, v25;
	v24 =	vor.u32 v26, v16  }
0x49: {  	v22 =	vor.u32 v4, v23;
	v21 =	vand.u32 $0x40, v21;
	v25 =	vor.u32 v26, v19  }
0x4a: {  	v23 =	vand.u32 $0x40, v29;
	v21 =	vor.u32 v8, v21;
	v29 =	vor.u32 v26, v22;
	v27 =	vld.idx.msk [tilespmem:v27+s13+$0x0], $0xffff  }
0x4b: {  	v32 =	vshll.u32 v26, $0x7;
	v23 =	vor.u32 v6, v23;
	v31 =	vor.u32 v26, v21;
	v28 =	vld.idx.msk [tilespmem:v28+s13+$0x0], $0xffff  }
0x4c: {  	v33 =	vor.u32 v0, v32;
	v26 =	vor.u32 v26, v23;
	v30 =	vld.idx.msk [tilespmem:v30+s13+$0x0], $0xffff  }
0x4d: {  	v34 =	vor.u32 v9, v32;
	v24 =	vld.idx.msk [tilespmem:v24+s13+$0x0], $0xffff  }
0x4e: {  	v35 =	vor.u32 v10, v32;
	v25 =	vld.idx.msk [tilespmem:v25+s13+$0x0], $0xffff  }
0x4f: {  	v36 =	vor.u32 v11, v32;
	v29 =	vld.idx.msk [tilespmem:v29+s13+$0x0], $0xffff  }
0x50: {  	v37 =	vor.u32 v12, v32;
	v31 =	vld.idx.msk [tilespmem:v31+s13+$0x0], $0xffff  }
0x51: {  	s28 =	simm.s32 $0x1;
	v26 =	vld.idx.msk [tilespmem:v26+s13+$0x0], $0xffff;
	[tilespmem:v33+s16+$0x0] =	vst.idx.msk $0xffff, v30;
	v30 =	vor.u32 v13, v32  }
0x52: {  	v61 =	vadd.s32 s28, v0;
	[tilespmem:v34+s16+$0x0] =	vst.idx.msk $0xffff, v27;
	v27 =	vor.u32 v14, v32  }
0x53: {  	v62 =	vand.u32 $0x3F, v61;
	[tilespmem:v35+s16+$0x0] =	vst.idx.msk $0xffff, v28;
	v28 =	vor.u32 v15, v32  }
0x54: {  	[tilespmem:v36+s16+$0x0] =	vst.idx.msk $0xffff, v29;
	v29 =	vor.u32 v62, v18  }
0x55: {  	v33 =	vor.u32 v62, v20;
	[tilespmem:v37+s16+$0x0] =	vst.idx.msk $0xffff, v25  }
0x56: {  	v25 =	vor.u32 v62, v23;
	[tilespmem:v30+s16+$0x0] =	vst.idx.msk $0xffff, v26  }
0x57: {  	[tilespmem:v27+s16+$0x0] =	vst.idx.msk $0xffff, v24;
	v24 =	vor.u32 v62, v17  }
0x58: {  	[tilespmem:v28+s16+$0x0] =	vst.idx.msk $0xffff, v31;
	v28 =	vor.u32 v62, v22  }
0x59: {  	v27 =	vld.idx.msk [tilespmem:v29+s13+$0x0], $0xffff;
	v29 =	vor.u32 v62, v19  }
0x5a: {  	v63 =	vor.u32 v62, v21;
	v33 =	vld.idx.msk [tilespmem:v33+s13+$0x0], $0xffff  }
0x5b: {  	v39 =	vor.u32 v62, v16;
	v26 =	vshll.u32 v62, $0x7;
	v25 =	vld.idx.msk [tilespmem:v25+s13+$0x0], $0xffff  }
0x5c: {  	v38 =	vor.u32 v0, v26;
	v30 =	vld.idx.msk [tilespmem:v24+s13+$0x0], $0xffff  }
0x5d: {  	s28 =	simm.s32 $0x2;
	v36 =	vor.u32 v9, v26;
	v31 =	vld.idx.msk [tilespmem:v28+s13+$0x0], $0xffff  }
0x5e: {  	v34 =	vor.u32 v10, v26;
	v35 =	vor.u32 v11, v26;
	v28 =	vadd.s32 s28, v0;
	v32 =	vld.idx.msk [tilespmem:v29+s13+$0x0], $0xffff  }
0x5f: {  	s29 =	simm.s32 $0x4;
	v37 =	vor.u32 v12, v26;
	v24 =	vor.u32 v13, v26;
	v29 =	vand.u32 $0x3F, v28;
	v28 =	vld.idx.msk [tilespmem:v63+s13+$0x0], $0xffff  }
.LBB2_5:
0x60: {  	p1 =	slt.u32 s29, $0x3E;
	v40 =	vor.u32 v29, v20;
	v39 =	vld.idx.msk [tilespmem:v39+s13+$0x0], $0xffff;
	s30 =	smov.u32 s29;
	s29 =	sadd.s32 $0x2, s29  }
0x61: {  	v41 =	vor.u32 v29, v18;
	[tilespmem:v38+s16+$0x0] =	vst.idx.msk $0xffff, v33;
	v33 =	vor.u32 v14, v26  }
0x62: {  	v38 =	vor.u32 v29, v17;
	v26 =	vor.u32 v15, v26;
	[tilespmem:v36+s16+$0x0] =	vst.idx.msk $0xffff, v27  }
0x63: {  	v27 =	vor.u32 v29, v22;
	[tilespmem:v34+s16+$0x0] =	vst.idx.msk $0xffff, v30  }
0x64: {  	v36 =	vshll.u32 v29, $0x7;
	v30 =	vor.u32 v29, v19;
	v34 =	vor.u32 v29, v21;
	[tilespmem:v35+s16+$0x0] =	vst.idx.msk $0xffff, v31  }
0x65: {  	v31 =	vor.u32 v29, v23;
	v29 =	vor.u32 v29, v16;
	[tilespmem:v37+s16+$0x0] =	vst.idx.msk $0xffff, v32  }
0x66: {  	v32 =	vor.u32 v0, v36;
	[tilespmem:v24+s16+$0x0] =	vst.idx.msk $0xffff, v25  }
0x67: {  	[tilespmem:v33+s16+$0x0] =	vst.idx.msk $0xffff, v39  }
0x68: {  	v24 =	vor.u32 v9, v36;
	[tilespmem:v26+s16+$0x0] =	vst.idx.msk $0xffff, v28  }
0x69: {  	v26 =	vor.u32 v10, v36;
	v25 =	vld.idx.msk [tilespmem:v41+s13+$0x0], $0xffff  }
0x6a: {  	v33 =	vor.u32 v11, v36;
	v28 =	vld.idx.msk [tilespmem:v38+s13+$0x0], $0xffff  }
0x6b: {  	v37 =	vor.u32 v12, v36;
	v35 =	vld.idx.msk [tilespmem:v40+s13+$0x0], $0xffff  }
0x6c: {  	v29 =	vld.idx.msk [tilespmem:v29+s13+$0x0], $0xffff  }
0x6d: {  	v30 =	vld.idx.msk [tilespmem:v30+s13+$0x0], $0xffff  }
0x6e: {  	v27 =	vld.idx.msk [tilespmem:v27+s13+$0x0], $0xffff  }
0x6f: {  	v34 =	vld.idx.msk [tilespmem:v34+s13+$0x0], $0xffff  }
0x70: {  	v31 =	vld.idx.msk [tilespmem:v31+s13+$0x0], $0xffff  }
0x71: {  	s31 =	sadd.s32 $0x1, s28;
	s28 =	smov.u32 s30;
	[tilespmem:v32+s16+$0x0] =	vst.idx.msk $0xffff, v35;
	v32 =	vor.u32 v13, v36  }
0x72: {  	[tilespmem:v24+s16+$0x0] =	vst.idx.msk $0xffff, v25;
	v25 =	vor.u32 v14, v36;
	v24 =	vadd.s32 s31, v0  }
0x73: {  	[tilespmem:v26+s16+$0x0] =	vst.idx.msk $0xffff, v28;
	v28 =	vor.u32 v15, v36;
	v35 =	vand.u32 $0x3F, v24  }
0x74: {  	[tilespmem:v33+s16+$0x0] =	vst.idx.msk $0xffff, v27;
	v27 =	vor.u32 v35, v18;
	v26 =	vshll.u32 v35, $0x7  }
0x75: {  	v33 =	vor.u32 v35, v23;
	[tilespmem:v37+s16+$0x0] =	vst.idx.msk $0xffff, v30;
	v30 =	vor.u32 v35, v20  }
0x76: {  	v24 =	vor.u32 v13, v26;
	[tilespmem:v32+s16+$0x0] =	vst.idx.msk $0xffff, v31  }
0x77: {  	[tilespmem:v25+s16+$0x0] =	vst.idx.msk $0xffff, v29;
	v29 =	vor.u32 v35, v17  }
0x78: {  	[tilespmem:v28+s16+$0x0] =	vst.idx.msk $0xffff, v34;
	v28 =	vor.u32 v35, v22  }
0x79: {  	v32 =	vor.u32 v35, v19;
	v27 =	vld.idx.msk [tilespmem:v27+s13+$0x0], $0xffff  }
0x7a: {  	v37 =	vor.u32 v35, v21;
	v25 =	vld.idx.msk [tilespmem:v33+s13+$0x0], $0xffff  }
.Ltmp1:
0x7b: {  	v39 =	vor.u32 v35, v16;
	v38 =	vor.u32 v0, v26;
	v33 =	vld.idx.msk [tilespmem:v30+s13+$0x0], $0xffff;
	(pc) =	sbr.rel @p1 .LBB2_5-.Ltmp1, $4  }
0x7c: {  	v36 =	vor.u32 v9, v26;
	v30 =	vld.idx.msk [tilespmem:v29+s13+$0x0], $0xffff  }
0x7d: {  	v34 =	vor.u32 v10, v26;
	v31 =	vld.idx.msk [tilespmem:v28+s13+$0x0], $0xffff  }
0x7e: {  	v35 =	vor.u32 v11, v26;
	v28 =	vadd.s32 s28, v0;
	v32 =	vld.idx.msk [tilespmem:v32+s13+$0x0], $0xffff  }
0x7f: {  	v29 =	vand.u32 $0x3F, v28;
	v28 =	vld.idx.msk [tilespmem:v37+s13+$0x0], $0xffff;
	v37 =	vor.u32 v12, v26  }
0x80: {  	_ =	sdelay $0x3  }
0x81: {  	v39 =	vld.idx.msk [tilespmem:v39+s13+$0x0], $0xffff;
	[tilespmem:v38+s16+$0x0] =	vst.idx.msk $0xffff, v33  }
0x82: {  	v52 =	vor.u32 v14, v26;
	[tilespmem:v36+s16+$0x0] =	vst.idx.msk $0xffff, v27  }
0x83: {  	v53 =	vor.u32 v15, v26;
	[tilespmem:v34+s16+$0x0] =	vst.idx.msk $0xffff, v30  }
0x84: {  	v54 =	vor.u32 v29, v18;
	[tilespmem:v35+s16+$0x0] =	vst.idx.msk $0xffff, v31  }
0x85: {  	v55 =	vor.u32 v29, v17;
	[tilespmem:v37+s16+$0x0] =	vst.idx.msk $0xffff, v32  }
0x86: {  	v56 =	vor.u32 v29, v20;
	[tilespmem:v24+s16+$0x0] =	vst.idx.msk $0xffff, v25  }
0x87: {  	v57 =	vor.u32 v29, v16;
	[tilespmem:v52+s16+$0x0] =	vst.idx.msk $0xffff, v39  }
0x88: {  	v58 =	vor.u32 v29, v19;
	[tilespmem:v53+s16+$0x0] =	vst.idx.msk $0xffff, v28  }
0x89: {  	v59 =	vor.u32 v29, v22;
	v27 =	vld.idx.msk [tilespmem:v54+s13+$0x0], $0xffff  }
0x8a: {  	v60 =	vor.u32 v29, v21;
	v61 =	vshll.u32 v29, $0x7;
	v30 =	vld.idx.msk [tilespmem:v55+s13+$0x0], $0xffff  }
0x8b: {  	v62 =	vor.u32 v29, v23;
	v63 =	vor.u32 v0, v61;
	v31 =	vld.idx.msk [tilespmem:v56+s13+$0x0], $0xffff  }
0x8c: {  	v40 =	vor.u32 v9, v61;
	v24 =	vld.idx.msk [tilespmem:v57+s13+$0x0], $0xffff  }
0x8d: {  	v41 =	vor.u32 v10, v61;
	v25 =	vld.idx.msk [tilespmem:v58+s13+$0x0], $0xffff  }
0x8e: {  	v42 =	vor.u32 v11, v61;
	v26 =	vld.idx.msk [tilespmem:v59+s13+$0x0], $0xffff  }
0x8f: {  	v43 =	vor.u32 v12, v61;
	v28 =	vld.idx.msk [tilespmem:v60+s13+$0x0], $0xffff  }
0x90: {  	s28 =	sadd.s32 $0x1, s28;
	v44 =	vor.u32 v13, v61;
	v29 =	vld.idx.msk [tilespmem:v62+s13+$0x0], $0xffff;
	[tilespmem:v63+s16+$0x0] =	vst.idx.msk $0xffff, v31  }
0x91: {  	v45 =	vor.u32 v14, v61;
	v46 =	vadd.s32 s28, v0;
	[tilespmem:v40+s16+$0x0] =	vst.idx.msk $0xffff, v27  }
0x92: {  	v47 =	vor.u32 v15, v61;
	v48 =	vand.u32 $0x3F, v46;
	[tilespmem:v41+s16+$0x0] =	vst.idx.msk $0xffff, v30  }
0x93: {  	v49 =	vor.u32 v48, v18;
	[tilespmem:v42+s16+$0x0] =	vst.idx.msk $0xffff, v26  }
0x94: {  	v50 =	vor.u32 v48, v23;
	[tilespmem:v43+s16+$0x0] =	vst.idx.msk $0xffff, v25  }
0x95: {  	v51 =	vor.u32 v48, v20;
	[tilespmem:v44+s16+$0x0] =	vst.idx.msk $0xffff, v29  }
0x96: {  	v17 =	vor.u32 v48, v17;
	[tilespmem:v45+s16+$0x0] =	vst.idx.msk $0xffff, v24  }
0x97: {  	v52 =	vor.u32 v48, v22;
	[tilespmem:v47+s16+$0x0] =	vst.idx.msk $0xffff, v28  }
0x98: {  	v53 =	vor.u32 v48, v19;
	v18 =	vld.idx.msk [tilespmem:v49+s13+$0x0], $0xffff  }
0x99: {  	v54 =	vor.u32 v48, v21;
	v55 =	vshll.u32 v48, $0x7;
	v23 =	vld.idx.msk [tilespmem:v50+s13+$0x0], $0xffff  }
0x9a: {  	v16 =	vor.u32 v48, v16;
	v56 =	vor.u32 v0, v55;
	v20 =	vld.idx.msk [tilespmem:v51+s13+$0x0], $0xffff  }
0x9b: {  	v57 =	vor.u32 v9, v55;
	v17 =	vld.idx.msk [tilespmem:v17+s13+$0x0], $0xffff  }
0x9c: {  	v58 =	vor.u32 v10, v55;
	v22 =	vld.idx.msk [tilespmem:v52+s13+$0x0], $0xffff  }
0x9d: {  	v59 =	vor.u32 v11, v55;
	v19 =	vld.idx.msk [tilespmem:v53+s13+$0x0], $0xffff  }
0x9e: {  	v60 =	vor.u32 v12, v55;
	v21 =	vld.idx.msk [tilespmem:v54+s13+$0x0], $0xffff  }
0x9f: {  	v61 =	vor.u32 v13, v55;
	v16 =	vld.idx.msk [tilespmem:v16+s13+$0x0], $0xffff;
	[tilespmem:v56+s16+$0x0] =	vst.idx.msk $0xffff, v20  }
0xa0: {  	v62 =	vor.u32 v14, v55;
	[tilespmem:v57+s16+$0x0] =	vst.idx.msk $0xffff, v18  }
0xa1: {  	v63 =	vor.u32 v15, v55;
	[tilespmem:v58+s16+$0x0] =	vst.idx.msk $0xffff, v17  }
0xa2: {  	p1 =	sne.s32 s23, $0x63;
	[tilespmem:v59+s16+$0x0] =	vst.idx.msk $0xffff, v22  }
.Ltmp2:
0xa3: {  	s31 =	sshll.u32 s23, $0x13;
	[tilespmem:v60+s16+$0x0] =	vst.idx.msk $0xffff, v19;
	(pc) =	sbr.rel @p1 .LBB2_8-.Ltmp2, $4  }
0xa4: {  	s28 =	sor.u32 s4, s31;
	[tilespmem:v61+s16+$0x0] =	vst.idx.msk $0xffff, v23  }
0xa5: {  	s28 =	sshrl.u32 s28, $0x3;
	[tilespmem:v62+s16+$0x0] =	vst.idx.msk $0xffff, v16  }
0xa6: {  	s28 =	sadd.s32 s2, s28;
	[tilespmem:v63+s16+$0x0] =	vst.idx.msk $0xffff, v21  }
0xa7: {  	[hbm4b:s28+s8] =	stream.strided.scatter [tilespmem:s16], [sflag:$0x3], $0x2000, s9, s8, $0x38;
	[tilespmem:$0x18800] =	vst v63  }
.Ltmp3:
0xa8: {  	(pc) =	sbr.rel .LBB2_9-.Ltmp3, $4  }
0xa9: {  	_ = 	snop  }
0xaa: {  	_ =	swait.ge [sflag:s17], $0x4000  }
0xab: {  	[sflag:s17] =	ssyncset.done $0x0  }
0xac: {  	[sflag:s17] =	ssyncadd.s32 $0xFFFFC000  }
.LBB2_8:
.Ltmp4:
0xad: {  	s26 =	sadd.s32 $0x6500, s26;
	(pc) =	sbr.rel @p0 .LBB2_10-.Ltmp4, $4  }
0xae: {  	[tilespmem:s13], [sflag:$0x1] =	stream.indirect.gather [hbm4b:s5+s11], $0x80, s26, s11, $0xb8;
	[tilespmem:$0x18800] =	vst v63  }
0xaf: {  	_ =	swait.ge [sflag:s17], $0x4000  }
0xb0: {  	[sflag:s17] =	ssyncset.done $0x0  }
0xb1: {  	[sflag:s17] =	ssyncadd.s32 $0xFFFFC000  }
.LBB2_9:
0xb2: {  	_ =	swait.ge [sflag:s18], $0x2000  }
0xb3: {  	[sflag:s18] =	ssyncset.done $0x0  }
0xb4: {  	[sflag:s18] =	ssyncadd.s32 $0xFFFFE000  }
.LBB2_10:
0xb5: {  	v16 =	vld [tilespmem:s25+$0x0]  }
0xb6: {  	v17 =	vld [tilespmem:s25+$0x10]  }
0xb7: {  	v18 =	vld [tilespmem:s25+$0x20]  }
0xb8: {  	v19 =	vld [tilespmem:s25+$0x30]  }
0xb9: {  	v20 =	vld [tilespmem:s25+$0x40];
	_ =	sdelay $0x1  }
0xba: {  	v21 =	vld [tilespmem:s25+$0x60];
	v16 =	vshll.u32 v16, $0x6  }
0xbb: {  	v17 =	vshll.u32 v17, $0x6;
	v18 =	vshll.u32 v18, $0x6;
	v16 =	vand.u32 $0x40, v16  }
0xbc: {  	s26 =	simm.s32 $0x0;
	v24 =	vld [tilespmem:s25+$0x70];
	v17 =	vand.u32 $0x40, v17;
	v22 =	vand.u32 $0x40, v18;
	v18 =	vshll.u32 v19, $0x6  }
0xbd: {  	v19 =	vld [tilespmem:s25+$0x50];
	v23 =	vand.u32 $0x40, v18;
	v18 =	vshll.u32 v20, $0x6;
	v20 =	vadd.s32 s26, v0  }
0xbe: {  	v25 =	vand.u32 $0x40, v18;
	v18 =	vor.u32 v2, v17;
	v26 =	vand.u32 $0x3F, v20  }
0xbf: {  	v20 =	vshll.u32 v21, $0x6;
	v17 =	vor.u32 v3, v22;
	v27 =	vor.u32 v26, v18  }
0xc0: {  	v21 =	vand.u32 $0x40, v20;
	v20 =	vor.u32 v1, v16;
	v28 =	vor.u32 v26, v17  }
0xc1: {  	v16 =	vor.u32 v7, v21;
	v30 =	vor.u32 v26, v20;
	v21 =	vshll.u32 v24, $0x6  }
0xc2: {  	v29 =	vshll.u32 v19, $0x6;
	v19 =	vor.u32 v5, v25;
	v24 =	vor.u32 v26, v16  }
0xc3: {  	v22 =	vor.u32 v4, v23;
	v21 =	vand.u32 $0x40, v21;
	v25 =	vor.u32 v26, v19  }
0xc4: {  	v23 =	vand.u32 $0x40, v29;
	v21 =	vor.u32 v8, v21;
	v29 =	vor.u32 v26, v22;
	v27 =	vld.idx.msk [tilespmem:v27+s14+$0x0], $0xffff  }
0xc5: {  	v32 =	vshll.u32 v26, $0x7;
	v23 =	vor.u32 v6, v23;
	v31 =	vor.u32 v26, v21;
	v28 =	vld.idx.msk [tilespmem:v28+s14+$0x0], $0xffff  }
0xc6: {  	v33 =	vor.u32 v0, v32;
	v26 =	vor.u32 v26, v23;
	v30 =	vld.idx.msk [tilespmem:v30+s14+$0x0], $0xffff  }
0xc7: {  	v34 =	vor.u32 v9, v32;
	v24 =	vld.idx.msk [tilespmem:v24+s14+$0x0], $0xffff  }
0xc8: {  	v35 =	vor.u32 v10, v32;
	v25 =	vld.idx.msk [tilespmem:v25+s14+$0x0], $0xffff  }
0xc9: {  	v36 =	vor.u32 v11, v32;
	v29 =	vld.idx.msk [tilespmem:v29+s14+$0x0], $0xffff  }
0xca: {  	v37 =	vor.u32 v12, v32;
	v31 =	vld.idx.msk [tilespmem:v31+s14+$0x0], $0xffff  }
0xcb: {  	s31 =	simm.s32 $0x1;
	v26 =	vld.idx.msk [tilespmem:v26+s14+$0x0], $0xffff;
	[tilespmem:v33+s19+$0x0] =	vst.idx.msk $0xffff, v30;
	v30 =	vor.u32 v13, v32  }
0xcc: {  	v61 =	vadd.s32 s31, v0;
	[tilespmem:v34+s19+$0x0] =	vst.idx.msk $0xffff, v27;
	v27 =	vor.u32 v14, v32  }
0xcd: {  	v62 =	vand.u32 $0x3F, v61;
	[tilespmem:v35+s19+$0x0] =	vst.idx.msk $0xffff, v28;
	v28 =	vor.u32 v15, v32  }
0xce: {  	[tilespmem:v36+s19+$0x0] =	vst.idx.msk $0xffff, v29;
	v29 =	vor.u32 v62, v18  }
0xcf: {  	v33 =	vor.u32 v62, v20;
	[tilespmem:v37+s19+$0x0] =	vst.idx.msk $0xffff, v25  }
0xd0: {  	v25 =	vor.u32 v62, v23;
	[tilespmem:v30+s19+$0x0] =	vst.idx.msk $0xffff, v26  }
0xd1: {  	[tilespmem:v27+s19+$0x0] =	vst.idx.msk $0xffff, v24;
	v24 =	vor.u32 v62, v17  }
0xd2: {  	[tilespmem:v28+s19+$0x0] =	vst.idx.msk $0xffff, v31;
	v28 =	vor.u32 v62, v22  }
0xd3: {  	v27 =	vld.idx.msk [tilespmem:v29+s14+$0x0], $0xffff;
	v29 =	vor.u32 v62, v19  }
0xd4: {  	v63 =	vor.u32 v62, v21;
	v33 =	vld.idx.msk [tilespmem:v33+s14+$0x0], $0xffff  }
0xd5: {  	v39 =	vor.u32 v62, v16;
	v26 =	vshll.u32 v62, $0x7;
	v25 =	vld.idx.msk [tilespmem:v25+s14+$0x0], $0xffff  }
0xd6: {  	v38 =	vor.u32 v0, v26;
	v30 =	vld.idx.msk [tilespmem:v24+s14+$0x0], $0xffff  }
0xd7: {  	s25 =	simm.s32 $0x2;
	v36 =	vor.u32 v9, v26;
	v31 =	vld.idx.msk [tilespmem:v28+s14+$0x0], $0xffff  }
0xd8: {  	v34 =	vor.u32 v10, v26;
	v35 =	vor.u32 v11, v26;
	v28 =	vadd.s32 s25, v0;
	v32 =	vld.idx.msk [tilespmem:v29+s14+$0x0], $0xffff  }
0xd9: {  	s26 =	simm.s32 $0x4;
	v37 =	vor.u32 v12, v26;
	v24 =	vor.u32 v13, v26;
	v29 =	vand.u32 $0x3F, v28;
	v28 =	vld.idx.msk [tilespmem:v63+s14+$0x0], $0xffff  }
.LBB2_11:
0xda: {  	p0 =	slt.u32 s26, $0x3E;
	v40 =	vor.u32 v29, v20;
	v39 =	vld.idx.msk [tilespmem:v39+s14+$0x0], $0xffff;
	s28 =	smov.u32 s26;
	s26 =	sadd.s32 $0x2, s26  }
0xdb: {  	v41 =	vor.u32 v29, v18;
	[tilespmem:v38+s19+$0x0] =	vst.idx.msk $0xffff, v33;
	v33 =	vor.u32 v14, v26  }
0xdc: {  	v38 =	vor.u32 v29, v17;
	v26 =	vor.u32 v15, v26;
	[tilespmem:v36+s19+$0x0] =	vst.idx.msk $0xffff, v27  }
0xdd: {  	v27 =	vor.u32 v29, v22;
	[tilespmem:v34+s19+$0x0] =	vst.idx.msk $0xffff, v30  }
0xde: {  	v36 =	vshll.u32 v29, $0x7;
	v30 =	vor.u32 v29, v19;
	v34 =	vor.u32 v29, v21;
	[tilespmem:v35+s19+$0x0] =	vst.idx.msk $0xffff, v31  }
0xdf: {  	v31 =	vor.u32 v29, v23;
	v29 =	vor.u32 v29, v16;
	[tilespmem:v37+s19+$0x0] =	vst.idx.msk $0xffff, v32  }
0xe0: {  	v32 =	vor.u32 v0, v36;
	[tilespmem:v24+s19+$0x0] =	vst.idx.msk $0xffff, v25  }
0xe1: {  	[tilespmem:v33+s19+$0x0] =	vst.idx.msk $0xffff, v39  }
0xe2: {  	v24 =	vor.u32 v9, v36;
	[tilespmem:v26+s19+$0x0] =	vst.idx.msk $0xffff, v28  }
0xe3: {  	v26 =	vor.u32 v10, v36;
	v25 =	vld.idx.msk [tilespmem:v41+s14+$0x0], $0xffff  }
0xe4: {  	v33 =	vor.u32 v11, v36;
	v28 =	vld.idx.msk [tilespmem:v38+s14+$0x0], $0xffff  }
0xe5: {  	v37 =	vor.u32 v12, v36;
	v35 =	vld.idx.msk [tilespmem:v40+s14+$0x0], $0xffff  }
0xe6: {  	v29 =	vld.idx.msk [tilespmem:v29+s14+$0x0], $0xffff  }
0xe7: {  	v30 =	vld.idx.msk [tilespmem:v30+s14+$0x0], $0xffff  }
0xe8: {  	v27 =	vld.idx.msk [tilespmem:v27+s14+$0x0], $0xffff  }
0xe9: {  	v34 =	vld.idx.msk [tilespmem:v34+s14+$0x0], $0xffff  }
0xea: {  	v31 =	vld.idx.msk [tilespmem:v31+s14+$0x0], $0xffff  }
0xeb: {  	s29 =	sadd.s32 $0x1, s25;
	s25 =	smov.u32 s28;
	[tilespmem:v32+s19+$0x0] =	vst.idx.msk $0xffff, v35;
	v32 =	vor.u32 v13, v36  }
0xec: {  	[tilespmem:v24+s19+$0x0] =	vst.idx.msk $0xffff, v25;
	v25 =	vor.u32 v14, v36;
	v24 =	vadd.s32 s29, v0  }
0xed: {  	[tilespmem:v26+s19+$0x0] =	vst.idx.msk $0xffff, v28;
	v28 =	vor.u32 v15, v36;
	v35 =	vand.u32 $0x3F, v24  }
0xee: {  	[tilespmem:v33+s19+$0x0] =	vst.idx.msk $0xffff, v27;
	v27 =	vor.u32 v35, v18;
	v26 =	vshll.u32 v35, $0x7  }
0xef: {  	v33 =	vor.u32 v35, v23;
	[tilespmem:v37+s19+$0x0] =	vst.idx.msk $0xffff, v30;
	v30 =	vor.u32 v35, v20  }
0xf0: {  	v24 =	vor.u32 v13, v26;
	[tilespmem:v32+s19+$0x0] =	vst.idx.msk $0xffff, v31  }
0xf1: {  	[tilespmem:v25+s19+$0x0] =	vst.idx.msk $0xffff, v29;
	v29 =	vor.u32 v35, v17  }
0xf2: {  	[tilespmem:v28+s19+$0x0] =	vst.idx.msk $0xffff, v34;
	v28 =	vor.u32 v35, v22  }
0xf3: {  	v32 =	vor.u32 v35, v19;
	v27 =	vld.idx.msk [tilespmem:v27+s14+$0x0], $0xffff  }
0xf4: {  	v37 =	vor.u32 v35, v21;
	v25 =	vld.idx.msk [tilespmem:v33+s14+$0x0], $0xffff  }
.Ltmp5:
0xf5: {  	v39 =	vor.u32 v35, v16;
	v38 =	vor.u32 v0, v26;
	v33 =	vld.idx.msk [tilespmem:v30+s14+$0x0], $0xffff;
	(pc) =	sbr.rel @p0 .LBB2_11-.Ltmp5, $4  }
0xf6: {  	v36 =	vor.u32 v9, v26;
	v30 =	vld.idx.msk [tilespmem:v29+s14+$0x0], $0xffff  }
0xf7: {  	v34 =	vor.u32 v10, v26;
	v31 =	vld.idx.msk [tilespmem:v28+s14+$0x0], $0xffff  }
0xf8: {  	v35 =	vor.u32 v11, v26;
	v28 =	vadd.s32 s25, v0;
	v32 =	vld.idx.msk [tilespmem:v32+s14+$0x0], $0xffff  }
0xf9: {  	v29 =	vand.u32 $0x3F, v28;
	v28 =	vld.idx.msk [tilespmem:v37+s14+$0x0], $0xffff;
	v37 =	vor.u32 v12, v26  }
0xfa: {  	_ =	sdelay $0x3  }
0xfb: {  	v39 =	vld.idx.msk [tilespmem:v39+s14+$0x0], $0xffff;
	[tilespmem:v38+s19+$0x0] =	vst.idx.msk $0xffff, v33  }
0xfc: {  	v52 =	vor.u32 v14, v26;
	[tilespmem:v36+s19+$0x0] =	vst.idx.msk $0xffff, v27  }
0xfd: {  	v53 =	vor.u32 v15, v26;
	[tilespmem:v34+s19+$0x0] =	vst.idx.msk $0xffff, v30  }
0xfe: {  	v54 =	vor.u32 v29, v18;
	[tilespmem:v35+s19+$0x0] =	vst.idx.msk $0xffff, v31  }
0xff: {  	v55 =	vor.u32 v29, v17;
	[tilespmem:v37+s19+$0x0] =	vst.idx.msk $0xffff, v32  }
0x100: {  	v56 =	vor.u32 v29, v20;
	[tilespmem:v24+s19+$0x0] =	vst.idx.msk $0xffff, v25  }
0x101: {  	v57 =	vor.u32 v29, v16;
	[tilespmem:v52+s19+$0x0] =	vst.idx.msk $0xffff, v39  }
0x102: {  	v58 =	vor.u32 v29, v19;
	[tilespmem:v53+s19+$0x0] =	vst.idx.msk $0xffff, v28  }
0x103: {  	v59 =	vor.u32 v29, v22;
	v27 =	vld.idx.msk [tilespmem:v54+s14+$0x0], $0xffff  }
0x104: {  	v60 =	vor.u32 v29, v21;
	v61 =	vshll.u32 v29, $0x7;
	v30 =	vld.idx.msk [tilespmem:v55+s14+$0x0], $0xffff  }
0x105: {  	v62 =	vor.u32 v29, v23;
	v63 =	vor.u32 v0, v61;
	v31 =	vld.idx.msk [tilespmem:v56+s14+$0x0], $0xffff  }
0x106: {  	v40 =	vor.u32 v9, v61;
	v24 =	vld.idx.msk [tilespmem:v57+s14+$0x0], $0xffff  }
0x107: {  	v41 =	vor.u32 v10, v61;
	v25 =	vld.idx.msk [tilespmem:v58+s14+$0x0], $0xffff  }
0x108: {  	v42 =	vor.u32 v11, v61;
	v26 =	vld.idx.msk [tilespmem:v59+s14+$0x0], $0xffff  }
0x109: {  	v43 =	vor.u32 v12, v61;
	v28 =	vld.idx.msk [tilespmem:v60+s14+$0x0], $0xffff  }
0x10a: {  	s25 =	sadd.s32 $0x1, s25;
	v44 =	vor.u32 v13, v61;
	v29 =	vld.idx.msk [tilespmem:v62+s14+$0x0], $0xffff;
	[tilespmem:v63+s19+$0x0] =	vst.idx.msk $0xffff, v31  }
0x10b: {  	v45 =	vor.u32 v14, v61;
	v46 =	vadd.s32 s25, v0;
	[tilespmem:v40+s19+$0x0] =	vst.idx.msk $0xffff, v27  }
0x10c: {  	v47 =	vor.u32 v15, v61;
	v48 =	vand.u32 $0x3F, v46;
	[tilespmem:v41+s19+$0x0] =	vst.idx.msk $0xffff, v30  }
0x10d: {  	v49 =	vor.u32 v48, v18;
	[tilespmem:v42+s19+$0x0] =	vst.idx.msk $0xffff, v26  }
0x10e: {  	v50 =	vor.u32 v48, v23;
	[tilespmem:v43+s19+$0x0] =	vst.idx.msk $0xffff, v25  }
0x10f: {  	v51 =	vor.u32 v48, v20;
	[tilespmem:v44+s19+$0x0] =	vst.idx.msk $0xffff, v29  }
0x110: {  	v17 =	vor.u32 v48, v17;
	[tilespmem:v45+s19+$0x0] =	vst.idx.msk $0xffff, v24  }
0x111: {  	v52 =	vor.u32 v48, v22;
	[tilespmem:v47+s19+$0x0] =	vst.idx.msk $0xffff, v28  }
0x112: {  	v53 =	vor.u32 v48, v19;
	v18 =	vld.idx.msk [tilespmem:v49+s14+$0x0], $0xffff  }
0x113: {  	v54 =	vor.u32 v48, v21;
	v55 =	vshll.u32 v48, $0x7;
	v23 =	vld.idx.msk [tilespmem:v50+s14+$0x0], $0xffff  }
0x114: {  	v16 =	vor.u32 v48, v16;
	v56 =	vor.u32 v0, v55;
	v20 =	vld.idx.msk [tilespmem:v51+s14+$0x0], $0xffff  }
0x115: {  	v57 =	vor.u32 v9, v55;
	v17 =	vld.idx.msk [tilespmem:v17+s14+$0x0], $0xffff  }
0x116: {  	v58 =	vor.u32 v10, v55;
	v22 =	vld.idx.msk [tilespmem:v52+s14+$0x0], $0xffff  }
0x117: {  	v59 =	vor.u32 v11, v55;
	v19 =	vld.idx.msk [tilespmem:v53+s14+$0x0], $0xffff  }
0x118: {  	v60 =	vor.u32 v12, v55;
	v21 =	vld.idx.msk [tilespmem:v54+s14+$0x0], $0xffff  }
0x119: {  	v61 =	vor.u32 v13, v55;
	v16 =	vld.idx.msk [tilespmem:v16+s14+$0x0], $0xffff;
	[tilespmem:v56+s19+$0x0] =	vst.idx.msk $0xffff, v20  }
0x11a: {  	v62 =	vor.u32 v14, v55;
	[tilespmem:v57+s19+$0x0] =	vst.idx.msk $0xffff, v18  }
0x11b: {  	s23 =	sadd.s32 $0x1, s23;
	v63 =	vor.u32 v15, v55;
	[tilespmem:v58+s19+$0x0] =	vst.idx.msk $0xffff, v17  }
0x11c: {  	p0 =	sne.s32 s23, $0x64;
	[tilespmem:v59+s19+$0x0] =	vst.idx.msk $0xffff, v22  }
.Ltmp6:
0x11d: {  	s24 =	sshll.u32 s24, $0x12;
	[tilespmem:v60+s19+$0x0] =	vst.idx.msk $0xffff, v19;
	(pc) =	sbr.rel @p0 .LBB2_4-.Ltmp6, $4  }
0x11e: {  	s24 =	sor.u32 s4, s24;
	[tilespmem:v61+s19+$0x0] =	vst.idx.msk $0xffff, v23  }
0x11f: {  	s24 =	sshrl.u32 s24, $0x3;
	[tilespmem:v62+s19+$0x0] =	vst.idx.msk $0xffff, v16  }
0x120: {  	s24 =	sadd.s32 s2, s24;
	[tilespmem:v63+s19+$0x0] =	vst.idx.msk $0xffff, v21  }
0x121: {  	[hbm4b:s24+s8] =	stream.strided.scatter [tilespmem:s19], [sflag:$0x4], $0x2000, s9, s8, $0x38;
	[tilespmem:$0x18800] =	vst v63  }
0x122: {  	s21 =	sadd.s32 $0x1, s21  }
0x123: {  	_ =	swait.ge [sflag:s20], $0x2000;
	p0 =	sne.s32 s21, s7  }
.Ltmp7:
0x124: {  	[sflag:s20] =	ssyncset.done $0x0;
	(pc) =	sbr.rel @p0 .LBB2_1-.Ltmp7, $4  }
0x125: {  	[sflag:s20] =	ssyncadd.s32 $0xFFFFE000  }
0x126: {  	_ =	swait.ge [sflag:s18], $0x2000  }
0x127: {  	[sflag:s18] =	ssyncset.done $0x0  }
0x128: {  	[sflag:s18] =	ssyncadd.s32 $0xFFFFE000  }
0x129: {  	_ =	sfence.sel $0x180000  }
0x12a: {  	[bflag:$0x0] =	sbarrier.arrive $0xFFFF  }
0x12b: {  	p0 =	sne.s32 s1, $0x0;
	_ =	strace $0x9000004A  }
0x12c: {  	s0 =	sadd.s32 @!p0 $0x100000, s0;
	[bflag:$0x2] =	sbarrier.arrive $0xFFFF  }
0x12d: {  	[sflag:s0] =	ssyncadd.tile.s32 @!p0 $0x1;
	_ =	shalt  }
.Lfunc_end2:
_tile_overlayer_lowered:
.L_overlay_start_2:
0x12e: {  	(tag) =	ssettag $0x2  }
0x12f: {  	s0 =	rddreg [dreg:$0x0];
	s2 =	stileid.u32  }
0x130: {  	s1 =	rddreg [dreg:$0x1];
	p0 =	sne.s32 s2, $0x0  }
0x131: {  	s3 =	rddreg [dreg:$0x2];
	[bflag:$0x3] =	sbarrier.arrive $0xFFFF;
	s2 =	simm.s32 @!p0 $0x1C05  }
0x132: {  	[timem:s3], [sflag:s2] =	dma.local @!p0 [hbm:s0], s1  }
0x133: {  	s0 =	simm.s32 @!p0 $0x5  }
0x134: {  	_ =	swait.ge @!p0 [sflag:s0], s1  }
0x135: {  	s1 =	ssub.s32 @!p0 $0x0, s1;
	[sflag:s0] =	ssyncset.done @!p0 $0x0  }
0x136: {  	[sflag:s0] =	ssyncadd.s32 @!p0 s1  }
0x137: {  	[bflag:$0x3] =	sbarrier.arrive $0xFFFF  }
0x138: {  	_ =	shalt  }

</sc_bundles>
